<compile_context>
chip_gen: v7x
topology: tpu7x:2x2x1
jax: 0.10.2.dev20260603
libtpu: 0.0.44.dev20260713+nightly
codegen_flags: <defaults>
</compile_context>

<pallas_src>
import functools

import jax
import jax.numpy as jnp
from jax import lax
from jax.experimental import pallas as pl
from jax.experimental.pallas import tpu as pltpu
from jax.experimental.pallas import tpu_sc as plsc

B, T, D = 16, 2048, 64
H = 8
NBUCK = 32
BS = 64
C = H * NBUCK
NT = H * T
NW = 32
TPW = (B * H) // NW
SELF_VAL = -50000.0
GCH = 256
DP = 2 * D


def _hash_body(qk_ref, v_ref, rot_ref, buck_ref, qkv_ref, nrm_ref):
    x = qk_ref[0]
    rT = lax.dot_general(rot_ref[...], x, (((0,), (1,)), ((), ())),
                         preferred_element_type=jnp.float32)
    iota32 = lax.broadcasted_iota(jnp.int32, (NBUCK, T), 0)
    hrows = []
    for h in range(H):
        sub = rT[h * 16:(h + 1) * 16]
        seg = jnp.concatenate([sub, -sub], axis=0)
        m = jnp.max(seg, axis=0, keepdims=True)
        am = jnp.min(jnp.where(seg == m, iota32, NBUCK), axis=0, keepdims=True)
        blocks = [am[:, k * 128:(k + 1) * 128] for k in range(T // 128)]
        hrows.append(jnp.concatenate(blocks, axis=0).reshape(1, T // 128, 128))
    buck_ref[0] = jnp.concatenate(hrows, axis=0)
    xsq = x * x
    n_row = jnp.sum(xsq, axis=1, keepdims=True)
    qkn = x * (1.0 / jnp.maximum(jnp.sqrt(n_row), 1e-12))
    qkv_ref[0] = jnp.concatenate([qkn, v_ref[0]], axis=1)
    n_lane = jnp.sqrt(lax.dot_general(
        jnp.ones((1, D), jnp.float32), xsq, (((1,), (1,)), ((), ())),
        preferred_element_type=jnp.float32))
    nbl = [n_lane[:, k * 128:(k + 1) * 128] for k in range(T // 128)]
    nrm_ref[0] = jnp.concatenate(nbl, axis=0)


def _hash_call(qk, v, rot2):
    return pl.pallas_call(
        _hash_body,
        grid=(B,),
        in_specs=[
            pl.BlockSpec((1, T, D), lambda b: (b, 0, 0)),
            pl.BlockSpec((1, T, D), lambda b: (b, 0, 0)),
            pl.BlockSpec((D, H * 16), lambda b: (0, 0)),
        ],
        out_specs=[
            pl.BlockSpec((1, H, T // 128, 128), lambda b: (b, 0, 0, 0)),
            pl.BlockSpec((1, T, DP), lambda b: (b, 0, 0)),
            pl.BlockSpec((1, T // 128, 128), lambda b: (b, 0, 0)),
        ],
        out_shape=[
            jax.ShapeDtypeStruct((B, H, T // 128, 128), jnp.int32),
            jax.ShapeDtypeStruct((B, T, DP), jnp.float32),
            jax.ShapeDtypeStruct((B, T // 128, 128), jnp.float32),
        ],
    )(qk, v, rot2)


def _sort_gather_kernel(buck_hbm, qkv_hbm, nrm_hbm,
                        st_hbm, pos_hbm, sqkv_hbm, nst_hbm,
                        buk_v, rank_v, st_v, idxg_v, pos_v,
                        cnt_v, bs_v, nrm_v, nst_v, rows_a, rows_b, sem_a, sem_b):
    wid = lax.axis_index("c") * 16 + lax.axis_index("s")
    idx16 = lax.iota(jnp.int32, 16)
    zeros16 = jnp.zeros((16,), jnp.int32)

    def task_body(i, _):
        tid = wid * TPW + i
        b = tid // H
        h = tid % H
        pltpu.sync_copy(buck_hbm.at[b, h], buk_v)
        pltpu.sync_copy(nrm_hbm.at[b], nrm_v)
        cnt_v[pl.ds(0, 16)] = zeros16
        cnt_v[pl.ds(16, 16)] = zeros16

        def blk1(blk, _c):
            bvec = buk_v[blk // 8, pl.ds((blk % 8) * 16, 16)]
            key = bvec * 16 + idx16
            ks, vs = plsc.sort_key_val(key, idx16)
            bs = lax.shift_right_logical(ks, 4)
            bs_v[...] = bs
            prev = plsc.load_gather(bs_v, [jnp.maximum(idx16 - 1, 0)])
            is_start = (idx16 == 0) | (bs != prev)
            start_idx = plsc.cummax(jnp.where(is_start, idx16, 0))
            rnk = (idx16 - start_idx) + plsc.load_gather(cnt_v, [bs])
            nxt = plsc.load_gather(bs_v, [jnp.minimum(idx16 + 1, 15)])
            is_end = (idx16 == 15) | (bs != nxt)
            plsc.store_scatter(cnt_v, [bs], rnk + 1, mask=is_end)
            plsc.store_scatter(rank_v, [blk * 16 + vs], rnk)
            return _c

        lax.fori_loop(0, T // 16, blk1, 0)

        c0 = cnt_v[pl.ds(0, 16)]
        c1 = cnt_v[pl.ds(16, 16)]
        t0 = jnp.sum(c0)
        base0 = plsc.cumsum(c0) - c0
        base1 = plsc.cumsum(c1) + t0 - c1
        cnt_v[pl.ds(0, 16)] = base0
        cnt_v[pl.ds(16, 16)] = base1

        def blk2(blk, _c):
            r = blk // 8
            csl = pl.ds((blk % 8) * 16, 16)
            bvec = buk_v[r, csl]
            rnk = rank_v[pl.ds(blk * 16, 16)]
            ploc = plsc.load_gather(cnt_v, [bvec]) + rnk
            pr = lax.shift_right_logical(ploc, 7)
            pc = lax.bitwise_and(ploc, 127)
            tvec = blk * 16 + idx16
            pos_v[r, csl] = ploc + h * T
            plsc.store_scatter(st_v, [pr, pc], tvec)
            plsc.store_scatter(idxg_v, [ploc], tvec + b * T)
            plsc.store_scatter(nst_v, [pr, pc], nrm_v[r, csl])
            return _c

        lax.fori_loop(0, T // 16, blk2, 0)

        pltpu.sync_copy(pos_v, pos_hbm.at[b, h])
        pltpu.sync_copy(st_v, st_hbm.at[b, pl.ds(h * (T // 128), T // 128)])
        pltpu.sync_copy(nst_v, nst_hbm.at[b, pl.ds(h * (T // 128), T // 128)])

        NCH = T // GCH
        bufs = (rows_a, rows_b)
        sems = (sem_a, sem_b)

        def fire(cch):
            idx_sl = idxg_v.at[pl.ds(cch * GCH, GCH)]
            return pltpu.async_copy(qkv_hbm.at[idx_sl], bufs[cch % 2], sems[cch % 2])

        cps = [fire(0), fire(1)]
        for cch in range(NCH):
            cps[cch].wait()
            pltpu.sync_copy(bufs[cch % 2],
                            sqkv_hbm.at[b, pl.ds(h * T + cch * GCH, GCH)])
            if cch + 2 < NCH:
                cps.append(fire(cch + 2))
        return _

    lax.fori_loop(0, TPW, task_body, 0)


def _sort_gather_call(buck, qkv_flat, nrm_flat):
    mesh = plsc.VectorSubcoreMesh(core_axis_name="c", subcore_axis_name="s")
    fn = functools.partial(
        pl.kernel,
        mesh=mesh,
        compiler_params=pltpu.CompilerParams(needs_layout_passes=False),
        out_type=[
            jax.ShapeDtypeStruct((B, NT // 128, 128), jnp.int32),
            jax.ShapeDtypeStruct((B, H, T // 128, 128), jnp.int32),
            jax.ShapeDtypeStruct((B, NT, DP), jnp.float32),
            jax.ShapeDtypeStruct((B, NT // 128, 128), jnp.float32),
        ],
        scratch_types=[
            pltpu.VMEM((T // 128, 128), jnp.int32),
            pltpu.VMEM((T,), jnp.int32),
            pltpu.VMEM((T // 128, 128), jnp.int32),
            pltpu.VMEM((T,), jnp.int32),
            pltpu.VMEM((T // 128, 128), jnp.int32),
            pltpu.VMEM((32,), jnp.int32),
            pltpu.VMEM((16,), jnp.int32),
            pltpu.VMEM((T // 128, 128), jnp.float32),
            pltpu.VMEM((T // 128, 128), jnp.float32),
            pltpu.VMEM((GCH, DP), jnp.float32),
            pltpu.VMEM((GCH, DP), jnp.float32),
            pltpu.SemaphoreType.DMA,
            pltpu.SemaphoreType.DMA,
        ],
    )(_sort_gather_kernel)
    return fn(buck, qkv_flat, nrm_flat)


ACH = 32
AR = ACH * BS


def _attn_body(qc, qp1, tkc, tkp, nkc, so_ref):
    mv = -jnp.finfo(jnp.float32).max
    qs = [qc[0, j * BS:(j + 1) * BS, :D] for j in range(ACH)]
    vs = [qc[0, j * BS:(j + 1) * BS, D:] for j in range(ACH)]
    qprev = qp1[0, :, :D]
    vprev = qp1[0, :, D:]
    dots_list = []
    for j in range(ACH):
        kmat = jnp.concatenate([qs[j], qprev if j == 0 else qs[j - 1]], axis=0)
        dots_list.append(
            lax.dot_general(qs[j], kmat, (((1,), (1,)), ((), ())),
                            preferred_element_type=jnp.float32))
    dots = jnp.concatenate(dots_list, axis=0)

    sel = (lax.broadcasted_iota(jnp.int32, (AR, BS), 1)
           == lax.broadcasted_iota(jnp.int32, (AR, BS), 0) % BS)
    tcur = tkc[0, :, 0]
    tcb = jnp.broadcast_to(tcur[:, None, :], (ACH, BS, BS)).reshape(AR, BS)
    qt = jnp.sum(jnp.where(sel, tcb, 0.0), axis=1, keepdims=True)
    ncur = nkc[0, :, 0]
    ncb = jnp.broadcast_to(ncur[:, None, :], (ACH, BS, BS)).reshape(AR, BS)
    nq = jnp.sum(jnp.where(sel, ncb, 0.0), axis=1, keepdims=True)
    dots = dots * (nq * 0.125)

    tshift = jnp.concatenate([tkp[0, 0], tcur[:-1]], axis=0)
    ktm = jnp.concatenate([tcur, tshift], axis=1)
    ktb = jnp.broadcast_to(ktm[:, None, :], (ACH, BS, 2 * BS)).reshape(AR, 2 * BS)
    dots = jnp.where(qt < ktb, mv, dots)
    dots = jnp.where(qt == ktb, SELF_VAL, dots)

    mx = jnp.max(dots, axis=1, keepdims=True)
    ex = jnp.exp(dots - mx)
    s = jnp.sum(ex, axis=1, keepdims=True)
    lse = jnp.log(s) + mx

    o_list = []
    for j in range(ACH):
        vmat = jnp.concatenate([vs[j], vprev if j == 0 else vs[j - 1]], axis=0)
        o_list.append(
            lax.dot_general(ex[j * BS:(j + 1) * BS], vmat,
                            (((1,), (0,)), ((), ())),
                            preferred_element_type=jnp.float32))
    ocat = jnp.concatenate(o_list, axis=0) / s
    so_ref[0] = jnp.concatenate(
        [ocat, jnp.broadcast_to(lse, (AR, D))], axis=1)


def _attn_call(sqkv, tk, nk):
    NI = NT // AR
    NB64 = NT // BS
    cur = pl.BlockSpec((1, AR, DP), lambda b, i: (b, i, 0))
    prev = pl.BlockSpec((1, BS, DP),
                        lambda b, i: (b, (i * ACH + NB64 - 1) % NB64, 0))
    tkc = pl.BlockSpec((1, ACH, 1, BS), lambda b, i: (b, i, 0, 0))
    tkp = pl.BlockSpec((1, 1, 1, BS),
                       lambda b, i: (b, (i * ACH + C - 1) % C, 0, 0))
    return pl.pallas_call(
        _attn_body,
        grid=(B, NI),
        in_specs=[cur, prev, tkc, tkp, tkc],
        out_specs=pl.BlockSpec((1, AR, DP), lambda b, i: (b, i, 0)),
        out_shape=jax.ShapeDtypeStruct((B, NT, DP), jnp.float32),
    )(sqkv, sqkv, tk, tk, nk)


TG = 32
NG = (T // 2) // TG


def _unsort_combine_kernel(pos_hbm, so_hbm,
                           out_hbm,
                           pos_v, idx_a, idx_b, buf_a, buf_b,
                           obuf, sem_a, sem_b):
    wid = lax.axis_index("c") * 16 + lax.axis_index("s")
    b = wid // 2
    half = wid % 2
    idx16 = lax.iota(jnp.int32, 16)
    for h in range(H):
        pltpu.sync_copy(pos_hbm.at[b, h, pl.ds(pl.multiple_of(half * 8, 8), 8)],
                        pos_v.at[h])

    idxs = (idx_a, idx_b)
    bufs = (buf_a, buf_b)
    sems = (sem_a, sem_b)

    def build_and_fire(g, par):
        r = g // 4
        lb = (g % 4) * 32
        idxb = idxs[par]
        for h in range(H):
            for s in range(2):
                p16 = pos_v[h, r, pl.ds(lb + s * 16, 16)]
                plsc.store_scatter(idxb, [(s * 16 + idx16) * H + h], p16 + b * NT)
        pltpu.async_copy(so_hbm.at[idxb], bufs[par], sems[par])

    build_and_fire(0, 0)
    build_and_fire(1, 1)

    def pair_body(gp, _):
        for par in range(2):
            g = gp * 2 + par
            buf = bufs[par]
            pltpu.make_async_copy(so_hbm.at[pl.ds(0, TG * H)], buf, sems[par]).wait()

            def tok_body(j, _c):
                base = j * H
                ls = [buf[base + h, pl.ds(D, 16)] for h in range(H)]
                m = ls[0]
                for h in range(1, H):
                    m = jnp.maximum(m, ls[h])
                es = [jnp.exp(l - m) for l in ls]
                ssum = es[0]
                for h in range(1, H):
                    ssum = ssum + es[h]
                inv = 1.0 / ssum
                accs = [None] * 4
                for h in range(H):
                    wb = es[h] * inv
                    row = base + h
                    for cc in range(4):
                        part = wb * buf[row, pl.ds(cc * 16, 16)]
                        accs[cc] = part if h == 0 else accs[cc] + part
                for cc in range(4):
                    obuf[j // 2, pl.ds((j % 2) * 64 + cc * 16, 16)] = accs[cc]
                return _c

            lax.fori_loop(0, TG, tok_body, 0)
            orow = pl.multiple_of((half * (T // 2) + g * TG) // 2, TG // 2)
            pltpu.sync_copy(obuf, out_hbm.at[b, pl.ds(orow, TG // 2)])

            @pl.when(g + 2 < NG)
            def _fire_next():
                build_and_fire(g + 2, par)
        return _

    lax.fori_loop(0, NG // 2, pair_body, 0)


def _unsort_combine_call(pos, so_flat):
    mesh = plsc.VectorSubcoreMesh(core_axis_name="c", subcore_axis_name="s")
    fn = functools.partial(
        pl.kernel,
        mesh=mesh,
        compiler_params=pltpu.CompilerParams(needs_layout_passes=False),
        out_type=jax.ShapeDtypeStruct((B, T * D // 128, 128), jnp.float32),
        scratch_types=[
            pltpu.VMEM((H, 8, 128), jnp.int32),
            pltpu.VMEM((TG * H,), jnp.int32),
            pltpu.VMEM((TG * H,), jnp.int32),
            pltpu.VMEM((TG * H, DP), jnp.float32),
            pltpu.VMEM((TG * H, DP), jnp.float32),
            pltpu.VMEM((TG * D // 128, 128), jnp.float32),
            pltpu.SemaphoreType.DMA,
            pltpu.SemaphoreType.DMA,
        ],
    )(_unsort_combine_kernel)
    return fn(pos, so_flat)


def kernel(qk, v, rotations):
    rot2 = rotations[0].reshape(D, H * 16)
    buck4, qkv, nrm = _hash_call(qk, v, rot2)
    st, pos, sqkv, nst = _sort_gather_call(buck4, qkv.reshape(B * T, DP), nrm)
    tk = st.astype(jnp.float32).reshape(B, C, 1, BS)
    nk = nst.reshape(B, C, 1, BS)
    so = _attn_call(sqkv, tk, nk)
    out = _unsort_combine_call(pos, so.reshape(B * NT, DP))
    return out.reshape(B, T, D)

# --- scband reference (transcript-rebuilt; emitter-appended) ---
"""Pipeline reference for scband-lshattention-18133351923835 (READ-ONLY COPY).

The authoritative reference and input builder live on the scoring server;
editing this copy changes nothing except your own understanding.
"""

import jax, jax.numpy as jnp
import numpy as np

TOKEN_SELF_ATTN_VALUE = -50000.0
BUCKET_SIZE = 64
N_HASHES = 8
CAUSAL = True


def batched_index_select(values, indices):
    # values: [B, N, d], indices: [B, M] -> [B, M, d]
    return jnp.take_along_axis(values, indices[:, :, None], axis=1)


def sort_key_val(t1, t2):
    idx = jnp.argsort(t1, axis=-1)
    t2b = jnp.broadcast_to(t2, t1.shape)
    return jnp.take_along_axis(t1, idx, axis=-1), jnp.take_along_axis(t2b, idx, axis=-1)


def look_one_back(x):
    x_extra = jnp.concatenate([x[:, -1:, ...], x[:, :-1, ...]], axis=1)
    return jnp.concatenate([x, x_extra], axis=2)


def hash_vectors(n_buckets, vecs, rotations):
    batch_size, seqlen, dim = vecs.shape
    # rotations: (1, dim, n_hashes, n_buckets//2) expanded to batch
    rr = jnp.broadcast_to(rotations, (batch_size,) + rotations.shape[1:])
    rotated_vecs = jnp.einsum('btf,bfhi->bhti', vecs, rr)
    rotated_vecs = jnp.concatenate([rotated_vecs, -rotated_vecs], axis=-1)
    buckets = jnp.argmax(rotated_vecs, axis=-1)
    offsets = (jnp.arange(N_HASHES) * n_buckets).reshape(1, -1, 1)
    buckets = (buckets + offsets).reshape(batch_size, -1)
    return buckets


def lsh_attention(qk, v, rotations):
    batch_size, seqlen, dim = qk.shape
    query_len = seqlen
    n_buckets = seqlen // BUCKET_SIZE
    buckets = hash_vectors(n_buckets, qk, rotations)
    ticker = jnp.broadcast_to(jnp.arange(N_HASHES * seqlen)[None, :], buckets.shape)
    buckets_and_t = seqlen * buckets + ticker % seqlen
    buckets_and_t = jax.lax.stop_gradient(buckets_and_t)
    sbuckets_and_t, sticker = sort_key_val(buckets_and_t, ticker)
    _, undo_sort = sort_key_val(sticker, ticker)
    st = sticker % seqlen
    sqk = batched_index_select(qk, st)
    sv = batched_index_select(v, st)
    chunk_size = N_HASHES * n_buckets
    bq_t = st.reshape(batch_size, chunk_size, -1)
    bkv_t = bq_t
    bqk = sqk.reshape(batch_size, chunk_size, -1, dim)
    bv = sv.reshape(batch_size, chunk_size, -1, dim)
    bq = bqk
    norm = jnp.sqrt(jnp.sum(bqk * bqk, axis=-1, keepdims=True))
    bk = bqk / jnp.maximum(norm, 1e-12)
    bk = look_one_back(bk)
    bv = look_one_back(bv)
    bkv_t = look_one_back(bkv_t)
    dots = jnp.einsum('bhie,bhje->bhij', bq, bk) * (dim ** (-0.5))
    masked_value = -jnp.finfo(dots.dtype).max
    if CAUSAL:
        mask = bq_t[:, :, :, None] < jnp.minimum(bkv_t[:, :, None, :], query_len - 1)
        dots = jnp.where(mask, masked_value, dots)
    self_mask = bq_t[:, :, :, None] == bkv_t[:, :, None, :]
    dots = jnp.where(self_mask, TOKEN_SELF_ATTN_VALUE, dots)
    dots_logsumexp = jax.scipy.special.logsumexp(dots, axis=-1, keepdims=True)
    dots = jnp.exp(dots - dots_logsumexp)
    bo = jnp.einsum('buij,buje->buie', dots, bv)
    so = bo.reshape(batch_size, -1, dim)
    slogits = dots_logsumexp.reshape(batch_size, -1)
    o = batched_index_select(so, undo_sort)
    _, logits = sort_key_val(sticker, slogits)
    o = o.reshape(batch_size, N_HASHES, seqlen, dim)
    logits = logits.reshape(batch_size, N_HASHES, seqlen, 1)
    probs = jnp.exp(logits - jax.scipy.special.logsumexp(logits, axis=1, keepdims=True))
    out = jnp.sum(o * probs, axis=1)
    return out


def setup_inputs(seed: int = 0) -> dict:
    key = jax.random.key(seed)
    k1, k2, k3 = jax.random.split(key, 3)
    qk = jax.random.normal(k1, (16, 2048, 64), dtype=jnp.float32)
    v = jax.random.normal(k2, (16, 2048, 64), dtype=jnp.float32)
    rotations = jax.random.normal(k3, (1, 64, 8, 16), dtype=jnp.float32)
    return {"qk": qk, "v": v, "rotations": rotations}


def reference(qk, v, rotations):
    return lsh_attention(qk, v, rotations)

if __name__ == "__main__":
    import jax
    _d = setup_inputs()
    print(jax.jit(kernel)(*tuple(_d.values())))

</pallas_src>

<mosaic_0001>
#map = affine_map<(d0, d1) -> (0, 0, 0, 0)>
#map1 = affine_map<(d0, d1) -> (0, 0)>
#map2 = affine_map<(d0, d1) -> (0, 0, 0)>
module attributes {stable_mosaic.version = 14 : i64} {
  func.func @_sort_gather_kernel(%arg0: i32, %arg1: i32, %arg2: memref<16x8x16x128xi32, #tpu.memory_space<hbm>>, %arg3: memref<32768x128xf32, #tpu.memory_space<hbm>>, %arg4: memref<16x16x128xf32, #tpu.memory_space<hbm>>, %arg5: memref<16x128x128xi32, #tpu.memory_space<hbm>>, %arg6: memref<16x8x16x128xi32, #tpu.memory_space<hbm>>, %arg7: memref<16x16384x128xf32, #tpu.memory_space<hbm>>, %arg8: memref<16x128x128xf32, #tpu.memory_space<hbm>>, %arg9: memref<16x128xi32, #tpu.memory_space<vmem>>, %arg10: memref<2048xi32, #tpu.memory_space<vmem>>, %arg11: memref<16x128xi32, #tpu.memory_space<vmem>>, %arg12: memref<2048xi32, #tpu.memory_space<vmem>>, %arg13: memref<16x128xi32, #tpu.memory_space<vmem>>, %arg14: memref<32xi32, #tpu.memory_space<vmem>>, %arg15: memref<16xi32, #tpu.memory_space<vmem>>, %arg16: memref<16x128xf32, #tpu.memory_space<vmem>>, %arg17: memref<16x128xf32, #tpu.memory_space<vmem>>, %arg18: memref<256x128xf32, #tpu.memory_space<vmem>>, %arg19: memref<256x128xf32, #tpu.memory_space<vmem>>, %arg20: memref<!tpu.dma_semaphore, #tpu.memory_space<semaphore_mem>>, %arg21: memref<!tpu.dma_semaphore, #tpu.memory_space<semaphore_mem>>) attributes {dimension_semantics = [#tpu.dimension_semantics<core_parallel>, #tpu.dimension_semantics<subcore_parallel>], iteration_bounds = array<i64: 2, 16>, scalar_prefetch = 0 : i64, scratch_operands = 13 : i64, tpu.core_type = #tpu.core_type<sc_vector_subcore>, window_params = [{transform_indices = #map}, {transform_indices = #map1}, {transform_indices = #map2}, {transform_indices = #map2}, {transform_indices = #map}, {transform_indices = #map2}, {transform_indices = #map2}]} {
    %mul3A = arith.constant 16 : i32
    %mul3A_0 = arith.muli %arg0, %mul3A : i32
    %add3A = arith.addi %mul3A_0, %arg1 : i32
    %iota3A = tpu.iota {dimensions = array<i32: 0>} : vector<16xi32>
    %broadcast_in_dim3A = arith.constant 0 : i32
    %broadcast_in_dim3A_1 = vector.broadcast %broadcast_in_dim3A : i32 to vector<16xi32>
    %scan3A = arith.constant 0 : i32
    %scan3A_2 = arith.constant 0 : i32
    %scan3A_3 = arith.constant 4 : i32
    %scan3A_4 = arith.addi %scan3A_2, %scan3A_3 : i32
    %scan3A_5 = arith.constant 1 : i32
    scf.for %scan3A_7 = %scan3A_2 to %scan3A_4 step %scan3A_5  : i32 {
      %mul3A_8 = arith.constant 4 : i32
      %mul3A_9 = arith.muli %add3A, %mul3A_8 : i32
      %add3A_10 = arith.addi %mul3A_9, %scan3A_7 : i32
      %jit3A = arith.constant 8 : i32
      %div3A = arith.divsi %add3A_10, %jit3A : i32
      %sign3A = arith.constant 0 : i32
      %sign3A_11 = arith.cmpi sgt, %add3A_10, %sign3A : i32
      %sign3A_12 = arith.extui %sign3A_11 : i1 to i32
      %sign3A_13 = arith.constant 0 : i32
      %sign3A_14 = arith.cmpi slt, %add3A_10, %sign3A_13 : i32
      %sign3A_15 = arith.extui %sign3A_14 : i1 to i32
      %sign3A_16 = arith.subi %sign3A_12, %sign3A_15 : i32
      %sign3A_17 = arith.constant 0 : i32
      %sign3A_18 = arith.cmpi sgt, %jit3A, %sign3A_17 : i32
      %sign3A_19 = arith.extui %sign3A_18 : i1 to i32
      %sign3A_20 = arith.constant 0 : i32
      %sign3A_21 = arith.cmpi slt, %jit3A, %sign3A_20 : i32
      %sign3A_22 = arith.extui %sign3A_21 : i1 to i32
      %sign3A_23 = arith.subi %sign3A_19, %sign3A_22 : i32
      %ne3A = arith.cmpi ne, %sign3A_16, %sign3A_23 : i32
      %rem3A = arith.remsi %add3A_10, %jit3A : i32
      %ne3A_24 = arith.constant 0 : i32
      %ne3A_25 = arith.cmpi ne, %rem3A, %ne3A_24 : i32
      %and3A = arith.andi %ne3A, %ne3A_25 : i1
      %sub3A = arith.constant 1 : i32
      %sub3A_26 = arith.subi %div3A, %sub3A : i32
      %select_n3A = arith.select %and3A, %sub3A_26, %div3A : i32
      %jit3A_27 = arith.constant 8 : i32
      %eq3A = arith.constant 0 : i32
      %eq3A_28 = arith.cmpi eq, %jit3A_27, %eq3A : i32
      %jit3A_29 = arith.constant 1 : i32
      %select_n3A_30 = arith.select %eq3A_28, %jit3A_29, %jit3A_27 : i32
      %rem3A_31 = arith.remsi %add3A_10, %select_n3A_30 : i32
      %ne3A_32 = arith.constant 0 : i32
      %ne3A_33 = arith.cmpi ne, %rem3A_31, %ne3A_32 : i32
      %lt3A = arith.constant 0 : i32
      %lt3A_34 = arith.cmpi slt, %rem3A_31, %lt3A : i32
      %lt3A_35 = arith.constant 0 : i32
      %lt3A_36 = arith.cmpi slt, %select_n3A_30, %lt3A_35 : i32
      %ne3A_37 = arith.xori %lt3A_34, %lt3A_36 : i1
      %and3A_38 = arith.andi %ne3A_37, %ne3A_33 : i1
      %add3A_39 = arith.addi %rem3A_31, %select_n3A_30 : i32
      %select_n3A_40 = arith.select %and3A_38, %add3A_39, %rem3A_31 : i32
      "tpu.region"() ({
        %run_scoped3A = tpu.sem_alloc : memref<!tpu.dma_semaphore, #tpu.memory_space<semaphore_mem>>
        %dma_start3A_189 = arith.constant 0 : i32
        %dma_start3A_190 = arith.constant 0 : i32
        %dma_start3A_191 = tpu.memref_slice %arg2[%select_n3A, %select_n3A_40, %dma_start3A_189, %dma_start3A_190] : memref<16x8x16x128xi32, #tpu.memory_space<hbm>> -> memref<1x1x16x128xi32, #tpu.memory_space<hbm>>
        %dma_start3A_192 = tpu.memref_squeeze %dma_start3A_191 : memref<1x1x16x128xi32, #tpu.memory_space<hbm>> -> memref<16x128xi32, #tpu.memory_space<hbm>>
        %dma_start3A_193 = arith.constant 0 : i32
        %dma_start3A_194 = arith.constant 0 : i32
        %dma_start3A_195 = tpu.memref_slice %arg2[%select_n3A, %select_n3A_40, %dma_start3A_193, %dma_start3A_194] : memref<16x8x16x128xi32, #tpu.memory_space<hbm>> -> memref<1x1x16x128xi32, #tpu.memory_space<hbm>>
        %dma_start3A_196 = tpu.memref_squeeze %dma_start3A_195 : memref<1x1x16x128xi32, #tpu.memory_space<hbm>> -> memref<16x128xi32, #tpu.memory_space<hbm>>
        tpu.enqueue_dma source(%dma_start3A_196 : memref<16x128xi32, #tpu.memory_space<hbm>>) target(%arg9 : memref<16x128xi32, #tpu.memory_space<vmem>>) target_semaphore(%run_scoped3A : memref<!tpu.dma_semaphore, #tpu.memory_space<semaphore_mem>>)
        %dma_wait3A_197 = arith.constant 0 : i32
        %dma_wait3A_198 = arith.constant 0 : i32
        %dma_wait3A_199 = tpu.memref_slice %arg2[%select_n3A, %select_n3A_40, %dma_wait3A_197, %dma_wait3A_198] : memref<16x8x16x128xi32, #tpu.memory_space<hbm>> -> memref<1x1x16x128xi32, #tpu.memory_space<hbm>>
        %dma_wait3A_200 = tpu.memref_squeeze %dma_wait3A_199 : memref<1x1x16x128xi32, #tpu.memory_space<hbm>> -> memref<16x128xi32, #tpu.memory_space<hbm>>
        %dma_wait3A_201 = arith.constant 0 : i32
        %dma_wait3A_202 = arith.constant 0 : i32
        %dma_wait3A_203 = tpu.memref_slice %arg2[%select_n3A, %select_n3A_40, %dma_wait3A_201, %dma_wait3A_202] : memref<16x8x16x128xi32, #tpu.memory_space<hbm>> -> memref<1x1x16x128xi32, #tpu.memory_space<hbm>>
        %dma_wait3A_204 = tpu.memref_squeeze %dma_wait3A_203 : memref<1x1x16x128xi32, #tpu.memory_space<hbm>> -> memref<16x128xi32, #tpu.memory_space<hbm>>
        tpu.wait_dma2 semaphore(%run_scoped3A : memref<!tpu.dma_semaphore, #tpu.memory_space<semaphore_mem>>) src(%dma_wait3A_204 : memref<16x128xi32, #tpu.memory_space<hbm>>) dst(%arg9 : memref<16x128xi32, #tpu.memory_space<vmem>>)
        tpu.yield
      }) : () -> ()
      "tpu.region"() ({
        %run_scoped3A = tpu.sem_alloc : memref<!tpu.dma_semaphore, #tpu.memory_space<semaphore_mem>>
        %dma_start3A_189 = arith.constant 0 : i32
        %dma_start3A_190 = arith.constant 0 : i32
        %dma_start3A_191 = tpu.memref_slice %arg4[%select_n3A, %dma_start3A_189, %dma_start3A_190] : memref<16x16x128xf32, #tpu.memory_space<hbm>> -> memref<1x16x128xf32, #tpu.memory_space<hbm>>
        %dma_start3A_192 = tpu.memref_squeeze %dma_start3A_191 : memref<1x16x128xf32, #tpu.memory_space<hbm>> -> memref<16x128xf32, #tpu.memory_space<hbm>>
        %dma_start3A_193 = arith.constant 0 : i32
        %dma_start3A_194 = arith.constant 0 : i32
        %dma_start3A_195 = tpu.memref_slice %arg4[%select_n3A, %dma_start3A_193, %dma_start3A_194] : memref<16x16x128xf32, #tpu.memory_space<hbm>> -> memref<1x16x128xf32, #tpu.memory_space<hbm>>
        %dma_start3A_196 = tpu.memref_squeeze %dma_start3A_195 : memref<1x16x128xf32, #tpu.memory_space<hbm>> -> memref<16x128xf32, #tpu.memory_space<hbm>>
        tpu.enqueue_dma source(%dma_start3A_196 : memref<16x128xf32, #tpu.memory_space<hbm>>) target(%arg16 : memref<16x128xf32, #tpu.memory_space<vmem>>) target_semaphore(%run_scoped3A : memref<!tpu.dma_semaphore, #tpu.memory_space<semaphore_mem>>)
        %dma_wait3A_197 = arith.constant 0 : i32
        %dma_wait3A_198 = arith.constant 0 : i32
        %dma_wait3A_199 = tpu.memref_slice %arg4[%select_n3A, %dma_wait3A_197, %dma_wait3A_198] : memref<16x16x128xf32, #tpu.memory_space<hbm>> -> memref<1x16x128xf32, #tpu.memory_space<hbm>>
        %dma_wait3A_200 = tpu.memref_squeeze %dma_wait3A_199 : memref<1x16x128xf32, #tpu.memory_space<hbm>> -> memref<16x128xf32, #tpu.memory_space<hbm>>
        %dma_wait3A_201 = arith.constant 0 : i32
        %dma_wait3A_202 = arith.constant 0 : i32
        %dma_wait3A_203 = tpu.memref_slice %arg4[%select_n3A, %dma_wait3A_201, %dma_wait3A_202] : memref<16x16x128xf32, #tpu.memory_space<hbm>> -> memref<1x16x128xf32, #tpu.memory_space<hbm>>
        %dma_wait3A_204 = tpu.memref_squeeze %dma_wait3A_203 : memref<1x16x128xf32, #tpu.memory_space<hbm>> -> memref<16x128xf32, #tpu.memory_space<hbm>>
        tpu.wait_dma2 semaphore(%run_scoped3A : memref<!tpu.dma_semaphore, #tpu.memory_space<semaphore_mem>>) src(%dma_wait3A_204 : memref<16x128xf32, #tpu.memory_space<hbm>>) dst(%arg16 : memref<16x128xf32, #tpu.memory_space<vmem>>)
        tpu.yield
      }) : () -> ()
      %swap3A = arith.constant 0 : index
      %swap3A_41 = tpu.vector_load %arg14[%swap3A] {strides = array<i32>} : memref<32xi32, #tpu.memory_space<vmem>>, vector<16xi32>,
      tpu.vector_store %arg14[%swap3A], %broadcast_in_dim3A_1 {strides = array<i32>} : memref<32xi32, #tpu.memory_space<vmem>>, vector<16xi32>,
      %swap3A_42 = arith.constant 16 : index
      %swap3A_43 = tpu.vector_load %arg14[%swap3A_42] {strides = array<i32>} : memref<32xi32, #tpu.memory_space<vmem>>, vector<16xi32>,
      tpu.vector_store %arg14[%swap3A_42], %broadcast_in_dim3A_1 {strides = array<i32>} : memref<32xi32, #tpu.memory_space<vmem>>, vector<16xi32>,
      %scan3A_44 = arith.constant 0 : i32
      %scan3A_45 = arith.constant 0 : i32
      %scan3A_46 = arith.constant 128 : i32
      %scan3A_47 = arith.addi %scan3A_45, %scan3A_46 : i32
      %scan3A_48 = arith.constant 1 : i32
      scf.for %scan3A_189 = %scan3A_45 to %scan3A_47 step %scan3A_48  : i32 {
        %jit3A_190 = arith.constant 8 : i32
        %div3A_191 = arith.divsi %scan3A_189, %jit3A_190 : i32
        %sign3A_192 = arith.constant 0 : i32
        %sign3A_193 = arith.cmpi sgt, %scan3A_189, %sign3A_192 : i32
        %sign3A_194 = arith.extui %sign3A_193 : i1 to i32
        %sign3A_195 = arith.constant 0 : i32
        %sign3A_196 = arith.cmpi slt, %scan3A_189, %sign3A_195 : i32
        %sign3A_197 = arith.extui %sign3A_196 : i1 to i32
        %sign3A_198 = arith.subi %sign3A_194, %sign3A_197 : i32
        %sign3A_199 = arith.constant 0 : i32
        %sign3A_200 = arith.cmpi sgt, %jit3A_190, %sign3A_199 : i32
        %sign3A_201 = arith.extui %sign3A_200 : i1 to i32
        %sign3A_202 = arith.constant 0 : i32
        %sign3A_203 = arith.cmpi slt, %jit3A_190, %sign3A_202 : i32
        %sign3A_204 = arith.extui %sign3A_203 : i1 to i32
        %sign3A_205 = arith.subi %sign3A_201, %sign3A_204 : i32
        %ne3A_206 = arith.cmpi ne, %sign3A_198, %sign3A_205 : i32
        %rem3A_207 = arith.remsi %scan3A_189, %jit3A_190 : i32
        %ne3A_208 = arith.constant 0 : i32
        %ne3A_209 = arith.cmpi ne, %rem3A_207, %ne3A_208 : i32
        %and3A_210 = arith.andi %ne3A_206, %ne3A_209 : i1
        %sub3A_211 = arith.constant 1 : i32
        %sub3A_212 = arith.subi %div3A_191, %sub3A_211 : i32
        %select_n3A_213 = arith.select %and3A_210, %sub3A_212, %div3A_191 : i32
        %jit3A_214 = arith.constant 8 : i32
        %eq3A_215 = arith.constant 0 : i32
        %eq3A_216 = arith.cmpi eq, %jit3A_214, %eq3A_215 : i32
        %jit3A_217 = arith.constant 1 : i32
        %select_n3A_218 = arith.select %eq3A_216, %jit3A_217, %jit3A_214 : i32
        %rem3A_219 = arith.remsi %scan3A_189, %select_n3A_218 : i32
        %ne3A_220 = arith.constant 0 : i32
        %ne3A_221 = arith.cmpi ne, %rem3A_219, %ne3A_220 : i32
        %lt3A_222 = arith.constant 0 : i32
        %lt3A_223 = arith.cmpi slt, %rem3A_219, %lt3A_222 : i32
        %lt3A_224 = arith.constant 0 : i32
        %lt3A_225 = arith.cmpi slt, %select_n3A_218, %lt3A_224 : i32
        %ne3A_226 = arith.xori %lt3A_223, %lt3A_225 : i1
        %and3A_227 = arith.andi %ne3A_226, %ne3A_221 : i1
        %add3A_228 = arith.addi %rem3A_219, %select_n3A_218 : i32
        %select_n3A_229 = arith.select %and3A_227, %add3A_228, %rem3A_219 : i32
        %mul3A_230 = arith.constant 16 : i32
        %mul3A_231 = arith.muli %select_n3A_229, %mul3A_230 : i32
        %get3A_232 = arith.index_cast %select_n3A_213 : i32 to index
        %get3A_233 = arith.index_cast %mul3A_231 : i32 to index
        %get3A_234 = tpu.vector_load %arg9[%get3A_232, %get3A_233] {strides = array<i32>} : memref<16x128xi32, #tpu.memory_space<vmem>>, vector<16xi32>,
        %mul3A_235 = arith.constant 16 : i32
        %mul3A_236 = vector.broadcast %mul3A_235 : i32 to vector<16xi32>
        %mul3A_237 = arith.muli %get3A_234, %mul3A_236 : vector<16xi32>
        %add3A_238 = arith.addi %mul3A_237, %iota3A : vector<16xi32>
        %masked_sort3A = arith.constant dense<true> : vector<16xi1>
        %masked_sort3A_239 = arith.constant -2147483648 : i32
        %masked_sort3A_240 = vector.broadcast %masked_sort3A_239 : i32 to vector<16xi32>
        %masked_sort3A_241 = arith.xori %add3A_238, %masked_sort3A_240 : vector<16xi32>
        %masked_sort3A_242, %masked_sort3A_243, %masked_sort3A_244 = tpu.sort %masked_sort3A_241, %iota3A masked %masked_sort3A : (vector<16xi32>, vector<16xi32>, vector<16xi1>) -> (vector<16xi1>, vector<16xi32>, vector<16xi32>)
        %masked_sort3A_245 = arith.xori %masked_sort3A_243, %masked_sort3A_240 : vector<16xi32>
        %shift_right_logical3A = arith.constant 4 : i32
        %shift_right_logical3A_246 = vector.broadcast %shift_right_logical3A : i32 to vector<16xi32>
        %shift_right_logical3A_247 = arith.shrui %masked_sort3A_245, %shift_right_logical3A_246 : vector<16xi32>
        %swap3A_248 = arith.constant 0 : index
        %swap3A_249 = tpu.vector_load %arg15[%swap3A_248] {strides = array<i32>} : memref<16xi32, #tpu.memory_space<vmem>>, vector<16xi32>,
        tpu.vector_store %arg15[%swap3A_248], %shift_right_logical3A_247 {strides = array<i32>} : memref<16xi32, #tpu.memory_space<vmem>>, vector<16xi32>,
        %sub3A_250 = arith.constant 1 : i32
        %sub3A_251 = vector.broadcast %sub3A_250 : i32 to vector<16xi32>
        %sub3A_252 = arith.subi %iota3A, %sub3A_251 : vector<16xi32>
        %max3A = arith.constant 0 : i32
        %max3A_253 = vector.broadcast %max3A : i32 to vector<16xi32>
        %max3A_254 = arith.maxsi %sub3A_252, %max3A_253 : vector<16xi32>
        %gather3A = tpu.vector_load_idx %arg15[%max3A_254] : memref<16xi32, #tpu.memory_space<vmem>>[vector<16xi32>], vector<16xi32>,
        %eq3A_255 = arith.constant 0 : i32
        %eq3A_256 = vector.broadcast %eq3A_255 : i32 to vector<16xi32>
        %eq3A_257 = arith.cmpi eq, %iota3A, %eq3A_256 : vector<16xi32>
        %ne3A_258 = arith.cmpi ne, %shift_right_logical3A_247, %gather3A : vector<16xi32>
        %or3A = arith.ori %eq3A_257, %ne3A_258 : vector<16xi1>
        %jit3A_259 = arith.constant 0 : i32
        %broadcast_in_dim3A_260 = vector.broadcast %jit3A_259 : i32 to vector<16xi32>
        %select_n3A_261 = arith.select %or3A, %iota3A, %broadcast_in_dim3A_260 : vector<16xi1>, vector<16xi32>
        %broadcast_in_dim3A_262 = arith.constant true
        %broadcast_in_dim3A_263 = vector.broadcast %broadcast_in_dim3A_262 : i1 to vector<16xi1>
        %masked_cummax3A = arith.constant -2147483648 : i32
        %masked_cummax3A_264 = vector.broadcast %masked_cummax3A : i32 to vector<16xi32>
        %masked_cummax3A_265 = arith.xori %select_n3A_261, %masked_cummax3A_264 : vector<16xi32>
        %masked_cummax3A_266 = tpu.scan <max>, %masked_cummax3A_265 masked %broadcast_in_dim3A_263 : vector<16xi32>, vector<16xi1> -> vector<16xi32>
        %masked_cummax3A_267 = arith.xori %masked_cummax3A_266, %masked_cummax3A_264 : vector<16xi32>
        %sub3A_268 = arith.subi %iota3A, %masked_cummax3A_267 : vector<16xi32>
        %gather3A_269 = tpu.vector_load_idx %arg14[%shift_right_logical3A_247] : memref<32xi32, #tpu.memory_space<vmem>>[vector<16xi32>], vector<16xi32>,
        %add3A_270 = arith.addi %sub3A_268, %gather3A_269 : vector<16xi32>
        %add3A_271 = arith.constant 1 : i32
        %add3A_272 = vector.broadcast %add3A_271 : i32 to vector<16xi32>
        %add3A_273 = arith.addi %iota3A, %add3A_272 : vector<16xi32>
        %min3A = arith.constant 15 : i32
        %min3A_274 = vector.broadcast %min3A : i32 to vector<16xi32>
        %min3A_275 = arith.minsi %add3A_273, %min3A_274 : vector<16xi32>
        %gather3A_276 = tpu.vector_load_idx %arg15[%min3A_275] : memref<16xi32, #tpu.memory_space<vmem>>[vector<16xi32>], vector<16xi32>,
        %eq3A_277 = arith.constant 15 : i32
        %eq3A_278 = vector.broadcast %eq3A_277 : i32 to vector<16xi32>
        %eq3A_279 = arith.cmpi eq, %iota3A, %eq3A_278 : vector<16xi32>
        %ne3A_280 = arith.cmpi ne, %shift_right_logical3A_247, %gather3A_276 : vector<16xi32>
        %or3A_281 = arith.ori %eq3A_279, %ne3A_280 : vector<16xi1>
        %add3A_282 = arith.constant 1 : i32
        %add3A_283 = vector.broadcast %add3A_282 : i32 to vector<16xi32>
        %add3A_284 = arith.addi %add3A_270, %add3A_283 : vector<16xi32>
        tpu.vector_store_idx %arg14[%shift_right_logical3A_247], %add3A_284 masked %or3A_281 : memref<32xi32, #tpu.memory_space<vmem>>[vector<16xi32>], vector<16xi32>, vector<16xi1>
        %mul3A_285 = arith.constant 16 : i32
        %mul3A_286 = arith.muli %scan3A_189, %mul3A_285 : i32
        %add3A_287 = vector.broadcast %mul3A_286 : i32 to vector<16xi32>
        %add3A_288 = arith.addi %add3A_287, %masked_sort3A_244 : vector<16xi32>
        tpu.vector_store_idx %arg10[%add3A_288], %add3A_270 : memref<2048xi32, #tpu.memory_space<vmem>>[vector<16xi32>], vector<16xi32>,
      }
      %scan3A_49 = arith.constant 128 : i32
      %get3A = arith.constant 0 : index
      %get3A_50 = tpu.vector_load %arg14[%get3A] {strides = array<i32>} : memref<32xi32, #tpu.memory_space<vmem>>, vector<16xi32>,
      %get3A_51 = arith.constant 16 : index
      %get3A_52 = tpu.vector_load %arg14[%get3A_51] {strides = array<i32>} : memref<32xi32, #tpu.memory_space<vmem>>, vector<16xi32>,
      %reduce_sum3A = arith.constant true
      %reduce_sum3A_53 = vector.broadcast %reduce_sum3A : i1 to vector<16xi1>
      %reduce_sum3A_54 = tpu.scan <sum>, %get3A_50 masked %reduce_sum3A_53 : vector<16xi32>, vector<16xi1> -> vector<16xi32>
      %reduce_sum3A_55 = vector.extract %reduce_sum3A_54[15] : i32 from vector<16xi32>
      %broadcast_in_dim3A_56 = arith.constant true
      %broadcast_in_dim3A_57 = vector.broadcast %broadcast_in_dim3A_56 : i1 to vector<16xi1>
      %masked_cumsum3A = tpu.scan <sum>, %get3A_50 masked %broadcast_in_dim3A_57 : vector<16xi32>, vector<16xi1> -> vector<16xi32>
      %sub3A_58 = arith.subi %masked_cumsum3A, %get3A_50 : vector<16xi32>
      %broadcast_in_dim3A_59 = arith.constant true
      %broadcast_in_dim3A_60 = vector.broadcast %broadcast_in_dim3A_59 : i1 to vector<16xi1>
      %masked_cumsum3A_61 = tpu.scan <sum>, %get3A_52 masked %broadcast_in_dim3A_60 : vector<16xi32>, vector<16xi1> -> vector<16xi32>
      %add3A_62 = vector.broadcast %reduce_sum3A_55 : i32 to vector<16xi32>
      %add3A_63 = arith.addi %masked_cumsum3A_61, %add3A_62 : vector<16xi32>
      %sub3A_64 = arith.subi %add3A_63, %get3A_52 : vector<16xi32>
      %swap3A_65 = arith.constant 0 : index
      %swap3A_66 = tpu.vector_load %arg14[%swap3A_65] {strides = array<i32>} : memref<32xi32, #tpu.memory_space<vmem>>, vector<16xi32>,
      tpu.vector_store %arg14[%swap3A_65], %sub3A_58 {strides = array<i32>} : memref<32xi32, #tpu.memory_space<vmem>>, vector<16xi32>,
      %swap3A_67 = arith.constant 16 : index
      %swap3A_68 = tpu.vector_load %arg14[%swap3A_67] {strides = array<i32>} : memref<32xi32, #tpu.memory_space<vmem>>, vector<16xi32>,
      tpu.vector_store %arg14[%swap3A_67], %sub3A_64 {strides = array<i32>} : memref<32xi32, #tpu.memory_space<vmem>>, vector<16xi32>,
      %scan3A_69 = arith.constant 0 : i32
      %scan3A_70 = arith.constant 0 : i32
      %scan3A_71 = arith.constant 128 : i32
      %scan3A_72 = arith.addi %scan3A_70, %scan3A_71 : i32
      %scan3A_73 = arith.constant 1 : i32
      scf.for %scan3A_189 = %scan3A_70 to %scan3A_72 step %scan3A_73  : i32 {
        %jit3A_190 = arith.constant 8 : i32
        %div3A_191 = arith.divsi %scan3A_189, %jit3A_190 : i32
        %sign3A_192 = arith.constant 0 : i32
        %sign3A_193 = arith.cmpi sgt, %scan3A_189, %sign3A_192 : i32
        %sign3A_194 = arith.extui %sign3A_193 : i1 to i32
        %sign3A_195 = arith.constant 0 : i32
        %sign3A_196 = arith.cmpi slt, %scan3A_189, %sign3A_195 : i32
        %sign3A_197 = arith.extui %sign3A_196 : i1 to i32
        %sign3A_198 = arith.subi %sign3A_194, %sign3A_197 : i32
        %sign3A_199 = arith.constant 0 : i32
        %sign3A_200 = arith.cmpi sgt, %jit3A_190, %sign3A_199 : i32
        %sign3A_201 = arith.extui %sign3A_200 : i1 to i32
        %sign3A_202 = arith.constant 0 : i32
        %sign3A_203 = arith.cmpi slt, %jit3A_190, %sign3A_202 : i32
        %sign3A_204 = arith.extui %sign3A_203 : i1 to i32
        %sign3A_205 = arith.subi %sign3A_201, %sign3A_204 : i32
        %ne3A_206 = arith.cmpi ne, %sign3A_198, %sign3A_205 : i32
        %rem3A_207 = arith.remsi %scan3A_189, %jit3A_190 : i32
        %ne3A_208 = arith.constant 0 : i32
        %ne3A_209 = arith.cmpi ne, %rem3A_207, %ne3A_208 : i32
        %and3A_210 = arith.andi %ne3A_206, %ne3A_209 : i1
        %sub3A_211 = arith.constant 1 : i32
        %sub3A_212 = arith.subi %div3A_191, %sub3A_211 : i32
        %select_n3A_213 = arith.select %and3A_210, %sub3A_212, %div3A_191 : i32
        %jit3A_214 = arith.constant 8 : i32
        %eq3A_215 = arith.constant 0 : i32
        %eq3A_216 = arith.cmpi eq, %jit3A_214, %eq3A_215 : i32
        %jit3A_217 = arith.constant 1 : i32
        %select_n3A_218 = arith.select %eq3A_216, %jit3A_217, %jit3A_214 : i32
        %rem3A_219 = arith.remsi %scan3A_189, %select_n3A_218 : i32
        %ne3A_220 = arith.constant 0 : i32
        %ne3A_221 = arith.cmpi ne, %rem3A_219, %ne3A_220 : i32
        %lt3A_222 = arith.constant 0 : i32
        %lt3A_223 = arith.cmpi slt, %rem3A_219, %lt3A_222 : i32
        %lt3A_224 = arith.constant 0 : i32
        %lt3A_225 = arith.cmpi slt, %select_n3A_218, %lt3A_224 : i32
        %ne3A_226 = arith.xori %lt3A_223, %lt3A_225 : i1
        %and3A_227 = arith.andi %ne3A_226, %ne3A_221 : i1
        %add3A_228 = arith.addi %rem3A_219, %select_n3A_218 : i32
        %select_n3A_229 = arith.select %and3A_227, %add3A_228, %rem3A_219 : i32
        %mul3A_230 = arith.constant 16 : i32
        %mul3A_231 = arith.muli %select_n3A_229, %mul3A_230 : i32
        %get3A_232 = arith.index_cast %select_n3A_213 : i32 to index
        %get3A_233 = arith.index_cast %mul3A_231 : i32 to index
        %get3A_234 = tpu.vector_load %arg9[%get3A_232, %get3A_233] {strides = array<i32>} : memref<16x128xi32, #tpu.memory_space<vmem>>, vector<16xi32>,
        %mul3A_235 = arith.constant 16 : i32
        %mul3A_236 = arith.muli %scan3A_189, %mul3A_235 : i32
        %get3A_237 = arith.index_cast %mul3A_236 : i32 to index
        %get3A_238 = tpu.vector_load %arg10[%get3A_237] {strides = array<i32>} : memref<2048xi32, #tpu.memory_space<vmem>>, vector<16xi32>,
        %gather3A = tpu.vector_load_idx %arg14[%get3A_234] : memref<32xi32, #tpu.memory_space<vmem>>[vector<16xi32>], vector<16xi32>,
        %add3A_239 = arith.addi %gather3A, %get3A_238 : vector<16xi32>
        %shift_right_logical3A = arith.constant 7 : i32
        %shift_right_logical3A_240 = vector.broadcast %shift_right_logical3A : i32 to vector<16xi32>
        %shift_right_logical3A_241 = arith.shrui %add3A_239, %shift_right_logical3A_240 : vector<16xi32>
        %and3A_242 = arith.constant 127 : i32
        %and3A_243 = vector.broadcast %and3A_242 : i32 to vector<16xi32>
        %and3A_244 = arith.andi %add3A_239, %and3A_243 : vector<16xi32>
        %mul3A_245 = arith.constant 16 : i32
        %mul3A_246 = arith.muli %scan3A_189, %mul3A_245 : i32
        %add3A_247 = vector.broadcast %mul3A_246 : i32 to vector<16xi32>
        %add3A_248 = arith.addi %add3A_247, %iota3A : vector<16xi32>
        %mul3A_249 = arith.constant 2048 : i32
        %mul3A_250 = arith.muli %select_n3A_40, %mul3A_249 : i32
        %add3A_251 = vector.broadcast %mul3A_250 : i32 to vector<16xi32>
        %add3A_252 = arith.addi %add3A_239, %add3A_251 : vector<16xi32>
        %swap3A_253 = arith.index_cast %select_n3A_213 : i32 to index
        %swap3A_254 = arith.index_cast %mul3A_231 : i32 to index
        %swap3A_255 = tpu.vector_load %arg13[%swap3A_253, %swap3A_254] {strides = array<i32>} : memref<16x128xi32, #tpu.memory_space<vmem>>, vector<16xi32>,
        tpu.vector_store %arg13[%swap3A_253, %swap3A_254], %add3A_252 {strides = array<i32>} : memref<16x128xi32, #tpu.memory_space<vmem>>, vector<16xi32>,
        tpu.vector_store_idx %arg11[%shift_right_logical3A_241, %and3A_244], %add3A_248 : memref<16x128xi32, #tpu.memory_space<vmem>>[vector<16xi32>, vector<16xi32>], vector<16xi32>,
        %mul3A_256 = arith.constant 2048 : i32
        %mul3A_257 = arith.muli %select_n3A, %mul3A_256 : i32
        %add3A_258 = vector.broadcast %mul3A_257 : i32 to vector<16xi32>
        %add3A_259 = arith.addi %add3A_248, %add3A_258 : vector<16xi32>
        tpu.vector_store_idx %arg12[%add3A_239], %add3A_259 : memref<2048xi32, #tpu.memory_space<vmem>>[vector<16xi32>], vector<16xi32>,
        %get3A_260 = arith.index_cast %select_n3A_213 : i32 to index
        %get3A_261 = arith.index_cast %mul3A_231 : i32 to index
        %get3A_262 = tpu.vector_load %arg16[%get3A_260, %get3A_261] {strides = array<i32>} : memref<16x128xf32, #tpu.memory_space<vmem>>, vector<16xf32>,
        tpu.vector_store_idx %arg17[%shift_right_logical3A_241, %and3A_244], %get3A_262 : memref<16x128xf32, #tpu.memory_space<vmem>>[vector<16xi32>, vector<16xi32>], vector<16xf32>,
      }
      %scan3A_74 = arith.constant 128 : i32
      "tpu.region"() ({
        %run_scoped3A = tpu.sem_alloc : memref<!tpu.dma_semaphore, #tpu.memory_space<semaphore_mem>>
        %dma_start3A_189 = arith.constant 0 : i32
        %dma_start3A_190 = arith.constant 0 : i32
        %dma_start3A_191 = tpu.memref_slice %arg6[%select_n3A, %select_n3A_40, %dma_start3A_189, %dma_start3A_190] : memref<16x8x16x128xi32, #tpu.memory_space<hbm>> -> memref<1x1x16x128xi32, #tpu.memory_space<hbm>>
        %dma_start3A_192 = tpu.memref_squeeze %dma_start3A_191 : memref<1x1x16x128xi32, #tpu.memory_space<hbm>> -> memref<16x128xi32, #tpu.memory_space<hbm>>
        %dma_start3A_193 = arith.constant 0 : i32
        %dma_start3A_194 = arith.constant 0 : i32
        %dma_start3A_195 = tpu.memref_slice %arg6[%select_n3A, %select_n3A_40, %dma_start3A_193, %dma_start3A_194] : memref<16x8x16x128xi32, #tpu.memory_space<hbm>> -> memref<1x1x16x128xi32, #tpu.memory_space<hbm>>
        %dma_start3A_196 = tpu.memref_squeeze %dma_start3A_195 : memref<1x1x16x128xi32, #tpu.memory_space<hbm>> -> memref<16x128xi32, #tpu.memory_space<hbm>>
        tpu.enqueue_dma source(%arg13 : memref<16x128xi32, #tpu.memory_space<vmem>>) target(%dma_start3A_196 : memref<16x128xi32, #tpu.memory_space<hbm>>) target_semaphore(%run_scoped3A : memref<!tpu.dma_semaphore, #tpu.memory_space<semaphore_mem>>)
        %dma_wait3A_197 = arith.constant 0 : i32
        %dma_wait3A_198 = arith.constant 0 : i32
        %dma_wait3A_199 = tpu.memref_slice %arg6[%select_n3A, %select_n3A_40, %dma_wait3A_197, %dma_wait3A_198] : memref<16x8x16x128xi32, #tpu.memory_space<hbm>> -> memref<1x1x16x128xi32, #tpu.memory_space<hbm>>
        %dma_wait3A_200 = tpu.memref_squeeze %dma_wait3A_199 : memref<1x1x16x128xi32, #tpu.memory_space<hbm>> -> memref<16x128xi32, #tpu.memory_space<hbm>>
        %dma_wait3A_201 = arith.constant 0 : i32
        %dma_wait3A_202 = arith.constant 0 : i32
        %dma_wait3A_203 = tpu.memref_slice %arg6[%select_n3A, %select_n3A_40, %dma_wait3A_201, %dma_wait3A_202] : memref<16x8x16x128xi32, #tpu.memory_space<hbm>> -> memref<1x1x16x128xi32, #tpu.memory_space<hbm>>
        %dma_wait3A_204 = tpu.memref_squeeze %dma_wait3A_203 : memref<1x1x16x128xi32, #tpu.memory_space<hbm>> -> memref<16x128xi32, #tpu.memory_space<hbm>>
        tpu.wait_dma2 semaphore(%run_scoped3A : memref<!tpu.dma_semaphore, #tpu.memory_space<semaphore_mem>>) src(%arg13 : memref<16x128xi32, #tpu.memory_space<vmem>>) dst(%dma_wait3A_204 : memref<16x128xi32, #tpu.memory_space<hbm>>)
        tpu.yield
      }) : () -> ()
      %mul3A_75 = arith.constant 16 : i32
      %mul3A_76 = arith.muli %select_n3A_40, %mul3A_75 : i32
      "tpu.region"() ({
        %run_scoped3A = tpu.sem_alloc : memref<!tpu.dma_semaphore, #tpu.memory_space<semaphore_mem>>
        %dma_start3A_189 = arith.constant 0 : i32
        %dma_start3A_190 = tpu.memref_slice %arg5[%select_n3A, %mul3A_76, %dma_start3A_189] : memref<16x128x128xi32, #tpu.memory_space<hbm>> -> memref<1x16x128xi32, #tpu.memory_space<hbm>>
        %dma_start3A_191 = tpu.memref_squeeze %dma_start3A_190 : memref<1x16x128xi32, #tpu.memory_space<hbm>> -> memref<16x128xi32, #tpu.memory_space<hbm>>
        %dma_start3A_192 = arith.constant 0 : i32
        %dma_start3A_193 = tpu.memref_slice %arg5[%select_n3A, %mul3A_76, %dma_start3A_192] : memref<16x128x128xi32, #tpu.memory_space<hbm>> -> memref<1x16x128xi32, #tpu.memory_space<hbm>>
        %dma_start3A_194 = tpu.memref_squeeze %dma_start3A_193 : memref<1x16x128xi32, #tpu.memory_space<hbm>> -> memref<16x128xi32, #tpu.memory_space<hbm>>
        tpu.enqueue_dma source(%arg11 : memref<16x128xi32, #tpu.memory_space<vmem>>) target(%dma_start3A_194 : memref<16x128xi32, #tpu.memory_space<hbm>>) target_semaphore(%run_scoped3A : memref<!tpu.dma_semaphore, #tpu.memory_space<semaphore_mem>>)
        %dma_wait3A_195 = arith.constant 0 : i32
        %dma_wait3A_196 = tpu.memref_slice %arg5[%select_n3A, %mul3A_76, %dma_wait3A_195] : memref<16x128x128xi32, #tpu.memory_space<hbm>> -> memref<1x16x128xi32, #tpu.memory_space<hbm>>
        %dma_wait3A_197 = tpu.memref_squeeze %dma_wait3A_196 : memref<1x16x128xi32, #tpu.memory_space<hbm>> -> memref<16x128xi32, #tpu.memory_space<hbm>>
        %dma_wait3A_198 = arith.constant 0 : i32
        %dma_wait3A_199 = tpu.memref_slice %arg5[%select_n3A, %mul3A_76, %dma_wait3A_198] : memref<16x128x128xi32, #tpu.memory_space<hbm>> -> memref<1x16x128xi32, #tpu.memory_space<hbm>>
        %dma_wait3A_200 = tpu.memref_squeeze %dma_wait3A_199 : memref<1x16x128xi32, #tpu.memory_space<hbm>> -> memref<16x128xi32, #tpu.memory_space<hbm>>
        tpu.wait_dma2 semaphore(%run_scoped3A : memref<!tpu.dma_semaphore, #tpu.memory_space<semaphore_mem>>) src(%arg11 : memref<16x128xi32, #tpu.memory_space<vmem>>) dst(%dma_wait3A_200 : memref<16x128xi32, #tpu.memory_space<hbm>>)
        tpu.yield
      }) : () -> ()
      %mul3A_77 = arith.constant 16 : i32
      %mul3A_78 = arith.muli %select_n3A_40, %mul3A_77 : i32
      "tpu.region"() ({
        %run_scoped3A = tpu.sem_alloc : memref<!tpu.dma_semaphore, #tpu.memory_space<semaphore_mem>>
        %dma_start3A_189 = arith.constant 0 : i32
        %dma_start3A_190 = tpu.memref_slice %arg8[%select_n3A, %mul3A_78, %dma_start3A_189] : memref<16x128x128xf32, #tpu.memory_space<hbm>> -> memref<1x16x128xf32, #tpu.memory_space<hbm>>
        %dma_start3A_191 = tpu.memref_squeeze %dma_start3A_190 : memref<1x16x128xf32, #tpu.memory_space<hbm>> -> memref<16x128xf32, #tpu.memory_space<hbm>>
        %dma_start3A_192 = arith.constant 0 : i32
        %dma_start3A_193 = tpu.memref_slice %arg8[%select_n3A, %mul3A_78, %dma_start3A_192] : memref<16x128x128xf32, #tpu.memory_space<hbm>> -> memref<1x16x128xf32, #tpu.memory_space<hbm>>
        %dma_start3A_194 = tpu.memref_squeeze %dma_start3A_193 : memref<1x16x128xf32, #tpu.memory_space<hbm>> -> memref<16x128xf32, #tpu.memory_space<hbm>>
        tpu.enqueue_dma source(%arg17 : memref<16x128xf32, #tpu.memory_space<vmem>>) target(%dma_start3A_194 : memref<16x128xf32, #tpu.memory_space<hbm>>) target_semaphore(%run_scoped3A : memref<!tpu.dma_semaphore, #tpu.memory_space<semaphore_mem>>)
        %dma_wait3A_195 = arith.constant 0 : i32
        %dma_wait3A_196 = tpu.memref_slice %arg8[%select_n3A, %mul3A_78, %dma_wait3A_195] : memref<16x128x128xf32, #tpu.memory_space<hbm>> -> memref<1x16x128xf32, #tpu.memory_space<hbm>>
        %dma_wait3A_197 = tpu.memref_squeeze %dma_wait3A_196 : memref<1x16x128xf32, #tpu.memory_space<hbm>> -> memref<16x128xf32, #tpu.memory_space<hbm>>
        %dma_wait3A_198 = arith.constant 0 : i32
        %dma_wait3A_199 = tpu.memref_slice %arg8[%select_n3A, %mul3A_78, %dma_wait3A_198] : memref<16x128x128xf32, #tpu.memory_space<hbm>> -> memref<1x16x128xf32, #tpu.memory_space<hbm>>
        %dma_wait3A_200 = tpu.memref_squeeze %dma_wait3A_199 : memref<1x16x128xf32, #tpu.memory_space<hbm>> -> memref<16x128xf32, #tpu.memory_space<hbm>>
        tpu.wait_dma2 semaphore(%run_scoped3A : memref<!tpu.dma_semaphore, #tpu.memory_space<semaphore_mem>>) src(%arg17 : memref<16x128xf32, #tpu.memory_space<vmem>>) dst(%dma_wait3A_200 : memref<16x128xf32, #tpu.memory_space<hbm>>)
        tpu.yield
      }) : () -> ()
      %dma_start3A = arith.constant 0 : i32
      %dma_start3A_79 = tpu.memref_slice %arg12[%dma_start3A] : memref<2048xi32, #tpu.memory_space<vmem>> -> memref<256xi32, #tpu.memory_space<vmem>>
      %dma_start3A_80 = arith.constant 0 : i32
      %dma_start3A_81 = arith.constant 0 : i32
      %dma_start3A_82 = tpu.memref_slice %arg3[%dma_start3A_80, %dma_start3A_81] : memref<32768x128xf32, #tpu.memory_space<hbm>> -> memref<32768x128xf32, #tpu.memory_space<hbm>>
      tpu.enqueue_indirect_dma source(%dma_start3A_82 : memref<32768x128xf32, #tpu.memory_space<hbm>>) target(%arg18 : memref<256x128xf32, #tpu.memory_space<vmem>>) offsets(%dma_start3A_79 : memref<256xi32, #tpu.memory_space<vmem>>) semaphore(%arg20 : memref<!tpu.dma_semaphore, #tpu.memory_space<semaphore_mem>>)
      %dma_start3A_83 = arith.constant 256 : i32
      %dma_start3A_84 = tpu.memref_slice %arg12[%dma_start3A_83] : memref<2048xi32, #tpu.memory_space<vmem>> -> memref<256xi32, #tpu.memory_space<vmem>>
      %dma_start3A_85 = arith.constant 0 : i32
      %dma_start3A_86 = arith.constant 0 : i32
      %dma_start3A_87 = tpu.memref_slice %arg3[%dma_start3A_85, %dma_start3A_86] : memref<32768x128xf32, #tpu.memory_space<hbm>> -> memref<32768x128xf32, #tpu.memory_space<hbm>>
      tpu.enqueue_indirect_dma source(%dma_start3A_87 : memref<32768x128xf32, #tpu.memory_space<hbm>>) target(%arg19 : memref<256x128xf32, #tpu.memory_space<vmem>>) offsets(%dma_start3A_84 : memref<256xi32, #tpu.memory_space<vmem>>) semaphore(%arg21 : memref<!tpu.dma_semaphore, #tpu.memory_space<semaphore_mem>>)
      %dma_wait3A = arith.constant 0 : i32
      %dma_wait3A_88 = tpu.memref_slice %arg12[%dma_wait3A] : memref<2048xi32, #tpu.memory_space<vmem>> -> memref<256xi32, #tpu.memory_space<vmem>>
      %dma_wait3A_89 = arith.constant 0 : i32
      %dma_wait3A_90 = arith.constant 0 : i32
      %dma_wait3A_91 = tpu.memref_slice %arg3[%dma_wait3A_89, %dma_wait3A_90] : memref<32768x128xf32, #tpu.memory_space<hbm>> -> memref<32768x128xf32, #tpu.memory_space<hbm>>
      tpu.wait_indirect_dma semaphore(%arg20 : memref<!tpu.dma_semaphore, #tpu.memory_space<semaphore_mem>>) src(%dma_wait3A_91 : memref<32768x128xf32, #tpu.memory_space<hbm>>) dst(%arg18 : memref<256x128xf32, #tpu.memory_space<vmem>>)
      %mul3A_92 = arith.constant 2048 : i32
      %mul3A_93 = arith.muli %select_n3A_40, %mul3A_92 : i32
      %add3A_94 = arith.constant 0 : i32
      %add3A_95 = arith.addi %mul3A_93, %add3A_94 : i32
      "tpu.region"() ({
        %run_scoped3A = tpu.sem_alloc : memref<!tpu.dma_semaphore, #tpu.memory_space<semaphore_mem>>
        %dma_start3A_189 = arith.constant 0 : i32
        %dma_start3A_190 = tpu.memref_slice %arg7[%select_n3A, %add3A_95, %dma_start3A_189] : memref<16x16384x128xf32, #tpu.memory_space<hbm>> -> memref<1x256x128xf32, #tpu.memory_space<hbm>>
        %dma_start3A_191 = tpu.memref_squeeze %dma_start3A_190 : memref<1x256x128xf32, #tpu.memory_space<hbm>> -> memref<256x128xf32, #tpu.memory_space<hbm>>
        %dma_start3A_192 = arith.constant 0 : i32
        %dma_start3A_193 = tpu.memref_slice %arg7[%select_n3A, %add3A_95, %dma_start3A_192] : memref<16x16384x128xf32, #tpu.memory_space<hbm>> -> memref<1x256x128xf32, #tpu.memory_space<hbm>>
        %dma_start3A_194 = tpu.memref_squeeze %dma_start3A_193 : memref<1x256x128xf32, #tpu.memory_space<hbm>> -> memref<256x128xf32, #tpu.memory_space<hbm>>
        tpu.enqueue_dma source(%arg18 : memref<256x128xf32, #tpu.memory_space<vmem>>) target(%dma_start3A_194 : memref<256x128xf32, #tpu.memory_space<hbm>>) target_semaphore(%run_scoped3A : memref<!tpu.dma_semaphore, #tpu.memory_space<semaphore_mem>>)
        %dma_wait3A_195 = arith.constant 0 : i32
        %dma_wait3A_196 = tpu.memref_slice %arg7[%select_n3A, %add3A_95, %dma_wait3A_195] : memref<16x16384x128xf32, #tpu.memory_space<hbm>> -> memref<1x256x128xf32, #tpu.memory_space<hbm>>
        %dma_wait3A_197 = tpu.memref_squeeze %dma_wait3A_196 : memref<1x256x128xf32, #tpu.memory_space<hbm>> -> memref<256x128xf32, #tpu.memory_space<hbm>>
        %dma_wait3A_198 = arith.constant 0 : i32
        %dma_wait3A_199 = tpu.memref_slice %arg7[%select_n3A, %add3A_95, %dma_wait3A_198] : memref<16x16384x128xf32, #tpu.memory_space<hbm>> -> memref<1x256x128xf32, #tpu.memory_space<hbm>>
        %dma_wait3A_200 = tpu.memref_squeeze %dma_wait3A_199 : memref<1x256x128xf32, #tpu.memory_space<hbm>> -> memref<256x128xf32, #tpu.memory_space<hbm>>
        tpu.wait_dma2 semaphore(%run_scoped3A : memref<!tpu.dma_semaphore, #tpu.memory_space<semaphore_mem>>) src(%arg18 : memref<256x128xf32, #tpu.memory_space<vmem>>) dst(%dma_wait3A_200 : memref<256x128xf32, #tpu.memory_space<hbm>>)
        tpu.yield
      }) : () -> ()
      %dma_start3A_96 = arith.constant 512 : i32
      %dma_start3A_97 = tpu.memref_slice %arg12[%dma_start3A_96] : memref<2048xi32, #tpu.memory_space<vmem>> -> memref<256xi32, #tpu.memory_space<vmem>>
      %dma_start3A_98 = arith.constant 0 : i32
      %dma_start3A_99 = arith.constant 0 : i32
      %dma_start3A_100 = tpu.memref_slice %arg3[%dma_start3A_98, %dma_start3A_99] : memref<32768x128xf32, #tpu.memory_space<hbm>> -> memref<32768x128xf32, #tpu.memory_space<hbm>>
      tpu.enqueue_indirect_dma source(%dma_start3A_100 : memref<32768x128xf32, #tpu.memory_space<hbm>>) target(%arg18 : memref<256x128xf32, #tpu.memory_space<vmem>>) offsets(%dma_start3A_97 : memref<256xi32, #tpu.memory_space<vmem>>) semaphore(%arg20 : memref<!tpu.dma_semaphore, #tpu.memory_space<semaphore_mem>>)
      %dma_wait3A_101 = arith.constant 256 : i32
      %dma_wait3A_102 = tpu.memref_slice %arg12[%dma_wait3A_101] : memref<2048xi32, #tpu.memory_space<vmem>> -> memref<256xi32, #tpu.memory_space<vmem>>
      %dma_wait3A_103 = arith.constant 0 : i32
      %dma_wait3A_104 = arith.constant 0 : i32
      %dma_wait3A_105 = tpu.memref_slice %arg3[%dma_wait3A_103, %dma_wait3A_104] : memref<32768x128xf32, #tpu.memory_space<hbm>> -> memref<32768x128xf32, #tpu.memory_space<hbm>>
      tpu.wait_indirect_dma semaphore(%arg21 : memref<!tpu.dma_semaphore, #tpu.memory_space<semaphore_mem>>) src(%dma_wait3A_105 : memref<32768x128xf32, #tpu.memory_space<hbm>>) dst(%arg19 : memref<256x128xf32, #tpu.memory_space<vmem>>)
      %mul3A_106 = arith.constant 2048 : i32
      %mul3A_107 = arith.muli %select_n3A_40, %mul3A_106 : i32
      %add3A_108 = arith.constant 256 : i32
      %add3A_109 = arith.addi %mul3A_107, %add3A_108 : i32
      "tpu.region"() ({
        %run_scoped3A = tpu.sem_alloc : memref<!tpu.dma_semaphore, #tpu.memory_space<semaphore_mem>>
        %dma_start3A_189 = arith.constant 0 : i32
        %dma_start3A_190 = tpu.memref_slice %arg7[%select_n3A, %add3A_109, %dma_start3A_189] : memref<16x16384x128xf32, #tpu.memory_space<hbm>> -> memref<1x256x128xf32, #tpu.memory_space<hbm>>
        %dma_start3A_191 = tpu.memref_squeeze %dma_start3A_190 : memref<1x256x128xf32, #tpu.memory_space<hbm>> -> memref<256x128xf32, #tpu.memory_space<hbm>>
        %dma_start3A_192 = arith.constant 0 : i32
        %dma_start3A_193 = tpu.memref_slice %arg7[%select_n3A, %add3A_109, %dma_start3A_192] : memref<16x16384x128xf32, #tpu.memory_space<hbm>> -> memref<1x256x128xf32, #tpu.memory_space<hbm>>
        %dma_start3A_194 = tpu.memref_squeeze %dma_start3A_193 : memref<1x256x128xf32, #tpu.memory_space<hbm>> -> memref<256x128xf32, #tpu.memory_space<hbm>>
        tpu.enqueue_dma source(%arg19 : memref<256x128xf32, #tpu.memory_space<vmem>>) target(%dma_start3A_194 : memref<256x128xf32, #tpu.memory_space<hbm>>) target_semaphore(%run_scoped3A : memref<!tpu.dma_semaphore, #tpu.memory_space<semaphore_mem>>)
        %dma_wait3A_195 = arith.constant 0 : i32
        %dma_wait3A_196 = tpu.memref_slice %arg7[%select_n3A, %add3A_109, %dma_wait3A_195] : memref<16x16384x128xf32, #tpu.memory_space<hbm>> -> memref<1x256x128xf32, #tpu.memory_space<hbm>>
        %dma_wait3A_197 = tpu.memref_squeeze %dma_wait3A_196 : memref<1x256x128xf32, #tpu.memory_space<hbm>> -> memref<256x128xf32, #tpu.memory_space<hbm>>
        %dma_wait3A_198 = arith.constant 0 : i32
        %dma_wait3A_199 = tpu.memref_slice %arg7[%select_n3A, %add3A_109, %dma_wait3A_198] : memref<16x16384x128xf32, #tpu.memory_space<hbm>> -> memref<1x256x128xf32, #tpu.memory_space<hbm>>
        %dma_wait3A_200 = tpu.memref_squeeze %dma_wait3A_199 : memref<1x256x128xf32, #tpu.memory_space<hbm>> -> memref<256x128xf32, #tpu.memory_space<hbm>>
        tpu.wait_dma2 semaphore(%run_scoped3A : memref<!tpu.dma_semaphore, #tpu.memory_space<semaphore_mem>>) src(%arg19 : memref<256x128xf32, #tpu.memory_space<vmem>>) dst(%dma_wait3A_200 : memref<256x128xf32, #tpu.memory_space<hbm>>)
        tpu.yield
      }) : () -> ()
      %dma_start3A_110 = arith.constant 768 : i32
      %dma_start3A_111 = tpu.memref_slice %arg12[%dma_start3A_110] : memref<2048xi32, #tpu.memory_space<vmem>> -> memref<256xi32, #tpu.memory_space<vmem>>
      %dma_start3A_112 = arith.constant 0 : i32
      %dma_start3A_113 = arith.constant 0 : i32
      %dma_start3A_114 = tpu.memref_slice %arg3[%dma_start3A_112, %dma_start3A_113] : memref<32768x128xf32, #tpu.memory_space<hbm>> -> memref<32768x128xf32, #tpu.memory_space<hbm>>
      tpu.enqueue_indirect_dma source(%dma_start3A_114 : memref<32768x128xf32, #tpu.memory_space<hbm>>) target(%arg19 : memref<256x128xf32, #tpu.memory_space<vmem>>) offsets(%dma_start3A_111 : memref<256xi32, #tpu.memory_space<vmem>>) semaphore(%arg21 : memref<!tpu.dma_semaphore, #tpu.memory_space<semaphore_mem>>)
      %dma_wait3A_115 = arith.constant 512 : i32
      %dma_wait3A_116 = tpu.memref_slice %arg12[%dma_wait3A_115] : memref<2048xi32, #tpu.memory_space<vmem>> -> memref<256xi32, #tpu.memory_space<vmem>>
      %dma_wait3A_117 = arith.constant 0 : i32
      %dma_wait3A_118 = arith.constant 0 : i32
      %dma_wait3A_119 = tpu.memref_slice %arg3[%dma_wait3A_117, %dma_wait3A_118] : memref<32768x128xf32, #tpu.memory_space<hbm>> -> memref<32768x128xf32, #tpu.memory_space<hbm>>
      tpu.wait_indirect_dma semaphore(%arg20 : memref<!tpu.dma_semaphore, #tpu.memory_space<semaphore_mem>>) src(%dma_wait3A_119 : memref<32768x128xf32, #tpu.memory_space<hbm>>) dst(%arg18 : memref<256x128xf32, #tpu.memory_space<vmem>>)
      %mul3A_120 = arith.constant 2048 : i32
      %mul3A_121 = arith.muli %select_n3A_40, %mul3A_120 : i32
      %add3A_122 = arith.constant 512 : i32
      %add3A_123 = arith.addi %mul3A_121, %add3A_122 : i32
      "tpu.region"() ({
        %run_scoped3A = tpu.sem_alloc : memref<!tpu.dma_semaphore, #tpu.memory_space<semaphore_mem>>
        %dma_start3A_189 = arith.constant 0 : i32
        %dma_start3A_190 = tpu.memref_slice %arg7[%select_n3A, %add3A_123, %dma_start3A_189] : memref<16x16384x128xf32, #tpu.memory_space<hbm>> -> memref<1x256x128xf32, #tpu.memory_space<hbm>>
        %dma_start3A_191 = tpu.memref_squeeze %dma_start3A_190 : memref<1x256x128xf32, #tpu.memory_space<hbm>> -> memref<256x128xf32, #tpu.memory_space<hbm>>
        %dma_start3A_192 = arith.constant 0 : i32
        %dma_start3A_193 = tpu.memref_slice %arg7[%select_n3A, %add3A_123, %dma_start3A_192] : memref<16x16384x128xf32, #tpu.memory_space<hbm>> -> memref<1x256x128xf32, #tpu.memory_space<hbm>>
        %dma_start3A_194 = tpu.memref_squeeze %dma_start3A_193 : memref<1x256x128xf32, #tpu.memory_space<hbm>> -> memref<256x128xf32, #tpu.memory_space<hbm>>
        tpu.enqueue_dma source(%arg18 : memref<256x128xf32, #tpu.memory_space<vmem>>) target(%dma_start3A_194 : memref<256x128xf32, #tpu.memory_space<hbm>>) target_semaphore(%run_scoped3A : memref<!tpu.dma_semaphore, #tpu.memory_space<semaphore_mem>>)
        %dma_wait3A_195 = arith.constant 0 : i32
        %dma_wait3A_196 = tpu.memref_slice %arg7[%select_n3A, %add3A_123, %dma_wait3A_195] : memref<16x16384x128xf32, #tpu.memory_space<hbm>> -> memref<1x256x128xf32, #tpu.memory_space<hbm>>
        %dma_wait3A_197 = tpu.memref_squeeze %dma_wait3A_196 : memref<1x256x128xf32, #tpu.memory_space<hbm>> -> memref<256x128xf32, #tpu.memory_space<hbm>>
        %dma_wait3A_198 = arith.constant 0 : i32
        %dma_wait3A_199 = tpu.memref_slice %arg7[%select_n3A, %add3A_123, %dma_wait3A_198] : memref<16x16384x128xf32, #tpu.memory_space<hbm>> -> memref<1x256x128xf32, #tpu.memory_space<hbm>>
        %dma_wait3A_200 = tpu.memref_squeeze %dma_wait3A_199 : memref<1x256x128xf32, #tpu.memory_space<hbm>> -> memref<256x128xf32, #tpu.memory_space<hbm>>
        tpu.wait_dma2 semaphore(%run_scoped3A : memref<!tpu.dma_semaphore, #tpu.memory_space<semaphore_mem>>) src(%arg18 : memref<256x128xf32, #tpu.memory_space<vmem>>) dst(%dma_wait3A_200 : memref<256x128xf32, #tpu.memory_space<hbm>>)
        tpu.yield
      }) : () -> ()
      %dma_start3A_124 = arith.constant 1024 : i32
      %dma_start3A_125 = tpu.memref_slice %arg12[%dma_start3A_124] : memref<2048xi32, #tpu.memory_space<vmem>> -> memref<256xi32, #tpu.memory_space<vmem>>
      %dma_start3A_126 = arith.constant 0 : i32
      %dma_start3A_127 = arith.constant 0 : i32
      %dma_start3A_128 = tpu.memref_slice %arg3[%dma_start3A_126, %dma_start3A_127] : memref<32768x128xf32, #tpu.memory_space<hbm>> -> memref<32768x128xf32, #tpu.memory_space<hbm>>
      tpu.enqueue_indirect_dma source(%dma_start3A_128 : memref<32768x128xf32, #tpu.memory_space<hbm>>) target(%arg18 : memref<256x128xf32, #tpu.memory_space<vmem>>) offsets(%dma_start3A_125 : memref<256xi32, #tpu.memory_space<vmem>>) semaphore(%arg20 : memref<!tpu.dma_semaphore, #tpu.memory_space<semaphore_mem>>)
      %dma_wait3A_129 = arith.constant 768 : i32
      %dma_wait3A_130 = tpu.memref_slice %arg12[%dma_wait3A_129] : memref<2048xi32, #tpu.memory_space<vmem>> -> memref<256xi32, #tpu.memory_space<vmem>>
      %dma_wait3A_131 = arith.constant 0 : i32
      %dma_wait3A_132 = arith.constant 0 : i32
      %dma_wait3A_133 = tpu.memref_slice %arg3[%dma_wait3A_131, %dma_wait3A_132] : memref<32768x128xf32, #tpu.memory_space<hbm>> -> memref<32768x128xf32, #tpu.memory_space<hbm>>
      tpu.wait_indirect_dma semaphore(%arg21 : memref<!tpu.dma_semaphore, #tpu.memory_space<semaphore_mem>>) src(%dma_wait3A_133 : memref<32768x128xf32, #tpu.memory_space<hbm>>) dst(%arg19 : memref<256x128xf32, #tpu.memory_space<vmem>>)
      %mul3A_134 = arith.constant 2048 : i32
      %mul3A_135 = arith.muli %select_n3A_40, %mul3A_134 : i32
      %add3A_136 = arith.constant 768 : i32
      %add3A_137 = arith.addi %mul3A_135, %add3A_136 : i32
      "tpu.region"() ({
        %run_scoped3A = tpu.sem_alloc : memref<!tpu.dma_semaphore, #tpu.memory_space<semaphore_mem>>
        %dma_start3A_189 = arith.constant 0 : i32
        %dma_start3A_190 = tpu.memref_slice %arg7[%select_n3A, %add3A_137, %dma_start3A_189] : memref<16x16384x128xf32, #tpu.memory_space<hbm>> -> memref<1x256x128xf32, #tpu.memory_space<hbm>>
        %dma_start3A_191 = tpu.memref_squeeze %dma_start3A_190 : memref<1x256x128xf32, #tpu.memory_space<hbm>> -> memref<256x128xf32, #tpu.memory_space<hbm>>
        %dma_start3A_192 = arith.constant 0 : i32
        %dma_start3A_193 = tpu.memref_slice %arg7[%select_n3A, %add3A_137, %dma_start3A_192] : memref<16x16384x128xf32, #tpu.memory_space<hbm>> -> memref<1x256x128xf32, #tpu.memory_space<hbm>>
        %dma_start3A_194 = tpu.memref_squeeze %dma_start3A_193 : memref<1x256x128xf32, #tpu.memory_space<hbm>> -> memref<256x128xf32, #tpu.memory_space<hbm>>
        tpu.enqueue_dma source(%arg19 : memref<256x128xf32, #tpu.memory_space<vmem>>) target(%dma_start3A_194 : memref<256x128xf32, #tpu.memory_space<hbm>>) target_semaphore(%run_scoped3A : memref<!tpu.dma_semaphore, #tpu.memory_space<semaphore_mem>>)
        %dma_wait3A_195 = arith.constant 0 : i32
        %dma_wait3A_196 = tpu.memref_slice %arg7[%select_n3A, %add3A_137, %dma_wait3A_195] : memref<16x16384x128xf32, #tpu.memory_space<hbm>> -> memref<1x256x128xf32, #tpu.memory_space<hbm>>
        %dma_wait3A_197 = tpu.memref_squeeze %dma_wait3A_196 : memref<1x256x128xf32, #tpu.memory_space<hbm>> -> memref<256x128xf32, #tpu.memory_space<hbm>>
        %dma_wait3A_198 = arith.constant 0 : i32
        %dma_wait3A_199 = tpu.memref_slice %arg7[%select_n3A, %add3A_137, %dma_wait3A_198] : memref<16x16384x128xf32, #tpu.memory_space<hbm>> -> memref<1x256x128xf32, #tpu.memory_space<hbm>>
        %dma_wait3A_200 = tpu.memref_squeeze %dma_wait3A_199 : memref<1x256x128xf32, #tpu.memory_space<hbm>> -> memref<256x128xf32, #tpu.memory_space<hbm>>
        tpu.wait_dma2 semaphore(%run_scoped3A : memref<!tpu.dma_semaphore, #tpu.memory_space<semaphore_mem>>) src(%arg19 : memref<256x128xf32, #tpu.memory_space<vmem>>) dst(%dma_wait3A_200 : memref<256x128xf32, #tpu.memory_space<hbm>>)
        tpu.yield
      }) : () -> ()
      %dma_start3A_138 = arith.constant 1280 : i32
      %dma_start3A_139 = tpu.memref_slice %arg12[%dma_start3A_138] : memref<2048xi32, #tpu.memory_space<vmem>> -> memref<256xi32, #tpu.memory_space<vmem>>
      %dma_start3A_140 = arith.constant 0 : i32
      %dma_start3A_141 = arith.constant 0 : i32
      %dma_start3A_142 = tpu.memref_slice %arg3[%dma_start3A_140, %dma_start3A_141] : memref<32768x128xf32, #tpu.memory_space<hbm>> -> memref<32768x128xf32, #tpu.memory_space<hbm>>
      tpu.enqueue_indirect_dma source(%dma_start3A_142 : memref<32768x128xf32, #tpu.memory_space<hbm>>) target(%arg19 : memref<256x128xf32, #tpu.memory_space<vmem>>) offsets(%dma_start3A_139 : memref<256xi32, #tpu.memory_space<vmem>>) semaphore(%arg21 : memref<!tpu.dma_semaphore, #tpu.memory_space<semaphore_mem>>)
      %dma_wait3A_143 = arith.constant 1024 : i32
      %dma_wait3A_144 = tpu.memref_slice %arg12[%dma_wait3A_143] : memref<2048xi32, #tpu.memory_space<vmem>> -> memref<256xi32, #tpu.memory_space<vmem>>
      %dma_wait3A_145 = arith.constant 0 : i32
      %dma_wait3A_146 = arith.constant 0 : i32
      %dma_wait3A_147 = tpu.memref_slice %arg3[%dma_wait3A_145, %dma_wait3A_146] : memref<32768x128xf32, #tpu.memory_space<hbm>> -> memref<32768x128xf32, #tpu.memory_space<hbm>>
      tpu.wait_indirect_dma semaphore(%arg20 : memref<!tpu.dma_semaphore, #tpu.memory_space<semaphore_mem>>) src(%dma_wait3A_147 : memref<32768x128xf32, #tpu.memory_space<hbm>>) dst(%arg18 : memref<256x128xf32, #tpu.memory_space<vmem>>)
      %mul3A_148 = arith.constant 2048 : i32
      %mul3A_149 = arith.muli %select_n3A_40, %mul3A_148 : i32
      %add3A_150 = arith.constant 1024 : i32
      %add3A_151 = arith.addi %mul3A_149, %add3A_150 : i32
      "tpu.region"() ({
        %run_scoped3A = tpu.sem_alloc : memref<!tpu.dma_semaphore, #tpu.memory_space<semaphore_mem>>
        %dma_start3A_189 = arith.constant 0 : i32
        %dma_start3A_190 = tpu.memref_slice %arg7[%select_n3A, %add3A_151, %dma_start3A_189] : memref<16x16384x128xf32, #tpu.memory_space<hbm>> -> memref<1x256x128xf32, #tpu.memory_space<hbm>>
        %dma_start3A_191 = tpu.memref_squeeze %dma_start3A_190 : memref<1x256x128xf32, #tpu.memory_space<hbm>> -> memref<256x128xf32, #tpu.memory_space<hbm>>
        %dma_start3A_192 = arith.constant 0 : i32
        %dma_start3A_193 = tpu.memref_slice %arg7[%select_n3A, %add3A_151, %dma_start3A_192] : memref<16x16384x128xf32, #tpu.memory_space<hbm>> -> memref<1x256x128xf32, #tpu.memory_space<hbm>>
        %dma_start3A_194 = tpu.memref_squeeze %dma_start3A_193 : memref<1x256x128xf32, #tpu.memory_space<hbm>> -> memref<256x128xf32, #tpu.memory_space<hbm>>
        tpu.enqueue_dma source(%arg18 : memref<256x128xf32, #tpu.memory_space<vmem>>) target(%dma_start3A_194 : memref<256x128xf32, #tpu.memory_space<hbm>>) target_semaphore(%run_scoped3A : memref<!tpu.dma_semaphore, #tpu.memory_space<semaphore_mem>>)
        %dma_wait3A_195 = arith.constant 0 : i32
        %dma_wait3A_196 = tpu.memref_slice %arg7[%select_n3A, %add3A_151, %dma_wait3A_195] : memref<16x16384x128xf32, #tpu.memory_space<hbm>> -> memref<1x256x128xf32, #tpu.memory_space<hbm>>
        %dma_wait3A_197 = tpu.memref_squeeze %dma_wait3A_196 : memref<1x256x128xf32, #tpu.memory_space<hbm>> -> memref<256x128xf32, #tpu.memory_space<hbm>>
        %dma_wait3A_198 = arith.constant 0 : i32
        %dma_wait3A_199 = tpu.memref_slice %arg7[%select_n3A, %add3A_151, %dma_wait3A_198] : memref<16x16384x128xf32, #tpu.memory_space<hbm>> -> memref<1x256x128xf32, #tpu.memory_space<hbm>>
        %dma_wait3A_200 = tpu.memref_squeeze %dma_wait3A_199 : memref<1x256x128xf32, #tpu.memory_space<hbm>> -> memref<256x128xf32, #tpu.memory_space<hbm>>
        tpu.wait_dma2 semaphore(%run_scoped3A : memref<!tpu.dma_semaphore, #tpu.memory_space<semaphore_mem>>) src(%arg18 : memref<256x128xf32, #tpu.memory_space<vmem>>) dst(%dma_wait3A_200 : memref<256x128xf32, #tpu.memory_space<hbm>>)
        tpu.yield
      }) : () -> ()
      %dma_start3A_152 = arith.constant 1536 : i32
      %dma_start3A_153 = tpu.memref_slice %arg12[%dma_start3A_152] : memref<2048xi32, #tpu.memory_space<vmem>> -> memref<256xi32, #tpu.memory_space<vmem>>
      %dma_start3A_154 = arith.constant 0 : i32
      %dma_start3A_155 = arith.constant 0 : i32
      %dma_start3A_156 = tpu.memref_slice %arg3[%dma_start3A_154, %dma_start3A_155] : memref<32768x128xf32, #tpu.memory_space<hbm>> -> memref<32768x128xf32, #tpu.memory_space<hbm>>
      tpu.enqueue_indirect_dma source(%dma_start3A_156 : memref<32768x128xf32, #tpu.memory_space<hbm>>) target(%arg18 : memref<256x128xf32, #tpu.memory_space<vmem>>) offsets(%dma_start3A_153 : memref<256xi32, #tpu.memory_space<vmem>>) semaphore(%arg20 : memref<!tpu.dma_semaphore, #tpu.memory_space<semaphore_mem>>)
      %dma_wait3A_157 = arith.constant 1280 : i32
      %dma_wait3A_158 = tpu.memref_slice %arg12[%dma_wait3A_157] : memref<2048xi32, #tpu.memory_space<vmem>> -> memref<256xi32, #tpu.memory_space<vmem>>
      %dma_wait3A_159 = arith.constant 0 : i32
      %dma_wait3A_160 = arith.constant 0 : i32
      %dma_wait3A_161 = tpu.memref_slice %arg3[%dma_wait3A_159, %dma_wait3A_160] : memref<32768x128xf32, #tpu.memory_space<hbm>> -> memref<32768x128xf32, #tpu.memory_space<hbm>>
      tpu.wait_indirect_dma semaphore(%arg21 : memref<!tpu.dma_semaphore, #tpu.memory_space<semaphore_mem>>) src(%dma_wait3A_161 : memref<32768x128xf32, #tpu.memory_space<hbm>>) dst(%arg19 : memref<256x128xf32, #tpu.memory_space<vmem>>)
      %mul3A_162 = arith.constant 2048 : i32
      %mul3A_163 = arith.muli %select_n3A_40, %mul3A_162 : i32
      %add3A_164 = arith.constant 1280 : i32
      %add3A_165 = arith.addi %mul3A_163, %add3A_164 : i32
      "tpu.region"() ({
        %run_scoped3A = tpu.sem_alloc : memref<!tpu.dma_semaphore, #tpu.memory_space<semaphore_mem>>
        %dma_start3A_189 = arith.constant 0 : i32
        %dma_start3A_190 = tpu.memref_slice %arg7[%select_n3A, %add3A_165, %dma_start3A_189] : memref<16x16384x128xf32, #tpu.memory_space<hbm>> -> memref<1x256x128xf32, #tpu.memory_space<hbm>>
        %dma_start3A_191 = tpu.memref_squeeze %dma_start3A_190 : memref<1x256x128xf32, #tpu.memory_space<hbm>> -> memref<256x128xf32, #tpu.memory_space<hbm>>
        %dma_start3A_192 = arith.constant 0 : i32
        %dma_start3A_193 = tpu.memref_slice %arg7[%select_n3A, %add3A_165, %dma_start3A_192] : memref<16x16384x128xf32, #tpu.memory_space<hbm>> -> memref<1x256x128xf32, #tpu.memory_space<hbm>>
        %dma_start3A_194 = tpu.memref_squeeze %dma_start3A_193 : memref<1x256x128xf32, #tpu.memory_space<hbm>> -> memref<256x128xf32, #tpu.memory_space<hbm>>
        tpu.enqueue_dma source(%arg19 : memref<256x128xf32, #tpu.memory_space<vmem>>) target(%dma_start3A_194 : memref<256x128xf32, #tpu.memory_space<hbm>>) target_semaphore(%run_scoped3A : memref<!tpu.dma_semaphore, #tpu.memory_space<semaphore_mem>>)
        %dma_wait3A_195 = arith.constant 0 : i32
        %dma_wait3A_196 = tpu.memref_slice %arg7[%select_n3A, %add3A_165, %dma_wait3A_195] : memref<16x16384x128xf32, #tpu.memory_space<hbm>> -> memref<1x256x128xf32, #tpu.memory_space<hbm>>
        %dma_wait3A_197 = tpu.memref_squeeze %dma_wait3A_196 : memref<1x256x128xf32, #tpu.memory_space<hbm>> -> memref<256x128xf32, #tpu.memory_space<hbm>>
        %dma_wait3A_198 = arith.constant 0 : i32
        %dma_wait3A_199 = tpu.memref_slice %arg7[%select_n3A, %add3A_165, %dma_wait3A_198] : memref<16x16384x128xf32, #tpu.memory_space<hbm>> -> memref<1x256x128xf32, #tpu.memory_space<hbm>>
        %dma_wait3A_200 = tpu.memref_squeeze %dma_wait3A_199 : memref<1x256x128xf32, #tpu.memory_space<hbm>> -> memref<256x128xf32, #tpu.memory_space<hbm>>
        tpu.wait_dma2 semaphore(%run_scoped3A : memref<!tpu.dma_semaphore, #tpu.memory_space<semaphore_mem>>) src(%arg19 : memref<256x128xf32, #tpu.memory_space<vmem>>) dst(%dma_wait3A_200 : memref<256x128xf32, #tpu.memory_space<hbm>>)
        tpu.yield
      }) : () -> ()
      %dma_start3A_166 = arith.constant 1792 : i32
      %dma_start3A_167 = tpu.memref_slice %arg12[%dma_start3A_166] : memref<2048xi32, #tpu.memory_space<vmem>> -> memref<256xi32, #tpu.memory_space<vmem>>
      %dma_start3A_168 = arith.constant 0 : i32
      %dma_start3A_169 = arith.constant 0 : i32
      %dma_start3A_170 = tpu.memref_slice %arg3[%dma_start3A_168, %dma_start3A_169] : memref<32768x128xf32, #tpu.memory_space<hbm>> -> memref<32768x128xf32, #tpu.memory_space<hbm>>
      tpu.enqueue_indirect_dma source(%dma_start3A_170 : memref<32768x128xf32, #tpu.memory_space<hbm>>) target(%arg19 : memref<256x128xf32, #tpu.memory_space<vmem>>) offsets(%dma_start3A_167 : memref<256xi32, #tpu.memory_space<vmem>>) semaphore(%arg21 : memref<!tpu.dma_semaphore, #tpu.memory_space<semaphore_mem>>)
      %dma_wait3A_171 = arith.constant 1536 : i32
      %dma_wait3A_172 = tpu.memref_slice %arg12[%dma_wait3A_171] : memref<2048xi32, #tpu.memory_space<vmem>> -> memref<256xi32, #tpu.memory_space<vmem>>
      %dma_wait3A_173 = arith.constant 0 : i32
      %dma_wait3A_174 = arith.constant 0 : i32
      %dma_wait3A_175 = tpu.memref_slice %arg3[%dma_wait3A_173, %dma_wait3A_174] : memref<32768x128xf32, #tpu.memory_space<hbm>> -> memref<32768x128xf32, #tpu.memory_space<hbm>>
      tpu.wait_indirect_dma semaphore(%arg20 : memref<!tpu.dma_semaphore, #tpu.memory_space<semaphore_mem>>) src(%dma_wait3A_175 : memref<32768x128xf32, #tpu.memory_space<hbm>>) dst(%arg18 : memref<256x128xf32, #tpu.memory_space<vmem>>)
      %mul3A_176 = arith.constant 2048 : i32
      %mul3A_177 = arith.muli %select_n3A_40, %mul3A_176 : i32
      %add3A_178 = arith.constant 1536 : i32
      %add3A_179 = arith.addi %mul3A_177, %add3A_178 : i32
      "tpu.region"() ({
        %run_scoped3A = tpu.sem_alloc : memref<!tpu.dma_semaphore, #tpu.memory_space<semaphore_mem>>
        %dma_start3A_189 = arith.constant 0 : i32
        %dma_start3A_190 = tpu.memref_slice %arg7[%select_n3A, %add3A_179, %dma_start3A_189] : memref<16x16384x128xf32, #tpu.memory_space<hbm>> -> memref<1x256x128xf32, #tpu.memory_space<hbm>>
        %dma_start3A_191 = tpu.memref_squeeze %dma_start3A_190 : memref<1x256x128xf32, #tpu.memory_space<hbm>> -> memref<256x128xf32, #tpu.memory_space<hbm>>
        %dma_start3A_192 = arith.constant 0 : i32
        %dma_start3A_193 = tpu.memref_slice %arg7[%select_n3A, %add3A_179, %dma_start3A_192] : memref<16x16384x128xf32, #tpu.memory_space<hbm>> -> memref<1x256x128xf32, #tpu.memory_space<hbm>>
        %dma_start3A_194 = tpu.memref_squeeze %dma_start3A_193 : memref<1x256x128xf32, #tpu.memory_space<hbm>> -> memref<256x128xf32, #tpu.memory_space<hbm>>
        tpu.enqueue_dma source(%arg18 : memref<256x128xf32, #tpu.memory_space<vmem>>) target(%dma_start3A_194 : memref<256x128xf32, #tpu.memory_space<hbm>>) target_semaphore(%run_scoped3A : memref<!tpu.dma_semaphore, #tpu.memory_space<semaphore_mem>>)
        %dma_wait3A_195 = arith.constant 0 : i32
        %dma_wait3A_196 = tpu.memref_slice %arg7[%select_n3A, %add3A_179, %dma_wait3A_195] : memref<16x16384x128xf32, #tpu.memory_space<hbm>> -> memref<1x256x128xf32, #tpu.memory_space<hbm>>
        %dma_wait3A_197 = tpu.memref_squeeze %dma_wait3A_196 : memref<1x256x128xf32, #tpu.memory_space<hbm>> -> memref<256x128xf32, #tpu.memory_space<hbm>>
        %dma_wait3A_198 = arith.constant 0 : i32
        %dma_wait3A_199 = tpu.memref_slice %arg7[%select_n3A, %add3A_179, %dma_wait3A_198] : memref<16x16384x128xf32, #tpu.memory_space<hbm>> -> memref<1x256x128xf32, #tpu.memory_space<hbm>>
        %dma_wait3A_200 = tpu.memref_squeeze %dma_wait3A_199 : memref<1x256x128xf32, #tpu.memory_space<hbm>> -> memref<256x128xf32, #tpu.memory_space<hbm>>
        tpu.wait_dma2 semaphore(%run_scoped3A : memref<!tpu.dma_semaphore, #tpu.memory_space<semaphore_mem>>) src(%arg18 : memref<256x128xf32, #tpu.memory_space<vmem>>) dst(%dma_wait3A_200 : memref<256x128xf32, #tpu.memory_space<hbm>>)
        tpu.yield
      }) : () -> ()
      %dma_wait3A_180 = arith.constant 1792 : i32
      %dma_wait3A_181 = tpu.memref_slice %arg12[%dma_wait3A_180] : memref<2048xi32, #tpu.memory_space<vmem>> -> memref<256xi32, #tpu.memory_space<vmem>>
      %dma_wait3A_182 = arith.constant 0 : i32
      %dma_wait3A_183 = arith.constant 0 : i32
      %dma_wait3A_184 = tpu.memref_slice %arg3[%dma_wait3A_182, %dma_wait3A_183] : memref<32768x128xf32, #tpu.memory_space<hbm>> -> memref<32768x128xf32, #tpu.memory_space<hbm>>
      tpu.wait_indirect_dma semaphore(%arg21 : memref<!tpu.dma_semaphore, #tpu.memory_space<semaphore_mem>>) src(%dma_wait3A_184 : memref<32768x128xf32, #tpu.memory_space<hbm>>) dst(%arg19 : memref<256x128xf32, #tpu.memory_space<vmem>>)
      %mul3A_185 = arith.constant 2048 : i32
      %mul3A_186 = arith.muli %select_n3A_40, %mul3A_185 : i32
      %add3A_187 = arith.constant 1792 : i32
      %add3A_188 = arith.addi %mul3A_186, %add3A_187 : i32
      "tpu.region"() ({
        %run_scoped3A = tpu.sem_alloc : memref<!tpu.dma_semaphore, #tpu.memory_space<semaphore_mem>>
        %dma_start3A_189 = arith.constant 0 : i32
        %dma_start3A_190 = tpu.memref_slice %arg7[%select_n3A, %add3A_188, %dma_start3A_189] : memref<16x16384x128xf32, #tpu.memory_space<hbm>> -> memref<1x256x128xf32, #tpu.memory_space<hbm>>
        %dma_start3A_191 = tpu.memref_squeeze %dma_start3A_190 : memref<1x256x128xf32, #tpu.memory_space<hbm>> -> memref<256x128xf32, #tpu.memory_space<hbm>>
        %dma_start3A_192 = arith.constant 0 : i32
        %dma_start3A_193 = tpu.memref_slice %arg7[%select_n3A, %add3A_188, %dma_start3A_192] : memref<16x16384x128xf32, #tpu.memory_space<hbm>> -> memref<1x256x128xf32, #tpu.memory_space<hbm>>
        %dma_start3A_194 = tpu.memref_squeeze %dma_start3A_193 : memref<1x256x128xf32, #tpu.memory_space<hbm>> -> memref<256x128xf32, #tpu.memory_space<hbm>>
        tpu.enqueue_dma source(%arg19 : memref<256x128xf32, #tpu.memory_space<vmem>>) target(%dma_start3A_194 : memref<256x128xf32, #tpu.memory_space<hbm>>) target_semaphore(%run_scoped3A : memref<!tpu.dma_semaphore, #tpu.memory_space<semaphore_mem>>)
        %dma_wait3A_195 = arith.constant 0 : i32
        %dma_wait3A_196 = tpu.memref_slice %arg7[%select_n3A, %add3A_188, %dma_wait3A_195] : memref<16x16384x128xf32, #tpu.memory_space<hbm>> -> memref<1x256x128xf32, #tpu.memory_space<hbm>>
        %dma_wait3A_197 = tpu.memref_squeeze %dma_wait3A_196 : memref<1x256x128xf32, #tpu.memory_space<hbm>> -> memref<256x128xf32, #tpu.memory_space<hbm>>
        %dma_wait3A_198 = arith.constant 0 : i32
        %dma_wait3A_199 = tpu.memref_slice %arg7[%select_n3A, %add3A_188, %dma_wait3A_198] : memref<16x16384x128xf32, #tpu.memory_space<hbm>> -> memref<1x256x128xf32, #tpu.memory_space<hbm>>
        %dma_wait3A_200 = tpu.memref_squeeze %dma_wait3A_199 : memref<1x256x128xf32, #tpu.memory_space<hbm>> -> memref<256x128xf32, #tpu.memory_space<hbm>>
        tpu.wait_dma2 semaphore(%run_scoped3A : memref<!tpu.dma_semaphore, #tpu.memory_space<semaphore_mem>>) src(%arg19 : memref<256x128xf32, #tpu.memory_space<vmem>>) dst(%dma_wait3A_200 : memref<256x128xf32, #tpu.memory_space<hbm>>)
        tpu.yield
      }) : () -> ()
    }
    %scan3A_6 = arith.constant 4 : i32
    return
  }
}

#map = affine_map<(d0, d1) -> (0, 0, 0, 0)>
#map1 = affine_map<(d0, d1) -> (0, 0)>
#map2 = affine_map<(d0, d1) -> (0, 0, 0)>
module attributes {stable_mosaic.version = 14 : i64} {
  func.func @_unsort_combine_kernel(%arg0: i32, %arg1: i32, %arg2: memref<16x8x16x128xi32, #tpu.memory_space<hbm>>, %arg3: memref<262144x128xf32, #tpu.memory_space<hbm>>, %arg4: memref<16x1024x128xf32, #tpu.memory_space<hbm>>, %arg5: memref<8x8x128xi32, #tpu.memory_space<vmem>>, %arg6: memref<256xi32, #tpu.memory_space<vmem>>, %arg7: memref<256xi32, #tpu.memory_space<vmem>>, %arg8: memref<256x128xf32, #tpu.memory_space<vmem>>, %arg9: memref<256x128xf32, #tpu.memory_space<vmem>>, %arg10: memref<16x128xf32, #tpu.memory_space<vmem>>, %arg11: memref<!tpu.dma_semaphore, #tpu.memory_space<semaphore_mem>>, %arg12: memref<!tpu.dma_semaphore, #tpu.memory_space<semaphore_mem>>) attributes {dimension_semantics = [#tpu.dimension_semantics<core_parallel>, #tpu.dimension_semantics<subcore_parallel>], iteration_bounds = array<i64: 2, 16>, scalar_prefetch = 0 : i64, scratch_operands = 8 : i64, tpu.core_type = #tpu.core_type<sc_vector_subcore>, window_params = [{transform_indices = #map}, {transform_indices = #map1}, {transform_indices = #map2}]} {
    %mul3A = arith.constant 16 : i32
    %mul3A_0 = arith.muli %arg0, %mul3A : i32
    %add3A = arith.addi %mul3A_0, %arg1 : i32
    %jit3A = arith.constant 2 : i32
    %div3A = arith.divsi %add3A, %jit3A : i32
    %sign3A = arith.constant 0 : i32
    %sign3A_1 = arith.cmpi sgt, %add3A, %sign3A : i32
    %sign3A_2 = arith.extui %sign3A_1 : i1 to i32
    %sign3A_3 = arith.constant 0 : i32
    %sign3A_4 = arith.cmpi slt, %add3A, %sign3A_3 : i32
    %sign3A_5 = arith.extui %sign3A_4 : i1 to i32
    %sign3A_6 = arith.subi %sign3A_2, %sign3A_5 : i32
    %sign3A_7 = arith.constant 0 : i32
    %sign3A_8 = arith.cmpi sgt, %jit3A, %sign3A_7 : i32
    %sign3A_9 = arith.extui %sign3A_8 : i1 to i32
    %sign3A_10 = arith.constant 0 : i32
    %sign3A_11 = arith.cmpi slt, %jit3A, %sign3A_10 : i32
    %sign3A_12 = arith.extui %sign3A_11 : i1 to i32
    %sign3A_13 = arith.subi %sign3A_9, %sign3A_12 : i32
    %ne3A = arith.cmpi ne, %sign3A_6, %sign3A_13 : i32
    %rem3A = arith.remsi %add3A, %jit3A : i32
    %ne3A_14 = arith.constant 0 : i32
    %ne3A_15 = arith.cmpi ne, %rem3A, %ne3A_14 : i32
    %and3A = arith.andi %ne3A, %ne3A_15 : i1
    %sub3A = arith.constant 1 : i32
    %sub3A_16 = arith.subi %div3A, %sub3A : i32
    %select_n3A = arith.select %and3A, %sub3A_16, %div3A : i32
    %jit3A_17 = arith.constant 2 : i32
    %eq3A = arith.constant 0 : i32
    %eq3A_18 = arith.cmpi eq, %jit3A_17, %eq3A : i32
    %jit3A_19 = arith.constant 1 : i32
    %select_n3A_20 = arith.select %eq3A_18, %jit3A_19, %jit3A_17 : i32
    %rem3A_21 = arith.remsi %add3A, %select_n3A_20 : i32
    %ne3A_22 = arith.constant 0 : i32
    %ne3A_23 = arith.cmpi ne, %rem3A_21, %ne3A_22 : i32
    %lt3A = arith.constant 0 : i32
    %lt3A_24 = arith.cmpi slt, %rem3A_21, %lt3A : i32
    %lt3A_25 = arith.constant 0 : i32
    %lt3A_26 = arith.cmpi slt, %select_n3A_20, %lt3A_25 : i32
    %ne3A_27 = arith.xori %lt3A_24, %lt3A_26 : i1
    %and3A_28 = arith.andi %ne3A_27, %ne3A_23 : i1
    %add3A_29 = arith.addi %rem3A_21, %select_n3A_20 : i32
    %select_n3A_30 = arith.select %and3A_28, %add3A_29, %rem3A_21 : i32
    %iota3A = tpu.iota {dimensions = array<i32: 0>} : vector<16xi32>
    %mul3A_31 = arith.constant 8 : i32
    %mul3A_32 = arith.muli %select_n3A_30, %mul3A_31 : i32
    %multiple_of3A = tpu.assume_multiple %mul3A_32, 8 : i32
    %run_scoped3A = arith.constant 0 : i32
    %run_scoped3A_33 = arith.constant 0 : i32
    "tpu.region"() ({
      %run_scoped3A_686 = tpu.sem_alloc : memref<!tpu.dma_semaphore, #tpu.memory_space<semaphore_mem>>
      %dma_start3A_687 = arith.constant 0 : i32
      %dma_start3A_688 = arith.constant 0 : i32
      %dma_start3A_689 = tpu.memref_slice %arg5[%run_scoped3A_33, %dma_start3A_687, %dma_start3A_688] : memref<8x8x128xi32, #tpu.memory_space<vmem>> -> memref<1x8x128xi32, #tpu.memory_space<vmem>>
      %dma_start3A_690 = tpu.memref_squeeze %dma_start3A_689 : memref<1x8x128xi32, #tpu.memory_space<vmem>> -> memref<8x128xi32, #tpu.memory_space<vmem>>
      %dma_start3A_691 = arith.constant 0 : i32
      %dma_start3A_692 = tpu.memref_slice %arg2[%select_n3A, %run_scoped3A, %multiple_of3A, %dma_start3A_691] : memref<16x8x16x128xi32, #tpu.memory_space<hbm>> -> memref<1x1x8x128xi32, #tpu.memory_space<hbm>>
      %dma_start3A_693 = tpu.memref_squeeze %dma_start3A_692 : memref<1x1x8x128xi32, #tpu.memory_space<hbm>> -> memref<8x128xi32, #tpu.memory_space<hbm>>
      %dma_start3A_694 = arith.constant 0 : i32
      %dma_start3A_695 = arith.constant 0 : i32
      %dma_start3A_696 = tpu.memref_slice %arg5[%run_scoped3A_33, %dma_start3A_694, %dma_start3A_695] : memref<8x8x128xi32, #tpu.memory_space<vmem>> -> memref<1x8x128xi32, #tpu.memory_space<vmem>>
      %dma_start3A_697 = tpu.memref_squeeze %dma_start3A_696 : memref<1x8x128xi32, #tpu.memory_space<vmem>> -> memref<8x128xi32, #tpu.memory_space<vmem>>
      %dma_start3A_698 = arith.constant 0 : i32
      %dma_start3A_699 = tpu.memref_slice %arg2[%select_n3A, %run_scoped3A, %multiple_of3A, %dma_start3A_698] : memref<16x8x16x128xi32, #tpu.memory_space<hbm>> -> memref<1x1x8x128xi32, #tpu.memory_space<hbm>>
      %dma_start3A_700 = tpu.memref_squeeze %dma_start3A_699 : memref<1x1x8x128xi32, #tpu.memory_space<hbm>> -> memref<8x128xi32, #tpu.memory_space<hbm>>
      tpu.enqueue_dma source(%dma_start3A_700 : memref<8x128xi32, #tpu.memory_space<hbm>>) target(%dma_start3A_697 : memref<8x128xi32, #tpu.memory_space<vmem>>) target_semaphore(%run_scoped3A_686 : memref<!tpu.dma_semaphore, #tpu.memory_space<semaphore_mem>>)
      %dma_wait3A = arith.constant 0 : i32
      %dma_wait3A_701 = arith.constant 0 : i32
      %dma_wait3A_702 = tpu.memref_slice %arg5[%run_scoped3A_33, %dma_wait3A, %dma_wait3A_701] : memref<8x8x128xi32, #tpu.memory_space<vmem>> -> memref<1x8x128xi32, #tpu.memory_space<vmem>>
      %dma_wait3A_703 = tpu.memref_squeeze %dma_wait3A_702 : memref<1x8x128xi32, #tpu.memory_space<vmem>> -> memref<8x128xi32, #tpu.memory_space<vmem>>
      %dma_wait3A_704 = arith.constant 0 : i32
      %dma_wait3A_705 = tpu.memref_slice %arg2[%select_n3A, %run_scoped3A, %multiple_of3A, %dma_wait3A_704] : memref<16x8x16x128xi32, #tpu.memory_space<hbm>> -> memref<1x1x8x128xi32, #tpu.memory_space<hbm>>
      %dma_wait3A_706 = tpu.memref_squeeze %dma_wait3A_705 : memref<1x1x8x128xi32, #tpu.memory_space<hbm>> -> memref<8x128xi32, #tpu.memory_space<hbm>>
      %dma_wait3A_707 = arith.constant 0 : i32
      %dma_wait3A_708 = arith.constant 0 : i32
      %dma_wait3A_709 = tpu.memref_slice %arg5[%run_scoped3A_33, %dma_wait3A_707, %dma_wait3A_708] : memref<8x8x128xi32, #tpu.memory_space<vmem>> -> memref<1x8x128xi32, #tpu.memory_space<vmem>>
      %dma_wait3A_710 = tpu.memref_squeeze %dma_wait3A_709 : memref<1x8x128xi32, #tpu.memory_space<vmem>> -> memref<8x128xi32, #tpu.memory_space<vmem>>
      %dma_wait3A_711 = arith.constant 0 : i32
      %dma_wait3A_712 = tpu.memref_slice %arg2[%select_n3A, %run_scoped3A, %multiple_of3A, %dma_wait3A_711] : memref<16x8x16x128xi32, #tpu.memory_space<hbm>> -> memref<1x1x8x128xi32, #tpu.memory_space<hbm>>
      %dma_wait3A_713 = tpu.memref_squeeze %dma_wait3A_712 : memref<1x1x8x128xi32, #tpu.memory_space<hbm>> -> memref<8x128xi32, #tpu.memory_space<hbm>>
      tpu.wait_dma2 semaphore(%run_scoped3A_686 : memref<!tpu.dma_semaphore, #tpu.memory_space<semaphore_mem>>) src(%dma_wait3A_713 : memref<8x128xi32, #tpu.memory_space<hbm>>) dst(%dma_wait3A_710 : memref<8x128xi32, #tpu.memory_space<vmem>>)
      tpu.yield
    }) : () -> ()
    %mul3A_34 = arith.constant 8 : i32
    %mul3A_35 = arith.muli %select_n3A_30, %mul3A_34 : i32
    %multiple_of3A_36 = tpu.assume_multiple %mul3A_35, 8 : i32
    %run_scoped3A_37 = arith.constant 1 : i32
    %run_scoped3A_38 = arith.constant 1 : i32
    "tpu.region"() ({
      %run_scoped3A_686 = tpu.sem_alloc : memref<!tpu.dma_semaphore, #tpu.memory_space<semaphore_mem>>
      %dma_start3A_687 = arith.constant 0 : i32
      %dma_start3A_688 = arith.constant 0 : i32
      %dma_start3A_689 = tpu.memref_slice %arg5[%run_scoped3A_38, %dma_start3A_687, %dma_start3A_688] : memref<8x8x128xi32, #tpu.memory_space<vmem>> -> memref<1x8x128xi32, #tpu.memory_space<vmem>>
      %dma_start3A_690 = tpu.memref_squeeze %dma_start3A_689 : memref<1x8x128xi32, #tpu.memory_space<vmem>> -> memref<8x128xi32, #tpu.memory_space<vmem>>
      %dma_start3A_691 = arith.constant 0 : i32
      %dma_start3A_692 = tpu.memref_slice %arg2[%select_n3A, %run_scoped3A_37, %multiple_of3A_36, %dma_start3A_691] : memref<16x8x16x128xi32, #tpu.memory_space<hbm>> -> memref<1x1x8x128xi32, #tpu.memory_space<hbm>>
      %dma_start3A_693 = tpu.memref_squeeze %dma_start3A_692 : memref<1x1x8x128xi32, #tpu.memory_space<hbm>> -> memref<8x128xi32, #tpu.memory_space<hbm>>
      %dma_start3A_694 = arith.constant 0 : i32
      %dma_start3A_695 = arith.constant 0 : i32
      %dma_start3A_696 = tpu.memref_slice %arg5[%run_scoped3A_38, %dma_start3A_694, %dma_start3A_695] : memref<8x8x128xi32, #tpu.memory_space<vmem>> -> memref<1x8x128xi32, #tpu.memory_space<vmem>>
      %dma_start3A_697 = tpu.memref_squeeze %dma_start3A_696 : memref<1x8x128xi32, #tpu.memory_space<vmem>> -> memref<8x128xi32, #tpu.memory_space<vmem>>
      %dma_start3A_698 = arith.constant 0 : i32
      %dma_start3A_699 = tpu.memref_slice %arg2[%select_n3A, %run_scoped3A_37, %multiple_of3A_36, %dma_start3A_698] : memref<16x8x16x128xi32, #tpu.memory_space<hbm>> -> memref<1x1x8x128xi32, #tpu.memory_space<hbm>>
      %dma_start3A_700 = tpu.memref_squeeze %dma_start3A_699 : memref<1x1x8x128xi32, #tpu.memory_space<hbm>> -> memref<8x128xi32, #tpu.memory_space<hbm>>
      tpu.enqueue_dma source(%dma_start3A_700 : memref<8x128xi32, #tpu.memory_space<hbm>>) target(%dma_start3A_697 : memref<8x128xi32, #tpu.memory_space<vmem>>) target_semaphore(%run_scoped3A_686 : memref<!tpu.dma_semaphore, #tpu.memory_space<semaphore_mem>>)
      %dma_wait3A = arith.constant 0 : i32
      %dma_wait3A_701 = arith.constant 0 : i32
      %dma_wait3A_702 = tpu.memref_slice %arg5[%run_scoped3A_38, %dma_wait3A, %dma_wait3A_701] : memref<8x8x128xi32, #tpu.memory_space<vmem>> -> memref<1x8x128xi32, #tpu.memory_space<vmem>>
      %dma_wait3A_703 = tpu.memref_squeeze %dma_wait3A_702 : memref<1x8x128xi32, #tpu.memory_space<vmem>> -> memref<8x128xi32, #tpu.memory_space<vmem>>
      %dma_wait3A_704 = arith.constant 0 : i32
      %dma_wait3A_705 = tpu.memref_slice %arg2[%select_n3A, %run_scoped3A_37, %multiple_of3A_36, %dma_wait3A_704] : memref<16x8x16x128xi32, #tpu.memory_space<hbm>> -> memref<1x1x8x128xi32, #tpu.memory_space<hbm>>
      %dma_wait3A_706 = tpu.memref_squeeze %dma_wait3A_705 : memref<1x1x8x128xi32, #tpu.memory_space<hbm>> -> memref<8x128xi32, #tpu.memory_space<hbm>>
      %dma_wait3A_707 = arith.constant 0 : i32
      %dma_wait3A_708 = arith.constant 0 : i32
      %dma_wait3A_709 = tpu.memref_slice %arg5[%run_scoped3A_38, %dma_wait3A_707, %dma_wait3A_708] : memref<8x8x128xi32, #tpu.memory_space<vmem>> -> memref<1x8x128xi32, #tpu.memory_space<vmem>>
      %dma_wait3A_710 = tpu.memref_squeeze %dma_wait3A_709 : memref<1x8x128xi32, #tpu.memory_space<vmem>> -> memref<8x128xi32, #tpu.memory_space<vmem>>
      %dma_wait3A_711 = arith.constant 0 : i32
      %dma_wait3A_712 = tpu.memref_slice %arg2[%select_n3A, %run_scoped3A_37, %multiple_of3A_36, %dma_wait3A_711] : memref<16x8x16x128xi32, #tpu.memory_space<hbm>> -> memref<1x1x8x128xi32, #tpu.memory_space<hbm>>
      %dma_wait3A_713 = tpu.memref_squeeze %dma_wait3A_712 : memref<1x1x8x128xi32, #tpu.memory_space<hbm>> -> memref<8x128xi32, #tpu.memory_space<hbm>>
      tpu.wait_dma2 semaphore(%run_scoped3A_686 : memref<!tpu.dma_semaphore, #tpu.memory_space<semaphore_mem>>) src(%dma_wait3A_713 : memref<8x128xi32, #tpu.memory_space<hbm>>) dst(%dma_wait3A_710 : memref<8x128xi32, #tpu.memory_space<vmem>>)
      tpu.yield
    }) : () -> ()
    %mul3A_39 = arith.constant 8 : i32
    %mul3A_40 = arith.muli %select_n3A_30, %mul3A_39 : i32
    %multiple_of3A_41 = tpu.assume_multiple %mul3A_40, 8 : i32
    %run_scoped3A_42 = arith.constant 2 : i32
    %run_scoped3A_43 = arith.constant 2 : i32
    "tpu.region"() ({
      %run_scoped3A_686 = tpu.sem_alloc : memref<!tpu.dma_semaphore, #tpu.memory_space<semaphore_mem>>
      %dma_start3A_687 = arith.constant 0 : i32
      %dma_start3A_688 = arith.constant 0 : i32
      %dma_start3A_689 = tpu.memref_slice %arg5[%run_scoped3A_43, %dma_start3A_687, %dma_start3A_688] : memref<8x8x128xi32, #tpu.memory_space<vmem>> -> memref<1x8x128xi32, #tpu.memory_space<vmem>>
      %dma_start3A_690 = tpu.memref_squeeze %dma_start3A_689 : memref<1x8x128xi32, #tpu.memory_space<vmem>> -> memref<8x128xi32, #tpu.memory_space<vmem>>
      %dma_start3A_691 = arith.constant 0 : i32
      %dma_start3A_692 = tpu.memref_slice %arg2[%select_n3A, %run_scoped3A_42, %multiple_of3A_41, %dma_start3A_691] : memref<16x8x16x128xi32, #tpu.memory_space<hbm>> -> memref<1x1x8x128xi32, #tpu.memory_space<hbm>>
      %dma_start3A_693 = tpu.memref_squeeze %dma_start3A_692 : memref<1x1x8x128xi32, #tpu.memory_space<hbm>> -> memref<8x128xi32, #tpu.memory_space<hbm>>
      %dma_start3A_694 = arith.constant 0 : i32
      %dma_start3A_695 = arith.constant 0 : i32
      %dma_start3A_696 = tpu.memref_slice %arg5[%run_scoped3A_43, %dma_start3A_694, %dma_start3A_695] : memref<8x8x128xi32, #tpu.memory_space<vmem>> -> memref<1x8x128xi32, #tpu.memory_space<vmem>>
      %dma_start3A_697 = tpu.memref_squeeze %dma_start3A_696 : memref<1x8x128xi32, #tpu.memory_space<vmem>> -> memref<8x128xi32, #tpu.memory_space<vmem>>
      %dma_start3A_698 = arith.constant 0 : i32
      %dma_start3A_699 = tpu.memref_slice %arg2[%select_n3A, %run_scoped3A_42, %multiple_of3A_41, %dma_start3A_698] : memref<16x8x16x128xi32, #tpu.memory_space<hbm>> -> memref<1x1x8x128xi32, #tpu.memory_space<hbm>>
      %dma_start3A_700 = tpu.memref_squeeze %dma_start3A_699 : memref<1x1x8x128xi32, #tpu.memory_space<hbm>> -> memref<8x128xi32, #tpu.memory_space<hbm>>
      tpu.enqueue_dma source(%dma_start3A_700 : memref<8x128xi32, #tpu.memory_space<hbm>>) target(%dma_start3A_697 : memref<8x128xi32, #tpu.memory_space<vmem>>) target_semaphore(%run_scoped3A_686 : memref<!tpu.dma_semaphore, #tpu.memory_space<semaphore_mem>>)
      %dma_wait3A = arith.constant 0 : i32
      %dma_wait3A_701 = arith.constant 0 : i32
      %dma_wait3A_702 = tpu.memref_slice %arg5[%run_scoped3A_43, %dma_wait3A, %dma_wait3A_701] : memref<8x8x128xi32, #tpu.memory_space<vmem>> -> memref<1x8x128xi32, #tpu.memory_space<vmem>>
      %dma_wait3A_703 = tpu.memref_squeeze %dma_wait3A_702 : memref<1x8x128xi32, #tpu.memory_space<vmem>> -> memref<8x128xi32, #tpu.memory_space<vmem>>
      %dma_wait3A_704 = arith.constant 0 : i32
      %dma_wait3A_705 = tpu.memref_slice %arg2[%select_n3A, %run_scoped3A_42, %multiple_of3A_41, %dma_wait3A_704] : memref<16x8x16x128xi32, #tpu.memory_space<hbm>> -> memref<1x1x8x128xi32, #tpu.memory_space<hbm>>
      %dma_wait3A_706 = tpu.memref_squeeze %dma_wait3A_705 : memref<1x1x8x128xi32, #tpu.memory_space<hbm>> -> memref<8x128xi32, #tpu.memory_space<hbm>>
      %dma_wait3A_707 = arith.constant 0 : i32
      %dma_wait3A_708 = arith.constant 0 : i32
      %dma_wait3A_709 = tpu.memref_slice %arg5[%run_scoped3A_43, %dma_wait3A_707, %dma_wait3A_708] : memref<8x8x128xi32, #tpu.memory_space<vmem>> -> memref<1x8x128xi32, #tpu.memory_space<vmem>>
      %dma_wait3A_710 = tpu.memref_squeeze %dma_wait3A_709 : memref<1x8x128xi32, #tpu.memory_space<vmem>> -> memref<8x128xi32, #tpu.memory_space<vmem>>
      %dma_wait3A_711 = arith.constant 0 : i32
      %dma_wait3A_712 = tpu.memref_slice %arg2[%select_n3A, %run_scoped3A_42, %multiple_of3A_41, %dma_wait3A_711] : memref<16x8x16x128xi32, #tpu.memory_space<hbm>> -> memref<1x1x8x128xi32, #tpu.memory_space<hbm>>
      %dma_wait3A_713 = tpu.memref_squeeze %dma_wait3A_712 : memref<1x1x8x128xi32, #tpu.memory_space<hbm>> -> memref<8x128xi32, #tpu.memory_space<hbm>>
      tpu.wait_dma2 semaphore(%run_scoped3A_686 : memref<!tpu.dma_semaphore, #tpu.memory_space<semaphore_mem>>) src(%dma_wait3A_713 : memref<8x128xi32, #tpu.memory_space<hbm>>) dst(%dma_wait3A_710 : memref<8x128xi32, #tpu.memory_space<vmem>>)
      tpu.yield
    }) : () -> ()
    %mul3A_44 = arith.constant 8 : i32
    %mul3A_45 = arith.muli %select_n3A_30, %mul3A_44 : i32
    %multiple_of3A_46 = tpu.assume_multiple %mul3A_45, 8 : i32
    %run_scoped3A_47 = arith.constant 3 : i32
    %run_scoped3A_48 = arith.constant 3 : i32
    "tpu.region"() ({
      %run_scoped3A_686 = tpu.sem_alloc : memref<!tpu.dma_semaphore, #tpu.memory_space<semaphore_mem>>
      %dma_start3A_687 = arith.constant 0 : i32
      %dma_start3A_688 = arith.constant 0 : i32
      %dma_start3A_689 = tpu.memref_slice %arg5[%run_scoped3A_48, %dma_start3A_687, %dma_start3A_688] : memref<8x8x128xi32, #tpu.memory_space<vmem>> -> memref<1x8x128xi32, #tpu.memory_space<vmem>>
      %dma_start3A_690 = tpu.memref_squeeze %dma_start3A_689 : memref<1x8x128xi32, #tpu.memory_space<vmem>> -> memref<8x128xi32, #tpu.memory_space<vmem>>
      %dma_start3A_691 = arith.constant 0 : i32
      %dma_start3A_692 = tpu.memref_slice %arg2[%select_n3A, %run_scoped3A_47, %multiple_of3A_46, %dma_start3A_691] : memref<16x8x16x128xi32, #tpu.memory_space<hbm>> -> memref<1x1x8x128xi32, #tpu.memory_space<hbm>>
      %dma_start3A_693 = tpu.memref_squeeze %dma_start3A_692 : memref<1x1x8x128xi32, #tpu.memory_space<hbm>> -> memref<8x128xi32, #tpu.memory_space<hbm>>
      %dma_start3A_694 = arith.constant 0 : i32
      %dma_start3A_695 = arith.constant 0 : i32
      %dma_start3A_696 = tpu.memref_slice %arg5[%run_scoped3A_48, %dma_start3A_694, %dma_start3A_695] : memref<8x8x128xi32, #tpu.memory_space<vmem>> -> memref<1x8x128xi32, #tpu.memory_space<vmem>>
      %dma_start3A_697 = tpu.memref_squeeze %dma_start3A_696 : memref<1x8x128xi32, #tpu.memory_space<vmem>> -> memref<8x128xi32, #tpu.memory_space<vmem>>
      %dma_start3A_698 = arith.constant 0 : i32
      %dma_start3A_699 = tpu.memref_slice %arg2[%select_n3A, %run_scoped3A_47, %multiple_of3A_46, %dma_start3A_698] : memref<16x8x16x128xi32, #tpu.memory_space<hbm>> -> memref<1x1x8x128xi32, #tpu.memory_space<hbm>>
      %dma_start3A_700 = tpu.memref_squeeze %dma_start3A_699 : memref<1x1x8x128xi32, #tpu.memory_space<hbm>> -> memref<8x128xi32, #tpu.memory_space<hbm>>
      tpu.enqueue_dma source(%dma_start3A_700 : memref<8x128xi32, #tpu.memory_space<hbm>>) target(%dma_start3A_697 : memref<8x128xi32, #tpu.memory_space<vmem>>) target_semaphore(%run_scoped3A_686 : memref<!tpu.dma_semaphore, #tpu.memory_space<semaphore_mem>>)
      %dma_wait3A = arith.constant 0 : i32
      %dma_wait3A_701 = arith.constant 0 : i32
      %dma_wait3A_702 = tpu.memref_slice %arg5[%run_scoped3A_48, %dma_wait3A, %dma_wait3A_701] : memref<8x8x128xi32, #tpu.memory_space<vmem>> -> memref<1x8x128xi32, #tpu.memory_space<vmem>>
      %dma_wait3A_703 = tpu.memref_squeeze %dma_wait3A_702 : memref<1x8x128xi32, #tpu.memory_space<vmem>> -> memref<8x128xi32, #tpu.memory_space<vmem>>
      %dma_wait3A_704 = arith.constant 0 : i32
      %dma_wait3A_705 = tpu.memref_slice %arg2[%select_n3A, %run_scoped3A_47, %multiple_of3A_46, %dma_wait3A_704] : memref<16x8x16x128xi32, #tpu.memory_space<hbm>> -> memref<1x1x8x128xi32, #tpu.memory_space<hbm>>
      %dma_wait3A_706 = tpu.memref_squeeze %dma_wait3A_705 : memref<1x1x8x128xi32, #tpu.memory_space<hbm>> -> memref<8x128xi32, #tpu.memory_space<hbm>>
      %dma_wait3A_707 = arith.constant 0 : i32
      %dma_wait3A_708 = arith.constant 0 : i32
      %dma_wait3A_709 = tpu.memref_slice %arg5[%run_scoped3A_48, %dma_wait3A_707, %dma_wait3A_708] : memref<8x8x128xi32, #tpu.memory_space<vmem>> -> memref<1x8x128xi32, #tpu.memory_space<vmem>>
      %dma_wait3A_710 = tpu.memref_squeeze %dma_wait3A_709 : memref<1x8x128xi32, #tpu.memory_space<vmem>> -> memref<8x128xi32, #tpu.memory_space<vmem>>
      %dma_wait3A_711 = arith.constant 0 : i32
      %dma_wait3A_712 = tpu.memref_slice %arg2[%select_n3A, %run_scoped3A_47, %multiple_of3A_46, %dma_wait3A_711] : memref<16x8x16x128xi32, #tpu.memory_space<hbm>> -> memref<1x1x8x128xi32, #tpu.memory_space<hbm>>
      %dma_wait3A_713 = tpu.memref_squeeze %dma_wait3A_712 : memref<1x1x8x128xi32, #tpu.memory_space<hbm>> -> memref<8x128xi32, #tpu.memory_space<hbm>>
      tpu.wait_dma2 semaphore(%run_scoped3A_686 : memref<!tpu.dma_semaphore, #tpu.memory_space<semaphore_mem>>) src(%dma_wait3A_713 : memref<8x128xi32, #tpu.memory_space<hbm>>) dst(%dma_wait3A_710 : memref<8x128xi32, #tpu.memory_space<vmem>>)
      tpu.yield
    }) : () -> ()
    %mul3A_49 = arith.constant 8 : i32
    %mul3A_50 = arith.muli %select_n3A_30, %mul3A_49 : i32
    %multiple_of3A_51 = tpu.assume_multiple %mul3A_50, 8 : i32
    %run_scoped3A_52 = arith.constant 4 : i32
    %run_scoped3A_53 = arith.constant 4 : i32
    "tpu.region"() ({
      %run_scoped3A_686 = tpu.sem_alloc : memref<!tpu.dma_semaphore, #tpu.memory_space<semaphore_mem>>
      %dma_start3A_687 = arith.constant 0 : i32
      %dma_start3A_688 = arith.constant 0 : i32
      %dma_start3A_689 = tpu.memref_slice %arg5[%run_scoped3A_53, %dma_start3A_687, %dma_start3A_688] : memref<8x8x128xi32, #tpu.memory_space<vmem>> -> memref<1x8x128xi32, #tpu.memory_space<vmem>>
      %dma_start3A_690 = tpu.memref_squeeze %dma_start3A_689 : memref<1x8x128xi32, #tpu.memory_space<vmem>> -> memref<8x128xi32, #tpu.memory_space<vmem>>
      %dma_start3A_691 = arith.constant 0 : i32
      %dma_start3A_692 = tpu.memref_slice %arg2[%select_n3A, %run_scoped3A_52, %multiple_of3A_51, %dma_start3A_691] : memref<16x8x16x128xi32, #tpu.memory_space<hbm>> -> memref<1x1x8x128xi32, #tpu.memory_space<hbm>>
      %dma_start3A_693 = tpu.memref_squeeze %dma_start3A_692 : memref<1x1x8x128xi32, #tpu.memory_space<hbm>> -> memref<8x128xi32, #tpu.memory_space<hbm>>
      %dma_start3A_694 = arith.constant 0 : i32
      %dma_start3A_695 = arith.constant 0 : i32
      %dma_start3A_696 = tpu.memref_slice %arg5[%run_scoped3A_53, %dma_start3A_694, %dma_start3A_695] : memref<8x8x128xi32, #tpu.memory_space<vmem>> -> memref<1x8x128xi32, #tpu.memory_space<vmem>>
      %dma_start3A_697 = tpu.memref_squeeze %dma_start3A_696 : memref<1x8x128xi32, #tpu.memory_space<vmem>> -> memref<8x128xi32, #tpu.memory_space<vmem>>
      %dma_start3A_698 = arith.constant 0 : i32
      %dma_start3A_699 = tpu.memref_slice %arg2[%select_n3A, %run_scoped3A_52, %multiple_of3A_51, %dma_start3A_698] : memref<16x8x16x128xi32, #tpu.memory_space<hbm>> -> memref<1x1x8x128xi32, #tpu.memory_space<hbm>>
      %dma_start3A_700 = tpu.memref_squeeze %dma_start3A_699 : memref<1x1x8x128xi32, #tpu.memory_space<hbm>> -> memref<8x128xi32, #tpu.memory_space<hbm>>
      tpu.enqueue_dma source(%dma_start3A_700 : memref<8x128xi32, #tpu.memory_space<hbm>>) target(%dma_start3A_697 : memref<8x128xi32, #tpu.memory_space<vmem>>) target_semaphore(%run_scoped3A_686 : memref<!tpu.dma_semaphore, #tpu.memory_space<semaphore_mem>>)
      %dma_wait3A = arith.constant 0 : i32
      %dma_wait3A_701 = arith.constant 0 : i32
      %dma_wait3A_702 = tpu.memref_slice %arg5[%run_scoped3A_53, %dma_wait3A, %dma_wait3A_701] : memref<8x8x128xi32, #tpu.memory_space<vmem>> -> memref<1x8x128xi32, #tpu.memory_space<vmem>>
      %dma_wait3A_703 = tpu.memref_squeeze %dma_wait3A_702 : memref<1x8x128xi32, #tpu.memory_space<vmem>> -> memref<8x128xi32, #tpu.memory_space<vmem>>
      %dma_wait3A_704 = arith.constant 0 : i32
      %dma_wait3A_705 = tpu.memref_slice %arg2[%select_n3A, %run_scoped3A_52, %multiple_of3A_51, %dma_wait3A_704] : memref<16x8x16x128xi32, #tpu.memory_space<hbm>> -> memref<1x1x8x128xi32, #tpu.memory_space<hbm>>
      %dma_wait3A_706 = tpu.memref_squeeze %dma_wait3A_705 : memref<1x1x8x128xi32, #tpu.memory_space<hbm>> -> memref<8x128xi32, #tpu.memory_space<hbm>>
      %dma_wait3A_707 = arith.constant 0 : i32
      %dma_wait3A_708 = arith.constant 0 : i32
      %dma_wait3A_709 = tpu.memref_slice %arg5[%run_scoped3A_53, %dma_wait3A_707, %dma_wait3A_708] : memref<8x8x128xi32, #tpu.memory_space<vmem>> -> memref<1x8x128xi32, #tpu.memory_space<vmem>>
      %dma_wait3A_710 = tpu.memref_squeeze %dma_wait3A_709 : memref<1x8x128xi32, #tpu.memory_space<vmem>> -> memref<8x128xi32, #tpu.memory_space<vmem>>
      %dma_wait3A_711 = arith.constant 0 : i32
      %dma_wait3A_712 = tpu.memref_slice %arg2[%select_n3A, %run_scoped3A_52, %multiple_of3A_51, %dma_wait3A_711] : memref<16x8x16x128xi32, #tpu.memory_space<hbm>> -> memref<1x1x8x128xi32, #tpu.memory_space<hbm>>
      %dma_wait3A_713 = tpu.memref_squeeze %dma_wait3A_712 : memref<1x1x8x128xi32, #tpu.memory_space<hbm>> -> memref<8x128xi32, #tpu.memory_space<hbm>>
      tpu.wait_dma2 semaphore(%run_scoped3A_686 : memref<!tpu.dma_semaphore, #tpu.memory_space<semaphore_mem>>) src(%dma_wait3A_713 : memref<8x128xi32, #tpu.memory_space<hbm>>) dst(%dma_wait3A_710 : memref<8x128xi32, #tpu.memory_space<vmem>>)
      tpu.yield
    }) : () -> ()
    %mul3A_54 = arith.constant 8 : i32
    %mul3A_55 = arith.muli %select_n3A_30, %mul3A_54 : i32
    %multiple_of3A_56 = tpu.assume_multiple %mul3A_55, 8 : i32
    %run_scoped3A_57 = arith.constant 5 : i32
    %run_scoped3A_58 = arith.constant 5 : i32
    "tpu.region"() ({
      %run_scoped3A_686 = tpu.sem_alloc : memref<!tpu.dma_semaphore, #tpu.memory_space<semaphore_mem>>
      %dma_start3A_687 = arith.constant 0 : i32
      %dma_start3A_688 = arith.constant 0 : i32
      %dma_start3A_689 = tpu.memref_slice %arg5[%run_scoped3A_58, %dma_start3A_687, %dma_start3A_688] : memref<8x8x128xi32, #tpu.memory_space<vmem>> -> memref<1x8x128xi32, #tpu.memory_space<vmem>>
      %dma_start3A_690 = tpu.memref_squeeze %dma_start3A_689 : memref<1x8x128xi32, #tpu.memory_space<vmem>> -> memref<8x128xi32, #tpu.memory_space<vmem>>
      %dma_start3A_691 = arith.constant 0 : i32
      %dma_start3A_692 = tpu.memref_slice %arg2[%select_n3A, %run_scoped3A_57, %multiple_of3A_56, %dma_start3A_691] : memref<16x8x16x128xi32, #tpu.memory_space<hbm>> -> memref<1x1x8x128xi32, #tpu.memory_space<hbm>>
      %dma_start3A_693 = tpu.memref_squeeze %dma_start3A_692 : memref<1x1x8x128xi32, #tpu.memory_space<hbm>> -> memref<8x128xi32, #tpu.memory_space<hbm>>
      %dma_start3A_694 = arith.constant 0 : i32
      %dma_start3A_695 = arith.constant 0 : i32
      %dma_start3A_696 = tpu.memref_slice %arg5[%run_scoped3A_58, %dma_start3A_694, %dma_start3A_695] : memref<8x8x128xi32, #tpu.memory_space<vmem>> -> memref<1x8x128xi32, #tpu.memory_space<vmem>>
      %dma_start3A_697 = tpu.memref_squeeze %dma_start3A_696 : memref<1x8x128xi32, #tpu.memory_space<vmem>> -> memref<8x128xi32, #tpu.memory_space<vmem>>
      %dma_start3A_698 = arith.constant 0 : i32
      %dma_start3A_699 = tpu.memref_slice %arg2[%select_n3A, %run_scoped3A_57, %multiple_of3A_56, %dma_start3A_698] : memref<16x8x16x128xi32, #tpu.memory_space<hbm>> -> memref<1x1x8x128xi32, #tpu.memory_space<hbm>>
      %dma_start3A_700 = tpu.memref_squeeze %dma_start3A_699 : memref<1x1x8x128xi32, #tpu.memory_space<hbm>> -> memref<8x128xi32, #tpu.memory_space<hbm>>
      tpu.enqueue_dma source(%dma_start3A_700 : memref<8x128xi32, #tpu.memory_space<hbm>>) target(%dma_start3A_697 : memref<8x128xi32, #tpu.memory_space<vmem>>) target_semaphore(%run_scoped3A_686 : memref<!tpu.dma_semaphore, #tpu.memory_space<semaphore_mem>>)
      %dma_wait3A = arith.constant 0 : i32
      %dma_wait3A_701 = arith.constant 0 : i32
      %dma_wait3A_702 = tpu.memref_slice %arg5[%run_scoped3A_58, %dma_wait3A, %dma_wait3A_701] : memref<8x8x128xi32, #tpu.memory_space<vmem>> -> memref<1x8x128xi32, #tpu.memory_space<vmem>>
      %dma_wait3A_703 = tpu.memref_squeeze %dma_wait3A_702 : memref<1x8x128xi32, #tpu.memory_space<vmem>> -> memref<8x128xi32, #tpu.memory_space<vmem>>
      %dma_wait3A_704 = arith.constant 0 : i32
      %dma_wait3A_705 = tpu.memref_slice %arg2[%select_n3A, %run_scoped3A_57, %multiple_of3A_56, %dma_wait3A_704] : memref<16x8x16x128xi32, #tpu.memory_space<hbm>> -> memref<1x1x8x128xi32, #tpu.memory_space<hbm>>
      %dma_wait3A_706 = tpu.memref_squeeze %dma_wait3A_705 : memref<1x1x8x128xi32, #tpu.memory_space<hbm>> -> memref<8x128xi32, #tpu.memory_space<hbm>>
      %dma_wait3A_707 = arith.constant 0 : i32
      %dma_wait3A_708 = arith.constant 0 : i32
      %dma_wait3A_709 = tpu.memref_slice %arg5[%run_scoped3A_58, %dma_wait3A_707, %dma_wait3A_708] : memref<8x8x128xi32, #tpu.memory_space<vmem>> -> memref<1x8x128xi32, #tpu.memory_space<vmem>>
      %dma_wait3A_710 = tpu.memref_squeeze %dma_wait3A_709 : memref<1x8x128xi32, #tpu.memory_space<vmem>> -> memref<8x128xi32, #tpu.memory_space<vmem>>
      %dma_wait3A_711 = arith.constant 0 : i32
      %dma_wait3A_712 = tpu.memref_slice %arg2[%select_n3A, %run_scoped3A_57, %multiple_of3A_56, %dma_wait3A_711] : memref<16x8x16x128xi32, #tpu.memory_space<hbm>> -> memref<1x1x8x128xi32, #tpu.memory_space<hbm>>
      %dma_wait3A_713 = tpu.memref_squeeze %dma_wait3A_712 : memref<1x1x8x128xi32, #tpu.memory_space<hbm>> -> memref<8x128xi32, #tpu.memory_space<hbm>>
      tpu.wait_dma2 semaphore(%run_scoped3A_686 : memref<!tpu.dma_semaphore, #tpu.memory_space<semaphore_mem>>) src(%dma_wait3A_713 : memref<8x128xi32, #tpu.memory_space<hbm>>) dst(%dma_wait3A_710 : memref<8x128xi32, #tpu.memory_space<vmem>>)
      tpu.yield
    }) : () -> ()
    %mul3A_59 = arith.constant 8 : i32
    %mul3A_60 = arith.muli %select_n3A_30, %mul3A_59 : i32
    %multiple_of3A_61 = tpu.assume_multiple %mul3A_60, 8 : i32
    %run_scoped3A_62 = arith.constant 6 : i32
    %run_scoped3A_63 = arith.constant 6 : i32
    "tpu.region"() ({
      %run_scoped3A_686 = tpu.sem_alloc : memref<!tpu.dma_semaphore, #tpu.memory_space<semaphore_mem>>
      %dma_start3A_687 = arith.constant 0 : i32
      %dma_start3A_688 = arith.constant 0 : i32
      %dma_start3A_689 = tpu.memref_slice %arg5[%run_scoped3A_63, %dma_start3A_687, %dma_start3A_688] : memref<8x8x128xi32, #tpu.memory_space<vmem>> -> memref<1x8x128xi32, #tpu.memory_space<vmem>>
      %dma_start3A_690 = tpu.memref_squeeze %dma_start3A_689 : memref<1x8x128xi32, #tpu.memory_space<vmem>> -> memref<8x128xi32, #tpu.memory_space<vmem>>
      %dma_start3A_691 = arith.constant 0 : i32
      %dma_start3A_692 = tpu.memref_slice %arg2[%select_n3A, %run_scoped3A_62, %multiple_of3A_61, %dma_start3A_691] : memref<16x8x16x128xi32, #tpu.memory_space<hbm>> -> memref<1x1x8x128xi32, #tpu.memory_space<hbm>>
      %dma_start3A_693 = tpu.memref_squeeze %dma_start3A_692 : memref<1x1x8x128xi32, #tpu.memory_space<hbm>> -> memref<8x128xi32, #tpu.memory_space<hbm>>
      %dma_start3A_694 = arith.constant 0 : i32
      %dma_start3A_695 = arith.constant 0 : i32
      %dma_start3A_696 = tpu.memref_slice %arg5[%run_scoped3A_63, %dma_start3A_694, %dma_start3A_695] : memref<8x8x128xi32, #tpu.memory_space<vmem>> -> memref<1x8x128xi32, #tpu.memory_space<vmem>>
      %dma_start3A_697 = tpu.memref_squeeze %dma_start3A_696 : memref<1x8x128xi32, #tpu.memory_space<vmem>> -> memref<8x128xi32, #tpu.memory_space<vmem>>
      %dma_start3A_698 = arith.constant 0 : i32
      %dma_start3A_699 = tpu.memref_slice %arg2[%select_n3A, %run_scoped3A_62, %multiple_of3A_61, %dma_start3A_698] : memref<16x8x16x128xi32, #tpu.memory_space<hbm>> -> memref<1x1x8x128xi32, #tpu.memory_space<hbm>>
      %dma_start3A_700 = tpu.memref_squeeze %dma_start3A_699 : memref<1x1x8x128xi32, #tpu.memory_space<hbm>> -> memref<8x128xi32, #tpu.memory_space<hbm>>
      tpu.enqueue_dma source(%dma_start3A_700 : memref<8x128xi32, #tpu.memory_space<hbm>>) target(%dma_start3A_697 : memref<8x128xi32, #tpu.memory_space<vmem>>) target_semaphore(%run_scoped3A_686 : memref<!tpu.dma_semaphore, #tpu.memory_space<semaphore_mem>>)
      %dma_wait3A = arith.constant 0 : i32
      %dma_wait3A_701 = arith.constant 0 : i32
      %dma_wait3A_702 = tpu.memref_slice %arg5[%run_scoped3A_63, %dma_wait3A, %dma_wait3A_701] : memref<8x8x128xi32, #tpu.memory_space<vmem>> -> memref<1x8x128xi32, #tpu.memory_space<vmem>>
      %dma_wait3A_703 = tpu.memref_squeeze %dma_wait3A_702 : memref<1x8x128xi32, #tpu.memory_space<vmem>> -> memref<8x128xi32, #tpu.memory_space<vmem>>
      %dma_wait3A_704 = arith.constant 0 : i32
      %dma_wait3A_705 = tpu.memref_slice %arg2[%select_n3A, %run_scoped3A_62, %multiple_of3A_61, %dma_wait3A_704] : memref<16x8x16x128xi32, #tpu.memory_space<hbm>> -> memref<1x1x8x128xi32, #tpu.memory_space<hbm>>
      %dma_wait3A_706 = tpu.memref_squeeze %dma_wait3A_705 : memref<1x1x8x128xi32, #tpu.memory_space<hbm>> -> memref<8x128xi32, #tpu.memory_space<hbm>>
      %dma_wait3A_707 = arith.constant 0 : i32
      %dma_wait3A_708 = arith.constant 0 : i32
      %dma_wait3A_709 = tpu.memref_slice %arg5[%run_scoped3A_63, %dma_wait3A_707, %dma_wait3A_708] : memref<8x8x128xi32, #tpu.memory_space<vmem>> -> memref<1x8x128xi32, #tpu.memory_space<vmem>>
      %dma_wait3A_710 = tpu.memref_squeeze %dma_wait3A_709 : memref<1x8x128xi32, #tpu.memory_space<vmem>> -> memref<8x128xi32, #tpu.memory_space<vmem>>
      %dma_wait3A_711 = arith.constant 0 : i32
      %dma_wait3A_712 = tpu.memref_slice %arg2[%select_n3A, %run_scoped3A_62, %multiple_of3A_61, %dma_wait3A_711] : memref<16x8x16x128xi32, #tpu.memory_space<hbm>> -> memref<1x1x8x128xi32, #tpu.memory_space<hbm>>
      %dma_wait3A_713 = tpu.memref_squeeze %dma_wait3A_712 : memref<1x1x8x128xi32, #tpu.memory_space<hbm>> -> memref<8x128xi32, #tpu.memory_space<hbm>>
      tpu.wait_dma2 semaphore(%run_scoped3A_686 : memref<!tpu.dma_semaphore, #tpu.memory_space<semaphore_mem>>) src(%dma_wait3A_713 : memref<8x128xi32, #tpu.memory_space<hbm>>) dst(%dma_wait3A_710 : memref<8x128xi32, #tpu.memory_space<vmem>>)
      tpu.yield
    }) : () -> ()
    %mul3A_64 = arith.constant 8 : i32
    %mul3A_65 = arith.muli %select_n3A_30, %mul3A_64 : i32
    %multiple_of3A_66 = tpu.assume_multiple %mul3A_65, 8 : i32
    %run_scoped3A_67 = arith.constant 7 : i32
    %run_scoped3A_68 = arith.constant 7 : i32
    "tpu.region"() ({
      %run_scoped3A_686 = tpu.sem_alloc : memref<!tpu.dma_semaphore, #tpu.memory_space<semaphore_mem>>
      %dma_start3A_687 = arith.constant 0 : i32
      %dma_start3A_688 = arith.constant 0 : i32
      %dma_start3A_689 = tpu.memref_slice %arg5[%run_scoped3A_68, %dma_start3A_687, %dma_start3A_688] : memref<8x8x128xi32, #tpu.memory_space<vmem>> -> memref<1x8x128xi32, #tpu.memory_space<vmem>>
      %dma_start3A_690 = tpu.memref_squeeze %dma_start3A_689 : memref<1x8x128xi32, #tpu.memory_space<vmem>> -> memref<8x128xi32, #tpu.memory_space<vmem>>
      %dma_start3A_691 = arith.constant 0 : i32
      %dma_start3A_692 = tpu.memref_slice %arg2[%select_n3A, %run_scoped3A_67, %multiple_of3A_66, %dma_start3A_691] : memref<16x8x16x128xi32, #tpu.memory_space<hbm>> -> memref<1x1x8x128xi32, #tpu.memory_space<hbm>>
      %dma_start3A_693 = tpu.memref_squeeze %dma_start3A_692 : memref<1x1x8x128xi32, #tpu.memory_space<hbm>> -> memref<8x128xi32, #tpu.memory_space<hbm>>
      %dma_start3A_694 = arith.constant 0 : i32
      %dma_start3A_695 = arith.constant 0 : i32
      %dma_start3A_696 = tpu.memref_slice %arg5[%run_scoped3A_68, %dma_start3A_694, %dma_start3A_695] : memref<8x8x128xi32, #tpu.memory_space<vmem>> -> memref<1x8x128xi32, #tpu.memory_space<vmem>>
      %dma_start3A_697 = tpu.memref_squeeze %dma_start3A_696 : memref<1x8x128xi32, #tpu.memory_space<vmem>> -> memref<8x128xi32, #tpu.memory_space<vmem>>
      %dma_start3A_698 = arith.constant 0 : i32
      %dma_start3A_699 = tpu.memref_slice %arg2[%select_n3A, %run_scoped3A_67, %multiple_of3A_66, %dma_start3A_698] : memref<16x8x16x128xi32, #tpu.memory_space<hbm>> -> memref<1x1x8x128xi32, #tpu.memory_space<hbm>>
      %dma_start3A_700 = tpu.memref_squeeze %dma_start3A_699 : memref<1x1x8x128xi32, #tpu.memory_space<hbm>> -> memref<8x128xi32, #tpu.memory_space<hbm>>
      tpu.enqueue_dma source(%dma_start3A_700 : memref<8x128xi32, #tpu.memory_space<hbm>>) target(%dma_start3A_697 : memref<8x128xi32, #tpu.memory_space<vmem>>) target_semaphore(%run_scoped3A_686 : memref<!tpu.dma_semaphore, #tpu.memory_space<semaphore_mem>>)
      %dma_wait3A = arith.constant 0 : i32
      %dma_wait3A_701 = arith.constant 0 : i32
      %dma_wait3A_702 = tpu.memref_slice %arg5[%run_scoped3A_68, %dma_wait3A, %dma_wait3A_701] : memref<8x8x128xi32, #tpu.memory_space<vmem>> -> memref<1x8x128xi32, #tpu.memory_space<vmem>>
      %dma_wait3A_703 = tpu.memref_squeeze %dma_wait3A_702 : memref<1x8x128xi32, #tpu.memory_space<vmem>> -> memref<8x128xi32, #tpu.memory_space<vmem>>
      %dma_wait3A_704 = arith.constant 0 : i32
      %dma_wait3A_705 = tpu.memref_slice %arg2[%select_n3A, %run_scoped3A_67, %multiple_of3A_66, %dma_wait3A_704] : memref<16x8x16x128xi32, #tpu.memory_space<hbm>> -> memref<1x1x8x128xi32, #tpu.memory_space<hbm>>
      %dma_wait3A_706 = tpu.memref_squeeze %dma_wait3A_705 : memref<1x1x8x128xi32, #tpu.memory_space<hbm>> -> memref<8x128xi32, #tpu.memory_space<hbm>>
      %dma_wait3A_707 = arith.constant 0 : i32
      %dma_wait3A_708 = arith.constant 0 : i32
      %dma_wait3A_709 = tpu.memref_slice %arg5[%run_scoped3A_68, %dma_wait3A_707, %dma_wait3A_708] : memref<8x8x128xi32, #tpu.memory_space<vmem>> -> memref<1x8x128xi32, #tpu.memory_space<vmem>>
      %dma_wait3A_710 = tpu.memref_squeeze %dma_wait3A_709 : memref<1x8x128xi32, #tpu.memory_space<vmem>> -> memref<8x128xi32, #tpu.memory_space<vmem>>
      %dma_wait3A_711 = arith.constant 0 : i32
      %dma_wait3A_712 = tpu.memref_slice %arg2[%select_n3A, %run_scoped3A_67, %multiple_of3A_66, %dma_wait3A_711] : memref<16x8x16x128xi32, #tpu.memory_space<hbm>> -> memref<1x1x8x128xi32, #tpu.memory_space<hbm>>
      %dma_wait3A_713 = tpu.memref_squeeze %dma_wait3A_712 : memref<1x1x8x128xi32, #tpu.memory_space<hbm>> -> memref<8x128xi32, #tpu.memory_space<hbm>>
      tpu.wait_dma2 semaphore(%run_scoped3A_686 : memref<!tpu.dma_semaphore, #tpu.memory_space<semaphore_mem>>) src(%dma_wait3A_713 : memref<8x128xi32, #tpu.memory_space<hbm>>) dst(%dma_wait3A_710 : memref<8x128xi32, #tpu.memory_space<vmem>>)
      tpu.yield
    }) : () -> ()
    %get3A = arith.constant 0 : i32
    %get3A_69 = arith.constant 0 : i32
    %get3A_70 = arith.index_cast %get3A : i32 to index
    %get3A_71 = arith.index_cast %get3A_69 : i32 to index
    %get3A_72 = arith.constant 0 : index
    %get3A_73 = tpu.vector_load %arg5[%get3A_70, %get3A_71, %get3A_72] {strides = array<i32>} : memref<8x8x128xi32, #tpu.memory_space<vmem>>, vector<16xi32>,
    %add3A_74 = arith.constant 0 : i32
    %add3A_75 = vector.broadcast %add3A_74 : i32 to vector<16xi32>
    %add3A_76 = arith.addi %add3A_75, %iota3A : vector<16xi32>
    %mul3A_77 = arith.constant 8 : i32
    %mul3A_78 = vector.broadcast %mul3A_77 : i32 to vector<16xi32>
    %mul3A_79 = arith.muli %add3A_76, %mul3A_78 : vector<16xi32>
    %add3A_80 = arith.constant 0 : i32
    %add3A_81 = vector.broadcast %add3A_80 : i32 to vector<16xi32>
    %add3A_82 = arith.addi %mul3A_79, %add3A_81 : vector<16xi32>
    %mul3A_83 = arith.constant 16384 : i32
    %mul3A_84 = arith.muli %select_n3A, %mul3A_83 : i32
    %add3A_85 = vector.broadcast %mul3A_84 : i32 to vector<16xi32>
    %add3A_86 = arith.addi %get3A_73, %add3A_85 : vector<16xi32>
    tpu.vector_store_idx %arg6[%add3A_82], %add3A_86 : memref<256xi32, #tpu.memory_space<vmem>>[vector<16xi32>], vector<16xi32>,
    %get3A_87 = arith.constant 0 : i32
    %get3A_88 = arith.constant 0 : i32
    %get3A_89 = arith.index_cast %get3A_87 : i32 to index
    %get3A_90 = arith.index_cast %get3A_88 : i32 to index
    %get3A_91 = arith.constant 16 : index
    %get3A_92 = tpu.vector_load %arg5[%get3A_89, %get3A_90, %get3A_91] {strides = array<i32>} : memref<8x8x128xi32, #tpu.memory_space<vmem>>, vector<16xi32>,
    %add3A_93 = arith.constant 16 : i32
    %add3A_94 = vector.broadcast %add3A_93 : i32 to vector<16xi32>
    %add3A_95 = arith.addi %add3A_94, %iota3A : vector<16xi32>
    %mul3A_96 = arith.constant 8 : i32
    %mul3A_97 = vector.broadcast %mul3A_96 : i32 to vector<16xi32>
    %mul3A_98 = arith.muli %add3A_95, %mul3A_97 : vector<16xi32>
    %add3A_99 = arith.constant 0 : i32
    %add3A_100 = vector.broadcast %add3A_99 : i32 to vector<16xi32>
    %add3A_101 = arith.addi %mul3A_98, %add3A_100 : vector<16xi32>
    %mul3A_102 = arith.constant 16384 : i32
    %mul3A_103 = arith.muli %select_n3A, %mul3A_102 : i32
    %add3A_104 = vector.broadcast %mul3A_103 : i32 to vector<16xi32>
    %add3A_105 = arith.addi %get3A_92, %add3A_104 : vector<16xi32>
    tpu.vector_store_idx %arg6[%add3A_101], %add3A_105 : memref<256xi32, #tpu.memory_space<vmem>>[vector<16xi32>], vector<16xi32>,
    %get3A_106 = arith.constant 1 : i32
    %get3A_107 = arith.constant 0 : i32
    %get3A_108 = arith.index_cast %get3A_106 : i32 to index
    %get3A_109 = arith.index_cast %get3A_107 : i32 to index
    %get3A_110 = arith.constant 0 : index
    %get3A_111 = tpu.vector_load %arg5[%get3A_108, %get3A_109, %get3A_110] {strides = array<i32>} : memref<8x8x128xi32, #tpu.memory_space<vmem>>, vector<16xi32>,
    %add3A_112 = arith.constant 0 : i32
    %add3A_113 = vector.broadcast %add3A_112 : i32 to vector<16xi32>
    %add3A_114 = arith.addi %add3A_113, %iota3A : vector<16xi32>
    %mul3A_115 = arith.constant 8 : i32
    %mul3A_116 = vector.broadcast %mul3A_115 : i32 to vector<16xi32>
    %mul3A_117 = arith.muli %add3A_114, %mul3A_116 : vector<16xi32>
    %add3A_118 = arith.constant 1 : i32
    %add3A_119 = vector.broadcast %add3A_118 : i32 to vector<16xi32>
    %add3A_120 = arith.addi %mul3A_117, %add3A_119 : vector<16xi32>
    %mul3A_121 = arith.constant 16384 : i32
    %mul3A_122 = arith.muli %select_n3A, %mul3A_121 : i32
    %add3A_123 = vector.broadcast %mul3A_122 : i32 to vector<16xi32>
    %add3A_124 = arith.addi %get3A_111, %add3A_123 : vector<16xi32>
    tpu.vector_store_idx %arg6[%add3A_120], %add3A_124 : memref<256xi32, #tpu.memory_space<vmem>>[vector<16xi32>], vector<16xi32>,
    %get3A_125 = arith.constant 1 : i32
    %get3A_126 = arith.constant 0 : i32
    %get3A_127 = arith.index_cast %get3A_125 : i32 to index
    %get3A_128 = arith.index_cast %get3A_126 : i32 to index
    %get3A_129 = arith.constant 16 : index
    %get3A_130 = tpu.vector_load %arg5[%get3A_127, %get3A_128, %get3A_129] {strides = array<i32>} : memref<8x8x128xi32, #tpu.memory_space<vmem>>, vector<16xi32>,
    %add3A_131 = arith.constant 16 : i32
    %add3A_132 = vector.broadcast %add3A_131 : i32 to vector<16xi32>
    %add3A_133 = arith.addi %add3A_132, %iota3A : vector<16xi32>
    %mul3A_134 = arith.constant 8 : i32
    %mul3A_135 = vector.broadcast %mul3A_134 : i32 to vector<16xi32>
    %mul3A_136 = arith.muli %add3A_133, %mul3A_135 : vector<16xi32>
    %add3A_137 = arith.constant 1 : i32
    %add3A_138 = vector.broadcast %add3A_137 : i32 to vector<16xi32>
    %add3A_139 = arith.addi %mul3A_136, %add3A_138 : vector<16xi32>
    %mul3A_140 = arith.constant 16384 : i32
    %mul3A_141 = arith.muli %select_n3A, %mul3A_140 : i32
    %add3A_142 = vector.broadcast %mul3A_141 : i32 to vector<16xi32>
    %add3A_143 = arith.addi %get3A_130, %add3A_142 : vector<16xi32>
    tpu.vector_store_idx %arg6[%add3A_139], %add3A_143 : memref<256xi32, #tpu.memory_space<vmem>>[vector<16xi32>], vector<16xi32>,
    %get3A_144 = arith.constant 2 : i32
    %get3A_145 = arith.constant 0 : i32
    %get3A_146 = arith.index_cast %get3A_144 : i32 to index
    %get3A_147 = arith.index_cast %get3A_145 : i32 to index
    %get3A_148 = arith.constant 0 : index
    %get3A_149 = tpu.vector_load %arg5[%get3A_146, %get3A_147, %get3A_148] {strides = array<i32>} : memref<8x8x128xi32, #tpu.memory_space<vmem>>, vector<16xi32>,
    %add3A_150 = arith.constant 0 : i32
    %add3A_151 = vector.broadcast %add3A_150 : i32 to vector<16xi32>
    %add3A_152 = arith.addi %add3A_151, %iota3A : vector<16xi32>
    %mul3A_153 = arith.constant 8 : i32
    %mul3A_154 = vector.broadcast %mul3A_153 : i32 to vector<16xi32>
    %mul3A_155 = arith.muli %add3A_152, %mul3A_154 : vector<16xi32>
    %add3A_156 = arith.constant 2 : i32
    %add3A_157 = vector.broadcast %add3A_156 : i32 to vector<16xi32>
    %add3A_158 = arith.addi %mul3A_155, %add3A_157 : vector<16xi32>
    %mul3A_159 = arith.constant 16384 : i32
    %mul3A_160 = arith.muli %select_n3A, %mul3A_159 : i32
    %add3A_161 = vector.broadcast %mul3A_160 : i32 to vector<16xi32>
    %add3A_162 = arith.addi %get3A_149, %add3A_161 : vector<16xi32>
    tpu.vector_store_idx %arg6[%add3A_158], %add3A_162 : memref<256xi32, #tpu.memory_space<vmem>>[vector<16xi32>], vector<16xi32>,
    %get3A_163 = arith.constant 2 : i32
    %get3A_164 = arith.constant 0 : i32
    %get3A_165 = arith.index_cast %get3A_163 : i32 to index
    %get3A_166 = arith.index_cast %get3A_164 : i32 to index
    %get3A_167 = arith.constant 16 : index
    %get3A_168 = tpu.vector_load %arg5[%get3A_165, %get3A_166, %get3A_167] {strides = array<i32>} : memref<8x8x128xi32, #tpu.memory_space<vmem>>, vector<16xi32>,
    %add3A_169 = arith.constant 16 : i32
    %add3A_170 = vector.broadcast %add3A_169 : i32 to vector<16xi32>
    %add3A_171 = arith.addi %add3A_170, %iota3A : vector<16xi32>
    %mul3A_172 = arith.constant 8 : i32
    %mul3A_173 = vector.broadcast %mul3A_172 : i32 to vector<16xi32>
    %mul3A_174 = arith.muli %add3A_171, %mul3A_173 : vector<16xi32>
    %add3A_175 = arith.constant 2 : i32
    %add3A_176 = vector.broadcast %add3A_175 : i32 to vector<16xi32>
    %add3A_177 = arith.addi %mul3A_174, %add3A_176 : vector<16xi32>
    %mul3A_178 = arith.constant 16384 : i32
    %mul3A_179 = arith.muli %select_n3A, %mul3A_178 : i32
    %add3A_180 = vector.broadcast %mul3A_179 : i32 to vector<16xi32>
    %add3A_181 = arith.addi %get3A_168, %add3A_180 : vector<16xi32>
    tpu.vector_store_idx %arg6[%add3A_177], %add3A_181 : memref<256xi32, #tpu.memory_space<vmem>>[vector<16xi32>], vector<16xi32>,
    %get3A_182 = arith.constant 3 : i32
    %get3A_183 = arith.constant 0 : i32
    %get3A_184 = arith.index_cast %get3A_182 : i32 to index
    %get3A_185 = arith.index_cast %get3A_183 : i32 to index
    %get3A_186 = arith.constant 0 : index
    %get3A_187 = tpu.vector_load %arg5[%get3A_184, %get3A_185, %get3A_186] {strides = array<i32>} : memref<8x8x128xi32, #tpu.memory_space<vmem>>, vector<16xi32>,
    %add3A_188 = arith.constant 0 : i32
    %add3A_189 = vector.broadcast %add3A_188 : i32 to vector<16xi32>
    %add3A_190 = arith.addi %add3A_189, %iota3A : vector<16xi32>
    %mul3A_191 = arith.constant 8 : i32
    %mul3A_192 = vector.broadcast %mul3A_191 : i32 to vector<16xi32>
    %mul3A_193 = arith.muli %add3A_190, %mul3A_192 : vector<16xi32>
    %add3A_194 = arith.constant 3 : i32
    %add3A_195 = vector.broadcast %add3A_194 : i32 to vector<16xi32>
    %add3A_196 = arith.addi %mul3A_193, %add3A_195 : vector<16xi32>
    %mul3A_197 = arith.constant 16384 : i32
    %mul3A_198 = arith.muli %select_n3A, %mul3A_197 : i32
    %add3A_199 = vector.broadcast %mul3A_198 : i32 to vector<16xi32>
    %add3A_200 = arith.addi %get3A_187, %add3A_199 : vector<16xi32>
    tpu.vector_store_idx %arg6[%add3A_196], %add3A_200 : memref<256xi32, #tpu.memory_space<vmem>>[vector<16xi32>], vector<16xi32>,
    %get3A_201 = arith.constant 3 : i32
    %get3A_202 = arith.constant 0 : i32
    %get3A_203 = arith.index_cast %get3A_201 : i32 to index
    %get3A_204 = arith.index_cast %get3A_202 : i32 to index
    %get3A_205 = arith.constant 16 : index
    %get3A_206 = tpu.vector_load %arg5[%get3A_203, %get3A_204, %get3A_205] {strides = array<i32>} : memref<8x8x128xi32, #tpu.memory_space<vmem>>, vector<16xi32>,
    %add3A_207 = arith.constant 16 : i32
    %add3A_208 = vector.broadcast %add3A_207 : i32 to vector<16xi32>
    %add3A_209 = arith.addi %add3A_208, %iota3A : vector<16xi32>
    %mul3A_210 = arith.constant 8 : i32
    %mul3A_211 = vector.broadcast %mul3A_210 : i32 to vector<16xi32>
    %mul3A_212 = arith.muli %add3A_209, %mul3A_211 : vector<16xi32>
    %add3A_213 = arith.constant 3 : i32
    %add3A_214 = vector.broadcast %add3A_213 : i32 to vector<16xi32>
    %add3A_215 = arith.addi %mul3A_212, %add3A_214 : vector<16xi32>
    %mul3A_216 = arith.constant 16384 : i32
    %mul3A_217 = arith.muli %select_n3A, %mul3A_216 : i32
    %add3A_218 = vector.broadcast %mul3A_217 : i32 to vector<16xi32>
    %add3A_219 = arith.addi %get3A_206, %add3A_218 : vector<16xi32>
    tpu.vector_store_idx %arg6[%add3A_215], %add3A_219 : memref<256xi32, #tpu.memory_space<vmem>>[vector<16xi32>], vector<16xi32>,
    %get3A_220 = arith.constant 4 : i32
    %get3A_221 = arith.constant 0 : i32
    %get3A_222 = arith.index_cast %get3A_220 : i32 to index
    %get3A_223 = arith.index_cast %get3A_221 : i32 to index
    %get3A_224 = arith.constant 0 : index
    %get3A_225 = tpu.vector_load %arg5[%get3A_222, %get3A_223, %get3A_224] {strides = array<i32>} : memref<8x8x128xi32, #tpu.memory_space<vmem>>, vector<16xi32>,
    %add3A_226 = arith.constant 0 : i32
    %add3A_227 = vector.broadcast %add3A_226 : i32 to vector<16xi32>
    %add3A_228 = arith.addi %add3A_227, %iota3A : vector<16xi32>
    %mul3A_229 = arith.constant 8 : i32
    %mul3A_230 = vector.broadcast %mul3A_229 : i32 to vector<16xi32>
    %mul3A_231 = arith.muli %add3A_228, %mul3A_230 : vector<16xi32>
    %add3A_232 = arith.constant 4 : i32
    %add3A_233 = vector.broadcast %add3A_232 : i32 to vector<16xi32>
    %add3A_234 = arith.addi %mul3A_231, %add3A_233 : vector<16xi32>
    %mul3A_235 = arith.constant 16384 : i32
    %mul3A_236 = arith.muli %select_n3A, %mul3A_235 : i32
    %add3A_237 = vector.broadcast %mul3A_236 : i32 to vector<16xi32>
    %add3A_238 = arith.addi %get3A_225, %add3A_237 : vector<16xi32>
    tpu.vector_store_idx %arg6[%add3A_234], %add3A_238 : memref<256xi32, #tpu.memory_space<vmem>>[vector<16xi32>], vector<16xi32>,
    %get3A_239 = arith.constant 4 : i32
    %get3A_240 = arith.constant 0 : i32
    %get3A_241 = arith.index_cast %get3A_239 : i32 to index
    %get3A_242 = arith.index_cast %get3A_240 : i32 to index
    %get3A_243 = arith.constant 16 : index
    %get3A_244 = tpu.vector_load %arg5[%get3A_241, %get3A_242, %get3A_243] {strides = array<i32>} : memref<8x8x128xi32, #tpu.memory_space<vmem>>, vector<16xi32>,
    %add3A_245 = arith.constant 16 : i32
    %add3A_246 = vector.broadcast %add3A_245 : i32 to vector<16xi32>
    %add3A_247 = arith.addi %add3A_246, %iota3A : vector<16xi32>
    %mul3A_248 = arith.constant 8 : i32
    %mul3A_249 = vector.broadcast %mul3A_248 : i32 to vector<16xi32>
    %mul3A_250 = arith.muli %add3A_247, %mul3A_249 : vector<16xi32>
    %add3A_251 = arith.constant 4 : i32
    %add3A_252 = vector.broadcast %add3A_251 : i32 to vector<16xi32>
    %add3A_253 = arith.addi %mul3A_250, %add3A_252 : vector<16xi32>
    %mul3A_254 = arith.constant 16384 : i32
    %mul3A_255 = arith.muli %select_n3A, %mul3A_254 : i32
    %add3A_256 = vector.broadcast %mul3A_255 : i32 to vector<16xi32>
    %add3A_257 = arith.addi %get3A_244, %add3A_256 : vector<16xi32>
    tpu.vector_store_idx %arg6[%add3A_253], %add3A_257 : memref<256xi32, #tpu.memory_space<vmem>>[vector<16xi32>], vector<16xi32>,
    %get3A_258 = arith.constant 5 : i32
    %get3A_259 = arith.constant 0 : i32
    %get3A_260 = arith.index_cast %get3A_258 : i32 to index
    %get3A_261 = arith.index_cast %get3A_259 : i32 to index
    %get3A_262 = arith.constant 0 : index
    %get3A_263 = tpu.vector_load %arg5[%get3A_260, %get3A_261, %get3A_262] {strides = array<i32>} : memref<8x8x128xi32, #tpu.memory_space<vmem>>, vector<16xi32>,
    %add3A_264 = arith.constant 0 : i32
    %add3A_265 = vector.broadcast %add3A_264 : i32 to vector<16xi32>
    %add3A_266 = arith.addi %add3A_265, %iota3A : vector<16xi32>
    %mul3A_267 = arith.constant 8 : i32
    %mul3A_268 = vector.broadcast %mul3A_267 : i32 to vector<16xi32>
    %mul3A_269 = arith.muli %add3A_266, %mul3A_268 : vector<16xi32>
    %add3A_270 = arith.constant 5 : i32
    %add3A_271 = vector.broadcast %add3A_270 : i32 to vector<16xi32>
    %add3A_272 = arith.addi %mul3A_269, %add3A_271 : vector<16xi32>
    %mul3A_273 = arith.constant 16384 : i32
    %mul3A_274 = arith.muli %select_n3A, %mul3A_273 : i32
    %add3A_275 = vector.broadcast %mul3A_274 : i32 to vector<16xi32>
    %add3A_276 = arith.addi %get3A_263, %add3A_275 : vector<16xi32>
    tpu.vector_store_idx %arg6[%add3A_272], %add3A_276 : memref<256xi32, #tpu.memory_space<vmem>>[vector<16xi32>], vector<16xi32>,
    %get3A_277 = arith.constant 5 : i32
    %get3A_278 = arith.constant 0 : i32
    %get3A_279 = arith.index_cast %get3A_277 : i32 to index
    %get3A_280 = arith.index_cast %get3A_278 : i32 to index
    %get3A_281 = arith.constant 16 : index
    %get3A_282 = tpu.vector_load %arg5[%get3A_279, %get3A_280, %get3A_281] {strides = array<i32>} : memref<8x8x128xi32, #tpu.memory_space<vmem>>, vector<16xi32>,
    %add3A_283 = arith.constant 16 : i32
    %add3A_284 = vector.broadcast %add3A_283 : i32 to vector<16xi32>
    %add3A_285 = arith.addi %add3A_284, %iota3A : vector<16xi32>
    %mul3A_286 = arith.constant 8 : i32
    %mul3A_287 = vector.broadcast %mul3A_286 : i32 to vector<16xi32>
    %mul3A_288 = arith.muli %add3A_285, %mul3A_287 : vector<16xi32>
    %add3A_289 = arith.constant 5 : i32
    %add3A_290 = vector.broadcast %add3A_289 : i32 to vector<16xi32>
    %add3A_291 = arith.addi %mul3A_288, %add3A_290 : vector<16xi32>
    %mul3A_292 = arith.constant 16384 : i32
    %mul3A_293 = arith.muli %select_n3A, %mul3A_292 : i32
    %add3A_294 = vector.broadcast %mul3A_293 : i32 to vector<16xi32>
    %add3A_295 = arith.addi %get3A_282, %add3A_294 : vector<16xi32>
    tpu.vector_store_idx %arg6[%add3A_291], %add3A_295 : memref<256xi32, #tpu.memory_space<vmem>>[vector<16xi32>], vector<16xi32>,
    %get3A_296 = arith.constant 6 : i32
    %get3A_297 = arith.constant 0 : i32
    %get3A_298 = arith.index_cast %get3A_296 : i32 to index
    %get3A_299 = arith.index_cast %get3A_297 : i32 to index
    %get3A_300 = arith.constant 0 : index
    %get3A_301 = tpu.vector_load %arg5[%get3A_298, %get3A_299, %get3A_300] {strides = array<i32>} : memref<8x8x128xi32, #tpu.memory_space<vmem>>, vector<16xi32>,
    %add3A_302 = arith.constant 0 : i32
    %add3A_303 = vector.broadcast %add3A_302 : i32 to vector<16xi32>
    %add3A_304 = arith.addi %add3A_303, %iota3A : vector<16xi32>
    %mul3A_305 = arith.constant 8 : i32
    %mul3A_306 = vector.broadcast %mul3A_305 : i32 to vector<16xi32>
    %mul3A_307 = arith.muli %add3A_304, %mul3A_306 : vector<16xi32>
    %add3A_308 = arith.constant 6 : i32
    %add3A_309 = vector.broadcast %add3A_308 : i32 to vector<16xi32>
    %add3A_310 = arith.addi %mul3A_307, %add3A_309 : vector<16xi32>
    %mul3A_311 = arith.constant 16384 : i32
    %mul3A_312 = arith.muli %select_n3A, %mul3A_311 : i32
    %add3A_313 = vector.broadcast %mul3A_312 : i32 to vector<16xi32>
    %add3A_314 = arith.addi %get3A_301, %add3A_313 : vector<16xi32>
    tpu.vector_store_idx %arg6[%add3A_310], %add3A_314 : memref<256xi32, #tpu.memory_space<vmem>>[vector<16xi32>], vector<16xi32>,
    %get3A_315 = arith.constant 6 : i32
    %get3A_316 = arith.constant 0 : i32
    %get3A_317 = arith.index_cast %get3A_315 : i32 to index
    %get3A_318 = arith.index_cast %get3A_316 : i32 to index
    %get3A_319 = arith.constant 16 : index
    %get3A_320 = tpu.vector_load %arg5[%get3A_317, %get3A_318, %get3A_319] {strides = array<i32>} : memref<8x8x128xi32, #tpu.memory_space<vmem>>, vector<16xi32>,
    %add3A_321 = arith.constant 16 : i32
    %add3A_322 = vector.broadcast %add3A_321 : i32 to vector<16xi32>
    %add3A_323 = arith.addi %add3A_322, %iota3A : vector<16xi32>
    %mul3A_324 = arith.constant 8 : i32
    %mul3A_325 = vector.broadcast %mul3A_324 : i32 to vector<16xi32>
    %mul3A_326 = arith.muli %add3A_323, %mul3A_325 : vector<16xi32>
    %add3A_327 = arith.constant 6 : i32
    %add3A_328 = vector.broadcast %add3A_327 : i32 to vector<16xi32>
    %add3A_329 = arith.addi %mul3A_326, %add3A_328 : vector<16xi32>
    %mul3A_330 = arith.constant 16384 : i32
    %mul3A_331 = arith.muli %select_n3A, %mul3A_330 : i32
    %add3A_332 = vector.broadcast %mul3A_331 : i32 to vector<16xi32>
    %add3A_333 = arith.addi %get3A_320, %add3A_332 : vector<16xi32>
    tpu.vector_store_idx %arg6[%add3A_329], %add3A_333 : memref<256xi32, #tpu.memory_space<vmem>>[vector<16xi32>], vector<16xi32>,
    %get3A_334 = arith.constant 7 : i32
    %get3A_335 = arith.constant 0 : i32
    %get3A_336 = arith.index_cast %get3A_334 : i32 to index
    %get3A_337 = arith.index_cast %get3A_335 : i32 to index
    %get3A_338 = arith.constant 0 : index
    %get3A_339 = tpu.vector_load %arg5[%get3A_336, %get3A_337, %get3A_338] {strides = array<i32>} : memref<8x8x128xi32, #tpu.memory_space<vmem>>, vector<16xi32>,
    %add3A_340 = arith.constant 0 : i32
    %add3A_341 = vector.broadcast %add3A_340 : i32 to vector<16xi32>
    %add3A_342 = arith.addi %add3A_341, %iota3A : vector<16xi32>
    %mul3A_343 = arith.constant 8 : i32
    %mul3A_344 = vector.broadcast %mul3A_343 : i32 to vector<16xi32>
    %mul3A_345 = arith.muli %add3A_342, %mul3A_344 : vector<16xi32>
    %add3A_346 = arith.constant 7 : i32
    %add3A_347 = vector.broadcast %add3A_346 : i32 to vector<16xi32>
    %add3A_348 = arith.addi %mul3A_345, %add3A_347 : vector<16xi32>
    %mul3A_349 = arith.constant 16384 : i32
    %mul3A_350 = arith.muli %select_n3A, %mul3A_349 : i32
    %add3A_351 = vector.broadcast %mul3A_350 : i32 to vector<16xi32>
    %add3A_352 = arith.addi %get3A_339, %add3A_351 : vector<16xi32>
    tpu.vector_store_idx %arg6[%add3A_348], %add3A_352 : memref<256xi32, #tpu.memory_space<vmem>>[vector<16xi32>], vector<16xi32>,
    %get3A_353 = arith.constant 7 : i32
    %get3A_354 = arith.constant 0 : i32
    %get3A_355 = arith.index_cast %get3A_353 : i32 to index
    %get3A_356 = arith.index_cast %get3A_354 : i32 to index
    %get3A_357 = arith.constant 16 : index
    %get3A_358 = tpu.vector_load %arg5[%get3A_355, %get3A_356, %get3A_357] {strides = array<i32>} : memref<8x8x128xi32, #tpu.memory_space<vmem>>, vector<16xi32>,
    %add3A_359 = arith.constant 16 : i32
    %add3A_360 = vector.broadcast %add3A_359 : i32 to vector<16xi32>
    %add3A_361 = arith.addi %add3A_360, %iota3A : vector<16xi32>
    %mul3A_362 = arith.constant 8 : i32
    %mul3A_363 = vector.broadcast %mul3A_362 : i32 to vector<16xi32>
    %mul3A_364 = arith.muli %add3A_361, %mul3A_363 : vector<16xi32>
    %add3A_365 = arith.constant 7 : i32
    %add3A_366 = vector.broadcast %add3A_365 : i32 to vector<16xi32>
    %add3A_367 = arith.addi %mul3A_364, %add3A_366 : vector<16xi32>
    %mul3A_368 = arith.constant 16384 : i32
    %mul3A_369 = arith.muli %select_n3A, %mul3A_368 : i32
    %add3A_370 = vector.broadcast %mul3A_369 : i32 to vector<16xi32>
    %add3A_371 = arith.addi %get3A_358, %add3A_370 : vector<16xi32>
    tpu.vector_store_idx %arg6[%add3A_367], %add3A_371 : memref<256xi32, #tpu.memory_space<vmem>>[vector<16xi32>], vector<16xi32>,
    %dma_start3A = arith.constant 0 : i32
    %dma_start3A_372 = arith.constant 0 : i32
    %dma_start3A_373 = tpu.memref_slice %arg3[%dma_start3A, %dma_start3A_372] : memref<262144x128xf32, #tpu.memory_space<hbm>> -> memref<262144x128xf32, #tpu.memory_space<hbm>>
    tpu.enqueue_indirect_dma source(%dma_start3A_373 : memref<262144x128xf32, #tpu.memory_space<hbm>>) target(%arg8 : memref<256x128xf32, #tpu.memory_space<vmem>>) offsets(%arg6 : memref<256xi32, #tpu.memory_space<vmem>>) semaphore(%arg11 : memref<!tpu.dma_semaphore, #tpu.memory_space<semaphore_mem>>)
    %get3A_374 = arith.constant 0 : i32
    %get3A_375 = arith.constant 0 : i32
    %get3A_376 = arith.index_cast %get3A_374 : i32 to index
    %get3A_377 = arith.index_cast %get3A_375 : i32 to index
    %get3A_378 = arith.constant 32 : index
    %get3A_379 = tpu.vector_load %arg5[%get3A_376, %get3A_377, %get3A_378] {strides = array<i32>} : memref<8x8x128xi32, #tpu.memory_space<vmem>>, vector<16xi32>,
    %add3A_380 = arith.constant 0 : i32
    %add3A_381 = vector.broadcast %add3A_380 : i32 to vector<16xi32>
    %add3A_382 = arith.addi %add3A_381, %iota3A : vector<16xi32>
    %mul3A_383 = arith.constant 8 : i32
    %mul3A_384 = vector.broadcast %mul3A_383 : i32 to vector<16xi32>
    %mul3A_385 = arith.muli %add3A_382, %mul3A_384 : vector<16xi32>
    %add3A_386 = arith.constant 0 : i32
    %add3A_387 = vector.broadcast %add3A_386 : i32 to vector<16xi32>
    %add3A_388 = arith.addi %mul3A_385, %add3A_387 : vector<16xi32>
    %mul3A_389 = arith.constant 16384 : i32
    %mul3A_390 = arith.muli %select_n3A, %mul3A_389 : i32
    %add3A_391 = vector.broadcast %mul3A_390 : i32 to vector<16xi32>
    %add3A_392 = arith.addi %get3A_379, %add3A_391 : vector<16xi32>
    tpu.vector_store_idx %arg7[%add3A_388], %add3A_392 : memref<256xi32, #tpu.memory_space<vmem>>[vector<16xi32>], vector<16xi32>,
    %get3A_393 = arith.constant 0 : i32
    %get3A_394 = arith.constant 0 : i32
    %get3A_395 = arith.index_cast %get3A_393 : i32 to index
    %get3A_396 = arith.index_cast %get3A_394 : i32 to index
    %get3A_397 = arith.constant 48 : index
    %get3A_398 = tpu.vector_load %arg5[%get3A_395, %get3A_396, %get3A_397] {strides = array<i32>} : memref<8x8x128xi32, #tpu.memory_space<vmem>>, vector<16xi32>,
    %add3A_399 = arith.constant 16 : i32
    %add3A_400 = vector.broadcast %add3A_399 : i32 to vector<16xi32>
    %add3A_401 = arith.addi %add3A_400, %iota3A : vector<16xi32>
    %mul3A_402 = arith.constant 8 : i32
    %mul3A_403 = vector.broadcast %mul3A_402 : i32 to vector<16xi32>
    %mul3A_404 = arith.muli %add3A_401, %mul3A_403 : vector<16xi32>
    %add3A_405 = arith.constant 0 : i32
    %add3A_406 = vector.broadcast %add3A_405 : i32 to vector<16xi32>
    %add3A_407 = arith.addi %mul3A_404, %add3A_406 : vector<16xi32>
    %mul3A_408 = arith.constant 16384 : i32
    %mul3A_409 = arith.muli %select_n3A, %mul3A_408 : i32
    %add3A_410 = vector.broadcast %mul3A_409 : i32 to vector<16xi32>
    %add3A_411 = arith.addi %get3A_398, %add3A_410 : vector<16xi32>
    tpu.vector_store_idx %arg7[%add3A_407], %add3A_411 : memref<256xi32, #tpu.memory_space<vmem>>[vector<16xi32>], vector<16xi32>,
    %get3A_412 = arith.constant 1 : i32
    %get3A_413 = arith.constant 0 : i32
    %get3A_414 = arith.index_cast %get3A_412 : i32 to index
    %get3A_415 = arith.index_cast %get3A_413 : i32 to index
    %get3A_416 = arith.constant 32 : index
    %get3A_417 = tpu.vector_load %arg5[%get3A_414, %get3A_415, %get3A_416] {strides = array<i32>} : memref<8x8x128xi32, #tpu.memory_space<vmem>>, vector<16xi32>,
    %add3A_418 = arith.constant 0 : i32
    %add3A_419 = vector.broadcast %add3A_418 : i32 to vector<16xi32>
    %add3A_420 = arith.addi %add3A_419, %iota3A : vector<16xi32>
    %mul3A_421 = arith.constant 8 : i32
    %mul3A_422 = vector.broadcast %mul3A_421 : i32 to vector<16xi32>
    %mul3A_423 = arith.muli %add3A_420, %mul3A_422 : vector<16xi32>
    %add3A_424 = arith.constant 1 : i32
    %add3A_425 = vector.broadcast %add3A_424 : i32 to vector<16xi32>
    %add3A_426 = arith.addi %mul3A_423, %add3A_425 : vector<16xi32>
    %mul3A_427 = arith.constant 16384 : i32
    %mul3A_428 = arith.muli %select_n3A, %mul3A_427 : i32
    %add3A_429 = vector.broadcast %mul3A_428 : i32 to vector<16xi32>
    %add3A_430 = arith.addi %get3A_417, %add3A_429 : vector<16xi32>
    tpu.vector_store_idx %arg7[%add3A_426], %add3A_430 : memref<256xi32, #tpu.memory_space<vmem>>[vector<16xi32>], vector<16xi32>,
    %get3A_431 = arith.constant 1 : i32
    %get3A_432 = arith.constant 0 : i32
    %get3A_433 = arith.index_cast %get3A_431 : i32 to index
    %get3A_434 = arith.index_cast %get3A_432 : i32 to index
    %get3A_435 = arith.constant 48 : index
    %get3A_436 = tpu.vector_load %arg5[%get3A_433, %get3A_434, %get3A_435] {strides = array<i32>} : memref<8x8x128xi32, #tpu.memory_space<vmem>>, vector<16xi32>,
    %add3A_437 = arith.constant 16 : i32
    %add3A_438 = vector.broadcast %add3A_437 : i32 to vector<16xi32>
    %add3A_439 = arith.addi %add3A_438, %iota3A : vector<16xi32>
    %mul3A_440 = arith.constant 8 : i32
    %mul3A_441 = vector.broadcast %mul3A_440 : i32 to vector<16xi32>
    %mul3A_442 = arith.muli %add3A_439, %mul3A_441 : vector<16xi32>
    %add3A_443 = arith.constant 1 : i32
    %add3A_444 = vector.broadcast %add3A_443 : i32 to vector<16xi32>
    %add3A_445 = arith.addi %mul3A_442, %add3A_444 : vector<16xi32>
    %mul3A_446 = arith.constant 16384 : i32
    %mul3A_447 = arith.muli %select_n3A, %mul3A_446 : i32
    %add3A_448 = vector.broadcast %mul3A_447 : i32 to vector<16xi32>
    %add3A_449 = arith.addi %get3A_436, %add3A_448 : vector<16xi32>
    tpu.vector_store_idx %arg7[%add3A_445], %add3A_449 : memref<256xi32, #tpu.memory_space<vmem>>[vector<16xi32>], vector<16xi32>,
    %get3A_450 = arith.constant 2 : i32
    %get3A_451 = arith.constant 0 : i32
    %get3A_452 = arith.index_cast %get3A_450 : i32 to index
    %get3A_453 = arith.index_cast %get3A_451 : i32 to index
    %get3A_454 = arith.constant 32 : index
    %get3A_455 = tpu.vector_load %arg5[%get3A_452, %get3A_453, %get3A_454] {strides = array<i32>} : memref<8x8x128xi32, #tpu.memory_space<vmem>>, vector<16xi32>,
    %add3A_456 = arith.constant 0 : i32
    %add3A_457 = vector.broadcast %add3A_456 : i32 to vector<16xi32>
    %add3A_458 = arith.addi %add3A_457, %iota3A : vector<16xi32>
    %mul3A_459 = arith.constant 8 : i32
    %mul3A_460 = vector.broadcast %mul3A_459 : i32 to vector<16xi32>
    %mul3A_461 = arith.muli %add3A_458, %mul3A_460 : vector<16xi32>
    %add3A_462 = arith.constant 2 : i32
    %add3A_463 = vector.broadcast %add3A_462 : i32 to vector<16xi32>
    %add3A_464 = arith.addi %mul3A_461, %add3A_463 : vector<16xi32>
    %mul3A_465 = arith.constant 16384 : i32
    %mul3A_466 = arith.muli %select_n3A, %mul3A_465 : i32
    %add3A_467 = vector.broadcast %mul3A_466 : i32 to vector<16xi32>
    %add3A_468 = arith.addi %get3A_455, %add3A_467 : vector<16xi32>
    tpu.vector_store_idx %arg7[%add3A_464], %add3A_468 : memref<256xi32, #tpu.memory_space<vmem>>[vector<16xi32>], vector<16xi32>,
    %get3A_469 = arith.constant 2 : i32
    %get3A_470 = arith.constant 0 : i32
    %get3A_471 = arith.index_cast %get3A_469 : i32 to index
    %get3A_472 = arith.index_cast %get3A_470 : i32 to index
    %get3A_473 = arith.constant 48 : index
    %get3A_474 = tpu.vector_load %arg5[%get3A_471, %get3A_472, %get3A_473] {strides = array<i32>} : memref<8x8x128xi32, #tpu.memory_space<vmem>>, vector<16xi32>,
    %add3A_475 = arith.constant 16 : i32
    %add3A_476 = vector.broadcast %add3A_475 : i32 to vector<16xi32>
    %add3A_477 = arith.addi %add3A_476, %iota3A : vector<16xi32>
    %mul3A_478 = arith.constant 8 : i32
    %mul3A_479 = vector.broadcast %mul3A_478 : i32 to vector<16xi32>
    %mul3A_480 = arith.muli %add3A_477, %mul3A_479 : vector<16xi32>
    %add3A_481 = arith.constant 2 : i32
    %add3A_482 = vector.broadcast %add3A_481 : i32 to vector<16xi32>
    %add3A_483 = arith.addi %mul3A_480, %add3A_482 : vector<16xi32>
    %mul3A_484 = arith.constant 16384 : i32
    %mul3A_485 = arith.muli %select_n3A, %mul3A_484 : i32
    %add3A_486 = vector.broadcast %mul3A_485 : i32 to vector<16xi32>
    %add3A_487 = arith.addi %get3A_474, %add3A_486 : vector<16xi32>
    tpu.vector_store_idx %arg7[%add3A_483], %add3A_487 : memref<256xi32, #tpu.memory_space<vmem>>[vector<16xi32>], vector<16xi32>,
    %get3A_488 = arith.constant 3 : i32
    %get3A_489 = arith.constant 0 : i32
    %get3A_490 = arith.index_cast %get3A_488 : i32 to index
    %get3A_491 = arith.index_cast %get3A_489 : i32 to index
    %get3A_492 = arith.constant 32 : index
    %get3A_493 = tpu.vector_load %arg5[%get3A_490, %get3A_491, %get3A_492] {strides = array<i32>} : memref<8x8x128xi32, #tpu.memory_space<vmem>>, vector<16xi32>,
    %add3A_494 = arith.constant 0 : i32
    %add3A_495 = vector.broadcast %add3A_494 : i32 to vector<16xi32>
    %add3A_496 = arith.addi %add3A_495, %iota3A : vector<16xi32>
    %mul3A_497 = arith.constant 8 : i32
    %mul3A_498 = vector.broadcast %mul3A_497 : i32 to vector<16xi32>
    %mul3A_499 = arith.muli %add3A_496, %mul3A_498 : vector<16xi32>
    %add3A_500 = arith.constant 3 : i32
    %add3A_501 = vector.broadcast %add3A_500 : i32 to vector<16xi32>
    %add3A_502 = arith.addi %mul3A_499, %add3A_501 : vector<16xi32>
    %mul3A_503 = arith.constant 16384 : i32
    %mul3A_504 = arith.muli %select_n3A, %mul3A_503 : i32
    %add3A_505 = vector.broadcast %mul3A_504 : i32 to vector<16xi32>
    %add3A_506 = arith.addi %get3A_493, %add3A_505 : vector<16xi32>
    tpu.vector_store_idx %arg7[%add3A_502], %add3A_506 : memref<256xi32, #tpu.memory_space<vmem>>[vector<16xi32>], vector<16xi32>,
    %get3A_507 = arith.constant 3 : i32
    %get3A_508 = arith.constant 0 : i32
    %get3A_509 = arith.index_cast %get3A_507 : i32 to index
    %get3A_510 = arith.index_cast %get3A_508 : i32 to index
    %get3A_511 = arith.constant 48 : index
    %get3A_512 = tpu.vector_load %arg5[%get3A_509, %get3A_510, %get3A_511] {strides = array<i32>} : memref<8x8x128xi32, #tpu.memory_space<vmem>>, vector<16xi32>,
    %add3A_513 = arith.constant 16 : i32
    %add3A_514 = vector.broadcast %add3A_513 : i32 to vector<16xi32>
    %add3A_515 = arith.addi %add3A_514, %iota3A : vector<16xi32>
    %mul3A_516 = arith.constant 8 : i32
    %mul3A_517 = vector.broadcast %mul3A_516 : i32 to vector<16xi32>
    %mul3A_518 = arith.muli %add3A_515, %mul3A_517 : vector<16xi32>
    %add3A_519 = arith.constant 3 : i32
    %add3A_520 = vector.broadcast %add3A_519 : i32 to vector<16xi32>
    %add3A_521 = arith.addi %mul3A_518, %add3A_520 : vector<16xi32>
    %mul3A_522 = arith.constant 16384 : i32
    %mul3A_523 = arith.muli %select_n3A, %mul3A_522 : i32
    %add3A_524 = vector.broadcast %mul3A_523 : i32 to vector<16xi32>
    %add3A_525 = arith.addi %get3A_512, %add3A_524 : vector<16xi32>
    tpu.vector_store_idx %arg7[%add3A_521], %add3A_525 : memref<256xi32, #tpu.memory_space<vmem>>[vector<16xi32>], vector<16xi32>,
    %get3A_526 = arith.constant 4 : i32
    %get3A_527 = arith.constant 0 : i32
    %get3A_528 = arith.index_cast %get3A_526 : i32 to index
    %get3A_529 = arith.index_cast %get3A_527 : i32 to index
    %get3A_530 = arith.constant 32 : index
    %get3A_531 = tpu.vector_load %arg5[%get3A_528, %get3A_529, %get3A_530] {strides = array<i32>} : memref<8x8x128xi32, #tpu.memory_space<vmem>>, vector<16xi32>,
    %add3A_532 = arith.constant 0 : i32
    %add3A_533 = vector.broadcast %add3A_532 : i32 to vector<16xi32>
    %add3A_534 = arith.addi %add3A_533, %iota3A : vector<16xi32>
    %mul3A_535 = arith.constant 8 : i32
    %mul3A_536 = vector.broadcast %mul3A_535 : i32 to vector<16xi32>
    %mul3A_537 = arith.muli %add3A_534, %mul3A_536 : vector<16xi32>
    %add3A_538 = arith.constant 4 : i32
    %add3A_539 = vector.broadcast %add3A_538 : i32 to vector<16xi32>
    %add3A_540 = arith.addi %mul3A_537, %add3A_539 : vector<16xi32>
    %mul3A_541 = arith.constant 16384 : i32
    %mul3A_542 = arith.muli %select_n3A, %mul3A_541 : i32
    %add3A_543 = vector.broadcast %mul3A_542 : i32 to vector<16xi32>
    %add3A_544 = arith.addi %get3A_531, %add3A_543 : vector<16xi32>
    tpu.vector_store_idx %arg7[%add3A_540], %add3A_544 : memref<256xi32, #tpu.memory_space<vmem>>[vector<16xi32>], vector<16xi32>,
    %get3A_545 = arith.constant 4 : i32
    %get3A_546 = arith.constant 0 : i32
    %get3A_547 = arith.index_cast %get3A_545 : i32 to index
    %get3A_548 = arith.index_cast %get3A_546 : i32 to index
    %get3A_549 = arith.constant 48 : index
    %get3A_550 = tpu.vector_load %arg5[%get3A_547, %get3A_548, %get3A_549] {strides = array<i32>} : memref<8x8x128xi32, #tpu.memory_space<vmem>>, vector<16xi32>,
    %add3A_551 = arith.constant 16 : i32
    %add3A_552 = vector.broadcast %add3A_551 : i32 to vector<16xi32>
    %add3A_553 = arith.addi %add3A_552, %iota3A : vector<16xi32>
    %mul3A_554 = arith.constant 8 : i32
    %mul3A_555 = vector.broadcast %mul3A_554 : i32 to vector<16xi32>
    %mul3A_556 = arith.muli %add3A_553, %mul3A_555 : vector<16xi32>
    %add3A_557 = arith.constant 4 : i32
    %add3A_558 = vector.broadcast %add3A_557 : i32 to vector<16xi32>
    %add3A_559 = arith.addi %mul3A_556, %add3A_558 : vector<16xi32>
    %mul3A_560 = arith.constant 16384 : i32
    %mul3A_561 = arith.muli %select_n3A, %mul3A_560 : i32
    %add3A_562 = vector.broadcast %mul3A_561 : i32 to vector<16xi32>
    %add3A_563 = arith.addi %get3A_550, %add3A_562 : vector<16xi32>
    tpu.vector_store_idx %arg7[%add3A_559], %add3A_563 : memref<256xi32, #tpu.memory_space<vmem>>[vector<16xi32>], vector<16xi32>,
    %get3A_564 = arith.constant 5 : i32
    %get3A_565 = arith.constant 0 : i32
    %get3A_566 = arith.index_cast %get3A_564 : i32 to index
    %get3A_567 = arith.index_cast %get3A_565 : i32 to index
    %get3A_568 = arith.constant 32 : index
    %get3A_569 = tpu.vector_load %arg5[%get3A_566, %get3A_567, %get3A_568] {strides = array<i32>} : memref<8x8x128xi32, #tpu.memory_space<vmem>>, vector<16xi32>,
    %add3A_570 = arith.constant 0 : i32
    %add3A_571 = vector.broadcast %add3A_570 : i32 to vector<16xi32>
    %add3A_572 = arith.addi %add3A_571, %iota3A : vector<16xi32>
    %mul3A_573 = arith.constant 8 : i32
    %mul3A_574 = vector.broadcast %mul3A_573 : i32 to vector<16xi32>
    %mul3A_575 = arith.muli %add3A_572, %mul3A_574 : vector<16xi32>
    %add3A_576 = arith.constant 5 : i32
    %add3A_577 = vector.broadcast %add3A_576 : i32 to vector<16xi32>
    %add3A_578 = arith.addi %mul3A_575, %add3A_577 : vector<16xi32>
    %mul3A_579 = arith.constant 16384 : i32
    %mul3A_580 = arith.muli %select_n3A, %mul3A_579 : i32
    %add3A_581 = vector.broadcast %mul3A_580 : i32 to vector<16xi32>
    %add3A_582 = arith.addi %get3A_569, %add3A_581 : vector<16xi32>
    tpu.vector_store_idx %arg7[%add3A_578], %add3A_582 : memref<256xi32, #tpu.memory_space<vmem>>[vector<16xi32>], vector<16xi32>,
    %get3A_583 = arith.constant 5 : i32
    %get3A_584 = arith.constant 0 : i32
    %get3A_585 = arith.index_cast %get3A_583 : i32 to index
    %get3A_586 = arith.index_cast %get3A_584 : i32 to index
    %get3A_587 = arith.constant 48 : index
    %get3A_588 = tpu.vector_load %arg5[%get3A_585, %get3A_586, %get3A_587] {strides = array<i32>} : memref<8x8x128xi32, #tpu.memory_space<vmem>>, vector<16xi32>,
    %add3A_589 = arith.constant 16 : i32
    %add3A_590 = vector.broadcast %add3A_589 : i32 to vector<16xi32>
    %add3A_591 = arith.addi %add3A_590, %iota3A : vector<16xi32>
    %mul3A_592 = arith.constant 8 : i32
    %mul3A_593 = vector.broadcast %mul3A_592 : i32 to vector<16xi32>
    %mul3A_594 = arith.muli %add3A_591, %mul3A_593 : vector<16xi32>
    %add3A_595 = arith.constant 5 : i32
    %add3A_596 = vector.broadcast %add3A_595 : i32 to vector<16xi32>
    %add3A_597 = arith.addi %mul3A_594, %add3A_596 : vector<16xi32>
    %mul3A_598 = arith.constant 16384 : i32
    %mul3A_599 = arith.muli %select_n3A, %mul3A_598 : i32
    %add3A_600 = vector.broadcast %mul3A_599 : i32 to vector<16xi32>
    %add3A_601 = arith.addi %get3A_588, %add3A_600 : vector<16xi32>
    tpu.vector_store_idx %arg7[%add3A_597], %add3A_601 : memref<256xi32, #tpu.memory_space<vmem>>[vector<16xi32>], vector<16xi32>,
    %get3A_602 = arith.constant 6 : i32
    %get3A_603 = arith.constant 0 : i32
    %get3A_604 = arith.index_cast %get3A_602 : i32 to index
    %get3A_605 = arith.index_cast %get3A_603 : i32 to index
    %get3A_606 = arith.constant 32 : index
    %get3A_607 = tpu.vector_load %arg5[%get3A_604, %get3A_605, %get3A_606] {strides = array<i32>} : memref<8x8x128xi32, #tpu.memory_space<vmem>>, vector<16xi32>,
    %add3A_608 = arith.constant 0 : i32
    %add3A_609 = vector.broadcast %add3A_608 : i32 to vector<16xi32>
    %add3A_610 = arith.addi %add3A_609, %iota3A : vector<16xi32>
    %mul3A_611 = arith.constant 8 : i32
    %mul3A_612 = vector.broadcast %mul3A_611 : i32 to vector<16xi32>
    %mul3A_613 = arith.muli %add3A_610, %mul3A_612 : vector<16xi32>
    %add3A_614 = arith.constant 6 : i32
    %add3A_615 = vector.broadcast %add3A_614 : i32 to vector<16xi32>
    %add3A_616 = arith.addi %mul3A_613, %add3A_615 : vector<16xi32>
    %mul3A_617 = arith.constant 16384 : i32
    %mul3A_618 = arith.muli %select_n3A, %mul3A_617 : i32
    %add3A_619 = vector.broadcast %mul3A_618 : i32 to vector<16xi32>
    %add3A_620 = arith.addi %get3A_607, %add3A_619 : vector<16xi32>
    tpu.vector_store_idx %arg7[%add3A_616], %add3A_620 : memref<256xi32, #tpu.memory_space<vmem>>[vector<16xi32>], vector<16xi32>,
    %get3A_621 = arith.constant 6 : i32
    %get3A_622 = arith.constant 0 : i32
    %get3A_623 = arith.index_cast %get3A_621 : i32 to index
    %get3A_624 = arith.index_cast %get3A_622 : i32 to index
    %get3A_625 = arith.constant 48 : index
    %get3A_626 = tpu.vector_load %arg5[%get3A_623, %get3A_624, %get3A_625] {strides = array<i32>} : memref<8x8x128xi32, #tpu.memory_space<vmem>>, vector<16xi32>,
    %add3A_627 = arith.constant 16 : i32
    %add3A_628 = vector.broadcast %add3A_627 : i32 to vector<16xi32>
    %add3A_629 = arith.addi %add3A_628, %iota3A : vector<16xi32>
    %mul3A_630 = arith.constant 8 : i32
    %mul3A_631 = vector.broadcast %mul3A_630 : i32 to vector<16xi32>
    %mul3A_632 = arith.muli %add3A_629, %mul3A_631 : vector<16xi32>
    %add3A_633 = arith.constant 6 : i32
    %add3A_634 = vector.broadcast %add3A_633 : i32 to vector<16xi32>
    %add3A_635 = arith.addi %mul3A_632, %add3A_634 : vector<16xi32>
    %mul3A_636 = arith.constant 16384 : i32
    %mul3A_637 = arith.muli %select_n3A, %mul3A_636 : i32
    %add3A_638 = vector.broadcast %mul3A_637 : i32 to vector<16xi32>
    %add3A_639 = arith.addi %get3A_626, %add3A_638 : vector<16xi32>
    tpu.vector_store_idx %arg7[%add3A_635], %add3A_639 : memref<256xi32, #tpu.memory_space<vmem>>[vector<16xi32>], vector<16xi32>,
    %get3A_640 = arith.constant 7 : i32
    %get3A_641 = arith.constant 0 : i32
    %get3A_642 = arith.index_cast %get3A_640 : i32 to index
    %get3A_643 = arith.index_cast %get3A_641 : i32 to index
    %get3A_644 = arith.constant 32 : index
    %get3A_645 = tpu.vector_load %arg5[%get3A_642, %get3A_643, %get3A_644] {strides = array<i32>} : memref<8x8x128xi32, #tpu.memory_space<vmem>>, vector<16xi32>,
    %add3A_646 = arith.constant 0 : i32
    %add3A_647 = vector.broadcast %add3A_646 : i32 to vector<16xi32>
    %add3A_648 = arith.addi %add3A_647, %iota3A : vector<16xi32>
    %mul3A_649 = arith.constant 8 : i32
    %mul3A_650 = vector.broadcast %mul3A_649 : i32 to vector<16xi32>
    %mul3A_651 = arith.muli %add3A_648, %mul3A_650 : vector<16xi32>
    %add3A_652 = arith.constant 7 : i32
    %add3A_653 = vector.broadcast %add3A_652 : i32 to vector<16xi32>
    %add3A_654 = arith.addi %mul3A_651, %add3A_653 : vector<16xi32>
    %mul3A_655 = arith.constant 16384 : i32
    %mul3A_656 = arith.muli %select_n3A, %mul3A_655 : i32
    %add3A_657 = vector.broadcast %mul3A_656 : i32 to vector<16xi32>
    %add3A_658 = arith.addi %get3A_645, %add3A_657 : vector<16xi32>
    tpu.vector_store_idx %arg7[%add3A_654], %add3A_658 : memref<256xi32, #tpu.memory_space<vmem>>[vector<16xi32>], vector<16xi32>,
    %get3A_659 = arith.constant 7 : i32
    %get3A_660 = arith.constant 0 : i32
    %get3A_661 = arith.index_cast %get3A_659 : i32 to index
    %get3A_662 = arith.index_cast %get3A_660 : i32 to index
    %get3A_663 = arith.constant 48 : index
    %get3A_664 = tpu.vector_load %arg5[%get3A_661, %get3A_662, %get3A_663] {strides = array<i32>} : memref<8x8x128xi32, #tpu.memory_space<vmem>>, vector<16xi32>,
    %add3A_665 = arith.constant 16 : i32
    %add3A_666 = vector.broadcast %add3A_665 : i32 to vector<16xi32>
    %add3A_667 = arith.addi %add3A_666, %iota3A : vector<16xi32>
    %mul3A_668 = arith.constant 8 : i32
    %mul3A_669 = vector.broadcast %mul3A_668 : i32 to vector<16xi32>
    %mul3A_670 = arith.muli %add3A_667, %mul3A_669 : vector<16xi32>
    %add3A_671 = arith.constant 7 : i32
    %add3A_672 = vector.broadcast %add3A_671 : i32 to vector<16xi32>
    %add3A_673 = arith.addi %mul3A_670, %add3A_672 : vector<16xi32>
    %mul3A_674 = arith.constant 16384 : i32
    %mul3A_675 = arith.muli %select_n3A, %mul3A_674 : i32
    %add3A_676 = vector.broadcast %mul3A_675 : i32 to vector<16xi32>
    %add3A_677 = arith.addi %get3A_664, %add3A_676 : vector<16xi32>
    tpu.vector_store_idx %arg7[%add3A_673], %add3A_677 : memref<256xi32, #tpu.memory_space<vmem>>[vector<16xi32>], vector<16xi32>,
    %dma_start3A_678 = arith.constant 0 : i32
    %dma_start3A_679 = arith.constant 0 : i32
    %dma_start3A_680 = tpu.memref_slice %arg3[%dma_start3A_678, %dma_start3A_679] : memref<262144x128xf32, #tpu.memory_space<hbm>> -> memref<262144x128xf32, #tpu.memory_space<hbm>>
    tpu.enqueue_indirect_dma source(%dma_start3A_680 : memref<262144x128xf32, #tpu.memory_space<hbm>>) target(%arg9 : memref<256x128xf32, #tpu.memory_space<vmem>>) offsets(%arg7 : memref<256xi32, #tpu.memory_space<vmem>>) semaphore(%arg12 : memref<!tpu.dma_semaphore, #tpu.memory_space<semaphore_mem>>)
    %scan3A = arith.constant 0 : i32
    %scan3A_681 = arith.constant 0 : i32
    %scan3A_682 = arith.constant 16 : i32
    %scan3A_683 = arith.addi %scan3A_681, %scan3A_682 : i32
    %scan3A_684 = arith.constant 1 : i32
    scf.for %scan3A_686 = %scan3A_681 to %scan3A_683 step %scan3A_684  : i32 {
      %mul3A_687 = arith.constant 2 : i32
      %mul3A_688 = arith.muli %scan3A_686, %mul3A_687 : i32
      %add3A_689 = arith.constant 0 : i32
      %add3A_690 = arith.addi %mul3A_688, %add3A_689 : i32
      %dma_wait3A = arith.constant 0 : i32
      %dma_wait3A_691 = arith.constant 0 : i32
      %dma_wait3A_692 = tpu.memref_slice %arg3[%dma_wait3A, %dma_wait3A_691] : memref<262144x128xf32, #tpu.memory_space<hbm>> -> memref<256x128xf32, #tpu.memory_space<hbm>>
      %dma_wait3A_693 = arith.constant 0 : i32
      %dma_wait3A_694 = arith.constant 0 : i32
      %dma_wait3A_695 = tpu.memref_slice %arg3[%dma_wait3A_693, %dma_wait3A_694] : memref<262144x128xf32, #tpu.memory_space<hbm>> -> memref<256x128xf32, #tpu.memory_space<hbm>>
      tpu.wait_dma2 semaphore(%arg11 : memref<!tpu.dma_semaphore, #tpu.memory_space<semaphore_mem>>) src(%dma_wait3A_695 : memref<256x128xf32, #tpu.memory_space<hbm>>) dst(%arg8 : memref<256x128xf32, #tpu.memory_space<vmem>>)
      %scan3A_696 = arith.constant 0 : i32
      %scan3A_697 = arith.constant 0 : i32
      %scan3A_698 = arith.constant 32 : i32
      %scan3A_699 = arith.addi %scan3A_697, %scan3A_698 : i32
      %scan3A_700 = arith.constant 1 : i32
      scf.for %scan3A_790 = %scan3A_697 to %scan3A_699 step %scan3A_700  : i32 {
        %mul3A_791 = arith.constant 8 : i32
        %mul3A_792 = arith.muli %scan3A_790, %mul3A_791 : i32
        %add3A_793 = arith.constant 0 : i32
        %add3A_794 = arith.addi %mul3A_792, %add3A_793 : i32
        %get3A_795 = arith.index_cast %add3A_794 : i32 to index
        %get3A_796 = arith.constant 64 : index
        %get3A_797 = tpu.vector_load %arg8[%get3A_795, %get3A_796] {strides = array<i32>} : memref<256x128xf32, #tpu.memory_space<vmem>>, vector<16xf32>,
        %add3A_798 = arith.constant 1 : i32
        %add3A_799 = arith.addi %mul3A_792, %add3A_798 : i32
        %get3A_800 = arith.index_cast %add3A_799 : i32 to index
        %get3A_801 = arith.constant 64 : index
        %get3A_802 = tpu.vector_load %arg8[%get3A_800, %get3A_801] {strides = array<i32>} : memref<256x128xf32, #tpu.memory_space<vmem>>, vector<16xf32>,
        %add3A_803 = arith.constant 2 : i32
        %add3A_804 = arith.addi %mul3A_792, %add3A_803 : i32
        %get3A_805 = arith.index_cast %add3A_804 : i32 to index
        %get3A_806 = arith.constant 64 : index
        %get3A_807 = tpu.vector_load %arg8[%get3A_805, %get3A_806] {strides = array<i32>} : memref<256x128xf32, #tpu.memory_space<vmem>>, vector<16xf32>,
        %add3A_808 = arith.constant 3 : i32
        %add3A_809 = arith.addi %mul3A_792, %add3A_808 : i32
        %get3A_810 = arith.index_cast %add3A_809 : i32 to index
        %get3A_811 = arith.constant 64 : index
        %get3A_812 = tpu.vector_load %arg8[%get3A_810, %get3A_811] {strides = array<i32>} : memref<256x128xf32, #tpu.memory_space<vmem>>, vector<16xf32>,
        %add3A_813 = arith.constant 4 : i32
        %add3A_814 = arith.addi %mul3A_792, %add3A_813 : i32
        %get3A_815 = arith.index_cast %add3A_814 : i32 to index
        %get3A_816 = arith.constant 64 : index
        %get3A_817 = tpu.vector_load %arg8[%get3A_815, %get3A_816] {strides = array<i32>} : memref<256x128xf32, #tpu.memory_space<vmem>>, vector<16xf32>,
        %add3A_818 = arith.constant 5 : i32
        %add3A_819 = arith.addi %mul3A_792, %add3A_818 : i32
        %get3A_820 = arith.index_cast %add3A_819 : i32 to index
        %get3A_821 = arith.constant 64 : index
        %get3A_822 = tpu.vector_load %arg8[%get3A_820, %get3A_821] {strides = array<i32>} : memref<256x128xf32, #tpu.memory_space<vmem>>, vector<16xf32>,
        %add3A_823 = arith.constant 6 : i32
        %add3A_824 = arith.addi %mul3A_792, %add3A_823 : i32
        %get3A_825 = arith.index_cast %add3A_824 : i32 to index
        %get3A_826 = arith.constant 64 : index
        %get3A_827 = tpu.vector_load %arg8[%get3A_825, %get3A_826] {strides = array<i32>} : memref<256x128xf32, #tpu.memory_space<vmem>>, vector<16xf32>,
        %add3A_828 = arith.constant 7 : i32
        %add3A_829 = arith.addi %mul3A_792, %add3A_828 : i32
        %get3A_830 = arith.index_cast %add3A_829 : i32 to index
        %get3A_831 = arith.constant 64 : index
        %get3A_832 = tpu.vector_load %arg8[%get3A_830, %get3A_831] {strides = array<i32>} : memref<256x128xf32, #tpu.memory_space<vmem>>, vector<16xf32>,
        %max3A = arith.maximumf %get3A_797, %get3A_802 : vector<16xf32>
        %max3A_833 = arith.maximumf %max3A, %get3A_807 : vector<16xf32>
        %max3A_834 = arith.maximumf %max3A_833, %get3A_812 : vector<16xf32>
        %max3A_835 = arith.maximumf %max3A_834, %get3A_817 : vector<16xf32>
        %max3A_836 = arith.maximumf %max3A_835, %get3A_822 : vector<16xf32>
        %max3A_837 = arith.maximumf %max3A_836, %get3A_827 : vector<16xf32>
        %max3A_838 = arith.maximumf %max3A_837, %get3A_832 : vector<16xf32>
        %sub3A_839 = arith.subf %get3A_797, %max3A_838 : vector<16xf32>
        %exp3A = math.exp %sub3A_839 : vector<16xf32>
        %sub3A_840 = arith.subf %get3A_802, %max3A_838 : vector<16xf32>
        %exp3A_841 = math.exp %sub3A_840 : vector<16xf32>
        %sub3A_842 = arith.subf %get3A_807, %max3A_838 : vector<16xf32>
        %exp3A_843 = math.exp %sub3A_842 : vector<16xf32>
        %sub3A_844 = arith.subf %get3A_812, %max3A_838 : vector<16xf32>
        %exp3A_845 = math.exp %sub3A_844 : vector<16xf32>
        %sub3A_846 = arith.subf %get3A_817, %max3A_838 : vector<16xf32>
        %exp3A_847 = math.exp %sub3A_846 : vector<16xf32>
        %sub3A_848 = arith.subf %get3A_822, %max3A_838 : vector<16xf32>
        %exp3A_849 = math.exp %sub3A_848 : vector<16xf32>
        %sub3A_850 = arith.subf %get3A_827, %max3A_838 : vector<16xf32>
        %exp3A_851 = math.exp %sub3A_850 : vector<16xf32>
        %sub3A_852 = arith.subf %get3A_832, %max3A_838 : vector<16xf32>
        %exp3A_853 = math.exp %sub3A_852 : vector<16xf32>
        %add3A_854 = arith.addf %exp3A, %exp3A_841 : vector<16xf32>
        %add3A_855 = arith.addf %add3A_854, %exp3A_843 : vector<16xf32>
        %add3A_856 = arith.addf %add3A_855, %exp3A_845 : vector<16xf32>
        %add3A_857 = arith.addf %add3A_856, %exp3A_847 : vector<16xf32>
        %add3A_858 = arith.addf %add3A_857, %exp3A_849 : vector<16xf32>
        %add3A_859 = arith.addf %add3A_858, %exp3A_851 : vector<16xf32>
        %add3A_860 = arith.addf %add3A_859, %exp3A_853 : vector<16xf32>
        %div3A_861 = arith.constant 1.000000e+00 : f32
        %div3A_862 = vector.broadcast %div3A_861 : f32 to vector<16xf32>
        %div3A_863 = arith.divf %div3A_862, %add3A_860 : vector<16xf32>
        %mul3A_864 = arith.mulf %exp3A, %div3A_863 : vector<16xf32>
        %add3A_865 = arith.constant 0 : i32
        %add3A_866 = arith.addi %mul3A_792, %add3A_865 : i32
        %get3A_867 = arith.index_cast %add3A_866 : i32 to index
        %get3A_868 = arith.constant 0 : index
        %get3A_869 = tpu.vector_load %arg8[%get3A_867, %get3A_868] {strides = array<i32>} : memref<256x128xf32, #tpu.memory_space<vmem>>, vector<16xf32>,
        %mul3A_870 = arith.mulf %mul3A_864, %get3A_869 : vector<16xf32>
        %get3A_871 = arith.index_cast %add3A_866 : i32 to index
        %get3A_872 = arith.constant 16 : index
        %get3A_873 = tpu.vector_load %arg8[%get3A_871, %get3A_872] {strides = array<i32>} : memref<256x128xf32, #tpu.memory_space<vmem>>, vector<16xf32>,
        %mul3A_874 = arith.mulf %mul3A_864, %get3A_873 : vector<16xf32>
        %get3A_875 = arith.index_cast %add3A_866 : i32 to index
        %get3A_876 = arith.constant 32 : index
        %get3A_877 = tpu.vector_load %arg8[%get3A_875, %get3A_876] {strides = array<i32>} : memref<256x128xf32, #tpu.memory_space<vmem>>, vector<16xf32>,
        %mul3A_878 = arith.mulf %mul3A_864, %get3A_877 : vector<16xf32>
        %get3A_879 = arith.index_cast %add3A_866 : i32 to index
        %get3A_880 = arith.constant 48 : index
        %get3A_881 = tpu.vector_load %arg8[%get3A_879, %get3A_880] {strides = array<i32>} : memref<256x128xf32, #tpu.memory_space<vmem>>, vector<16xf32>,
        %mul3A_882 = arith.mulf %mul3A_864, %get3A_881 : vector<16xf32>
        %mul3A_883 = arith.mulf %exp3A_841, %div3A_863 : vector<16xf32>
        %add3A_884 = arith.constant 1 : i32
        %add3A_885 = arith.addi %mul3A_792, %add3A_884 : i32
        %get3A_886 = arith.index_cast %add3A_885 : i32 to index
        %get3A_887 = arith.constant 0 : index
        %get3A_888 = tpu.vector_load %arg8[%get3A_886, %get3A_887] {strides = array<i32>} : memref<256x128xf32, #tpu.memory_space<vmem>>, vector<16xf32>,
        %mul3A_889 = arith.mulf %mul3A_883, %get3A_888 : vector<16xf32>
        %add3A_890 = arith.addf %mul3A_870, %mul3A_889 : vector<16xf32>
        %get3A_891 = arith.index_cast %add3A_885 : i32 to index
        %get3A_892 = arith.constant 16 : index
        %get3A_893 = tpu.vector_load %arg8[%get3A_891, %get3A_892] {strides = array<i32>} : memref<256x128xf32, #tpu.memory_space<vmem>>, vector<16xf32>,
        %mul3A_894 = arith.mulf %mul3A_883, %get3A_893 : vector<16xf32>
        %add3A_895 = arith.addf %mul3A_874, %mul3A_894 : vector<16xf32>
        %get3A_896 = arith.index_cast %add3A_885 : i32 to index
        %get3A_897 = arith.constant 32 : index
        %get3A_898 = tpu.vector_load %arg8[%get3A_896, %get3A_897] {strides = array<i32>} : memref<256x128xf32, #tpu.memory_space<vmem>>, vector<16xf32>,
        %mul3A_899 = arith.mulf %mul3A_883, %get3A_898 : vector<16xf32>
        %add3A_900 = arith.addf %mul3A_878, %mul3A_899 : vector<16xf32>
        %get3A_901 = arith.index_cast %add3A_885 : i32 to index
        %get3A_902 = arith.constant 48 : index
        %get3A_903 = tpu.vector_load %arg8[%get3A_901, %get3A_902] {strides = array<i32>} : memref<256x128xf32, #tpu.memory_space<vmem>>, vector<16xf32>,
        %mul3A_904 = arith.mulf %mul3A_883, %get3A_903 : vector<16xf32>
        %add3A_905 = arith.addf %mul3A_882, %mul3A_904 : vector<16xf32>
        %mul3A_906 = arith.mulf %exp3A_843, %div3A_863 : vector<16xf32>
        %add3A_907 = arith.constant 2 : i32
        %add3A_908 = arith.addi %mul3A_792, %add3A_907 : i32
        %get3A_909 = arith.index_cast %add3A_908 : i32 to index
        %get3A_910 = arith.constant 0 : index
        %get3A_911 = tpu.vector_load %arg8[%get3A_909, %get3A_910] {strides = array<i32>} : memref<256x128xf32, #tpu.memory_space<vmem>>, vector<16xf32>,
        %mul3A_912 = arith.mulf %mul3A_906, %get3A_911 : vector<16xf32>
        %add3A_913 = arith.addf %add3A_890, %mul3A_912 : vector<16xf32>
        %get3A_914 = arith.index_cast %add3A_908 : i32 to index
        %get3A_915 = arith.constant 16 : index
        %get3A_916 = tpu.vector_load %arg8[%get3A_914, %get3A_915] {strides = array<i32>} : memref<256x128xf32, #tpu.memory_space<vmem>>, vector<16xf32>,
        %mul3A_917 = arith.mulf %mul3A_906, %get3A_916 : vector<16xf32>
        %add3A_918 = arith.addf %add3A_895, %mul3A_917 : vector<16xf32>
        %get3A_919 = arith.index_cast %add3A_908 : i32 to index
        %get3A_920 = arith.constant 32 : index
        %get3A_921 = tpu.vector_load %arg8[%get3A_919, %get3A_920] {strides = array<i32>} : memref<256x128xf32, #tpu.memory_space<vmem>>, vector<16xf32>,
        %mul3A_922 = arith.mulf %mul3A_906, %get3A_921 : vector<16xf32>
        %add3A_923 = arith.addf %add3A_900, %mul3A_922 : vector<16xf32>
        %get3A_924 = arith.index_cast %add3A_908 : i32 to index
        %get3A_925 = arith.constant 48 : index
        %get3A_926 = tpu.vector_load %arg8[%get3A_924, %get3A_925] {strides = array<i32>} : memref<256x128xf32, #tpu.memory_space<vmem>>, vector<16xf32>,
        %mul3A_927 = arith.mulf %mul3A_906, %get3A_926 : vector<16xf32>
        %add3A_928 = arith.addf %add3A_905, %mul3A_927 : vector<16xf32>
        %mul3A_929 = arith.mulf %exp3A_845, %div3A_863 : vector<16xf32>
        %add3A_930 = arith.constant 3 : i32
        %add3A_931 = arith.addi %mul3A_792, %add3A_930 : i32
        %get3A_932 = arith.index_cast %add3A_931 : i32 to index
        %get3A_933 = arith.constant 0 : index
        %get3A_934 = tpu.vector_load %arg8[%get3A_932, %get3A_933] {strides = array<i32>} : memref<256x128xf32, #tpu.memory_space<vmem>>, vector<16xf32>,
        %mul3A_935 = arith.mulf %mul3A_929, %get3A_934 : vector<16xf32>
        %add3A_936 = arith.addf %add3A_913, %mul3A_935 : vector<16xf32>
        %get3A_937 = arith.index_cast %add3A_931 : i32 to index
        %get3A_938 = arith.constant 16 : index
        %get3A_939 = tpu.vector_load %arg8[%get3A_937, %get3A_938] {strides = array<i32>} : memref<256x128xf32, #tpu.memory_space<vmem>>, vector<16xf32>,
        %mul3A_940 = arith.mulf %mul3A_929, %get3A_939 : vector<16xf32>
        %add3A_941 = arith.addf %add3A_918, %mul3A_940 : vector<16xf32>
        %get3A_942 = arith.index_cast %add3A_931 : i32 to index
        %get3A_943 = arith.constant 32 : index
        %get3A_944 = tpu.vector_load %arg8[%get3A_942, %get3A_943] {strides = array<i32>} : memref<256x128xf32, #tpu.memory_space<vmem>>, vector<16xf32>,
        %mul3A_945 = arith.mulf %mul3A_929, %get3A_944 : vector<16xf32>
        %add3A_946 = arith.addf %add3A_923, %mul3A_945 : vector<16xf32>
        %get3A_947 = arith.index_cast %add3A_931 : i32 to index
        %get3A_948 = arith.constant 48 : index
        %get3A_949 = tpu.vector_load %arg8[%get3A_947, %get3A_948] {strides = array<i32>} : memref<256x128xf32, #tpu.memory_space<vmem>>, vector<16xf32>,
        %mul3A_950 = arith.mulf %mul3A_929, %get3A_949 : vector<16xf32>
        %add3A_951 = arith.addf %add3A_928, %mul3A_950 : vector<16xf32>
        %mul3A_952 = arith.mulf %exp3A_847, %div3A_863 : vector<16xf32>
        %add3A_953 = arith.constant 4 : i32
        %add3A_954 = arith.addi %mul3A_792, %add3A_953 : i32
        %get3A_955 = arith.index_cast %add3A_954 : i32 to index
        %get3A_956 = arith.constant 0 : index
        %get3A_957 = tpu.vector_load %arg8[%get3A_955, %get3A_956] {strides = array<i32>} : memref<256x128xf32, #tpu.memory_space<vmem>>, vector<16xf32>,
        %mul3A_958 = arith.mulf %mul3A_952, %get3A_957 : vector<16xf32>
        %add3A_959 = arith.addf %add3A_936, %mul3A_958 : vector<16xf32>
        %get3A_960 = arith.index_cast %add3A_954 : i32 to index
        %get3A_961 = arith.constant 16 : index
        %get3A_962 = tpu.vector_load %arg8[%get3A_960, %get3A_961] {strides = array<i32>} : memref<256x128xf32, #tpu.memory_space<vmem>>, vector<16xf32>,
        %mul3A_963 = arith.mulf %mul3A_952, %get3A_962 : vector<16xf32>
        %add3A_964 = arith.addf %add3A_941, %mul3A_963 : vector<16xf32>
        %get3A_965 = arith.index_cast %add3A_954 : i32 to index
        %get3A_966 = arith.constant 32 : index
        %get3A_967 = tpu.vector_load %arg8[%get3A_965, %get3A_966] {strides = array<i32>} : memref<256x128xf32, #tpu.memory_space<vmem>>, vector<16xf32>,
        %mul3A_968 = arith.mulf %mul3A_952, %get3A_967 : vector<16xf32>
        %add3A_969 = arith.addf %add3A_946, %mul3A_968 : vector<16xf32>
        %get3A_970 = arith.index_cast %add3A_954 : i32 to index
        %get3A_971 = arith.constant 48 : index
        %get3A_972 = tpu.vector_load %arg8[%get3A_970, %get3A_971] {strides = array<i32>} : memref<256x128xf32, #tpu.memory_space<vmem>>, vector<16xf32>,
        %mul3A_973 = arith.mulf %mul3A_952, %get3A_972 : vector<16xf32>
        %add3A_974 = arith.addf %add3A_951, %mul3A_973 : vector<16xf32>
        %mul3A_975 = arith.mulf %exp3A_849, %div3A_863 : vector<16xf32>
        %add3A_976 = arith.constant 5 : i32
        %add3A_977 = arith.addi %mul3A_792, %add3A_976 : i32
        %get3A_978 = arith.index_cast %add3A_977 : i32 to index
        %get3A_979 = arith.constant 0 : index
        %get3A_980 = tpu.vector_load %arg8[%get3A_978, %get3A_979] {strides = array<i32>} : memref<256x128xf32, #tpu.memory_space<vmem>>, vector<16xf32>,
        %mul3A_981 = arith.mulf %mul3A_975, %get3A_980 : vector<16xf32>
        %add3A_982 = arith.addf %add3A_959, %mul3A_981 : vector<16xf32>
        %get3A_983 = arith.index_cast %add3A_977 : i32 to index
        %get3A_984 = arith.constant 16 : index
        %get3A_985 = tpu.vector_load %arg8[%get3A_983, %get3A_984] {strides = array<i32>} : memref<256x128xf32, #tpu.memory_space<vmem>>, vector<16xf32>,
        %mul3A_986 = arith.mulf %mul3A_975, %get3A_985 : vector<16xf32>
        %add3A_987 = arith.addf %add3A_964, %mul3A_986 : vector<16xf32>
        %get3A_988 = arith.index_cast %add3A_977 : i32 to index
        %get3A_989 = arith.constant 32 : index
        %get3A_990 = tpu.vector_load %arg8[%get3A_988, %get3A_989] {strides = array<i32>} : memref<256x128xf32, #tpu.memory_space<vmem>>, vector<16xf32>,
        %mul3A_991 = arith.mulf %mul3A_975, %get3A_990 : vector<16xf32>
        %add3A_992 = arith.addf %add3A_969, %mul3A_991 : vector<16xf32>
        %get3A_993 = arith.index_cast %add3A_977 : i32 to index
        %get3A_994 = arith.constant 48 : index
        %get3A_995 = tpu.vector_load %arg8[%get3A_993, %get3A_994] {strides = array<i32>} : memref<256x128xf32, #tpu.memory_space<vmem>>, vector<16xf32>,
        %mul3A_996 = arith.mulf %mul3A_975, %get3A_995 : vector<16xf32>
        %add3A_997 = arith.addf %add3A_974, %mul3A_996 : vector<16xf32>
        %mul3A_998 = arith.mulf %exp3A_851, %div3A_863 : vector<16xf32>
        %add3A_999 = arith.constant 6 : i32
        %add3A_1000 = arith.addi %mul3A_792, %add3A_999 : i32
        %get3A_1001 = arith.index_cast %add3A_1000 : i32 to index
        %get3A_1002 = arith.constant 0 : index
        %get3A_1003 = tpu.vector_load %arg8[%get3A_1001, %get3A_1002] {strides = array<i32>} : memref<256x128xf32, #tpu.memory_space<vmem>>, vector<16xf32>,
        %mul3A_1004 = arith.mulf %mul3A_998, %get3A_1003 : vector<16xf32>
        %add3A_1005 = arith.addf %add3A_982, %mul3A_1004 : vector<16xf32>
        %get3A_1006 = arith.index_cast %add3A_1000 : i32 to index
        %get3A_1007 = arith.constant 16 : index
        %get3A_1008 = tpu.vector_load %arg8[%get3A_1006, %get3A_1007] {strides = array<i32>} : memref<256x128xf32, #tpu.memory_space<vmem>>, vector<16xf32>,
        %mul3A_1009 = arith.mulf %mul3A_998, %get3A_1008 : vector<16xf32>
        %add3A_1010 = arith.addf %add3A_987, %mul3A_1009 : vector<16xf32>
        %get3A_1011 = arith.index_cast %add3A_1000 : i32 to index
        %get3A_1012 = arith.constant 32 : index
        %get3A_1013 = tpu.vector_load %arg8[%get3A_1011, %get3A_1012] {strides = array<i32>} : memref<256x128xf32, #tpu.memory_space<vmem>>, vector<16xf32>,
        %mul3A_1014 = arith.mulf %mul3A_998, %get3A_1013 : vector<16xf32>
        %add3A_1015 = arith.addf %add3A_992, %mul3A_1014 : vector<16xf32>
        %get3A_1016 = arith.index_cast %add3A_1000 : i32 to index
        %get3A_1017 = arith.constant 48 : index
        %get3A_1018 = tpu.vector_load %arg8[%get3A_1016, %get3A_1017] {strides = array<i32>} : memref<256x128xf32, #tpu.memory_space<vmem>>, vector<16xf32>,
        %mul3A_1019 = arith.mulf %mul3A_998, %get3A_1018 : vector<16xf32>
        %add3A_1020 = arith.addf %add3A_997, %mul3A_1019 : vector<16xf32>
        %mul3A_1021 = arith.mulf %exp3A_853, %div3A_863 : vector<16xf32>
        %add3A_1022 = arith.constant 7 : i32
        %add3A_1023 = arith.addi %mul3A_792, %add3A_1022 : i32
        %get3A_1024 = arith.index_cast %add3A_1023 : i32 to index
        %get3A_1025 = arith.constant 0 : index
        %get3A_1026 = tpu.vector_load %arg8[%get3A_1024, %get3A_1025] {strides = array<i32>} : memref<256x128xf32, #tpu.memory_space<vmem>>, vector<16xf32>,
        %mul3A_1027 = arith.mulf %mul3A_1021, %get3A_1026 : vector<16xf32>
        %add3A_1028 = arith.addf %add3A_1005, %mul3A_1027 : vector<16xf32>
        %get3A_1029 = arith.index_cast %add3A_1023 : i32 to index
        %get3A_1030 = arith.constant 16 : index
        %get3A_1031 = tpu.vector_load %arg8[%get3A_1029, %get3A_1030] {strides = array<i32>} : memref<256x128xf32, #tpu.memory_space<vmem>>, vector<16xf32>,
        %mul3A_1032 = arith.mulf %mul3A_1021, %get3A_1031 : vector<16xf32>
        %add3A_1033 = arith.addf %add3A_1010, %mul3A_1032 : vector<16xf32>
        %get3A_1034 = arith.index_cast %add3A_1023 : i32 to index
        %get3A_1035 = arith.constant 32 : index
        %get3A_1036 = tpu.vector_load %arg8[%get3A_1034, %get3A_1035] {strides = array<i32>} : memref<256x128xf32, #tpu.memory_space<vmem>>, vector<16xf32>,
        %mul3A_1037 = arith.mulf %mul3A_1021, %get3A_1036 : vector<16xf32>
        %add3A_1038 = arith.addf %add3A_1015, %mul3A_1037 : vector<16xf32>
        %get3A_1039 = arith.index_cast %add3A_1023 : i32 to index
        %get3A_1040 = arith.constant 48 : index
        %get3A_1041 = tpu.vector_load %arg8[%get3A_1039, %get3A_1040] {strides = array<i32>} : memref<256x128xf32, #tpu.memory_space<vmem>>, vector<16xf32>,
        %mul3A_1042 = arith.mulf %mul3A_1021, %get3A_1041 : vector<16xf32>
        %add3A_1043 = arith.addf %add3A_1020, %mul3A_1042 : vector<16xf32>
        %jit3A_1044 = arith.constant 2 : i32
        %div3A_1045 = arith.divsi %scan3A_790, %jit3A_1044 : i32
        %sign3A_1046 = arith.constant 0 : i32
        %sign3A_1047 = arith.cmpi sgt, %scan3A_790, %sign3A_1046 : i32
        %sign3A_1048 = arith.extui %sign3A_1047 : i1 to i32
        %sign3A_1049 = arith.constant 0 : i32
        %sign3A_1050 = arith.cmpi slt, %scan3A_790, %sign3A_1049 : i32
        %sign3A_1051 = arith.extui %sign3A_1050 : i1 to i32
        %sign3A_1052 = arith.subi %sign3A_1048, %sign3A_1051 : i32
        %sign3A_1053 = arith.constant 0 : i32
        %sign3A_1054 = arith.cmpi sgt, %jit3A_1044, %sign3A_1053 : i32
        %sign3A_1055 = arith.extui %sign3A_1054 : i1 to i32
        %sign3A_1056 = arith.constant 0 : i32
        %sign3A_1057 = arith.cmpi slt, %jit3A_1044, %sign3A_1056 : i32
        %sign3A_1058 = arith.extui %sign3A_1057 : i1 to i32
        %sign3A_1059 = arith.subi %sign3A_1055, %sign3A_1058 : i32
        %ne3A_1060 = arith.cmpi ne, %sign3A_1052, %sign3A_1059 : i32
        %rem3A_1061 = arith.remsi %scan3A_790, %jit3A_1044 : i32
        %ne3A_1062 = arith.constant 0 : i32
        %ne3A_1063 = arith.cmpi ne, %rem3A_1061, %ne3A_1062 : i32
        %and3A_1064 = arith.andi %ne3A_1060, %ne3A_1063 : i1
        %sub3A_1065 = arith.constant 1 : i32
        %sub3A_1066 = arith.subi %div3A_1045, %sub3A_1065 : i32
        %select_n3A_1067 = arith.select %and3A_1064, %sub3A_1066, %div3A_1045 : i32
        %jit3A_1068 = arith.constant 2 : i32
        %eq3A_1069 = arith.constant 0 : i32
        %eq3A_1070 = arith.cmpi eq, %jit3A_1068, %eq3A_1069 : i32
        %jit3A_1071 = arith.constant 1 : i32
        %select_n3A_1072 = arith.select %eq3A_1070, %jit3A_1071, %jit3A_1068 : i32
        %rem3A_1073 = arith.remsi %scan3A_790, %select_n3A_1072 : i32
        %ne3A_1074 = arith.constant 0 : i32
        %ne3A_1075 = arith.cmpi ne, %rem3A_1073, %ne3A_1074 : i32
        %lt3A_1076 = arith.constant 0 : i32
        %lt3A_1077 = arith.cmpi slt, %rem3A_1073, %lt3A_1076 : i32
        %lt3A_1078 = arith.constant 0 : i32
        %lt3A_1079 = arith.cmpi slt, %select_n3A_1072, %lt3A_1078 : i32
        %ne3A_1080 = arith.xori %lt3A_1077, %lt3A_1079 : i1
        %and3A_1081 = arith.andi %ne3A_1080, %ne3A_1075 : i1
        %add3A_1082 = arith.addi %rem3A_1073, %select_n3A_1072 : i32
        %select_n3A_1083 = arith.select %and3A_1081, %add3A_1082, %rem3A_1073 : i32
        %mul3A_1084 = arith.constant 64 : i32
        %mul3A_1085 = arith.muli %select_n3A_1083, %mul3A_1084 : i32
        %add3A_1086 = arith.constant 0 : i32
        %add3A_1087 = arith.addi %mul3A_1085, %add3A_1086 : i32
        %swap3A = arith.index_cast %select_n3A_1067 : i32 to index
        %swap3A_1088 = arith.index_cast %add3A_1087 : i32 to index
        %swap3A_1089 = tpu.vector_load %arg10[%swap3A, %swap3A_1088] {strides = array<i32>} : memref<16x128xf32, #tpu.memory_space<vmem>>, vector<16xf32>,
        tpu.vector_store %arg10[%swap3A, %swap3A_1088], %add3A_1028 {strides = array<i32>} : memref<16x128xf32, #tpu.memory_space<vmem>>, vector<16xf32>,
        %jit3A_1090 = arith.constant 2 : i32
        %div3A_1091 = arith.divsi %scan3A_790, %jit3A_1090 : i32
        %sign3A_1092 = arith.constant 0 : i32
        %sign3A_1093 = arith.cmpi sgt, %scan3A_790, %sign3A_1092 : i32
        %sign3A_1094 = arith.extui %sign3A_1093 : i1 to i32
        %sign3A_1095 = arith.constant 0 : i32
        %sign3A_1096 = arith.cmpi slt, %scan3A_790, %sign3A_1095 : i32
        %sign3A_1097 = arith.extui %sign3A_1096 : i1 to i32
        %sign3A_1098 = arith.subi %sign3A_1094, %sign3A_1097 : i32
        %sign3A_1099 = arith.constant 0 : i32
        %sign3A_1100 = arith.cmpi sgt, %jit3A_1090, %sign3A_1099 : i32
        %sign3A_1101 = arith.extui %sign3A_1100 : i1 to i32
        %sign3A_1102 = arith.constant 0 : i32
        %sign3A_1103 = arith.cmpi slt, %jit3A_1090, %sign3A_1102 : i32
        %sign3A_1104 = arith.extui %sign3A_1103 : i1 to i32
        %sign3A_1105 = arith.subi %sign3A_1101, %sign3A_1104 : i32
        %ne3A_1106 = arith.cmpi ne, %sign3A_1098, %sign3A_1105 : i32
        %rem3A_1107 = arith.remsi %scan3A_790, %jit3A_1090 : i32
        %ne3A_1108 = arith.constant 0 : i32
        %ne3A_1109 = arith.cmpi ne, %rem3A_1107, %ne3A_1108 : i32
        %and3A_1110 = arith.andi %ne3A_1106, %ne3A_1109 : i1
        %sub3A_1111 = arith.constant 1 : i32
        %sub3A_1112 = arith.subi %div3A_1091, %sub3A_1111 : i32
        %select_n3A_1113 = arith.select %and3A_1110, %sub3A_1112, %div3A_1091 : i32
        %jit3A_1114 = arith.constant 2 : i32
        %eq3A_1115 = arith.constant 0 : i32
        %eq3A_1116 = arith.cmpi eq, %jit3A_1114, %eq3A_1115 : i32
        %jit3A_1117 = arith.constant 1 : i32
        %select_n3A_1118 = arith.select %eq3A_1116, %jit3A_1117, %jit3A_1114 : i32
        %rem3A_1119 = arith.remsi %scan3A_790, %select_n3A_1118 : i32
        %ne3A_1120 = arith.constant 0 : i32
        %ne3A_1121 = arith.cmpi ne, %rem3A_1119, %ne3A_1120 : i32
        %lt3A_1122 = arith.constant 0 : i32
        %lt3A_1123 = arith.cmpi slt, %rem3A_1119, %lt3A_1122 : i32
        %lt3A_1124 = arith.constant 0 : i32
        %lt3A_1125 = arith.cmpi slt, %select_n3A_1118, %lt3A_1124 : i32
        %ne3A_1126 = arith.xori %lt3A_1123, %lt3A_1125 : i1
        %and3A_1127 = arith.andi %ne3A_1126, %ne3A_1121 : i1
        %add3A_1128 = arith.addi %rem3A_1119, %select_n3A_1118 : i32
        %select_n3A_1129 = arith.select %and3A_1127, %add3A_1128, %rem3A_1119 : i32
        %mul3A_1130 = arith.constant 64 : i32
        %mul3A_1131 = arith.muli %select_n3A_1129, %mul3A_1130 : i32
        %add3A_1132 = arith.constant 16 : i32
        %add3A_1133 = arith.addi %mul3A_1131, %add3A_1132 : i32
        %swap3A_1134 = arith.index_cast %select_n3A_1113 : i32 to index
        %swap3A_1135 = arith.index_cast %add3A_1133 : i32 to index
        %swap3A_1136 = tpu.vector_load %arg10[%swap3A_1134, %swap3A_1135] {strides = array<i32>} : memref<16x128xf32, #tpu.memory_space<vmem>>, vector<16xf32>,
        tpu.vector_store %arg10[%swap3A_1134, %swap3A_1135], %add3A_1033 {strides = array<i32>} : memref<16x128xf32, #tpu.memory_space<vmem>>, vector<16xf32>,
        %jit3A_1137 = arith.constant 2 : i32
        %div3A_1138 = arith.divsi %scan3A_790, %jit3A_1137 : i32
        %sign3A_1139 = arith.constant 0 : i32
        %sign3A_1140 = arith.cmpi sgt, %scan3A_790, %sign3A_1139 : i32
        %sign3A_1141 = arith.extui %sign3A_1140 : i1 to i32
        %sign3A_1142 = arith.constant 0 : i32
        %sign3A_1143 = arith.cmpi slt, %scan3A_790, %sign3A_1142 : i32
        %sign3A_1144 = arith.extui %sign3A_1143 : i1 to i32
        %sign3A_1145 = arith.subi %sign3A_1141, %sign3A_1144 : i32
        %sign3A_1146 = arith.constant 0 : i32
        %sign3A_1147 = arith.cmpi sgt, %jit3A_1137, %sign3A_1146 : i32
        %sign3A_1148 = arith.extui %sign3A_1147 : i1 to i32
        %sign3A_1149 = arith.constant 0 : i32
        %sign3A_1150 = arith.cmpi slt, %jit3A_1137, %sign3A_1149 : i32
        %sign3A_1151 = arith.extui %sign3A_1150 : i1 to i32
        %sign3A_1152 = arith.subi %sign3A_1148, %sign3A_1151 : i32
        %ne3A_1153 = arith.cmpi ne, %sign3A_1145, %sign3A_1152 : i32
        %rem3A_1154 = arith.remsi %scan3A_790, %jit3A_1137 : i32
        %ne3A_1155 = arith.constant 0 : i32
        %ne3A_1156 = arith.cmpi ne, %rem3A_1154, %ne3A_1155 : i32
        %and3A_1157 = arith.andi %ne3A_1153, %ne3A_1156 : i1
        %sub3A_1158 = arith.constant 1 : i32
        %sub3A_1159 = arith.subi %div3A_1138, %sub3A_1158 : i32
        %select_n3A_1160 = arith.select %and3A_1157, %sub3A_1159, %div3A_1138 : i32
        %jit3A_1161 = arith.constant 2 : i32
        %eq3A_1162 = arith.constant 0 : i32
        %eq3A_1163 = arith.cmpi eq, %jit3A_1161, %eq3A_1162 : i32
        %jit3A_1164 = arith.constant 1 : i32
        %select_n3A_1165 = arith.select %eq3A_1163, %jit3A_1164, %jit3A_1161 : i32
        %rem3A_1166 = arith.remsi %scan3A_790, %select_n3A_1165 : i32
        %ne3A_1167 = arith.constant 0 : i32
        %ne3A_1168 = arith.cmpi ne, %rem3A_1166, %ne3A_1167 : i32
        %lt3A_1169 = arith.constant 0 : i32
        %lt3A_1170 = arith.cmpi slt, %rem3A_1166, %lt3A_1169 : i32
        %lt3A_1171 = arith.constant 0 : i32
        %lt3A_1172 = arith.cmpi slt, %select_n3A_1165, %lt3A_1171 : i32
        %ne3A_1173 = arith.xori %lt3A_1170, %lt3A_1172 : i1
        %and3A_1174 = arith.andi %ne3A_1173, %ne3A_1168 : i1
        %add3A_1175 = arith.addi %rem3A_1166, %select_n3A_1165 : i32
        %select_n3A_1176 = arith.select %and3A_1174, %add3A_1175, %rem3A_1166 : i32
        %mul3A_1177 = arith.constant 64 : i32
        %mul3A_1178 = arith.muli %select_n3A_1176, %mul3A_1177 : i32
        %add3A_1179 = arith.constant 32 : i32
        %add3A_1180 = arith.addi %mul3A_1178, %add3A_1179 : i32
        %swap3A_1181 = arith.index_cast %select_n3A_1160 : i32 to index
        %swap3A_1182 = arith.index_cast %add3A_1180 : i32 to index
        %swap3A_1183 = tpu.vector_load %arg10[%swap3A_1181, %swap3A_1182] {strides = array<i32>} : memref<16x128xf32, #tpu.memory_space<vmem>>, vector<16xf32>,
        tpu.vector_store %arg10[%swap3A_1181, %swap3A_1182], %add3A_1038 {strides = array<i32>} : memref<16x128xf32, #tpu.memory_space<vmem>>, vector<16xf32>,
        %jit3A_1184 = arith.constant 2 : i32
        %div3A_1185 = arith.divsi %scan3A_790, %jit3A_1184 : i32
        %sign3A_1186 = arith.constant 0 : i32
        %sign3A_1187 = arith.cmpi sgt, %scan3A_790, %sign3A_1186 : i32
        %sign3A_1188 = arith.extui %sign3A_1187 : i1 to i32
        %sign3A_1189 = arith.constant 0 : i32
        %sign3A_1190 = arith.cmpi slt, %scan3A_790, %sign3A_1189 : i32
        %sign3A_1191 = arith.extui %sign3A_1190 : i1 to i32
        %sign3A_1192 = arith.subi %sign3A_1188, %sign3A_1191 : i32
        %sign3A_1193 = arith.constant 0 : i32
        %sign3A_1194 = arith.cmpi sgt, %jit3A_1184, %sign3A_1193 : i32
        %sign3A_1195 = arith.extui %sign3A_1194 : i1 to i32
        %sign3A_1196 = arith.constant 0 : i32
        %sign3A_1197 = arith.cmpi slt, %jit3A_1184, %sign3A_1196 : i32
        %sign3A_1198 = arith.extui %sign3A_1197 : i1 to i32
        %sign3A_1199 = arith.subi %sign3A_1195, %sign3A_1198 : i32
        %ne3A_1200 = arith.cmpi ne, %sign3A_1192, %sign3A_1199 : i32
        %rem3A_1201 = arith.remsi %scan3A_790, %jit3A_1184 : i32
        %ne3A_1202 = arith.constant 0 : i32
        %ne3A_1203 = arith.cmpi ne, %rem3A_1201, %ne3A_1202 : i32
        %and3A_1204 = arith.andi %ne3A_1200, %ne3A_1203 : i1
        %sub3A_1205 = arith.constant 1 : i32
        %sub3A_1206 = arith.subi %div3A_1185, %sub3A_1205 : i32
        %select_n3A_1207 = arith.select %and3A_1204, %sub3A_1206, %div3A_1185 : i32
        %jit3A_1208 = arith.constant 2 : i32
        %eq3A_1209 = arith.constant 0 : i32
        %eq3A_1210 = arith.cmpi eq, %jit3A_1208, %eq3A_1209 : i32
        %jit3A_1211 = arith.constant 1 : i32
        %select_n3A_1212 = arith.select %eq3A_1210, %jit3A_1211, %jit3A_1208 : i32
        %rem3A_1213 = arith.remsi %scan3A_790, %select_n3A_1212 : i32
        %ne3A_1214 = arith.constant 0 : i32
        %ne3A_1215 = arith.cmpi ne, %rem3A_1213, %ne3A_1214 : i32
        %lt3A_1216 = arith.constant 0 : i32
        %lt3A_1217 = arith.cmpi slt, %rem3A_1213, %lt3A_1216 : i32
        %lt3A_1218 = arith.constant 0 : i32
        %lt3A_1219 = arith.cmpi slt, %select_n3A_1212, %lt3A_1218 : i32
        %ne3A_1220 = arith.xori %lt3A_1217, %lt3A_1219 : i1
        %and3A_1221 = arith.andi %ne3A_1220, %ne3A_1215 : i1
        %add3A_1222 = arith.addi %rem3A_1213, %select_n3A_1212 : i32
        %select_n3A_1223 = arith.select %and3A_1221, %add3A_1222, %rem3A_1213 : i32
        %mul3A_1224 = arith.constant 64 : i32
        %mul3A_1225 = arith.muli %select_n3A_1223, %mul3A_1224 : i32
        %add3A_1226 = arith.constant 48 : i32
        %add3A_1227 = arith.addi %mul3A_1225, %add3A_1226 : i32
        %swap3A_1228 = arith.index_cast %select_n3A_1207 : i32 to index
        %swap3A_1229 = arith.index_cast %add3A_1227 : i32 to index
        %swap3A_1230 = tpu.vector_load %arg10[%swap3A_1228, %swap3A_1229] {strides = array<i32>} : memref<16x128xf32, #tpu.memory_space<vmem>>, vector<16xf32>,
        tpu.vector_store %arg10[%swap3A_1228, %swap3A_1229], %add3A_1043 {strides = array<i32>} : memref<16x128xf32, #tpu.memory_space<vmem>>, vector<16xf32>,
      }
      %scan3A_701 = arith.constant 32 : i32
      %mul3A_702 = arith.constant 1024 : i32
      %mul3A_703 = arith.muli %select_n3A_30, %mul3A_702 : i32
      %mul3A_704 = arith.constant 32 : i32
      %mul3A_705 = arith.muli %add3A_690, %mul3A_704 : i32
      %add3A_706 = arith.addi %mul3A_703, %mul3A_705 : i32
      %jit3A_707 = arith.constant 2 : i32
      %div3A_708 = arith.divsi %add3A_706, %jit3A_707 : i32
      %sign3A_709 = arith.constant 0 : i32
      %sign3A_710 = arith.cmpi sgt, %add3A_706, %sign3A_709 : i32
      %sign3A_711 = arith.extui %sign3A_710 : i1 to i32
      %sign3A_712 = arith.constant 0 : i32
      %sign3A_713 = arith.cmpi slt, %add3A_706, %sign3A_712 : i32
      %sign3A_714 = arith.extui %sign3A_713 : i1 to i32
      %sign3A_715 = arith.subi %sign3A_711, %sign3A_714 : i32
      %sign3A_716 = arith.constant 0 : i32
      %sign3A_717 = arith.cmpi sgt, %jit3A_707, %sign3A_716 : i32
      %sign3A_718 = arith.extui %sign3A_717 : i1 to i32
      %sign3A_719 = arith.constant 0 : i32
      %sign3A_720 = arith.cmpi slt, %jit3A_707, %sign3A_719 : i32
      %sign3A_721 = arith.extui %sign3A_720 : i1 to i32
      %sign3A_722 = arith.subi %sign3A_718, %sign3A_721 : i32
      %ne3A_723 = arith.cmpi ne, %sign3A_715, %sign3A_722 : i32
      %rem3A_724 = arith.remsi %add3A_706, %jit3A_707 : i32
      %ne3A_725 = arith.constant 0 : i32
      %ne3A_726 = arith.cmpi ne, %rem3A_724, %ne3A_725 : i32
      %and3A_727 = arith.andi %ne3A_723, %ne3A_726 : i1
      %sub3A_728 = arith.constant 1 : i32
      %sub3A_729 = arith.subi %div3A_708, %sub3A_728 : i32
      %select_n3A_730 = arith.select %and3A_727, %sub3A_729, %div3A_708 : i32
      %multiple_of3A_731 = tpu.assume_multiple %select_n3A_730, 16 : i32
      "tpu.region"() ({
        %run_scoped3A_790 = tpu.sem_alloc : memref<!tpu.dma_semaphore, #tpu.memory_space<semaphore_mem>>
        %dma_start3A_791 = arith.constant 0 : i32
        %dma_start3A_792 = tpu.memref_slice %arg4[%select_n3A, %multiple_of3A_731, %dma_start3A_791] : memref<16x1024x128xf32, #tpu.memory_space<hbm>> -> memref<1x16x128xf32, #tpu.memory_space<hbm>>
        %dma_start3A_793 = tpu.memref_squeeze %dma_start3A_792 : memref<1x16x128xf32, #tpu.memory_space<hbm>> -> memref<16x128xf32, #tpu.memory_space<hbm>>
        %dma_start3A_794 = arith.constant 0 : i32
        %dma_start3A_795 = tpu.memref_slice %arg4[%select_n3A, %multiple_of3A_731, %dma_start3A_794] : memref<16x1024x128xf32, #tpu.memory_space<hbm>> -> memref<1x16x128xf32, #tpu.memory_space<hbm>>
        %dma_start3A_796 = tpu.memref_squeeze %dma_start3A_795 : memref<1x16x128xf32, #tpu.memory_space<hbm>> -> memref<16x128xf32, #tpu.memory_space<hbm>>
        tpu.enqueue_dma source(%arg10 : memref<16x128xf32, #tpu.memory_space<vmem>>) target(%dma_start3A_796 : memref<16x128xf32, #tpu.memory_space<hbm>>) target_semaphore(%run_scoped3A_790 : memref<!tpu.dma_semaphore, #tpu.memory_space<semaphore_mem>>)
        %dma_wait3A_797 = arith.constant 0 : i32
        %dma_wait3A_798 = tpu.memref_slice %arg4[%select_n3A, %multiple_of3A_731, %dma_wait3A_797] : memref<16x1024x128xf32, #tpu.memory_space<hbm>> -> memref<1x16x128xf32, #tpu.memory_space<hbm>>
        %dma_wait3A_799 = tpu.memref_squeeze %dma_wait3A_798 : memref<1x16x128xf32, #tpu.memory_space<hbm>> -> memref<16x128xf32, #tpu.memory_space<hbm>>
        %dma_wait3A_800 = arith.constant 0 : i32
        %dma_wait3A_801 = tpu.memref_slice %arg4[%select_n3A, %multiple_of3A_731, %dma_wait3A_800] : memref<16x1024x128xf32, #tpu.memory_space<hbm>> -> memref<1x16x128xf32, #tpu.memory_space<hbm>>
        %dma_wait3A_802 = tpu.memref_squeeze %dma_wait3A_801 : memref<1x16x128xf32, #tpu.memory_space<hbm>> -> memref<16x128xf32, #tpu.memory_space<hbm>>
        tpu.wait_dma2 semaphore(%run_scoped3A_790 : memref<!tpu.dma_semaphore, #tpu.memory_space<semaphore_mem>>) src(%arg10 : memref<16x128xf32, #tpu.memory_space<vmem>>) dst(%dma_wait3A_802 : memref<16x128xf32, #tpu.memory_space<hbm>>)
        tpu.yield
      }) : () -> ()
      %add3A_732 = arith.constant 2 : i32
      %add3A_733 = arith.addi %add3A_690, %add3A_732 : i32
      %lt3A_734 = arith.constant 32 : i32
      %lt3A_735 = arith.cmpi slt, %add3A_733, %lt3A_734 : i32
      %convert_element_type3A = arith.extui %lt3A_735 : i1 to i32
      %cond3A = arith.constant 0 : i32
      %cond3A_736 = arith.cmpi ne, %convert_element_type3A, %cond3A : i32
      scf.if %cond3A_736 {
        %add3A_790 = arith.constant 2 : i32
        %add3A_791 = arith.addi %add3A_690, %add3A_790 : i32
        %jit3A_792 = arith.constant 4 : i32
        %div3A_793 = arith.divsi %add3A_791, %jit3A_792 : i32
        %sign3A_794 = arith.constant 0 : i32
        %sign3A_795 = arith.cmpi sgt, %add3A_791, %sign3A_794 : i32
        %sign3A_796 = arith.extui %sign3A_795 : i1 to i32
        %sign3A_797 = arith.constant 0 : i32
        %sign3A_798 = arith.cmpi slt, %add3A_791, %sign3A_797 : i32
        %sign3A_799 = arith.extui %sign3A_798 : i1 to i32
        %sign3A_800 = arith.subi %sign3A_796, %sign3A_799 : i32
        %sign3A_801 = arith.constant 0 : i32
        %sign3A_802 = arith.cmpi sgt, %jit3A_792, %sign3A_801 : i32
        %sign3A_803 = arith.extui %sign3A_802 : i1 to i32
        %sign3A_804 = arith.constant 0 : i32
        %sign3A_805 = arith.cmpi slt, %jit3A_792, %sign3A_804 : i32
        %sign3A_806 = arith.extui %sign3A_805 : i1 to i32
        %sign3A_807 = arith.subi %sign3A_803, %sign3A_806 : i32
        %ne3A_808 = arith.cmpi ne, %sign3A_800, %sign3A_807 : i32
        %rem3A_809 = arith.remsi %add3A_791, %jit3A_792 : i32
        %ne3A_810 = arith.constant 0 : i32
        %ne3A_811 = arith.cmpi ne, %rem3A_809, %ne3A_810 : i32
        %and3A_812 = arith.andi %ne3A_808, %ne3A_811 : i1
        %sub3A_813 = arith.constant 1 : i32
        %sub3A_814 = arith.subi %div3A_793, %sub3A_813 : i32
        %select_n3A_815 = arith.select %and3A_812, %sub3A_814, %div3A_793 : i32
        %jit3A_816 = arith.constant 4 : i32
        %eq3A_817 = arith.constant 0 : i32
        %eq3A_818 = arith.cmpi eq, %jit3A_816, %eq3A_817 : i32
        %jit3A_819 = arith.constant 1 : i32
        %select_n3A_820 = arith.select %eq3A_818, %jit3A_819, %jit3A_816 : i32
        %rem3A_821 = arith.remsi %add3A_791, %select_n3A_820 : i32
        %ne3A_822 = arith.constant 0 : i32
        %ne3A_823 = arith.cmpi ne, %rem3A_821, %ne3A_822 : i32
        %lt3A_824 = arith.constant 0 : i32
        %lt3A_825 = arith.cmpi slt, %rem3A_821, %lt3A_824 : i32
        %lt3A_826 = arith.constant 0 : i32
        %lt3A_827 = arith.cmpi slt, %select_n3A_820, %lt3A_826 : i32
        %ne3A_828 = arith.xori %lt3A_825, %lt3A_827 : i1
        %and3A_829 = arith.andi %ne3A_828, %ne3A_823 : i1
        %add3A_830 = arith.addi %rem3A_821, %select_n3A_820 : i32
        %select_n3A_831 = arith.select %and3A_829, %add3A_830, %rem3A_821 : i32
        %mul3A_832 = arith.constant 32 : i32
        %mul3A_833 = arith.muli %select_n3A_831, %mul3A_832 : i32
        %add3A_834 = arith.constant 0 : i32
        %add3A_835 = arith.addi %mul3A_833, %add3A_834 : i32
        %get3A_836 = arith.constant 0 : i32
        %get3A_837 = arith.index_cast %get3A_836 : i32 to index
        %get3A_838 = arith.index_cast %select_n3A_815 : i32 to index
        %get3A_839 = arith.index_cast %add3A_835 : i32 to index
        %get3A_840 = tpu.vector_load %arg5[%get3A_837, %get3A_838, %get3A_839] {strides = array<i32>} : memref<8x8x128xi32, #tpu.memory_space<vmem>>, vector<16xi32>,
        %add3A_841 = arith.constant 0 : i32
        %add3A_842 = vector.broadcast %add3A_841 : i32 to vector<16xi32>
        %add3A_843 = arith.addi %add3A_842, %iota3A : vector<16xi32>
        %mul3A_844 = arith.constant 8 : i32
        %mul3A_845 = vector.broadcast %mul3A_844 : i32 to vector<16xi32>
        %mul3A_846 = arith.muli %add3A_843, %mul3A_845 : vector<16xi32>
        %add3A_847 = arith.constant 0 : i32
        %add3A_848 = vector.broadcast %add3A_847 : i32 to vector<16xi32>
        %add3A_849 = arith.addi %mul3A_846, %add3A_848 : vector<16xi32>
        %mul3A_850 = arith.constant 16384 : i32
        %mul3A_851 = arith.muli %select_n3A, %mul3A_850 : i32
        %add3A_852 = vector.broadcast %mul3A_851 : i32 to vector<16xi32>
        %add3A_853 = arith.addi %get3A_840, %add3A_852 : vector<16xi32>
        tpu.vector_store_idx %arg6[%add3A_849], %add3A_853 : memref<256xi32, #tpu.memory_space<vmem>>[vector<16xi32>], vector<16xi32>,
        %add3A_854 = arith.constant 16 : i32
        %add3A_855 = arith.addi %mul3A_833, %add3A_854 : i32
        %get3A_856 = arith.constant 0 : i32
        %get3A_857 = arith.index_cast %get3A_856 : i32 to index
        %get3A_858 = arith.index_cast %select_n3A_815 : i32 to index
        %get3A_859 = arith.index_cast %add3A_855 : i32 to index
        %get3A_860 = tpu.vector_load %arg5[%get3A_857, %get3A_858, %get3A_859] {strides = array<i32>} : memref<8x8x128xi32, #tpu.memory_space<vmem>>, vector<16xi32>,
        %add3A_861 = arith.constant 16 : i32
        %add3A_862 = vector.broadcast %add3A_861 : i32 to vector<16xi32>
        %add3A_863 = arith.addi %add3A_862, %iota3A : vector<16xi32>
        %mul3A_864 = arith.constant 8 : i32
        %mul3A_865 = vector.broadcast %mul3A_864 : i32 to vector<16xi32>
        %mul3A_866 = arith.muli %add3A_863, %mul3A_865 : vector<16xi32>
        %add3A_867 = arith.constant 0 : i32
        %add3A_868 = vector.broadcast %add3A_867 : i32 to vector<16xi32>
        %add3A_869 = arith.addi %mul3A_866, %add3A_868 : vector<16xi32>
        %mul3A_870 = arith.constant 16384 : i32
        %mul3A_871 = arith.muli %select_n3A, %mul3A_870 : i32
        %add3A_872 = vector.broadcast %mul3A_871 : i32 to vector<16xi32>
        %add3A_873 = arith.addi %get3A_860, %add3A_872 : vector<16xi32>
        tpu.vector_store_idx %arg6[%add3A_869], %add3A_873 : memref<256xi32, #tpu.memory_space<vmem>>[vector<16xi32>], vector<16xi32>,
        %add3A_874 = arith.constant 0 : i32
        %add3A_875 = arith.addi %mul3A_833, %add3A_874 : i32
        %get3A_876 = arith.constant 1 : i32
        %get3A_877 = arith.index_cast %get3A_876 : i32 to index
        %get3A_878 = arith.index_cast %select_n3A_815 : i32 to index
        %get3A_879 = arith.index_cast %add3A_875 : i32 to index
        %get3A_880 = tpu.vector_load %arg5[%get3A_877, %get3A_878, %get3A_879] {strides = array<i32>} : memref<8x8x128xi32, #tpu.memory_space<vmem>>, vector<16xi32>,
        %add3A_881 = arith.constant 0 : i32
        %add3A_882 = vector.broadcast %add3A_881 : i32 to vector<16xi32>
        %add3A_883 = arith.addi %add3A_882, %iota3A : vector<16xi32>
        %mul3A_884 = arith.constant 8 : i32
        %mul3A_885 = vector.broadcast %mul3A_884 : i32 to vector<16xi32>
        %mul3A_886 = arith.muli %add3A_883, %mul3A_885 : vector<16xi32>
        %add3A_887 = arith.constant 1 : i32
        %add3A_888 = vector.broadcast %add3A_887 : i32 to vector<16xi32>
        %add3A_889 = arith.addi %mul3A_886, %add3A_888 : vector<16xi32>
        %mul3A_890 = arith.constant 16384 : i32
        %mul3A_891 = arith.muli %select_n3A, %mul3A_890 : i32
        %add3A_892 = vector.broadcast %mul3A_891 : i32 to vector<16xi32>
        %add3A_893 = arith.addi %get3A_880, %add3A_892 : vector<16xi32>
        tpu.vector_store_idx %arg6[%add3A_889], %add3A_893 : memref<256xi32, #tpu.memory_space<vmem>>[vector<16xi32>], vector<16xi32>,
        %add3A_894 = arith.constant 16 : i32
        %add3A_895 = arith.addi %mul3A_833, %add3A_894 : i32
        %get3A_896 = arith.constant 1 : i32
        %get3A_897 = arith.index_cast %get3A_896 : i32 to index
        %get3A_898 = arith.index_cast %select_n3A_815 : i32 to index
        %get3A_899 = arith.index_cast %add3A_895 : i32 to index
        %get3A_900 = tpu.vector_load %arg5[%get3A_897, %get3A_898, %get3A_899] {strides = array<i32>} : memref<8x8x128xi32, #tpu.memory_space<vmem>>, vector<16xi32>,
        %add3A_901 = arith.constant 16 : i32
        %add3A_902 = vector.broadcast %add3A_901 : i32 to vector<16xi32>
        %add3A_903 = arith.addi %add3A_902, %iota3A : vector<16xi32>
        %mul3A_904 = arith.constant 8 : i32
        %mul3A_905 = vector.broadcast %mul3A_904 : i32 to vector<16xi32>
        %mul3A_906 = arith.muli %add3A_903, %mul3A_905 : vector<16xi32>
        %add3A_907 = arith.constant 1 : i32
        %add3A_908 = vector.broadcast %add3A_907 : i32 to vector<16xi32>
        %add3A_909 = arith.addi %mul3A_906, %add3A_908 : vector<16xi32>
        %mul3A_910 = arith.constant 16384 : i32
        %mul3A_911 = arith.muli %select_n3A, %mul3A_910 : i32
        %add3A_912 = vector.broadcast %mul3A_911 : i32 to vector<16xi32>
        %add3A_913 = arith.addi %get3A_900, %add3A_912 : vector<16xi32>
        tpu.vector_store_idx %arg6[%add3A_909], %add3A_913 : memref<256xi32, #tpu.memory_space<vmem>>[vector<16xi32>], vector<16xi32>,
        %add3A_914 = arith.constant 0 : i32
        %add3A_915 = arith.addi %mul3A_833, %add3A_914 : i32
        %get3A_916 = arith.constant 2 : i32
        %get3A_917 = arith.index_cast %get3A_916 : i32 to index
        %get3A_918 = arith.index_cast %select_n3A_815 : i32 to index
        %get3A_919 = arith.index_cast %add3A_915 : i32 to index
        %get3A_920 = tpu.vector_load %arg5[%get3A_917, %get3A_918, %get3A_919] {strides = array<i32>} : memref<8x8x128xi32, #tpu.memory_space<vmem>>, vector<16xi32>,
        %add3A_921 = arith.constant 0 : i32
        %add3A_922 = vector.broadcast %add3A_921 : i32 to vector<16xi32>
        %add3A_923 = arith.addi %add3A_922, %iota3A : vector<16xi32>
        %mul3A_924 = arith.constant 8 : i32
        %mul3A_925 = vector.broadcast %mul3A_924 : i32 to vector<16xi32>
        %mul3A_926 = arith.muli %add3A_923, %mul3A_925 : vector<16xi32>
        %add3A_927 = arith.constant 2 : i32
        %add3A_928 = vector.broadcast %add3A_927 : i32 to vector<16xi32>
        %add3A_929 = arith.addi %mul3A_926, %add3A_928 : vector<16xi32>
        %mul3A_930 = arith.constant 16384 : i32
        %mul3A_931 = arith.muli %select_n3A, %mul3A_930 : i32
        %add3A_932 = vector.broadcast %mul3A_931 : i32 to vector<16xi32>
        %add3A_933 = arith.addi %get3A_920, %add3A_932 : vector<16xi32>
        tpu.vector_store_idx %arg6[%add3A_929], %add3A_933 : memref<256xi32, #tpu.memory_space<vmem>>[vector<16xi32>], vector<16xi32>,
        %add3A_934 = arith.constant 16 : i32
        %add3A_935 = arith.addi %mul3A_833, %add3A_934 : i32
        %get3A_936 = arith.constant 2 : i32
        %get3A_937 = arith.index_cast %get3A_936 : i32 to index
        %get3A_938 = arith.index_cast %select_n3A_815 : i32 to index
        %get3A_939 = arith.index_cast %add3A_935 : i32 to index
        %get3A_940 = tpu.vector_load %arg5[%get3A_937, %get3A_938, %get3A_939] {strides = array<i32>} : memref<8x8x128xi32, #tpu.memory_space<vmem>>, vector<16xi32>,
        %add3A_941 = arith.constant 16 : i32
        %add3A_942 = vector.broadcast %add3A_941 : i32 to vector<16xi32>
        %add3A_943 = arith.addi %add3A_942, %iota3A : vector<16xi32>
        %mul3A_944 = arith.constant 8 : i32
        %mul3A_945 = vector.broadcast %mul3A_944 : i32 to vector<16xi32>
        %mul3A_946 = arith.muli %add3A_943, %mul3A_945 : vector<16xi32>
        %add3A_947 = arith.constant 2 : i32
        %add3A_948 = vector.broadcast %add3A_947 : i32 to vector<16xi32>
        %add3A_949 = arith.addi %mul3A_946, %add3A_948 : vector<16xi32>
        %mul3A_950 = arith.constant 16384 : i32
        %mul3A_951 = arith.muli %select_n3A, %mul3A_950 : i32
        %add3A_952 = vector.broadcast %mul3A_951 : i32 to vector<16xi32>
        %add3A_953 = arith.addi %get3A_940, %add3A_952 : vector<16xi32>
        tpu.vector_store_idx %arg6[%add3A_949], %add3A_953 : memref<256xi32, #tpu.memory_space<vmem>>[vector<16xi32>], vector<16xi32>,
        %add3A_954 = arith.constant 0 : i32
        %add3A_955 = arith.addi %mul3A_833, %add3A_954 : i32
        %get3A_956 = arith.constant 3 : i32
        %get3A_957 = arith.index_cast %get3A_956 : i32 to index
        %get3A_958 = arith.index_cast %select_n3A_815 : i32 to index
        %get3A_959 = arith.index_cast %add3A_955 : i32 to index
        %get3A_960 = tpu.vector_load %arg5[%get3A_957, %get3A_958, %get3A_959] {strides = array<i32>} : memref<8x8x128xi32, #tpu.memory_space<vmem>>, vector<16xi32>,
        %add3A_961 = arith.constant 0 : i32
        %add3A_962 = vector.broadcast %add3A_961 : i32 to vector<16xi32>
        %add3A_963 = arith.addi %add3A_962, %iota3A : vector<16xi32>
        %mul3A_964 = arith.constant 8 : i32
        %mul3A_965 = vector.broadcast %mul3A_964 : i32 to vector<16xi32>
        %mul3A_966 = arith.muli %add3A_963, %mul3A_965 : vector<16xi32>
        %add3A_967 = arith.constant 3 : i32
        %add3A_968 = vector.broadcast %add3A_967 : i32 to vector<16xi32>
        %add3A_969 = arith.addi %mul3A_966, %add3A_968 : vector<16xi32>
        %mul3A_970 = arith.constant 16384 : i32
        %mul3A_971 = arith.muli %select_n3A, %mul3A_970 : i32
        %add3A_972 = vector.broadcast %mul3A_971 : i32 to vector<16xi32>
        %add3A_973 = arith.addi %get3A_960, %add3A_972 : vector<16xi32>
        tpu.vector_store_idx %arg6[%add3A_969], %add3A_973 : memref<256xi32, #tpu.memory_space<vmem>>[vector<16xi32>], vector<16xi32>,
        %add3A_974 = arith.constant 16 : i32
        %add3A_975 = arith.addi %mul3A_833, %add3A_974 : i32
        %get3A_976 = arith.constant 3 : i32
        %get3A_977 = arith.index_cast %get3A_976 : i32 to index
        %get3A_978 = arith.index_cast %select_n3A_815 : i32 to index
        %get3A_979 = arith.index_cast %add3A_975 : i32 to index
        %get3A_980 = tpu.vector_load %arg5[%get3A_977, %get3A_978, %get3A_979] {strides = array<i32>} : memref<8x8x128xi32, #tpu.memory_space<vmem>>, vector<16xi32>,
        %add3A_981 = arith.constant 16 : i32
        %add3A_982 = vector.broadcast %add3A_981 : i32 to vector<16xi32>
        %add3A_983 = arith.addi %add3A_982, %iota3A : vector<16xi32>
        %mul3A_984 = arith.constant 8 : i32
        %mul3A_985 = vector.broadcast %mul3A_984 : i32 to vector<16xi32>
        %mul3A_986 = arith.muli %add3A_983, %mul3A_985 : vector<16xi32>
        %add3A_987 = arith.constant 3 : i32
        %add3A_988 = vector.broadcast %add3A_987 : i32 to vector<16xi32>
        %add3A_989 = arith.addi %mul3A_986, %add3A_988 : vector<16xi32>
        %mul3A_990 = arith.constant 16384 : i32
        %mul3A_991 = arith.muli %select_n3A, %mul3A_990 : i32
        %add3A_992 = vector.broadcast %mul3A_991 : i32 to vector<16xi32>
        %add3A_993 = arith.addi %get3A_980, %add3A_992 : vector<16xi32>
        tpu.vector_store_idx %arg6[%add3A_989], %add3A_993 : memref<256xi32, #tpu.memory_space<vmem>>[vector<16xi32>], vector<16xi32>,
        %add3A_994 = arith.constant 0 : i32
        %add3A_995 = arith.addi %mul3A_833, %add3A_994 : i32
        %get3A_996 = arith.constant 4 : i32
        %get3A_997 = arith.index_cast %get3A_996 : i32 to index
        %get3A_998 = arith.index_cast %select_n3A_815 : i32 to index
        %get3A_999 = arith.index_cast %add3A_995 : i32 to index
        %get3A_1000 = tpu.vector_load %arg5[%get3A_997, %get3A_998, %get3A_999] {strides = array<i32>} : memref<8x8x128xi32, #tpu.memory_space<vmem>>, vector<16xi32>,
        %add3A_1001 = arith.constant 0 : i32
        %add3A_1002 = vector.broadcast %add3A_1001 : i32 to vector<16xi32>
        %add3A_1003 = arith.addi %add3A_1002, %iota3A : vector<16xi32>
        %mul3A_1004 = arith.constant 8 : i32
        %mul3A_1005 = vector.broadcast %mul3A_1004 : i32 to vector<16xi32>
        %mul3A_1006 = arith.muli %add3A_1003, %mul3A_1005 : vector<16xi32>
        %add3A_1007 = arith.constant 4 : i32
        %add3A_1008 = vector.broadcast %add3A_1007 : i32 to vector<16xi32>
        %add3A_1009 = arith.addi %mul3A_1006, %add3A_1008 : vector<16xi32>
        %mul3A_1010 = arith.constant 16384 : i32
        %mul3A_1011 = arith.muli %select_n3A, %mul3A_1010 : i32
        %add3A_1012 = vector.broadcast %mul3A_1011 : i32 to vector<16xi32>
        %add3A_1013 = arith.addi %get3A_1000, %add3A_1012 : vector<16xi32>
        tpu.vector_store_idx %arg6[%add3A_1009], %add3A_1013 : memref<256xi32, #tpu.memory_space<vmem>>[vector<16xi32>], vector<16xi32>,
        %add3A_1014 = arith.constant 16 : i32
        %add3A_1015 = arith.addi %mul3A_833, %add3A_1014 : i32
        %get3A_1016 = arith.constant 4 : i32
        %get3A_1017 = arith.index_cast %get3A_1016 : i32 to index
        %get3A_1018 = arith.index_cast %select_n3A_815 : i32 to index
        %get3A_1019 = arith.index_cast %add3A_1015 : i32 to index
        %get3A_1020 = tpu.vector_load %arg5[%get3A_1017, %get3A_1018, %get3A_1019] {strides = array<i32>} : memref<8x8x128xi32, #tpu.memory_space<vmem>>, vector<16xi32>,
        %add3A_1021 = arith.constant 16 : i32
        %add3A_1022 = vector.broadcast %add3A_1021 : i32 to vector<16xi32>
        %add3A_1023 = arith.addi %add3A_1022, %iota3A : vector<16xi32>
        %mul3A_1024 = arith.constant 8 : i32
        %mul3A_1025 = vector.broadcast %mul3A_1024 : i32 to vector<16xi32>
        %mul3A_1026 = arith.muli %add3A_1023, %mul3A_1025 : vector<16xi32>
        %add3A_1027 = arith.constant 4 : i32
        %add3A_1028 = vector.broadcast %add3A_1027 : i32 to vector<16xi32>
        %add3A_1029 = arith.addi %mul3A_1026, %add3A_1028 : vector<16xi32>
        %mul3A_1030 = arith.constant 16384 : i32
        %mul3A_1031 = arith.muli %select_n3A, %mul3A_1030 : i32
        %add3A_1032 = vector.broadcast %mul3A_1031 : i32 to vector<16xi32>
        %add3A_1033 = arith.addi %get3A_1020, %add3A_1032 : vector<16xi32>
        tpu.vector_store_idx %arg6[%add3A_1029], %add3A_1033 : memref<256xi32, #tpu.memory_space<vmem>>[vector<16xi32>], vector<16xi32>,
        %add3A_1034 = arith.constant 0 : i32
        %add3A_1035 = arith.addi %mul3A_833, %add3A_1034 : i32
        %get3A_1036 = arith.constant 5 : i32
        %get3A_1037 = arith.index_cast %get3A_1036 : i32 to index
        %get3A_1038 = arith.index_cast %select_n3A_815 : i32 to index
        %get3A_1039 = arith.index_cast %add3A_1035 : i32 to index
        %get3A_1040 = tpu.vector_load %arg5[%get3A_1037, %get3A_1038, %get3A_1039] {strides = array<i32>} : memref<8x8x128xi32, #tpu.memory_space<vmem>>, vector<16xi32>,
        %add3A_1041 = arith.constant 0 : i32
        %add3A_1042 = vector.broadcast %add3A_1041 : i32 to vector<16xi32>
        %add3A_1043 = arith.addi %add3A_1042, %iota3A : vector<16xi32>
        %mul3A_1044 = arith.constant 8 : i32
        %mul3A_1045 = vector.broadcast %mul3A_1044 : i32 to vector<16xi32>
        %mul3A_1046 = arith.muli %add3A_1043, %mul3A_1045 : vector<16xi32>
        %add3A_1047 = arith.constant 5 : i32
        %add3A_1048 = vector.broadcast %add3A_1047 : i32 to vector<16xi32>
        %add3A_1049 = arith.addi %mul3A_1046, %add3A_1048 : vector<16xi32>
        %mul3A_1050 = arith.constant 16384 : i32
        %mul3A_1051 = arith.muli %select_n3A, %mul3A_1050 : i32
        %add3A_1052 = vector.broadcast %mul3A_1051 : i32 to vector<16xi32>
        %add3A_1053 = arith.addi %get3A_1040, %add3A_1052 : vector<16xi32>
        tpu.vector_store_idx %arg6[%add3A_1049], %add3A_1053 : memref<256xi32, #tpu.memory_space<vmem>>[vector<16xi32>], vector<16xi32>,
        %add3A_1054 = arith.constant 16 : i32
        %add3A_1055 = arith.addi %mul3A_833, %add3A_1054 : i32
        %get3A_1056 = arith.constant 5 : i32
        %get3A_1057 = arith.index_cast %get3A_1056 : i32 to index
        %get3A_1058 = arith.index_cast %select_n3A_815 : i32 to index
        %get3A_1059 = arith.index_cast %add3A_1055 : i32 to index
        %get3A_1060 = tpu.vector_load %arg5[%get3A_1057, %get3A_1058, %get3A_1059] {strides = array<i32>} : memref<8x8x128xi32, #tpu.memory_space<vmem>>, vector<16xi32>,
        %add3A_1061 = arith.constant 16 : i32
        %add3A_1062 = vector.broadcast %add3A_1061 : i32 to vector<16xi32>
        %add3A_1063 = arith.addi %add3A_1062, %iota3A : vector<16xi32>
        %mul3A_1064 = arith.constant 8 : i32
        %mul3A_1065 = vector.broadcast %mul3A_1064 : i32 to vector<16xi32>
        %mul3A_1066 = arith.muli %add3A_1063, %mul3A_1065 : vector<16xi32>
        %add3A_1067 = arith.constant 5 : i32
        %add3A_1068 = vector.broadcast %add3A_1067 : i32 to vector<16xi32>
        %add3A_1069 = arith.addi %mul3A_1066, %add3A_1068 : vector<16xi32>
        %mul3A_1070 = arith.constant 16384 : i32
        %mul3A_1071 = arith.muli %select_n3A, %mul3A_1070 : i32
        %add3A_1072 = vector.broadcast %mul3A_1071 : i32 to vector<16xi32>
        %add3A_1073 = arith.addi %get3A_1060, %add3A_1072 : vector<16xi32>
        tpu.vector_store_idx %arg6[%add3A_1069], %add3A_1073 : memref<256xi32, #tpu.memory_space<vmem>>[vector<16xi32>], vector<16xi32>,
        %add3A_1074 = arith.constant 0 : i32
        %add3A_1075 = arith.addi %mul3A_833, %add3A_1074 : i32
        %get3A_1076 = arith.constant 6 : i32
        %get3A_1077 = arith.index_cast %get3A_1076 : i32 to index
        %get3A_1078 = arith.index_cast %select_n3A_815 : i32 to index
        %get3A_1079 = arith.index_cast %add3A_1075 : i32 to index
        %get3A_1080 = tpu.vector_load %arg5[%get3A_1077, %get3A_1078, %get3A_1079] {strides = array<i32>} : memref<8x8x128xi32, #tpu.memory_space<vmem>>, vector<16xi32>,
        %add3A_1081 = arith.constant 0 : i32
        %add3A_1082 = vector.broadcast %add3A_1081 : i32 to vector<16xi32>
        %add3A_1083 = arith.addi %add3A_1082, %iota3A : vector<16xi32>
        %mul3A_1084 = arith.constant 8 : i32
        %mul3A_1085 = vector.broadcast %mul3A_1084 : i32 to vector<16xi32>
        %mul3A_1086 = arith.muli %add3A_1083, %mul3A_1085 : vector<16xi32>
        %add3A_1087 = arith.constant 6 : i32
        %add3A_1088 = vector.broadcast %add3A_1087 : i32 to vector<16xi32>
        %add3A_1089 = arith.addi %mul3A_1086, %add3A_1088 : vector<16xi32>
        %mul3A_1090 = arith.constant 16384 : i32
        %mul3A_1091 = arith.muli %select_n3A, %mul3A_1090 : i32
        %add3A_1092 = vector.broadcast %mul3A_1091 : i32 to vector<16xi32>
        %add3A_1093 = arith.addi %get3A_1080, %add3A_1092 : vector<16xi32>
        tpu.vector_store_idx %arg6[%add3A_1089], %add3A_1093 : memref<256xi32, #tpu.memory_space<vmem>>[vector<16xi32>], vector<16xi32>,
        %add3A_1094 = arith.constant 16 : i32
        %add3A_1095 = arith.addi %mul3A_833, %add3A_1094 : i32
        %get3A_1096 = arith.constant 6 : i32
        %get3A_1097 = arith.index_cast %get3A_1096 : i32 to index
        %get3A_1098 = arith.index_cast %select_n3A_815 : i32 to index
        %get3A_1099 = arith.index_cast %add3A_1095 : i32 to index
        %get3A_1100 = tpu.vector_load %arg5[%get3A_1097, %get3A_1098, %get3A_1099] {strides = array<i32>} : memref<8x8x128xi32, #tpu.memory_space<vmem>>, vector<16xi32>,
        %add3A_1101 = arith.constant 16 : i32
        %add3A_1102 = vector.broadcast %add3A_1101 : i32 to vector<16xi32>
        %add3A_1103 = arith.addi %add3A_1102, %iota3A : vector<16xi32>
        %mul3A_1104 = arith.constant 8 : i32
        %mul3A_1105 = vector.broadcast %mul3A_1104 : i32 to vector<16xi32>
        %mul3A_1106 = arith.muli %add3A_1103, %mul3A_1105 : vector<16xi32>
        %add3A_1107 = arith.constant 6 : i32
        %add3A_1108 = vector.broadcast %add3A_1107 : i32 to vector<16xi32>
        %add3A_1109 = arith.addi %mul3A_1106, %add3A_1108 : vector<16xi32>
        %mul3A_1110 = arith.constant 16384 : i32
        %mul3A_1111 = arith.muli %select_n3A, %mul3A_1110 : i32
        %add3A_1112 = vector.broadcast %mul3A_1111 : i32 to vector<16xi32>
        %add3A_1113 = arith.addi %get3A_1100, %add3A_1112 : vector<16xi32>
        tpu.vector_store_idx %arg6[%add3A_1109], %add3A_1113 : memref<256xi32, #tpu.memory_space<vmem>>[vector<16xi32>], vector<16xi32>,
        %add3A_1114 = arith.constant 0 : i32
        %add3A_1115 = arith.addi %mul3A_833, %add3A_1114 : i32
        %get3A_1116 = arith.constant 7 : i32
        %get3A_1117 = arith.index_cast %get3A_1116 : i32 to index
        %get3A_1118 = arith.index_cast %select_n3A_815 : i32 to index
        %get3A_1119 = arith.index_cast %add3A_1115 : i32 to index
        %get3A_1120 = tpu.vector_load %arg5[%get3A_1117, %get3A_1118, %get3A_1119] {strides = array<i32>} : memref<8x8x128xi32, #tpu.memory_space<vmem>>, vector<16xi32>,
        %add3A_1121 = arith.constant 0 : i32
        %add3A_1122 = vector.broadcast %add3A_1121 : i32 to vector<16xi32>
        %add3A_1123 = arith.addi %add3A_1122, %iota3A : vector<16xi32>
        %mul3A_1124 = arith.constant 8 : i32
        %mul3A_1125 = vector.broadcast %mul3A_1124 : i32 to vector<16xi32>
        %mul3A_1126 = arith.muli %add3A_1123, %mul3A_1125 : vector<16xi32>
        %add3A_1127 = arith.constant 7 : i32
        %add3A_1128 = vector.broadcast %add3A_1127 : i32 to vector<16xi32>
        %add3A_1129 = arith.addi %mul3A_1126, %add3A_1128 : vector<16xi32>
        %mul3A_1130 = arith.constant 16384 : i32
        %mul3A_1131 = arith.muli %select_n3A, %mul3A_1130 : i32
        %add3A_1132 = vector.broadcast %mul3A_1131 : i32 to vector<16xi32>
        %add3A_1133 = arith.addi %get3A_1120, %add3A_1132 : vector<16xi32>
        tpu.vector_store_idx %arg6[%add3A_1129], %add3A_1133 : memref<256xi32, #tpu.memory_space<vmem>>[vector<16xi32>], vector<16xi32>,
        %add3A_1134 = arith.constant 16 : i32
        %add3A_1135 = arith.addi %mul3A_833, %add3A_1134 : i32
        %get3A_1136 = arith.constant 7 : i32
        %get3A_1137 = arith.index_cast %get3A_1136 : i32 to index
        %get3A_1138 = arith.index_cast %select_n3A_815 : i32 to index
        %get3A_1139 = arith.index_cast %add3A_1135 : i32 to index
        %get3A_1140 = tpu.vector_load %arg5[%get3A_1137, %get3A_1138, %get3A_1139] {strides = array<i32>} : memref<8x8x128xi32, #tpu.memory_space<vmem>>, vector<16xi32>,
        %add3A_1141 = arith.constant 16 : i32
        %add3A_1142 = vector.broadcast %add3A_1141 : i32 to vector<16xi32>
        %add3A_1143 = arith.addi %add3A_1142, %iota3A : vector<16xi32>
        %mul3A_1144 = arith.constant 8 : i32
        %mul3A_1145 = vector.broadcast %mul3A_1144 : i32 to vector<16xi32>
        %mul3A_1146 = arith.muli %add3A_1143, %mul3A_1145 : vector<16xi32>
        %add3A_1147 = arith.constant 7 : i32
        %add3A_1148 = vector.broadcast %add3A_1147 : i32 to vector<16xi32>
        %add3A_1149 = arith.addi %mul3A_1146, %add3A_1148 : vector<16xi32>
        %mul3A_1150 = arith.constant 16384 : i32
        %mul3A_1151 = arith.muli %select_n3A, %mul3A_1150 : i32
        %add3A_1152 = vector.broadcast %mul3A_1151 : i32 to vector<16xi32>
        %add3A_1153 = arith.addi %get3A_1140, %add3A_1152 : vector<16xi32>
        tpu.vector_store_idx %arg6[%add3A_1149], %add3A_1153 : memref<256xi32, #tpu.memory_space<vmem>>[vector<16xi32>], vector<16xi32>,
        %dma_start3A_1154 = arith.constant 0 : i32
        %dma_start3A_1155 = arith.constant 0 : i32
        %dma_start3A_1156 = tpu.memref_slice %arg3[%dma_start3A_1154, %dma_start3A_1155] : memref<262144x128xf32, #tpu.memory_space<hbm>> -> memref<262144x128xf32, #tpu.memory_space<hbm>>
        tpu.enqueue_indirect_dma source(%dma_start3A_1156 : memref<262144x128xf32, #tpu.memory_space<hbm>>) target(%arg8 : memref<256x128xf32, #tpu.memory_space<vmem>>) offsets(%arg6 : memref<256xi32, #tpu.memory_space<vmem>>) semaphore(%arg11 : memref<!tpu.dma_semaphore, #tpu.memory_space<semaphore_mem>>)
      } else {
      }
      %mul3A_737 = arith.constant 2 : i32
      %mul3A_738 = arith.muli %scan3A_686, %mul3A_737 : i32
      %add3A_739 = arith.constant 1 : i32
      %add3A_740 = arith.addi %mul3A_738, %add3A_739 : i32
      %dma_wait3A_741 = arith.constant 0 : i32
      %dma_wait3A_742 = arith.constant 0 : i32
      %dma_wait3A_743 = tpu.memref_slice %arg3[%dma_wait3A_741, %dma_wait3A_742] : memref<262144x128xf32, #tpu.memory_space<hbm>> -> memref<256x128xf32, #tpu.memory_space<hbm>>
      %dma_wait3A_744 = arith.constant 0 : i32
      %dma_wait3A_745 = arith.constant 0 : i32
      %dma_wait3A_746 = tpu.memref_slice %arg3[%dma_wait3A_744, %dma_wait3A_745] : memref<262144x128xf32, #tpu.memory_space<hbm>> -> memref<256x128xf32, #tpu.memory_space<hbm>>
      tpu.wait_dma2 semaphore(%arg12 : memref<!tpu.dma_semaphore, #tpu.memory_space<semaphore_mem>>) src(%dma_wait3A_746 : memref<256x128xf32, #tpu.memory_space<hbm>>) dst(%arg9 : memref<256x128xf32, #tpu.memory_space<vmem>>)
      %scan3A_747 = arith.constant 0 : i32
      %scan3A_748 = arith.constant 0 : i32
      %scan3A_749 = arith.constant 32 : i32
      %scan3A_750 = arith.addi %scan3A_748, %scan3A_749 : i32
      %scan3A_751 = arith.constant 1 : i32
      scf.for %scan3A_790 = %scan3A_748 to %scan3A_750 step %scan3A_751  : i32 {
        %mul3A_791 = arith.constant 8 : i32
        %mul3A_792 = arith.muli %scan3A_790, %mul3A_791 : i32
        %add3A_793 = arith.constant 0 : i32
        %add3A_794 = arith.addi %mul3A_792, %add3A_793 : i32
        %get3A_795 = arith.index_cast %add3A_794 : i32 to index
        %get3A_796 = arith.constant 64 : index
        %get3A_797 = tpu.vector_load %arg9[%get3A_795, %get3A_796] {strides = array<i32>} : memref<256x128xf32, #tpu.memory_space<vmem>>, vector<16xf32>,
        %add3A_798 = arith.constant 1 : i32
        %add3A_799 = arith.addi %mul3A_792, %add3A_798 : i32
        %get3A_800 = arith.index_cast %add3A_799 : i32 to index
        %get3A_801 = arith.constant 64 : index
        %get3A_802 = tpu.vector_load %arg9[%get3A_800, %get3A_801] {strides = array<i32>} : memref<256x128xf32, #tpu.memory_space<vmem>>, vector<16xf32>,
        %add3A_803 = arith.constant 2 : i32
        %add3A_804 = arith.addi %mul3A_792, %add3A_803 : i32
        %get3A_805 = arith.index_cast %add3A_804 : i32 to index
        %get3A_806 = arith.constant 64 : index
        %get3A_807 = tpu.vector_load %arg9[%get3A_805, %get3A_806] {strides = array<i32>} : memref<256x128xf32, #tpu.memory_space<vmem>>, vector<16xf32>,
        %add3A_808 = arith.constant 3 : i32
        %add3A_809 = arith.addi %mul3A_792, %add3A_808 : i32
        %get3A_810 = arith.index_cast %add3A_809 : i32 to index
        %get3A_811 = arith.constant 64 : index
        %get3A_812 = tpu.vector_load %arg9[%get3A_810, %get3A_811] {strides = array<i32>} : memref<256x128xf32, #tpu.memory_space<vmem>>, vector<16xf32>,
        %add3A_813 = arith.constant 4 : i32
        %add3A_814 = arith.addi %mul3A_792, %add3A_813 : i32
        %get3A_815 = arith.index_cast %add3A_814 : i32 to index
        %get3A_816 = arith.constant 64 : index
        %get3A_817 = tpu.vector_load %arg9[%get3A_815, %get3A_816] {strides = array<i32>} : memref<256x128xf32, #tpu.memory_space<vmem>>, vector<16xf32>,
        %add3A_818 = arith.constant 5 : i32
        %add3A_819 = arith.addi %mul3A_792, %add3A_818 : i32
        %get3A_820 = arith.index_cast %add3A_819 : i32 to index
        %get3A_821 = arith.constant 64 : index
        %get3A_822 = tpu.vector_load %arg9[%get3A_820, %get3A_821] {strides = array<i32>} : memref<256x128xf32, #tpu.memory_space<vmem>>, vector<16xf32>,
        %add3A_823 = arith.constant 6 : i32
        %add3A_824 = arith.addi %mul3A_792, %add3A_823 : i32
        %get3A_825 = arith.index_cast %add3A_824 : i32 to index
        %get3A_826 = arith.constant 64 : index
        %get3A_827 = tpu.vector_load %arg9[%get3A_825, %get3A_826] {strides = array<i32>} : memref<256x128xf32, #tpu.memory_space<vmem>>, vector<16xf32>,
        %add3A_828 = arith.constant 7 : i32
        %add3A_829 = arith.addi %mul3A_792, %add3A_828 : i32
        %get3A_830 = arith.index_cast %add3A_829 : i32 to index
        %get3A_831 = arith.constant 64 : index
        %get3A_832 = tpu.vector_load %arg9[%get3A_830, %get3A_831] {strides = array<i32>} : memref<256x128xf32, #tpu.memory_space<vmem>>, vector<16xf32>,
        %max3A = arith.maximumf %get3A_797, %get3A_802 : vector<16xf32>
        %max3A_833 = arith.maximumf %max3A, %get3A_807 : vector<16xf32>
        %max3A_834 = arith.maximumf %max3A_833, %get3A_812 : vector<16xf32>
        %max3A_835 = arith.maximumf %max3A_834, %get3A_817 : vector<16xf32>
        %max3A_836 = arith.maximumf %max3A_835, %get3A_822 : vector<16xf32>
        %max3A_837 = arith.maximumf %max3A_836, %get3A_827 : vector<16xf32>
        %max3A_838 = arith.maximumf %max3A_837, %get3A_832 : vector<16xf32>
        %sub3A_839 = arith.subf %get3A_797, %max3A_838 : vector<16xf32>
        %exp3A = math.exp %sub3A_839 : vector<16xf32>
        %sub3A_840 = arith.subf %get3A_802, %max3A_838 : vector<16xf32>
        %exp3A_841 = math.exp %sub3A_840 : vector<16xf32>
        %sub3A_842 = arith.subf %get3A_807, %max3A_838 : vector<16xf32>
        %exp3A_843 = math.exp %sub3A_842 : vector<16xf32>
        %sub3A_844 = arith.subf %get3A_812, %max3A_838 : vector<16xf32>
        %exp3A_845 = math.exp %sub3A_844 : vector<16xf32>
        %sub3A_846 = arith.subf %get3A_817, %max3A_838 : vector<16xf32>
        %exp3A_847 = math.exp %sub3A_846 : vector<16xf32>
        %sub3A_848 = arith.subf %get3A_822, %max3A_838 : vector<16xf32>
        %exp3A_849 = math.exp %sub3A_848 : vector<16xf32>
        %sub3A_850 = arith.subf %get3A_827, %max3A_838 : vector<16xf32>
        %exp3A_851 = math.exp %sub3A_850 : vector<16xf32>
        %sub3A_852 = arith.subf %get3A_832, %max3A_838 : vector<16xf32>
        %exp3A_853 = math.exp %sub3A_852 : vector<16xf32>
        %add3A_854 = arith.addf %exp3A, %exp3A_841 : vector<16xf32>
        %add3A_855 = arith.addf %add3A_854, %exp3A_843 : vector<16xf32>
        %add3A_856 = arith.addf %add3A_855, %exp3A_845 : vector<16xf32>
        %add3A_857 = arith.addf %add3A_856, %exp3A_847 : vector<16xf32>
        %add3A_858 = arith.addf %add3A_857, %exp3A_849 : vector<16xf32>
        %add3A_859 = arith.addf %add3A_858, %exp3A_851 : vector<16xf32>
        %add3A_860 = arith.addf %add3A_859, %exp3A_853 : vector<16xf32>
        %div3A_861 = arith.constant 1.000000e+00 : f32
        %div3A_862 = vector.broadcast %div3A_861 : f32 to vector<16xf32>
        %div3A_863 = arith.divf %div3A_862, %add3A_860 : vector<16xf32>
        %mul3A_864 = arith.mulf %exp3A, %div3A_863 : vector<16xf32>
        %add3A_865 = arith.constant 0 : i32
        %add3A_866 = arith.addi %mul3A_792, %add3A_865 : i32
        %get3A_867 = arith.index_cast %add3A_866 : i32 to index
        %get3A_868 = arith.constant 0 : index
        %get3A_869 = tpu.vector_load %arg9[%get3A_867, %get3A_868] {strides = array<i32>} : memref<256x128xf32, #tpu.memory_space<vmem>>, vector<16xf32>,
        %mul3A_870 = arith.mulf %mul3A_864, %get3A_869 : vector<16xf32>
        %get3A_871 = arith.index_cast %add3A_866 : i32 to index
        %get3A_872 = arith.constant 16 : index
        %get3A_873 = tpu.vector_load %arg9[%get3A_871, %get3A_872] {strides = array<i32>} : memref<256x128xf32, #tpu.memory_space<vmem>>, vector<16xf32>,
        %mul3A_874 = arith.mulf %mul3A_864, %get3A_873 : vector<16xf32>
        %get3A_875 = arith.index_cast %add3A_866 : i32 to index
        %get3A_876 = arith.constant 32 : index
        %get3A_877 = tpu.vector_load %arg9[%get3A_875, %get3A_876] {strides = array<i32>} : memref<256x128xf32, #tpu.memory_space<vmem>>, vector<16xf32>,
        %mul3A_878 = arith.mulf %mul3A_864, %get3A_877 : vector<16xf32>
        %get3A_879 = arith.index_cast %add3A_866 : i32 to index
        %get3A_880 = arith.constant 48 : index
        %get3A_881 = tpu.vector_load %arg9[%get3A_879, %get3A_880] {strides = array<i32>} : memref<256x128xf32, #tpu.memory_space<vmem>>, vector<16xf32>,
        %mul3A_882 = arith.mulf %mul3A_864, %get3A_881 : vector<16xf32>
        %mul3A_883 = arith.mulf %exp3A_841, %div3A_863 : vector<16xf32>
        %add3A_884 = arith.constant 1 : i32
        %add3A_885 = arith.addi %mul3A_792, %add3A_884 : i32
        %get3A_886 = arith.index_cast %add3A_885 : i32 to index
        %get3A_887 = arith.constant 0 : index
        %get3A_888 = tpu.vector_load %arg9[%get3A_886, %get3A_887] {strides = array<i32>} : memref<256x128xf32, #tpu.memory_space<vmem>>, vector<16xf32>,
        %mul3A_889 = arith.mulf %mul3A_883, %get3A_888 : vector<16xf32>
        %add3A_890 = arith.addf %mul3A_870, %mul3A_889 : vector<16xf32>
        %get3A_891 = arith.index_cast %add3A_885 : i32 to index
        %get3A_892 = arith.constant 16 : index
        %get3A_893 = tpu.vector_load %arg9[%get3A_891, %get3A_892] {strides = array<i32>} : memref<256x128xf32, #tpu.memory_space<vmem>>, vector<16xf32>,
        %mul3A_894 = arith.mulf %mul3A_883, %get3A_893 : vector<16xf32>
        %add3A_895 = arith.addf %mul3A_874, %mul3A_894 : vector<16xf32>
        %get3A_896 = arith.index_cast %add3A_885 : i32 to index
        %get3A_897 = arith.constant 32 : index
        %get3A_898 = tpu.vector_load %arg9[%get3A_896, %get3A_897] {strides = array<i32>} : memref<256x128xf32, #tpu.memory_space<vmem>>, vector<16xf32>,
        %mul3A_899 = arith.mulf %mul3A_883, %get3A_898 : vector<16xf32>
        %add3A_900 = arith.addf %mul3A_878, %mul3A_899 : vector<16xf32>
        %get3A_901 = arith.index_cast %add3A_885 : i32 to index
        %get3A_902 = arith.constant 48 : index
        %get3A_903 = tpu.vector_load %arg9[%get3A_901, %get3A_902] {strides = array<i32>} : memref<256x128xf32, #tpu.memory_space<vmem>>, vector<16xf32>,
        %mul3A_904 = arith.mulf %mul3A_883, %get3A_903 : vector<16xf32>
        %add3A_905 = arith.addf %mul3A_882, %mul3A_904 : vector<16xf32>
        %mul3A_906 = arith.mulf %exp3A_843, %div3A_863 : vector<16xf32>
        %add3A_907 = arith.constant 2 : i32
        %add3A_908 = arith.addi %mul3A_792, %add3A_907 : i32
        %get3A_909 = arith.index_cast %add3A_908 : i32 to index
        %get3A_910 = arith.constant 0 : index
        %get3A_911 = tpu.vector_load %arg9[%get3A_909, %get3A_910] {strides = array<i32>} : memref<256x128xf32, #tpu.memory_space<vmem>>, vector<16xf32>,
        %mul3A_912 = arith.mulf %mul3A_906, %get3A_911 : vector<16xf32>
        %add3A_913 = arith.addf %add3A_890, %mul3A_912 : vector<16xf32>
        %get3A_914 = arith.index_cast %add3A_908 : i32 to index
        %get3A_915 = arith.constant 16 : index
        %get3A_916 = tpu.vector_load %arg9[%get3A_914, %get3A_915] {strides = array<i32>} : memref<256x128xf32, #tpu.memory_space<vmem>>, vector<16xf32>,
        %mul3A_917 = arith.mulf %mul3A_906, %get3A_916 : vector<16xf32>
        %add3A_918 = arith.addf %add3A_895, %mul3A_917 : vector<16xf32>
        %get3A_919 = arith.index_cast %add3A_908 : i32 to index
        %get3A_920 = arith.constant 32 : index
        %get3A_921 = tpu.vector_load %arg9[%get3A_919, %get3A_920] {strides = array<i32>} : memref<256x128xf32, #tpu.memory_space<vmem>>, vector<16xf32>,
        %mul3A_922 = arith.mulf %mul3A_906, %get3A_921 : vector<16xf32>
        %add3A_923 = arith.addf %add3A_900, %mul3A_922 : vector<16xf32>
        %get3A_924 = arith.index_cast %add3A_908 : i32 to index
        %get3A_925 = arith.constant 48 : index
        %get3A_926 = tpu.vector_load %arg9[%get3A_924, %get3A_925] {strides = array<i32>} : memref<256x128xf32, #tpu.memory_space<vmem>>, vector<16xf32>,
        %mul3A_927 = arith.mulf %mul3A_906, %get3A_926 : vector<16xf32>
        %add3A_928 = arith.addf %add3A_905, %mul3A_927 : vector<16xf32>
        %mul3A_929 = arith.mulf %exp3A_845, %div3A_863 : vector<16xf32>
        %add3A_930 = arith.constant 3 : i32
        %add3A_931 = arith.addi %mul3A_792, %add3A_930 : i32
        %get3A_932 = arith.index_cast %add3A_931 : i32 to index
        %get3A_933 = arith.constant 0 : index
        %get3A_934 = tpu.vector_load %arg9[%get3A_932, %get3A_933] {strides = array<i32>} : memref<256x128xf32, #tpu.memory_space<vmem>>, vector<16xf32>,
        %mul3A_935 = arith.mulf %mul3A_929, %get3A_934 : vector<16xf32>
        %add3A_936 = arith.addf %add3A_913, %mul3A_935 : vector<16xf32>
        %get3A_937 = arith.index_cast %add3A_931 : i32 to index
        %get3A_938 = arith.constant 16 : index
        %get3A_939 = tpu.vector_load %arg9[%get3A_937, %get3A_938] {strides = array<i32>} : memref<256x128xf32, #tpu.memory_space<vmem>>, vector<16xf32>,
        %mul3A_940 = arith.mulf %mul3A_929, %get3A_939 : vector<16xf32>
        %add3A_941 = arith.addf %add3A_918, %mul3A_940 : vector<16xf32>
        %get3A_942 = arith.index_cast %add3A_931 : i32 to index
        %get3A_943 = arith.constant 32 : index
        %get3A_944 = tpu.vector_load %arg9[%get3A_942, %get3A_943] {strides = array<i32>} : memref<256x128xf32, #tpu.memory_space<vmem>>, vector<16xf32>,
        %mul3A_945 = arith.mulf %mul3A_929, %get3A_944 : vector<16xf32>
        %add3A_946 = arith.addf %add3A_923, %mul3A_945 : vector<16xf32>
        %get3A_947 = arith.index_cast %add3A_931 : i32 to index
        %get3A_948 = arith.constant 48 : index
        %get3A_949 = tpu.vector_load %arg9[%get3A_947, %get3A_948] {strides = array<i32>} : memref<256x128xf32, #tpu.memory_space<vmem>>, vector<16xf32>,
        %mul3A_950 = arith.mulf %mul3A_929, %get3A_949 : vector<16xf32>
        %add3A_951 = arith.addf %add3A_928, %mul3A_950 : vector<16xf32>
        %mul3A_952 = arith.mulf %exp3A_847, %div3A_863 : vector<16xf32>
        %add3A_953 = arith.constant 4 : i32
        %add3A_954 = arith.addi %mul3A_792, %add3A_953 : i32
        %get3A_955 = arith.index_cast %add3A_954 : i32 to index
        %get3A_956 = arith.constant 0 : index
        %get3A_957 = tpu.vector_load %arg9[%get3A_955, %get3A_956] {strides = array<i32>} : memref<256x128xf32, #tpu.memory_space<vmem>>, vector<16xf32>,
        %mul3A_958 = arith.mulf %mul3A_952, %get3A_957 : vector<16xf32>
        %add3A_959 = arith.addf %add3A_936, %mul3A_958 : vector<16xf32>
        %get3A_960 = arith.index_cast %add3A_954 : i32 to index
        %get3A_961 = arith.constant 16 : index
        %get3A_962 = tpu.vector_load %arg9[%get3A_960, %get3A_961] {strides = array<i32>} : memref<256x128xf32, #tpu.memory_space<vmem>>, vector<16xf32>,
        %mul3A_963 = arith.mulf %mul3A_952, %get3A_962 : vector<16xf32>
        %add3A_964 = arith.addf %add3A_941, %mul3A_963 : vector<16xf32>
        %get3A_965 = arith.index_cast %add3A_954 : i32 to index
        %get3A_966 = arith.constant 32 : index
        %get3A_967 = tpu.vector_load %arg9[%get3A_965, %get3A_966] {strides = array<i32>} : memref<256x128xf32, #tpu.memory_space<vmem>>, vector<16xf32>,
        %mul3A_968 = arith.mulf %mul3A_952, %get3A_967 : vector<16xf32>
        %add3A_969 = arith.addf %add3A_946, %mul3A_968 : vector<16xf32>
        %get3A_970 = arith.index_cast %add3A_954 : i32 to index
        %get3A_971 = arith.constant 48 : index
        %get3A_972 = tpu.vector_load %arg9[%get3A_970, %get3A_971] {strides = array<i32>} : memref<256x128xf32, #tpu.memory_space<vmem>>, vector<16xf32>,
        %mul3A_973 = arith.mulf %mul3A_952, %get3A_972 : vector<16xf32>
        %add3A_974 = arith.addf %add3A_951, %mul3A_973 : vector<16xf32>
        %mul3A_975 = arith.mulf %exp3A_849, %div3A_863 : vector<16xf32>
        %add3A_976 = arith.constant 5 : i32
        %add3A_977 = arith.addi %mul3A_792, %add3A_976 : i32
        %get3A_978 = arith.index_cast %add3A_977 : i32 to index
        %get3A_979 = arith.constant 0 : index
        %get3A_980 = tpu.vector_load %arg9[%get3A_978, %get3A_979] {strides = array<i32>} : memref<256x128xf32, #tpu.memory_space<vmem>>, vector<16xf32>,
        %mul3A_981 = arith.mulf %mul3A_975, %get3A_980 : vector<16xf32>
        %add3A_982 = arith.addf %add3A_959, %mul3A_981 : vector<16xf32>
        %get3A_983 = arith.index_cast %add3A_977 : i32 to index
        %get3A_984 = arith.constant 16 : index
        %get3A_985 = tpu.vector_load %arg9[%get3A_983, %get3A_984] {strides = array<i32>} : memref<256x128xf32, #tpu.memory_space<vmem>>, vector<16xf32>,
        %mul3A_986 = arith.mulf %mul3A_975, %get3A_985 : vector<16xf32>
        %add3A_987 = arith.addf %add3A_964, %mul3A_986 : vector<16xf32>
        %get3A_988 = arith.index_cast %add3A_977 : i32 to index
        %get3A_989 = arith.constant 32 : index
        %get3A_990 = tpu.vector_load %arg9[%get3A_988, %get3A_989] {strides = array<i32>} : memref<256x128xf32, #tpu.memory_space<vmem>>, vector<16xf32>,
        %mul3A_991 = arith.mulf %mul3A_975, %get3A_990 : vector<16xf32>
        %add3A_992 = arith.addf %add3A_969, %mul3A_991 : vector<16xf32>
        %get3A_993 = arith.index_cast %add3A_977 : i32 to index
        %get3A_994 = arith.constant 48 : index
        %get3A_995 = tpu.vector_load %arg9[%get3A_993, %get3A_994] {strides = array<i32>} : memref<256x128xf32, #tpu.memory_space<vmem>>, vector<16xf32>,
        %mul3A_996 = arith.mulf %mul3A_975, %get3A_995 : vector<16xf32>
        %add3A_997 = arith.addf %add3A_974, %mul3A_996 : vector<16xf32>
        %mul3A_998 = arith.mulf %exp3A_851, %div3A_863 : vector<16xf32>
        %add3A_999 = arith.constant 6 : i32
        %add3A_1000 = arith.addi %mul3A_792, %add3A_999 : i32
        %get3A_1001 = arith.index_cast %add3A_1000 : i32 to index
        %get3A_1002 = arith.constant 0 : index
        %get3A_1003 = tpu.vector_load %arg9[%get3A_1001, %get3A_1002] {strides = array<i32>} : memref<256x128xf32, #tpu.memory_space<vmem>>, vector<16xf32>,
        %mul3A_1004 = arith.mulf %mul3A_998, %get3A_1003 : vector<16xf32>
        %add3A_1005 = arith.addf %add3A_982, %mul3A_1004 : vector<16xf32>
        %get3A_1006 = arith.index_cast %add3A_1000 : i32 to index
        %get3A_1007 = arith.constant 16 : index
        %get3A_1008 = tpu.vector_load %arg9[%get3A_1006, %get3A_1007] {strides = array<i32>} : memref<256x128xf32, #tpu.memory_space<vmem>>, vector<16xf32>,
        %mul3A_1009 = arith.mulf %mul3A_998, %get3A_1008 : vector<16xf32>
        %add3A_1010 = arith.addf %add3A_987, %mul3A_1009 : vector<16xf32>
        %get3A_1011 = arith.index_cast %add3A_1000 : i32 to index
        %get3A_1012 = arith.constant 32 : index
        %get3A_1013 = tpu.vector_load %arg9[%get3A_1011, %get3A_1012] {strides = array<i32>} : memref<256x128xf32, #tpu.memory_space<vmem>>, vector<16xf32>,
        %mul3A_1014 = arith.mulf %mul3A_998, %get3A_1013 : vector<16xf32>
        %add3A_1015 = arith.addf %add3A_992, %mul3A_1014 : vector<16xf32>
        %get3A_1016 = arith.index_cast %add3A_1000 : i32 to index
        %get3A_1017 = arith.constant 48 : index
        %get3A_1018 = tpu.vector_load %arg9[%get3A_1016, %get3A_1017] {strides = array<i32>} : memref<256x128xf32, #tpu.memory_space<vmem>>, vector<16xf32>,
        %mul3A_1019 = arith.mulf %mul3A_998, %get3A_1018 : vector<16xf32>
        %add3A_1020 = arith.addf %add3A_997, %mul3A_1019 : vector<16xf32>
        %mul3A_1021 = arith.mulf %exp3A_853, %div3A_863 : vector<16xf32>
        %add3A_1022 = arith.constant 7 : i32
        %add3A_1023 = arith.addi %mul3A_792, %add3A_1022 : i32
        %get3A_1024 = arith.index_cast %add3A_1023 : i32 to index
        %get3A_1025 = arith.constant 0 : index
        %get3A_1026 = tpu.vector_load %arg9[%get3A_1024, %get3A_1025] {strides = array<i32>} : memref<256x128xf32, #tpu.memory_space<vmem>>, vector<16xf32>,
        %mul3A_1027 = arith.mulf %mul3A_1021, %get3A_1026 : vector<16xf32>
        %add3A_1028 = arith.addf %add3A_1005, %mul3A_1027 : vector<16xf32>
        %get3A_1029 = arith.index_cast %add3A_1023 : i32 to index
        %get3A_1030 = arith.constant 16 : index
        %get3A_1031 = tpu.vector_load %arg9[%get3A_1029, %get3A_1030] {strides = array<i32>} : memref<256x128xf32, #tpu.memory_space<vmem>>, vector<16xf32>,
        %mul3A_1032 = arith.mulf %mul3A_1021, %get3A_1031 : vector<16xf32>
        %add3A_1033 = arith.addf %add3A_1010, %mul3A_1032 : vector<16xf32>
        %get3A_1034 = arith.index_cast %add3A_1023 : i32 to index
        %get3A_1035 = arith.constant 32 : index
        %get3A_1036 = tpu.vector_load %arg9[%get3A_1034, %get3A_1035] {strides = array<i32>} : memref<256x128xf32, #tpu.memory_space<vmem>>, vector<16xf32>,
        %mul3A_1037 = arith.mulf %mul3A_1021, %get3A_1036 : vector<16xf32>
        %add3A_1038 = arith.addf %add3A_1015, %mul3A_1037 : vector<16xf32>
        %get3A_1039 = arith.index_cast %add3A_1023 : i32 to index
        %get3A_1040 = arith.constant 48 : index
        %get3A_1041 = tpu.vector_load %arg9[%get3A_1039, %get3A_1040] {strides = array<i32>} : memref<256x128xf32, #tpu.memory_space<vmem>>, vector<16xf32>,
        %mul3A_1042 = arith.mulf %mul3A_1021, %get3A_1041 : vector<16xf32>
        %add3A_1043 = arith.addf %add3A_1020, %mul3A_1042 : vector<16xf32>
        %jit3A_1044 = arith.constant 2 : i32
        %div3A_1045 = arith.divsi %scan3A_790, %jit3A_1044 : i32
        %sign3A_1046 = arith.constant 0 : i32
        %sign3A_1047 = arith.cmpi sgt, %scan3A_790, %sign3A_1046 : i32
        %sign3A_1048 = arith.extui %sign3A_1047 : i1 to i32
        %sign3A_1049 = arith.constant 0 : i32
        %sign3A_1050 = arith.cmpi slt, %scan3A_790, %sign3A_1049 : i32
        %sign3A_1051 = arith.extui %sign3A_1050 : i1 to i32
        %sign3A_1052 = arith.subi %sign3A_1048, %sign3A_1051 : i32
        %sign3A_1053 = arith.constant 0 : i32
        %sign3A_1054 = arith.cmpi sgt, %jit3A_1044, %sign3A_1053 : i32
        %sign3A_1055 = arith.extui %sign3A_1054 : i1 to i32
        %sign3A_1056 = arith.constant 0 : i32
        %sign3A_1057 = arith.cmpi slt, %jit3A_1044, %sign3A_1056 : i32
        %sign3A_1058 = arith.extui %sign3A_1057 : i1 to i32
        %sign3A_1059 = arith.subi %sign3A_1055, %sign3A_1058 : i32
        %ne3A_1060 = arith.cmpi ne, %sign3A_1052, %sign3A_1059 : i32
        %rem3A_1061 = arith.remsi %scan3A_790, %jit3A_1044 : i32
        %ne3A_1062 = arith.constant 0 : i32
        %ne3A_1063 = arith.cmpi ne, %rem3A_1061, %ne3A_1062 : i32
        %and3A_1064 = arith.andi %ne3A_1060, %ne3A_1063 : i1
        %sub3A_1065 = arith.constant 1 : i32
        %sub3A_1066 = arith.subi %div3A_1045, %sub3A_1065 : i32
        %select_n3A_1067 = arith.select %and3A_1064, %sub3A_1066, %div3A_1045 : i32
        %jit3A_1068 = arith.constant 2 : i32
        %eq3A_1069 = arith.constant 0 : i32
        %eq3A_1070 = arith.cmpi eq, %jit3A_1068, %eq3A_1069 : i32
        %jit3A_1071 = arith.constant 1 : i32
        %select_n3A_1072 = arith.select %eq3A_1070, %jit3A_1071, %jit3A_1068 : i32
        %rem3A_1073 = arith.remsi %scan3A_790, %select_n3A_1072 : i32
        %ne3A_1074 = arith.constant 0 : i32
        %ne3A_1075 = arith.cmpi ne, %rem3A_1073, %ne3A_1074 : i32
        %lt3A_1076 = arith.constant 0 : i32
        %lt3A_1077 = arith.cmpi slt, %rem3A_1073, %lt3A_1076 : i32
        %lt3A_1078 = arith.constant 0 : i32
        %lt3A_1079 = arith.cmpi slt, %select_n3A_1072, %lt3A_1078 : i32
        %ne3A_1080 = arith.xori %lt3A_1077, %lt3A_1079 : i1
        %and3A_1081 = arith.andi %ne3A_1080, %ne3A_1075 : i1
        %add3A_1082 = arith.addi %rem3A_1073, %select_n3A_1072 : i32
        %select_n3A_1083 = arith.select %and3A_1081, %add3A_1082, %rem3A_1073 : i32
        %mul3A_1084 = arith.constant 64 : i32
        %mul3A_1085 = arith.muli %select_n3A_1083, %mul3A_1084 : i32
        %add3A_1086 = arith.constant 0 : i32
        %add3A_1087 = arith.addi %mul3A_1085, %add3A_1086 : i32
        %swap3A = arith.index_cast %select_n3A_1067 : i32 to index
        %swap3A_1088 = arith.index_cast %add3A_1087 : i32 to index
        %swap3A_1089 = tpu.vector_load %arg10[%swap3A, %swap3A_1088] {strides = array<i32>} : memref<16x128xf32, #tpu.memory_space<vmem>>, vector<16xf32>,
        tpu.vector_store %arg10[%swap3A, %swap3A_1088], %add3A_1028 {strides = array<i32>} : memref<16x128xf32, #tpu.memory_space<vmem>>, vector<16xf32>,
        %jit3A_1090 = arith.constant 2 : i32
        %div3A_1091 = arith.divsi %scan3A_790, %jit3A_1090 : i32
        %sign3A_1092 = arith.constant 0 : i32
        %sign3A_1093 = arith.cmpi sgt, %scan3A_790, %sign3A_1092 : i32
        %sign3A_1094 = arith.extui %sign3A_1093 : i1 to i32
        %sign3A_1095 = arith.constant 0 : i32
        %sign3A_1096 = arith.cmpi slt, %scan3A_790, %sign3A_1095 : i32
        %sign3A_1097 = arith.extui %sign3A_1096 : i1 to i32
        %sign3A_1098 = arith.subi %sign3A_1094, %sign3A_1097 : i32
        %sign3A_1099 = arith.constant 0 : i32
        %sign3A_1100 = arith.cmpi sgt, %jit3A_1090, %sign3A_1099 : i32
        %sign3A_1101 = arith.extui %sign3A_1100 : i1 to i32
        %sign3A_1102 = arith.constant 0 : i32
        %sign3A_1103 = arith.cmpi slt, %jit3A_1090, %sign3A_1102 : i32
        %sign3A_1104 = arith.extui %sign3A_1103 : i1 to i32
        %sign3A_1105 = arith.subi %sign3A_1101, %sign3A_1104 : i32
        %ne3A_1106 = arith.cmpi ne, %sign3A_1098, %sign3A_1105 : i32
        %rem3A_1107 = arith.remsi %scan3A_790, %jit3A_1090 : i32
        %ne3A_1108 = arith.constant 0 : i32
        %ne3A_1109 = arith.cmpi ne, %rem3A_1107, %ne3A_1108 : i32
        %and3A_1110 = arith.andi %ne3A_1106, %ne3A_1109 : i1
        %sub3A_1111 = arith.constant 1 : i32
        %sub3A_1112 = arith.subi %div3A_1091, %sub3A_1111 : i32
        %select_n3A_1113 = arith.select %and3A_1110, %sub3A_1112, %div3A_1091 : i32
        %jit3A_1114 = arith.constant 2 : i32
        %eq3A_1115 = arith.constant 0 : i32
        %eq3A_1116 = arith.cmpi eq, %jit3A_1114, %eq3A_1115 : i32
        %jit3A_1117 = arith.constant 1 : i32
        %select_n3A_1118 = arith.select %eq3A_1116, %jit3A_1117, %jit3A_1114 : i32
        %rem3A_1119 = arith.remsi %scan3A_790, %select_n3A_1118 : i32
        %ne3A_1120 = arith.constant 0 : i32
        %ne3A_1121 = arith.cmpi ne, %rem3A_1119, %ne3A_1120 : i32
        %lt3A_1122 = arith.constant 0 : i32
        %lt3A_1123 = arith.cmpi slt, %rem3A_1119, %lt3A_1122 : i32
        %lt3A_1124 = arith.constant 0 : i32
        %lt3A_1125 = arith.cmpi slt, %select_n3A_1118, %lt3A_1124 : i32
        %ne3A_1126 = arith.xori %lt3A_1123, %lt3A_1125 : i1
        %and3A_1127 = arith.andi %ne3A_1126, %ne3A_1121 : i1
        %add3A_1128 = arith.addi %rem3A_1119, %select_n3A_1118 : i32
        %select_n3A_1129 = arith.select %and3A_1127, %add3A_1128, %rem3A_1119 : i32
        %mul3A_1130 = arith.constant 64 : i32
        %mul3A_1131 = arith.muli %select_n3A_1129, %mul3A_1130 : i32
        %add3A_1132 = arith.constant 16 : i32
        %add3A_1133 = arith.addi %mul3A_1131, %add3A_1132 : i32
        %swap3A_1134 = arith.index_cast %select_n3A_1113 : i32 to index
        %swap3A_1135 = arith.index_cast %add3A_1133 : i32 to index
        %swap3A_1136 = tpu.vector_load %arg10[%swap3A_1134, %swap3A_1135] {strides = array<i32>} : memref<16x128xf32, #tpu.memory_space<vmem>>, vector<16xf32>,
        tpu.vector_store %arg10[%swap3A_1134, %swap3A_1135], %add3A_1033 {strides = array<i32>} : memref<16x128xf32, #tpu.memory_space<vmem>>, vector<16xf32>,
        %jit3A_1137 = arith.constant 2 : i32
        %div3A_1138 = arith.divsi %scan3A_790, %jit3A_1137 : i32
        %sign3A_1139 = arith.constant 0 : i32
        %sign3A_1140 = arith.cmpi sgt, %scan3A_790, %sign3A_1139 : i32
        %sign3A_1141 = arith.extui %sign3A_1140 : i1 to i32
        %sign3A_1142 = arith.constant 0 : i32
        %sign3A_1143 = arith.cmpi slt, %scan3A_790, %sign3A_1142 : i32
        %sign3A_1144 = arith.extui %sign3A_1143 : i1 to i32
        %sign3A_1145 = arith.subi %sign3A_1141, %sign3A_1144 : i32
        %sign3A_1146 = arith.constant 0 : i32
        %sign3A_1147 = arith.cmpi sgt, %jit3A_1137, %sign3A_1146 : i32
        %sign3A_1148 = arith.extui %sign3A_1147 : i1 to i32
        %sign3A_1149 = arith.constant 0 : i32
        %sign3A_1150 = arith.cmpi slt, %jit3A_1137, %sign3A_1149 : i32
        %sign3A_1151 = arith.extui %sign3A_1150 : i1 to i32
        %sign3A_1152 = arith.subi %sign3A_1148, %sign3A_1151 : i32
        %ne3A_1153 = arith.cmpi ne, %sign3A_1145, %sign3A_1152 : i32
        %rem3A_1154 = arith.remsi %scan3A_790, %jit3A_1137 : i32
        %ne3A_1155 = arith.constant 0 : i32
        %ne3A_1156 = arith.cmpi ne, %rem3A_1154, %ne3A_1155 : i32
        %and3A_1157 = arith.andi %ne3A_1153, %ne3A_1156 : i1
        %sub3A_1158 = arith.constant 1 : i32
        %sub3A_1159 = arith.subi %div3A_1138, %sub3A_1158 : i32
        %select_n3A_1160 = arith.select %and3A_1157, %sub3A_1159, %div3A_1138 : i32
        %jit3A_1161 = arith.constant 2 : i32
        %eq3A_1162 = arith.constant 0 : i32
        %eq3A_1163 = arith.cmpi eq, %jit3A_1161, %eq3A_1162 : i32
        %jit3A_1164 = arith.constant 1 : i32
        %select_n3A_1165 = arith.select %eq3A_1163, %jit3A_1164, %jit3A_1161 : i32
        %rem3A_1166 = arith.remsi %scan3A_790, %select_n3A_1165 : i32
        %ne3A_1167 = arith.constant 0 : i32
        %ne3A_1168 = arith.cmpi ne, %rem3A_1166, %ne3A_1167 : i32
        %lt3A_1169 = arith.constant 0 : i32
        %lt3A_1170 = arith.cmpi slt, %rem3A_1166, %lt3A_1169 : i32
        %lt3A_1171 = arith.constant 0 : i32
        %lt3A_1172 = arith.cmpi slt, %select_n3A_1165, %lt3A_1171 : i32
        %ne3A_1173 = arith.xori %lt3A_1170, %lt3A_1172 : i1
        %and3A_1174 = arith.andi %ne3A_1173, %ne3A_1168 : i1
        %add3A_1175 = arith.addi %rem3A_1166, %select_n3A_1165 : i32
        %select_n3A_1176 = arith.select %and3A_1174, %add3A_1175, %rem3A_1166 : i32
        %mul3A_1177 = arith.constant 64 : i32
        %mul3A_1178 = arith.muli %select_n3A_1176, %mul3A_1177 : i32
        %add3A_1179 = arith.constant 32 : i32
        %add3A_1180 = arith.addi %mul3A_1178, %add3A_1179 : i32
        %swap3A_1181 = arith.index_cast %select_n3A_1160 : i32 to index
        %swap3A_1182 = arith.index_cast %add3A_1180 : i32 to index
        %swap3A_1183 = tpu.vector_load %arg10[%swap3A_1181, %swap3A_1182] {strides = array<i32>} : memref<16x128xf32, #tpu.memory_space<vmem>>, vector<16xf32>,
        tpu.vector_store %arg10[%swap3A_1181, %swap3A_1182], %add3A_1038 {strides = array<i32>} : memref<16x128xf32, #tpu.memory_space<vmem>>, vector<16xf32>,
        %jit3A_1184 = arith.constant 2 : i32
        %div3A_1185 = arith.divsi %scan3A_790, %jit3A_1184 : i32
        %sign3A_1186 = arith.constant 0 : i32
        %sign3A_1187 = arith.cmpi sgt, %scan3A_790, %sign3A_1186 : i32
        %sign3A_1188 = arith.extui %sign3A_1187 : i1 to i32
        %sign3A_1189 = arith.constant 0 : i32
        %sign3A_1190 = arith.cmpi slt, %scan3A_790, %sign3A_1189 : i32
        %sign3A_1191 = arith.extui %sign3A_1190 : i1 to i32
        %sign3A_1192 = arith.subi %sign3A_1188, %sign3A_1191 : i32
        %sign3A_1193 = arith.constant 0 : i32
        %sign3A_1194 = arith.cmpi sgt, %jit3A_1184, %sign3A_1193 : i32
        %sign3A_1195 = arith.extui %sign3A_1194 : i1 to i32
        %sign3A_1196 = arith.constant 0 : i32
        %sign3A_1197 = arith.cmpi slt, %jit3A_1184, %sign3A_1196 : i32
        %sign3A_1198 = arith.extui %sign3A_1197 : i1 to i32
        %sign3A_1199 = arith.subi %sign3A_1195, %sign3A_1198 : i32
        %ne3A_1200 = arith.cmpi ne, %sign3A_1192, %sign3A_1199 : i32
        %rem3A_1201 = arith.remsi %scan3A_790, %jit3A_1184 : i32
        %ne3A_1202 = arith.constant 0 : i32
        %ne3A_1203 = arith.cmpi ne, %rem3A_1201, %ne3A_1202 : i32
        %and3A_1204 = arith.andi %ne3A_1200, %ne3A_1203 : i1
        %sub3A_1205 = arith.constant 1 : i32
        %sub3A_1206 = arith.subi %div3A_1185, %sub3A_1205 : i32
        %select_n3A_1207 = arith.select %and3A_1204, %sub3A_1206, %div3A_1185 : i32
        %jit3A_1208 = arith.constant 2 : i32
        %eq3A_1209 = arith.constant 0 : i32
        %eq3A_1210 = arith.cmpi eq, %jit3A_1208, %eq3A_1209 : i32
        %jit3A_1211 = arith.constant 1 : i32
        %select_n3A_1212 = arith.select %eq3A_1210, %jit3A_1211, %jit3A_1208 : i32
        %rem3A_1213 = arith.remsi %scan3A_790, %select_n3A_1212 : i32
        %ne3A_1214 = arith.constant 0 : i32
        %ne3A_1215 = arith.cmpi ne, %rem3A_1213, %ne3A_1214 : i32
        %lt3A_1216 = arith.constant 0 : i32
        %lt3A_1217 = arith.cmpi slt, %rem3A_1213, %lt3A_1216 : i32
        %lt3A_1218 = arith.constant 0 : i32
        %lt3A_1219 = arith.cmpi slt, %select_n3A_1212, %lt3A_1218 : i32
        %ne3A_1220 = arith.xori %lt3A_1217, %lt3A_1219 : i1
        %and3A_1221 = arith.andi %ne3A_1220, %ne3A_1215 : i1
        %add3A_1222 = arith.addi %rem3A_1213, %select_n3A_1212 : i32
        %select_n3A_1223 = arith.select %and3A_1221, %add3A_1222, %rem3A_1213 : i32
        %mul3A_1224 = arith.constant 64 : i32
        %mul3A_1225 = arith.muli %select_n3A_1223, %mul3A_1224 : i32
        %add3A_1226 = arith.constant 48 : i32
        %add3A_1227 = arith.addi %mul3A_1225, %add3A_1226 : i32
        %swap3A_1228 = arith.index_cast %select_n3A_1207 : i32 to index
        %swap3A_1229 = arith.index_cast %add3A_1227 : i32 to index
        %swap3A_1230 = tpu.vector_load %arg10[%swap3A_1228, %swap3A_1229] {strides = array<i32>} : memref<16x128xf32, #tpu.memory_space<vmem>>, vector<16xf32>,
        tpu.vector_store %arg10[%swap3A_1228, %swap3A_1229], %add3A_1043 {strides = array<i32>} : memref<16x128xf32, #tpu.memory_space<vmem>>, vector<16xf32>,
      }
      %scan3A_752 = arith.constant 32 : i32
      %mul3A_753 = arith.constant 1024 : i32
      %mul3A_754 = arith.muli %select_n3A_30, %mul3A_753 : i32
      %mul3A_755 = arith.constant 32 : i32
      %mul3A_756 = arith.muli %add3A_740, %mul3A_755 : i32
      %add3A_757 = arith.addi %mul3A_754, %mul3A_756 : i32
      %jit3A_758 = arith.constant 2 : i32
      %div3A_759 = arith.divsi %add3A_757, %jit3A_758 : i32
      %sign3A_760 = arith.constant 0 : i32
      %sign3A_761 = arith.cmpi sgt, %add3A_757, %sign3A_760 : i32
      %sign3A_762 = arith.extui %sign3A_761 : i1 to i32
      %sign3A_763 = arith.constant 0 : i32
      %sign3A_764 = arith.cmpi slt, %add3A_757, %sign3A_763 : i32
      %sign3A_765 = arith.extui %sign3A_764 : i1 to i32
      %sign3A_766 = arith.subi %sign3A_762, %sign3A_765 : i32
      %sign3A_767 = arith.constant 0 : i32
      %sign3A_768 = arith.cmpi sgt, %jit3A_758, %sign3A_767 : i32
      %sign3A_769 = arith.extui %sign3A_768 : i1 to i32
      %sign3A_770 = arith.constant 0 : i32
      %sign3A_771 = arith.cmpi slt, %jit3A_758, %sign3A_770 : i32
      %sign3A_772 = arith.extui %sign3A_771 : i1 to i32
      %sign3A_773 = arith.subi %sign3A_769, %sign3A_772 : i32
      %ne3A_774 = arith.cmpi ne, %sign3A_766, %sign3A_773 : i32
      %rem3A_775 = arith.remsi %add3A_757, %jit3A_758 : i32
      %ne3A_776 = arith.constant 0 : i32
      %ne3A_777 = arith.cmpi ne, %rem3A_775, %ne3A_776 : i32
      %and3A_778 = arith.andi %ne3A_774, %ne3A_777 : i1
      %sub3A_779 = arith.constant 1 : i32
      %sub3A_780 = arith.subi %div3A_759, %sub3A_779 : i32
      %select_n3A_781 = arith.select %and3A_778, %sub3A_780, %div3A_759 : i32
      %multiple_of3A_782 = tpu.assume_multiple %select_n3A_781, 16 : i32
      "tpu.region"() ({
        %run_scoped3A_790 = tpu.sem_alloc : memref<!tpu.dma_semaphore, #tpu.memory_space<semaphore_mem>>
        %dma_start3A_791 = arith.constant 0 : i32
        %dma_start3A_792 = tpu.memref_slice %arg4[%select_n3A, %multiple_of3A_782, %dma_start3A_791] : memref<16x1024x128xf32, #tpu.memory_space<hbm>> -> memref<1x16x128xf32, #tpu.memory_space<hbm>>
        %dma_start3A_793 = tpu.memref_squeeze %dma_start3A_792 : memref<1x16x128xf32, #tpu.memory_space<hbm>> -> memref<16x128xf32, #tpu.memory_space<hbm>>
        %dma_start3A_794 = arith.constant 0 : i32
        %dma_start3A_795 = tpu.memref_slice %arg4[%select_n3A, %multiple_of3A_782, %dma_start3A_794] : memref<16x1024x128xf32, #tpu.memory_space<hbm>> -> memref<1x16x128xf32, #tpu.memory_space<hbm>>
        %dma_start3A_796 = tpu.memref_squeeze %dma_start3A_795 : memref<1x16x128xf32, #tpu.memory_space<hbm>> -> memref<16x128xf32, #tpu.memory_space<hbm>>
        tpu.enqueue_dma source(%arg10 : memref<16x128xf32, #tpu.memory_space<vmem>>) target(%dma_start3A_796 : memref<16x128xf32, #tpu.memory_space<hbm>>) target_semaphore(%run_scoped3A_790 : memref<!tpu.dma_semaphore, #tpu.memory_space<semaphore_mem>>)
        %dma_wait3A_797 = arith.constant 0 : i32
        %dma_wait3A_798 = tpu.memref_slice %arg4[%select_n3A, %multiple_of3A_782, %dma_wait3A_797] : memref<16x1024x128xf32, #tpu.memory_space<hbm>> -> memref<1x16x128xf32, #tpu.memory_space<hbm>>
        %dma_wait3A_799 = tpu.memref_squeeze %dma_wait3A_798 : memref<1x16x128xf32, #tpu.memory_space<hbm>> -> memref<16x128xf32, #tpu.memory_space<hbm>>
        %dma_wait3A_800 = arith.constant 0 : i32
        %dma_wait3A_801 = tpu.memref_slice %arg4[%select_n3A, %multiple_of3A_782, %dma_wait3A_800] : memref<16x1024x128xf32, #tpu.memory_space<hbm>> -> memref<1x16x128xf32, #tpu.memory_space<hbm>>
        %dma_wait3A_802 = tpu.memref_squeeze %dma_wait3A_801 : memref<1x16x128xf32, #tpu.memory_space<hbm>> -> memref<16x128xf32, #tpu.memory_space<hbm>>
        tpu.wait_dma2 semaphore(%run_scoped3A_790 : memref<!tpu.dma_semaphore, #tpu.memory_space<semaphore_mem>>) src(%arg10 : memref<16x128xf32, #tpu.memory_space<vmem>>) dst(%dma_wait3A_802 : memref<16x128xf32, #tpu.memory_space<hbm>>)
        tpu.yield
      }) : () -> ()
      %add3A_783 = arith.constant 2 : i32
      %add3A_784 = arith.addi %add3A_740, %add3A_783 : i32
      %lt3A_785 = arith.constant 32 : i32
      %lt3A_786 = arith.cmpi slt, %add3A_784, %lt3A_785 : i32
      %convert_element_type3A_787 = arith.extui %lt3A_786 : i1 to i32
      %cond3A_788 = arith.constant 0 : i32
      %cond3A_789 = arith.cmpi ne, %convert_element_type3A_787, %cond3A_788 : i32
      scf.if %cond3A_789 {
        %add3A_790 = arith.constant 2 : i32
        %add3A_791 = arith.addi %add3A_740, %add3A_790 : i32
        %jit3A_792 = arith.constant 4 : i32
        %div3A_793 = arith.divsi %add3A_791, %jit3A_792 : i32
        %sign3A_794 = arith.constant 0 : i32
        %sign3A_795 = arith.cmpi sgt, %add3A_791, %sign3A_794 : i32
        %sign3A_796 = arith.extui %sign3A_795 : i1 to i32
        %sign3A_797 = arith.constant 0 : i32
        %sign3A_798 = arith.cmpi slt, %add3A_791, %sign3A_797 : i32
        %sign3A_799 = arith.extui %sign3A_798 : i1 to i32
        %sign3A_800 = arith.subi %sign3A_796, %sign3A_799 : i32
        %sign3A_801 = arith.constant 0 : i32
        %sign3A_802 = arith.cmpi sgt, %jit3A_792, %sign3A_801 : i32
        %sign3A_803 = arith.extui %sign3A_802 : i1 to i32
        %sign3A_804 = arith.constant 0 : i32
        %sign3A_805 = arith.cmpi slt, %jit3A_792, %sign3A_804 : i32
        %sign3A_806 = arith.extui %sign3A_805 : i1 to i32
        %sign3A_807 = arith.subi %sign3A_803, %sign3A_806 : i32
        %ne3A_808 = arith.cmpi ne, %sign3A_800, %sign3A_807 : i32
        %rem3A_809 = arith.remsi %add3A_791, %jit3A_792 : i32
        %ne3A_810 = arith.constant 0 : i32
        %ne3A_811 = arith.cmpi ne, %rem3A_809, %ne3A_810 : i32
        %and3A_812 = arith.andi %ne3A_808, %ne3A_811 : i1
        %sub3A_813 = arith.constant 1 : i32
        %sub3A_814 = arith.subi %div3A_793, %sub3A_813 : i32
        %select_n3A_815 = arith.select %and3A_812, %sub3A_814, %div3A_793 : i32
        %jit3A_816 = arith.constant 4 : i32
        %eq3A_817 = arith.constant 0 : i32
        %eq3A_818 = arith.cmpi eq, %jit3A_816, %eq3A_817 : i32
        %jit3A_819 = arith.constant 1 : i32
        %select_n3A_820 = arith.select %eq3A_818, %jit3A_819, %jit3A_816 : i32
        %rem3A_821 = arith.remsi %add3A_791, %select_n3A_820 : i32
        %ne3A_822 = arith.constant 0 : i32
        %ne3A_823 = arith.cmpi ne, %rem3A_821, %ne3A_822 : i32
        %lt3A_824 = arith.constant 0 : i32
        %lt3A_825 = arith.cmpi slt, %rem3A_821, %lt3A_824 : i32
        %lt3A_826 = arith.constant 0 : i32
        %lt3A_827 = arith.cmpi slt, %select_n3A_820, %lt3A_826 : i32
        %ne3A_828 = arith.xori %lt3A_825, %lt3A_827 : i1
        %and3A_829 = arith.andi %ne3A_828, %ne3A_823 : i1
        %add3A_830 = arith.addi %rem3A_821, %select_n3A_820 : i32
        %select_n3A_831 = arith.select %and3A_829, %add3A_830, %rem3A_821 : i32
        %mul3A_832 = arith.constant 32 : i32
        %mul3A_833 = arith.muli %select_n3A_831, %mul3A_832 : i32
        %add3A_834 = arith.constant 0 : i32
        %add3A_835 = arith.addi %mul3A_833, %add3A_834 : i32
        %get3A_836 = arith.constant 0 : i32
        %get3A_837 = arith.index_cast %get3A_836 : i32 to index
        %get3A_838 = arith.index_cast %select_n3A_815 : i32 to index
        %get3A_839 = arith.index_cast %add3A_835 : i32 to index
        %get3A_840 = tpu.vector_load %arg5[%get3A_837, %get3A_838, %get3A_839] {strides = array<i32>} : memref<8x8x128xi32, #tpu.memory_space<vmem>>, vector<16xi32>,
        %add3A_841 = arith.constant 0 : i32
        %add3A_842 = vector.broadcast %add3A_841 : i32 to vector<16xi32>
        %add3A_843 = arith.addi %add3A_842, %iota3A : vector<16xi32>
        %mul3A_844 = arith.constant 8 : i32
        %mul3A_845 = vector.broadcast %mul3A_844 : i32 to vector<16xi32>
        %mul3A_846 = arith.muli %add3A_843, %mul3A_845 : vector<16xi32>
        %add3A_847 = arith.constant 0 : i32
        %add3A_848 = vector.broadcast %add3A_847 : i32 to vector<16xi32>
        %add3A_849 = arith.addi %mul3A_846, %add3A_848 : vector<16xi32>
        %mul3A_850 = arith.constant 16384 : i32
        %mul3A_851 = arith.muli %select_n3A, %mul3A_850 : i32
        %add3A_852 = vector.broadcast %mul3A_851 : i32 to vector<16xi32>
        %add3A_853 = arith.addi %get3A_840, %add3A_852 : vector<16xi32>
        tpu.vector_store_idx %arg7[%add3A_849], %add3A_853 : memref<256xi32, #tpu.memory_space<vmem>>[vector<16xi32>], vector<16xi32>,
        %add3A_854 = arith.constant 16 : i32
        %add3A_855 = arith.addi %mul3A_833, %add3A_854 : i32
        %get3A_856 = arith.constant 0 : i32
        %get3A_857 = arith.index_cast %get3A_856 : i32 to index
        %get3A_858 = arith.index_cast %select_n3A_815 : i32 to index
        %get3A_859 = arith.index_cast %add3A_855 : i32 to index
        %get3A_860 = tpu.vector_load %arg5[%get3A_857, %get3A_858, %get3A_859] {strides = array<i32>} : memref<8x8x128xi32, #tpu.memory_space<vmem>>, vector<16xi32>,
        %add3A_861 = arith.constant 16 : i32
        %add3A_862 = vector.broadcast %add3A_861 : i32 to vector<16xi32>
        %add3A_863 = arith.addi %add3A_862, %iota3A : vector<16xi32>
        %mul3A_864 = arith.constant 8 : i32
        %mul3A_865 = vector.broadcast %mul3A_864 : i32 to vector<16xi32>
        %mul3A_866 = arith.muli %add3A_863, %mul3A_865 : vector<16xi32>
        %add3A_867 = arith.constant 0 : i32
        %add3A_868 = vector.broadcast %add3A_867 : i32 to vector<16xi32>
        %add3A_869 = arith.addi %mul3A_866, %add3A_868 : vector<16xi32>
        %mul3A_870 = arith.constant 16384 : i32
        %mul3A_871 = arith.muli %select_n3A, %mul3A_870 : i32
        %add3A_872 = vector.broadcast %mul3A_871 : i32 to vector<16xi32>
        %add3A_873 = arith.addi %get3A_860, %add3A_872 : vector<16xi32>
        tpu.vector_store_idx %arg7[%add3A_869], %add3A_873 : memref<256xi32, #tpu.memory_space<vmem>>[vector<16xi32>], vector<16xi32>,
        %add3A_874 = arith.constant 0 : i32
        %add3A_875 = arith.addi %mul3A_833, %add3A_874 : i32
        %get3A_876 = arith.constant 1 : i32
        %get3A_877 = arith.index_cast %get3A_876 : i32 to index
        %get3A_878 = arith.index_cast %select_n3A_815 : i32 to index
        %get3A_879 = arith.index_cast %add3A_875 : i32 to index
        %get3A_880 = tpu.vector_load %arg5[%get3A_877, %get3A_878, %get3A_879] {strides = array<i32>} : memref<8x8x128xi32, #tpu.memory_space<vmem>>, vector<16xi32>,
        %add3A_881 = arith.constant 0 : i32
        %add3A_882 = vector.broadcast %add3A_881 : i32 to vector<16xi32>
        %add3A_883 = arith.addi %add3A_882, %iota3A : vector<16xi32>
        %mul3A_884 = arith.constant 8 : i32
        %mul3A_885 = vector.broadcast %mul3A_884 : i32 to vector<16xi32>
        %mul3A_886 = arith.muli %add3A_883, %mul3A_885 : vector<16xi32>
        %add3A_887 = arith.constant 1 : i32
        %add3A_888 = vector.broadcast %add3A_887 : i32 to vector<16xi32>
        %add3A_889 = arith.addi %mul3A_886, %add3A_888 : vector<16xi32>
        %mul3A_890 = arith.constant 16384 : i32
        %mul3A_891 = arith.muli %select_n3A, %mul3A_890 : i32
        %add3A_892 = vector.broadcast %mul3A_891 : i32 to vector<16xi32>
        %add3A_893 = arith.addi %get3A_880, %add3A_892 : vector<16xi32>
        tpu.vector_store_idx %arg7[%add3A_889], %add3A_893 : memref<256xi32, #tpu.memory_space<vmem>>[vector<16xi32>], vector<16xi32>,
        %add3A_894 = arith.constant 16 : i32
        %add3A_895 = arith.addi %mul3A_833, %add3A_894 : i32
        %get3A_896 = arith.constant 1 : i32
        %get3A_897 = arith.index_cast %get3A_896 : i32 to index
        %get3A_898 = arith.index_cast %select_n3A_815 : i32 to index
        %get3A_899 = arith.index_cast %add3A_895 : i32 to index
        %get3A_900 = tpu.vector_load %arg5[%get3A_897, %get3A_898, %get3A_899] {strides = array<i32>} : memref<8x8x128xi32, #tpu.memory_space<vmem>>, vector<16xi32>,
        %add3A_901 = arith.constant 16 : i32
        %add3A_902 = vector.broadcast %add3A_901 : i32 to vector<16xi32>
        %add3A_903 = arith.addi %add3A_902, %iota3A : vector<16xi32>
        %mul3A_904 = arith.constant 8 : i32
        %mul3A_905 = vector.broadcast %mul3A_904 : i32 to vector<16xi32>
        %mul3A_906 = arith.muli %add3A_903, %mul3A_905 : vector<16xi32>
        %add3A_907 = arith.constant 1 : i32
        %add3A_908 = vector.broadcast %add3A_907 : i32 to vector<16xi32>
        %add3A_909 = arith.addi %mul3A_906, %add3A_908 : vector<16xi32>
        %mul3A_910 = arith.constant 16384 : i32
        %mul3A_911 = arith.muli %select_n3A, %mul3A_910 : i32
        %add3A_912 = vector.broadcast %mul3A_911 : i32 to vector<16xi32>
        %add3A_913 = arith.addi %get3A_900, %add3A_912 : vector<16xi32>
        tpu.vector_store_idx %arg7[%add3A_909], %add3A_913 : memref<256xi32, #tpu.memory_space<vmem>>[vector<16xi32>], vector<16xi32>,
        %add3A_914 = arith.constant 0 : i32
        %add3A_915 = arith.addi %mul3A_833, %add3A_914 : i32
        %get3A_916 = arith.constant 2 : i32
        %get3A_917 = arith.index_cast %get3A_916 : i32 to index
        %get3A_918 = arith.index_cast %select_n3A_815 : i32 to index
        %get3A_919 = arith.index_cast %add3A_915 : i32 to index
        %get3A_920 = tpu.vector_load %arg5[%get3A_917, %get3A_918, %get3A_919] {strides = array<i32>} : memref<8x8x128xi32, #tpu.memory_space<vmem>>, vector<16xi32>,
        %add3A_921 = arith.constant 0 : i32
        %add3A_922 = vector.broadcast %add3A_921 : i32 to vector<16xi32>
        %add3A_923 = arith.addi %add3A_922, %iota3A : vector<16xi32>
        %mul3A_924 = arith.constant 8 : i32
        %mul3A_925 = vector.broadcast %mul3A_924 : i32 to vector<16xi32>
        %mul3A_926 = arith.muli %add3A_923, %mul3A_925 : vector<16xi32>
        %add3A_927 = arith.constant 2 : i32
        %add3A_928 = vector.broadcast %add3A_927 : i32 to vector<16xi32>
        %add3A_929 = arith.addi %mul3A_926, %add3A_928 : vector<16xi32>
        %mul3A_930 = arith.constant 16384 : i32
        %mul3A_931 = arith.muli %select_n3A, %mul3A_930 : i32
        %add3A_932 = vector.broadcast %mul3A_931 : i32 to vector<16xi32>
        %add3A_933 = arith.addi %get3A_920, %add3A_932 : vector<16xi32>
        tpu.vector_store_idx %arg7[%add3A_929], %add3A_933 : memref<256xi32, #tpu.memory_space<vmem>>[vector<16xi32>], vector<16xi32>,
        %add3A_934 = arith.constant 16 : i32
        %add3A_935 = arith.addi %mul3A_833, %add3A_934 : i32
        %get3A_936 = arith.constant 2 : i32
        %get3A_937 = arith.index_cast %get3A_936 : i32 to index
        %get3A_938 = arith.index_cast %select_n3A_815 : i32 to index
        %get3A_939 = arith.index_cast %add3A_935 : i32 to index
        %get3A_940 = tpu.vector_load %arg5[%get3A_937, %get3A_938, %get3A_939] {strides = array<i32>} : memref<8x8x128xi32, #tpu.memory_space<vmem>>, vector<16xi32>,
        %add3A_941 = arith.constant 16 : i32
        %add3A_942 = vector.broadcast %add3A_941 : i32 to vector<16xi32>
        %add3A_943 = arith.addi %add3A_942, %iota3A : vector<16xi32>
        %mul3A_944 = arith.constant 8 : i32
        %mul3A_945 = vector.broadcast %mul3A_944 : i32 to vector<16xi32>
        %mul3A_946 = arith.muli %add3A_943, %mul3A_945 : vector<16xi32>
        %add3A_947 = arith.constant 2 : i32
        %add3A_948 = vector.broadcast %add3A_947 : i32 to vector<16xi32>
        %add3A_949 = arith.addi %mul3A_946, %add3A_948 : vector<16xi32>
        %mul3A_950 = arith.constant 16384 : i32
        %mul3A_951 = arith.muli %select_n3A, %mul3A_950 : i32
        %add3A_952 = vector.broadcast %mul3A_951 : i32 to vector<16xi32>
        %add3A_953 = arith.addi %get3A_940, %add3A_952 : vector<16xi32>
        tpu.vector_store_idx %arg7[%add3A_949], %add3A_953 : memref<256xi32, #tpu.memory_space<vmem>>[vector<16xi32>], vector<16xi32>,
        %add3A_954 = arith.constant 0 : i32
        %add3A_955 = arith.addi %mul3A_833, %add3A_954 : i32
        %get3A_956 = arith.constant 3 : i32
        %get3A_957 = arith.index_cast %get3A_956 : i32 to index
        %get3A_958 = arith.index_cast %select_n3A_815 : i32 to index
        %get3A_959 = arith.index_cast %add3A_955 : i32 to index
        %get3A_960 = tpu.vector_load %arg5[%get3A_957, %get3A_958, %get3A_959] {strides = array<i32>} : memref<8x8x128xi32, #tpu.memory_space<vmem>>, vector<16xi32>,
        %add3A_961 = arith.constant 0 : i32
        %add3A_962 = vector.broadcast %add3A_961 : i32 to vector<16xi32>
        %add3A_963 = arith.addi %add3A_962, %iota3A : vector<16xi32>
        %mul3A_964 = arith.constant 8 : i32
        %mul3A_965 = vector.broadcast %mul3A_964 : i32 to vector<16xi32>
        %mul3A_966 = arith.muli %add3A_963, %mul3A_965 : vector<16xi32>
        %add3A_967 = arith.constant 3 : i32
        %add3A_968 = vector.broadcast %add3A_967 : i32 to vector<16xi32>
        %add3A_969 = arith.addi %mul3A_966, %add3A_968 : vector<16xi32>
        %mul3A_970 = arith.constant 16384 : i32
        %mul3A_971 = arith.muli %select_n3A, %mul3A_970 : i32
        %add3A_972 = vector.broadcast %mul3A_971 : i32 to vector<16xi32>
        %add3A_973 = arith.addi %get3A_960, %add3A_972 : vector<16xi32>
        tpu.vector_store_idx %arg7[%add3A_969], %add3A_973 : memref<256xi32, #tpu.memory_space<vmem>>[vector<16xi32>], vector<16xi32>,
        %add3A_974 = arith.constant 16 : i32
        %add3A_975 = arith.addi %mul3A_833, %add3A_974 : i32
        %get3A_976 = arith.constant 3 : i32
        %get3A_977 = arith.index_cast %get3A_976 : i32 to index
        %get3A_978 = arith.index_cast %select_n3A_815 : i32 to index
        %get3A_979 = arith.index_cast %add3A_975 : i32 to index
        %get3A_980 = tpu.vector_load %arg5[%get3A_977, %get3A_978, %get3A_979] {strides = array<i32>} : memref<8x8x128xi32, #tpu.memory_space<vmem>>, vector<16xi32>,
        %add3A_981 = arith.constant 16 : i32
        %add3A_982 = vector.broadcast %add3A_981 : i32 to vector<16xi32>
        %add3A_983 = arith.addi %add3A_982, %iota3A : vector<16xi32>
        %mul3A_984 = arith.constant 8 : i32
        %mul3A_985 = vector.broadcast %mul3A_984 : i32 to vector<16xi32>
        %mul3A_986 = arith.muli %add3A_983, %mul3A_985 : vector<16xi32>
        %add3A_987 = arith.constant 3 : i32
        %add3A_988 = vector.broadcast %add3A_987 : i32 to vector<16xi32>
        %add3A_989 = arith.addi %mul3A_986, %add3A_988 : vector<16xi32>
        %mul3A_990 = arith.constant 16384 : i32
        %mul3A_991 = arith.muli %select_n3A, %mul3A_990 : i32
        %add3A_992 = vector.broadcast %mul3A_991 : i32 to vector<16xi32>
        %add3A_993 = arith.addi %get3A_980, %add3A_992 : vector<16xi32>
        tpu.vector_store_idx %arg7[%add3A_989], %add3A_993 : memref<256xi32, #tpu.memory_space<vmem>>[vector<16xi32>], vector<16xi32>,
        %add3A_994 = arith.constant 0 : i32
        %add3A_995 = arith.addi %mul3A_833, %add3A_994 : i32
        %get3A_996 = arith.constant 4 : i32
        %get3A_997 = arith.index_cast %get3A_996 : i32 to index
        %get3A_998 = arith.index_cast %select_n3A_815 : i32 to index
        %get3A_999 = arith.index_cast %add3A_995 : i32 to index
        %get3A_1000 = tpu.vector_load %arg5[%get3A_997, %get3A_998, %get3A_999] {strides = array<i32>} : memref<8x8x128xi32, #tpu.memory_space<vmem>>, vector<16xi32>,
        %add3A_1001 = arith.constant 0 : i32
        %add3A_1002 = vector.broadcast %add3A_1001 : i32 to vector<16xi32>
        %add3A_1003 = arith.addi %add3A_1002, %iota3A : vector<16xi32>
        %mul3A_1004 = arith.constant 8 : i32
        %mul3A_1005 = vector.broadcast %mul3A_1004 : i32 to vector<16xi32>
        %mul3A_1006 = arith.muli %add3A_1003, %mul3A_1005 : vector<16xi32>
        %add3A_1007 = arith.constant 4 : i32
        %add3A_1008 = vector.broadcast %add3A_1007 : i32 to vector<16xi32>
        %add3A_1009 = arith.addi %mul3A_1006, %add3A_1008 : vector<16xi32>
        %mul3A_1010 = arith.constant 16384 : i32
        %mul3A_1011 = arith.muli %select_n3A, %mul3A_1010 : i32
        %add3A_1012 = vector.broadcast %mul3A_1011 : i32 to vector<16xi32>
        %add3A_1013 = arith.addi %get3A_1000, %add3A_1012 : vector<16xi32>
        tpu.vector_store_idx %arg7[%add3A_1009], %add3A_1013 : memref<256xi32, #tpu.memory_space<vmem>>[vector<16xi32>], vector<16xi32>,
        %add3A_1014 = arith.constant 16 : i32
        %add3A_1015 = arith.addi %mul3A_833, %add3A_1014 : i32
        %get3A_1016 = arith.constant 4 : i32
        %get3A_1017 = arith.index_cast %get3A_1016 : i32 to index
        %get3A_1018 = arith.index_cast %select_n3A_815 : i32 to index
        %get3A_1019 = arith.index_cast %add3A_1015 : i32 to index
        %get3A_1020 = tpu.vector_load %arg5[%get3A_1017, %get3A_1018, %get3A_1019] {strides = array<i32>} : memref<8x8x128xi32, #tpu.memory_space<vmem>>, vector<16xi32>,
        %add3A_1021 = arith.constant 16 : i32
        %add3A_1022 = vector.broadcast %add3A_1021 : i32 to vector<16xi32>
        %add3A_1023 = arith.addi %add3A_1022, %iota3A : vector<16xi32>
        %mul3A_1024 = arith.constant 8 : i32
        %mul3A_1025 = vector.broadcast %mul3A_1024 : i32 to vector<16xi32>
        %mul3A_1026 = arith.muli %add3A_1023, %mul3A_1025 : vector<16xi32>
        %add3A_1027 = arith.constant 4 : i32
        %add3A_1028 = vector.broadcast %add3A_1027 : i32 to vector<16xi32>
        %add3A_1029 = arith.addi %mul3A_1026, %add3A_1028 : vector<16xi32>
        %mul3A_1030 = arith.constant 16384 : i32
        %mul3A_1031 = arith.muli %select_n3A, %mul3A_1030 : i32
        %add3A_1032 = vector.broadcast %mul3A_1031 : i32 to vector<16xi32>
        %add3A_1033 = arith.addi %get3A_1020, %add3A_1032 : vector<16xi32>
        tpu.vector_store_idx %arg7[%add3A_1029], %add3A_1033 : memref<256xi32, #tpu.memory_space<vmem>>[vector<16xi32>], vector<16xi32>,
        %add3A_1034 = arith.constant 0 : i32
        %add3A_1035 = arith.addi %mul3A_833, %add3A_1034 : i32
        %get3A_1036 = arith.constant 5 : i32
        %get3A_1037 = arith.index_cast %get3A_1036 : i32 to index
        %get3A_1038 = arith.index_cast %select_n3A_815 : i32 to index
        %get3A_1039 = arith.index_cast %add3A_1035 : i32 to index
        %get3A_1040 = tpu.vector_load %arg5[%get3A_1037, %get3A_1038, %get3A_1039] {strides = array<i32>} : memref<8x8x128xi32, #tpu.memory_space<vmem>>, vector<16xi32>,
        %add3A_1041 = arith.constant 0 : i32
        %add3A_1042 = vector.broadcast %add3A_1041 : i32 to vector<16xi32>
        %add3A_1043 = arith.addi %add3A_1042, %iota3A : vector<16xi32>
        %mul3A_1044 = arith.constant 8 : i32
        %mul3A_1045 = vector.broadcast %mul3A_1044 : i32 to vector<16xi32>
        %mul3A_1046 = arith.muli %add3A_1043, %mul3A_1045 : vector<16xi32>
        %add3A_1047 = arith.constant 5 : i32
        %add3A_1048 = vector.broadcast %add3A_1047 : i32 to vector<16xi32>
        %add3A_1049 = arith.addi %mul3A_1046, %add3A_1048 : vector<16xi32>
        %mul3A_1050 = arith.constant 16384 : i32
        %mul3A_1051 = arith.muli %select_n3A, %mul3A_1050 : i32
        %add3A_1052 = vector.broadcast %mul3A_1051 : i32 to vector<16xi32>
        %add3A_1053 = arith.addi %get3A_1040, %add3A_1052 : vector<16xi32>
        tpu.vector_store_idx %arg7[%add3A_1049], %add3A_1053 : memref<256xi32, #tpu.memory_space<vmem>>[vector<16xi32>], vector<16xi32>,
        %add3A_1054 = arith.constant 16 : i32
        %add3A_1055 = arith.addi %mul3A_833, %add3A_1054 : i32
        %get3A_1056 = arith.constant 5 : i32
        %get3A_1057 = arith.index_cast %get3A_1056 : i32 to index
        %get3A_1058 = arith.index_cast %select_n3A_815 : i32 to index
        %get3A_1059 = arith.index_cast %add3A_1055 : i32 to index
        %get3A_1060 = tpu.vector_load %arg5[%get3A_1057, %get3A_1058, %get3A_1059] {strides = array<i32>} : memref<8x8x128xi32, #tpu.memory_space<vmem>>, vector<16xi32>,
        %add3A_1061 = arith.constant 16 : i32
        %add3A_1062 = vector.broadcast %add3A_1061 : i32 to vector<16xi32>
        %add3A_1063 = arith.addi %add3A_1062, %iota3A : vector<16xi32>
        %mul3A_1064 = arith.constant 8 : i32
        %mul3A_1065 = vector.broadcast %mul3A_1064 : i32 to vector<16xi32>
        %mul3A_1066 = arith.muli %add3A_1063, %mul3A_1065 : vector<16xi32>
        %add3A_1067 = arith.constant 5 : i32
        %add3A_1068 = vector.broadcast %add3A_1067 : i32 to vector<16xi32>
        %add3A_1069 = arith.addi %mul3A_1066, %add3A_1068 : vector<16xi32>
        %mul3A_1070 = arith.constant 16384 : i32
        %mul3A_1071 = arith.muli %select_n3A, %mul3A_1070 : i32
        %add3A_1072 = vector.broadcast %mul3A_1071 : i32 to vector<16xi32>
        %add3A_1073 = arith.addi %get3A_1060, %add3A_1072 : vector<16xi32>
        tpu.vector_store_idx %arg7[%add3A_1069], %add3A_1073 : memref<256xi32, #tpu.memory_space<vmem>>[vector<16xi32>], vector<16xi32>,
        %add3A_1074 = arith.constant 0 : i32
        %add3A_1075 = arith.addi %mul3A_833, %add3A_1074 : i32
        %get3A_1076 = arith.constant 6 : i32
        %get3A_1077 = arith.index_cast %get3A_1076 : i32 to index
        %get3A_1078 = arith.index_cast %select_n3A_815 : i32 to index
        %get3A_1079 = arith.index_cast %add3A_1075 : i32 to index
        %get3A_1080 = tpu.vector_load %arg5[%get3A_1077, %get3A_1078, %get3A_1079] {strides = array<i32>} : memref<8x8x128xi32, #tpu.memory_space<vmem>>, vector<16xi32>,
        %add3A_1081 = arith.constant 0 : i32
        %add3A_1082 = vector.broadcast %add3A_1081 : i32 to vector<16xi32>
        %add3A_1083 = arith.addi %add3A_1082, %iota3A : vector<16xi32>
        %mul3A_1084 = arith.constant 8 : i32
        %mul3A_1085 = vector.broadcast %mul3A_1084 : i32 to vector<16xi32>
        %mul3A_1086 = arith.muli %add3A_1083, %mul3A_1085 : vector<16xi32>
        %add3A_1087 = arith.constant 6 : i32
        %add3A_1088 = vector.broadcast %add3A_1087 : i32 to vector<16xi32>
        %add3A_1089 = arith.addi %mul3A_1086, %add3A_1088 : vector<16xi32>
        %mul3A_1090 = arith.constant 16384 : i32
        %mul3A_1091 = arith.muli %select_n3A, %mul3A_1090 : i32
        %add3A_1092 = vector.broadcast %mul3A_1091 : i32 to vector<16xi32>
        %add3A_1093 = arith.addi %get3A_1080, %add3A_1092 : vector<16xi32>
        tpu.vector_store_idx %arg7[%add3A_1089], %add3A_1093 : memref<256xi32, #tpu.memory_space<vmem>>[vector<16xi32>], vector<16xi32>,
        %add3A_1094 = arith.constant 16 : i32
        %add3A_1095 = arith.addi %mul3A_833, %add3A_1094 : i32
        %get3A_1096 = arith.constant 6 : i32
        %get3A_1097 = arith.index_cast %get3A_1096 : i32 to index
        %get3A_1098 = arith.index_cast %select_n3A_815 : i32 to index
        %get3A_1099 = arith.index_cast %add3A_1095 : i32 to index
        %get3A_1100 = tpu.vector_load %arg5[%get3A_1097, %get3A_1098, %get3A_1099] {strides = array<i32>} : memref<8x8x128xi32, #tpu.memory_space<vmem>>, vector<16xi32>,
        %add3A_1101 = arith.constant 16 : i32
        %add3A_1102 = vector.broadcast %add3A_1101 : i32 to vector<16xi32>
        %add3A_1103 = arith.addi %add3A_1102, %iota3A : vector<16xi32>
        %mul3A_1104 = arith.constant 8 : i32
        %mul3A_1105 = vector.broadcast %mul3A_1104 : i32 to vector<16xi32>
        %mul3A_1106 = arith.muli %add3A_1103, %mul3A_1105 : vector<16xi32>
        %add3A_1107 = arith.constant 6 : i32
        %add3A_1108 = vector.broadcast %add3A_1107 : i32 to vector<16xi32>
        %add3A_1109 = arith.addi %mul3A_1106, %add3A_1108 : vector<16xi32>
        %mul3A_1110 = arith.constant 16384 : i32
        %mul3A_1111 = arith.muli %select_n3A, %mul3A_1110 : i32
        %add3A_1112 = vector.broadcast %mul3A_1111 : i32 to vector<16xi32>
        %add3A_1113 = arith.addi %get3A_1100, %add3A_1112 : vector<16xi32>
        tpu.vector_store_idx %arg7[%add3A_1109], %add3A_1113 : memref<256xi32, #tpu.memory_space<vmem>>[vector<16xi32>], vector<16xi32>,
        %add3A_1114 = arith.constant 0 : i32
        %add3A_1115 = arith.addi %mul3A_833, %add3A_1114 : i32
        %get3A_1116 = arith.constant 7 : i32
        %get3A_1117 = arith.index_cast %get3A_1116 : i32 to index
        %get3A_1118 = arith.index_cast %select_n3A_815 : i32 to index
        %get3A_1119 = arith.index_cast %add3A_1115 : i32 to index
        %get3A_1120 = tpu.vector_load %arg5[%get3A_1117, %get3A_1118, %get3A_1119] {strides = array<i32>} : memref<8x8x128xi32, #tpu.memory_space<vmem>>, vector<16xi32>,
        %add3A_1121 = arith.constant 0 : i32
        %add3A_1122 = vector.broadcast %add3A_1121 : i32 to vector<16xi32>
        %add3A_1123 = arith.addi %add3A_1122, %iota3A : vector<16xi32>
        %mul3A_1124 = arith.constant 8 : i32
        %mul3A_1125 = vector.broadcast %mul3A_1124 : i32 to vector<16xi32>
        %mul3A_1126 = arith.muli %add3A_1123, %mul3A_1125 : vector<16xi32>
        %add3A_1127 = arith.constant 7 : i32
        %add3A_1128 = vector.broadcast %add3A_1127 : i32 to vector<16xi32>
        %add3A_1129 = arith.addi %mul3A_1126, %add3A_1128 : vector<16xi32>
        %mul3A_1130 = arith.constant 16384 : i32
        %mul3A_1131 = arith.muli %select_n3A, %mul3A_1130 : i32
        %add3A_1132 = vector.broadcast %mul3A_1131 : i32 to vector<16xi32>
        %add3A_1133 = arith.addi %get3A_1120, %add3A_1132 : vector<16xi32>
        tpu.vector_store_idx %arg7[%add3A_1129], %add3A_1133 : memref<256xi32, #tpu.memory_space<vmem>>[vector<16xi32>], vector<16xi32>,
        %add3A_1134 = arith.constant 16 : i32
        %add3A_1135 = arith.addi %mul3A_833, %add3A_1134 : i32
        %get3A_1136 = arith.constant 7 : i32
        %get3A_1137 = arith.index_cast %get3A_1136 : i32 to index
        %get3A_1138 = arith.index_cast %select_n3A_815 : i32 to index
        %get3A_1139 = arith.index_cast %add3A_1135 : i32 to index
        %get3A_1140 = tpu.vector_load %arg5[%get3A_1137, %get3A_1138, %get3A_1139] {strides = array<i32>} : memref<8x8x128xi32, #tpu.memory_space<vmem>>, vector<16xi32>,
        %add3A_1141 = arith.constant 16 : i32
        %add3A_1142 = vector.broadcast %add3A_1141 : i32 to vector<16xi32>
        %add3A_1143 = arith.addi %add3A_1142, %iota3A : vector<16xi32>
        %mul3A_1144 = arith.constant 8 : i32
        %mul3A_1145 = vector.broadcast %mul3A_1144 : i32 to vector<16xi32>
        %mul3A_1146 = arith.muli %add3A_1143, %mul3A_1145 : vector<16xi32>
        %add3A_1147 = arith.constant 7 : i32
        %add3A_1148 = vector.broadcast %add3A_1147 : i32 to vector<16xi32>
        %add3A_1149 = arith.addi %mul3A_1146, %add3A_1148 : vector<16xi32>
        %mul3A_1150 = arith.constant 16384 : i32
        %mul3A_1151 = arith.muli %select_n3A, %mul3A_1150 : i32
        %add3A_1152 = vector.broadcast %mul3A_1151 : i32 to vector<16xi32>
        %add3A_1153 = arith.addi %get3A_1140, %add3A_1152 : vector<16xi32>
        tpu.vector_store_idx %arg7[%add3A_1149], %add3A_1153 : memref<256xi32, #tpu.memory_space<vmem>>[vector<16xi32>], vector<16xi32>,
        %dma_start3A_1154 = arith.constant 0 : i32
        %dma_start3A_1155 = arith.constant 0 : i32
        %dma_start3A_1156 = tpu.memref_slice %arg3[%dma_start3A_1154, %dma_start3A_1155] : memref<262144x128xf32, #tpu.memory_space<hbm>> -> memref<262144x128xf32, #tpu.memory_space<hbm>>
        tpu.enqueue_indirect_dma source(%dma_start3A_1156 : memref<262144x128xf32, #tpu.memory_space<hbm>>) target(%arg9 : memref<256x128xf32, #tpu.memory_space<vmem>>) offsets(%arg7 : memref<256xi32, #tpu.memory_space<vmem>>) semaphore(%arg12 : memref<!tpu.dma_semaphore, #tpu.memory_space<semaphore_mem>>)
      } else {
      }
    }
    %scan3A_685 = arith.constant 16 : i32
    return
  }
}

module attributes {stable_mosaic.version = 14 : i64} {
  func.func @_hash_body(%arg0: i32, %arg1: memref<1x2048x64xf32, #tpu.memory_space<vmem>>, %arg2: memref<1x2048x64xf32, #tpu.memory_space<vmem>>, %arg3: memref<64x128xf32, #tpu.memory_space<vmem>>, %arg4: memref<1x8x16x128xi32, #tpu.memory_space<vmem>>, %arg5: memref<1x2048x128xf32, #tpu.memory_space<vmem>>, %arg6: memref<1x16x128xf32, #tpu.memory_space<vmem>>) attributes {dimension_semantics = [#tpu.dimension_semantics<arbitrary>], iteration_bounds = array<i64: 16>, scalar_prefetch = 0 : i64, scratch_operands = 0 : i64, tpu.core_type = #tpu.core_type<tc>, window_params = [{transform_indices = @transform_0, window_bounds = array<i64: 1, 2048, 64>}, {transform_indices = @transform_1, window_bounds = array<i64: 1, 2048, 64>}, {pipeline_mode = #tpu.pipeline_mode<synchronous>, transform_indices = @transform_2, window_bounds = array<i64: 64, 128>}, {transform_indices = @transform_3, window_bounds = array<i64: 1, 8, 16, 128>}, {transform_indices = @transform_4, window_bounds = array<i64: 1, 2048, 128>}, {transform_indices = @transform_5, window_bounds = array<i64: 1, 16, 128>}]} {
    %get3A = arith.constant 0 : index
    %get3A_0 = arith.constant 0 : index
    %get3A_1 = arith.constant 0 : index
    %get3A_2 = vector.load %arg1[%get3A, %get3A_0, %get3A_1] : memref<1x2048x64xf32, #tpu.memory_space<vmem>>, vector<1x2048x64xf32>
    %get3A_3 = vector.shape_cast %get3A_2 : vector<1x2048x64xf32> to vector<2048x64xf32>
    %get3A_4 = arith.constant 0 : index
    %get3A_5 = arith.constant 0 : index
    %get3A_6 = vector.load %arg3[%get3A_4, %get3A_5] : memref<64x128xf32, #tpu.memory_space<vmem>>, vector<64x128xf32>
    %dot_general3A = arith.constant dense<0.000000e+00> : vector<128x2048xf32>
    %dot_general3A_7 = tpu.matmul %get3A_6, %get3A_3, %dot_general3A {dimension_numbers = #tpu.dot_dimension_numbers<[0], [1], [1], [0], [0, 1, 1, 0], [], []>, transpose_lhs_hint = false} : vector<64x128xf32>, vector<2048x64xf32>, vector<128x2048xf32> -> vector<128x2048xf32>
    %iota3A = tpu.iota {dimensions = array<i32: 0>} : vector<32x2048xi32>
    %slice3A = vector.extract_strided_slice %dot_general3A_7 {offsets = [0, 0], sizes = [16, 2048], strides = [1, 1]} : vector<128x2048xf32> to vector<16x2048xf32>
    %neg3A = arith.constant 0.000000e+00 : f32
    %neg3A_8 = vector.broadcast %neg3A : f32 to vector<16x2048xf32>
    %neg3A_9 = arith.subf %neg3A_8, %slice3A : vector<16x2048xf32>
    %concatenate3A = tpu.concatenate %slice3A, %neg3A_9 in 0 : vector<16x2048xf32>, vector<16x2048xf32> -> vector<32x2048xf32>
    %reduce_max3A = arith.constant dense<0xFF800000> : vector<2048xf32>
    %reduce_max3A_10 = vector.multi_reduction <maximumf>, %concatenate3A, %reduce_max3A [0] : vector<32x2048xf32> to vector<2048xf32>
    %broadcast_in_dim3A = vector.shape_cast %reduce_max3A_10 : vector<2048xf32> to vector<1x2048xf32>
    %eq3A = vector.broadcast %broadcast_in_dim3A : vector<1x2048xf32> to vector<32x2048xf32>
    %eq3A_11 = arith.cmpf oeq, %concatenate3A, %eq3A : vector<32x2048xf32>
    %jit3A = arith.constant 32 : i32
    %broadcast_in_dim3A_12 = vector.broadcast %jit3A : i32 to vector<32x2048xi32>
    %select_n3A = arith.select %eq3A_11, %iota3A, %broadcast_in_dim3A_12 : vector<32x2048xi1>, vector<32x2048xi32>
    %reduce_min3A = arith.constant dense<2147483647> : vector<2048xi32>
    %reduce_min3A_13 = vector.multi_reduction <minsi>, %select_n3A, %reduce_min3A [0] : vector<32x2048xi32> to vector<2048xi32>
    %broadcast_in_dim3A_14 = vector.shape_cast %reduce_min3A_13 : vector<2048xi32> to vector<1x2048xi32>
    %slice3A_15 = vector.extract_strided_slice %broadcast_in_dim3A_14 {offsets = [0, 0], sizes = [1, 128], strides = [1, 1]} : vector<1x2048xi32> to vector<1x128xi32>
    %slice3A_16 = vector.extract_strided_slice %broadcast_in_dim3A_14 {offsets = [0, 128], sizes = [1, 128], strides = [1, 1]} : vector<1x2048xi32> to vector<1x128xi32>
    %slice3A_17 = vector.extract_strided_slice %broadcast_in_dim3A_14 {offsets = [0, 256], sizes = [1, 128], strides = [1, 1]} : vector<1x2048xi32> to vector<1x128xi32>
    %slice3A_18 = vector.extract_strided_slice %broadcast_in_dim3A_14 {offsets = [0, 384], sizes = [1, 128], strides = [1, 1]} : vector<1x2048xi32> to vector<1x128xi32>
    %slice3A_19 = vector.extract_strided_slice %broadcast_in_dim3A_14 {offsets = [0, 512], sizes = [1, 128], strides = [1, 1]} : vector<1x2048xi32> to vector<1x128xi32>
    %slice3A_20 = vector.extract_strided_slice %broadcast_in_dim3A_14 {offsets = [0, 640], sizes = [1, 128], strides = [1, 1]} : vector<1x2048xi32> to vector<1x128xi32>
    %slice3A_21 = vector.extract_strided_slice %broadcast_in_dim3A_14 {offsets = [0, 768], sizes = [1, 128], strides = [1, 1]} : vector<1x2048xi32> to vector<1x128xi32>
    %slice3A_22 = vector.extract_strided_slice %broadcast_in_dim3A_14 {offsets = [0, 896], sizes = [1, 128], strides = [1, 1]} : vector<1x2048xi32> to vector<1x128xi32>
    %slice3A_23 = vector.extract_strided_slice %broadcast_in_dim3A_14 {offsets = [0, 1024], sizes = [1, 128], strides = [1, 1]} : vector<1x2048xi32> to vector<1x128xi32>
    %slice3A_24 = vector.extract_strided_slice %broadcast_in_dim3A_14 {offsets = [0, 1152], sizes = [1, 128], strides = [1, 1]} : vector<1x2048xi32> to vector<1x128xi32>
    %slice3A_25 = vector.extract_strided_slice %broadcast_in_dim3A_14 {offsets = [0, 1280], sizes = [1, 128], strides = [1, 1]} : vector<1x2048xi32> to vector<1x128xi32>
    %slice3A_26 = vector.extract_strided_slice %broadcast_in_dim3A_14 {offsets = [0, 1408], sizes = [1, 128], strides = [1, 1]} : vector<1x2048xi32> to vector<1x128xi32>
    %slice3A_27 = vector.extract_strided_slice %broadcast_in_dim3A_14 {offsets = [0, 1536], sizes = [1, 128], strides = [1, 1]} : vector<1x2048xi32> to vector<1x128xi32>
    %slice3A_28 = vector.extract_strided_slice %broadcast_in_dim3A_14 {offsets = [0, 1664], sizes = [1, 128], strides = [1, 1]} : vector<1x2048xi32> to vector<1x128xi32>
    %slice3A_29 = vector.extract_strided_slice %broadcast_in_dim3A_14 {offsets = [0, 1792], sizes = [1, 128], strides = [1, 1]} : vector<1x2048xi32> to vector<1x128xi32>
    %slice3A_30 = vector.extract_strided_slice %broadcast_in_dim3A_14 {offsets = [0, 1920], sizes = [1, 128], strides = [1, 1]} : vector<1x2048xi32> to vector<1x128xi32>
    %concatenate3A_31 = tpu.concatenate %slice3A_15, %slice3A_16, %slice3A_17, %slice3A_18, %slice3A_19, %slice3A_20, %slice3A_21, %slice3A_22, %slice3A_23, %slice3A_24, %slice3A_25, %slice3A_26, %slice3A_27, %slice3A_28, %slice3A_29, %slice3A_30 in 0 : vector<1x128xi32>, vector<1x128xi32>, vector<1x128xi32>, vector<1x128xi32>, vector<1x128xi32>, vector<1x128xi32>, vector<1x128xi32>, vector<1x128xi32>, vector<1x128xi32>, vector<1x128xi32>, vector<1x128xi32>, vector<1x128xi32>, vector<1x128xi32>, vector<1x128xi32>, vector<1x128xi32>, vector<1x128xi32> -> vector<16x128xi32>
    %reshape3A = vector.shape_cast %concatenate3A_31 : vector<16x128xi32> to vector<1x16x128xi32>
    %slice3A_32 = vector.extract_strided_slice %dot_general3A_7 {offsets = [16, 0], sizes = [16, 2048], strides = [1, 1]} : vector<128x2048xf32> to vector<16x2048xf32>
    %neg3A_33 = arith.constant 0.000000e+00 : f32
    %neg3A_34 = vector.broadcast %neg3A_33 : f32 to vector<16x2048xf32>
    %neg3A_35 = arith.subf %neg3A_34, %slice3A_32 : vector<16x2048xf32>
    %concatenate3A_36 = tpu.concatenate %slice3A_32, %neg3A_35 in 0 : vector<16x2048xf32>, vector<16x2048xf32> -> vector<32x2048xf32>
    %reduce_max3A_37 = arith.constant dense<0xFF800000> : vector<2048xf32>
    %reduce_max3A_38 = vector.multi_reduction <maximumf>, %concatenate3A_36, %reduce_max3A_37 [0] : vector<32x2048xf32> to vector<2048xf32>
    %broadcast_in_dim3A_39 = vector.shape_cast %reduce_max3A_38 : vector<2048xf32> to vector<1x2048xf32>
    %eq3A_40 = vector.broadcast %broadcast_in_dim3A_39 : vector<1x2048xf32> to vector<32x2048xf32>
    %eq3A_41 = arith.cmpf oeq, %concatenate3A_36, %eq3A_40 : vector<32x2048xf32>
    %jit3A_42 = arith.constant 32 : i32
    %broadcast_in_dim3A_43 = vector.broadcast %jit3A_42 : i32 to vector<32x2048xi32>
    %select_n3A_44 = arith.select %eq3A_41, %iota3A, %broadcast_in_dim3A_43 : vector<32x2048xi1>, vector<32x2048xi32>
    %reduce_min3A_45 = arith.constant dense<2147483647> : vector<2048xi32>
    %reduce_min3A_46 = vector.multi_reduction <minsi>, %select_n3A_44, %reduce_min3A_45 [0] : vector<32x2048xi32> to vector<2048xi32>
    %broadcast_in_dim3A_47 = vector.shape_cast %reduce_min3A_46 : vector<2048xi32> to vector<1x2048xi32>
    %slice3A_48 = vector.extract_strided_slice %broadcast_in_dim3A_47 {offsets = [0, 0], sizes = [1, 128], strides = [1, 1]} : vector<1x2048xi32> to vector<1x128xi32>
    %slice3A_49 = vector.extract_strided_slice %broadcast_in_dim3A_47 {offsets = [0, 128], sizes = [1, 128], strides = [1, 1]} : vector<1x2048xi32> to vector<1x128xi32>
    %slice3A_50 = vector.extract_strided_slice %broadcast_in_dim3A_47 {offsets = [0, 256], sizes = [1, 128], strides = [1, 1]} : vector<1x2048xi32> to vector<1x128xi32>
    %slice3A_51 = vector.extract_strided_slice %broadcast_in_dim3A_47 {offsets = [0, 384], sizes = [1, 128], strides = [1, 1]} : vector<1x2048xi32> to vector<1x128xi32>
    %slice3A_52 = vector.extract_strided_slice %broadcast_in_dim3A_47 {offsets = [0, 512], sizes = [1, 128], strides = [1, 1]} : vector<1x2048xi32> to vector<1x128xi32>
    %slice3A_53 = vector.extract_strided_slice %broadcast_in_dim3A_47 {offsets = [0, 640], sizes = [1, 128], strides = [1, 1]} : vector<1x2048xi32> to vector<1x128xi32>
    %slice3A_54 = vector.extract_strided_slice %broadcast_in_dim3A_47 {offsets = [0, 768], sizes = [1, 128], strides = [1, 1]} : vector<1x2048xi32> to vector<1x128xi32>
    %slice3A_55 = vector.extract_strided_slice %broadcast_in_dim3A_47 {offsets = [0, 896], sizes = [1, 128], strides = [1, 1]} : vector<1x2048xi32> to vector<1x128xi32>
    %slice3A_56 = vector.extract_strided_slice %broadcast_in_dim3A_47 {offsets = [0, 1024], sizes = [1, 128], strides = [1, 1]} : vector<1x2048xi32> to vector<1x128xi32>
    %slice3A_57 = vector.extract_strided_slice %broadcast_in_dim3A_47 {offsets = [0, 1152], sizes = [1, 128], strides = [1, 1]} : vector<1x2048xi32> to vector<1x128xi32>
    %slice3A_58 = vector.extract_strided_slice %broadcast_in_dim3A_47 {offsets = [0, 1280], sizes = [1, 128], strides = [1, 1]} : vector<1x2048xi32> to vector<1x128xi32>
    %slice3A_59 = vector.extract_strided_slice %broadcast_in_dim3A_47 {offsets = [0, 1408], sizes = [1, 128], strides = [1, 1]} : vector<1x2048xi32> to vector<1x128xi32>
    %slice3A_60 = vector.extract_strided_slice %broadcast_in_dim3A_47 {offsets = [0, 1536], sizes = [1, 128], strides = [1, 1]} : vector<1x2048xi32> to vector<1x128xi32>
    %slice3A_61 = vector.extract_strided_slice %broadcast_in_dim3A_47 {offsets = [0, 1664], sizes = [1, 128], strides = [1, 1]} : vector<1x2048xi32> to vector<1x128xi32>
    %slice3A_62 = vector.extract_strided_slice %broadcast_in_dim3A_47 {offsets = [0, 1792], sizes = [1, 128], strides = [1, 1]} : vector<1x2048xi32> to vector<1x128xi32>
    %slice3A_63 = vector.extract_strided_slice %broadcast_in_dim3A_47 {offsets = [0, 1920], sizes = [1, 128], strides = [1, 1]} : vector<1x2048xi32> to vector<1x128xi32>
    %concatenate3A_64 = tpu.concatenate %slice3A_48, %slice3A_49, %slice3A_50, %slice3A_51, %slice3A_52, %slice3A_53, %slice3A_54, %slice3A_55, %slice3A_56, %slice3A_57, %slice3A_58, %slice3A_59, %slice3A_60, %slice3A_61, %slice3A_62, %slice3A_63 in 0 : vector<1x128xi32>, vector<1x128xi32>, vector<1x128xi32>, vector<1x128xi32>, vector<1x128xi32>, vector<1x128xi32>, vector<1x128xi32>, vector<1x128xi32>, vector<1x128xi32>, vector<1x128xi32>, vector<1x128xi32>, vector<1x128xi32>, vector<1x128xi32>, vector<1x128xi32>, vector<1x128xi32>, vector<1x128xi32> -> vector<16x128xi32>
    %reshape3A_65 = vector.shape_cast %concatenate3A_64 : vector<16x128xi32> to vector<1x16x128xi32>
    %slice3A_66 = vector.extract_strided_slice %dot_general3A_7 {offsets = [32, 0], sizes = [16, 2048], strides = [1, 1]} : vector<128x2048xf32> to vector<16x2048xf32>
    %neg3A_67 = arith.constant 0.000000e+00 : f32
    %neg3A_68 = vector.broadcast %neg3A_67 : f32 to vector<16x2048xf32>
    %neg3A_69 = arith.subf %neg3A_68, %slice3A_66 : vector<16x2048xf32>
    %concatenate3A_70 = tpu.concatenate %slice3A_66, %neg3A_69 in 0 : vector<16x2048xf32>, vector<16x2048xf32> -> vector<32x2048xf32>
    %reduce_max3A_71 = arith.constant dense<0xFF800000> : vector<2048xf32>
    %reduce_max3A_72 = vector.multi_reduction <maximumf>, %concatenate3A_70, %reduce_max3A_71 [0] : vector<32x2048xf32> to vector<2048xf32>
    %broadcast_in_dim3A_73 = vector.shape_cast %reduce_max3A_72 : vector<2048xf32> to vector<1x2048xf32>
    %eq3A_74 = vector.broadcast %broadcast_in_dim3A_73 : vector<1x2048xf32> to vector<32x2048xf32>
    %eq3A_75 = arith.cmpf oeq, %concatenate3A_70, %eq3A_74 : vector<32x2048xf32>
    %jit3A_76 = arith.constant 32 : i32
    %broadcast_in_dim3A_77 = vector.broadcast %jit3A_76 : i32 to vector<32x2048xi32>
    %select_n3A_78 = arith.select %eq3A_75, %iota3A, %broadcast_in_dim3A_77 : vector<32x2048xi1>, vector<32x2048xi32>
    %reduce_min3A_79 = arith.constant dense<2147483647> : vector<2048xi32>
    %reduce_min3A_80 = vector.multi_reduction <minsi>, %select_n3A_78, %reduce_min3A_79 [0] : vector<32x2048xi32> to vector<2048xi32>
    %broadcast_in_dim3A_81 = vector.shape_cast %reduce_min3A_80 : vector<2048xi32> to vector<1x2048xi32>
    %slice3A_82 = vector.extract_strided_slice %broadcast_in_dim3A_81 {offsets = [0, 0], sizes = [1, 128], strides = [1, 1]} : vector<1x2048xi32> to vector<1x128xi32>
    %slice3A_83 = vector.extract_strided_slice %broadcast_in_dim3A_81 {offsets = [0, 128], sizes = [1, 128], strides = [1, 1]} : vector<1x2048xi32> to vector<1x128xi32>
    %slice3A_84 = vector.extract_strided_slice %broadcast_in_dim3A_81 {offsets = [0, 256], sizes = [1, 128], strides = [1, 1]} : vector<1x2048xi32> to vector<1x128xi32>
    %slice3A_85 = vector.extract_strided_slice %broadcast_in_dim3A_81 {offsets = [0, 384], sizes = [1, 128], strides = [1, 1]} : vector<1x2048xi32> to vector<1x128xi32>
    %slice3A_86 = vector.extract_strided_slice %broadcast_in_dim3A_81 {offsets = [0, 512], sizes = [1, 128], strides = [1, 1]} : vector<1x2048xi32> to vector<1x128xi32>
    %slice3A_87 = vector.extract_strided_slice %broadcast_in_dim3A_81 {offsets = [0, 640], sizes = [1, 128], strides = [1, 1]} : vector<1x2048xi32> to vector<1x128xi32>
    %slice3A_88 = vector.extract_strided_slice %broadcast_in_dim3A_81 {offsets = [0, 768], sizes = [1, 128], strides = [1, 1]} : vector<1x2048xi32> to vector<1x128xi32>
    %slice3A_89 = vector.extract_strided_slice %broadcast_in_dim3A_81 {offsets = [0, 896], sizes = [1, 128], strides = [1, 1]} : vector<1x2048xi32> to vector<1x128xi32>
    %slice3A_90 = vector.extract_strided_slice %broadcast_in_dim3A_81 {offsets = [0, 1024], sizes = [1, 128], strides = [1, 1]} : vector<1x2048xi32> to vector<1x128xi32>
    %slice3A_91 = vector.extract_strided_slice %broadcast_in_dim3A_81 {offsets = [0, 1152], sizes = [1, 128], strides = [1, 1]} : vector<1x2048xi32> to vector<1x128xi32>
    %slice3A_92 = vector.extract_strided_slice %broadcast_in_dim3A_81 {offsets = [0, 1280], sizes = [1, 128], strides = [1, 1]} : vector<1x2048xi32> to vector<1x128xi32>
    %slice3A_93 = vector.extract_strided_slice %broadcast_in_dim3A_81 {offsets = [0, 1408], sizes = [1, 128], strides = [1, 1]} : vector<1x2048xi32> to vector<1x128xi32>
    %slice3A_94 = vector.extract_strided_slice %broadcast_in_dim3A_81 {offsets = [0, 1536], sizes = [1, 128], strides = [1, 1]} : vector<1x2048xi32> to vector<1x128xi32>
    %slice3A_95 = vector.extract_strided_slice %broadcast_in_dim3A_81 {offsets = [0, 1664], sizes = [1, 128], strides = [1, 1]} : vector<1x2048xi32> to vector<1x128xi32>
    %slice3A_96 = vector.extract_strided_slice %broadcast_in_dim3A_81 {offsets = [0, 1792], sizes = [1, 128], strides = [1, 1]} : vector<1x2048xi32> to vector<1x128xi32>
    %slice3A_97 = vector.extract_strided_slice %broadcast_in_dim3A_81 {offsets = [0, 1920], sizes = [1, 128], strides = [1, 1]} : vector<1x2048xi32> to vector<1x128xi32>
    %concatenate3A_98 = tpu.concatenate %slice3A_82, %slice3A_83, %slice3A_84, %slice3A_85, %slice3A_86, %slice3A_87, %slice3A_88, %slice3A_89, %slice3A_90, %slice3A_91, %slice3A_92, %slice3A_93, %slice3A_94, %slice3A_95, %slice3A_96, %slice3A_97 in 0 : vector<1x128xi32>, vector<1x128xi32>, vector<1x128xi32>, vector<1x128xi32>, vector<1x128xi32>, vector<1x128xi32>, vector<1x128xi32>, vector<1x128xi32>, vector<1x128xi32>, vector<1x128xi32>, vector<1x128xi32>, vector<1x128xi32>, vector<1x128xi32>, vector<1x128xi32>, vector<1x128xi32>, vector<1x128xi32> -> vector<16x128xi32>
    %reshape3A_99 = vector.shape_cast %concatenate3A_98 : vector<16x128xi32> to vector<1x16x128xi32>
    %slice3A_100 = vector.extract_strided_slice %dot_general3A_7 {offsets = [48, 0], sizes = [16, 2048], strides = [1, 1]} : vector<128x2048xf32> to vector<16x2048xf32>
    %neg3A_101 = arith.constant 0.000000e+00 : f32
    %neg3A_102 = vector.broadcast %neg3A_101 : f32 to vector<16x2048xf32>
    %neg3A_103 = arith.subf %neg3A_102, %slice3A_100 : vector<16x2048xf32>
    %concatenate3A_104 = tpu.concatenate %slice3A_100, %neg3A_103 in 0 : vector<16x2048xf32>, vector<16x2048xf32> -> vector<32x2048xf32>
    %reduce_max3A_105 = arith.constant dense<0xFF800000> : vector<2048xf32>
    %reduce_max3A_106 = vector.multi_reduction <maximumf>, %concatenate3A_104, %reduce_max3A_105 [0] : vector<32x2048xf32> to vector<2048xf32>
    %broadcast_in_dim3A_107 = vector.shape_cast %reduce_max3A_106 : vector<2048xf32> to vector<1x2048xf32>
    %eq3A_108 = vector.broadcast %broadcast_in_dim3A_107 : vector<1x2048xf32> to vector<32x2048xf32>
    %eq3A_109 = arith.cmpf oeq, %concatenate3A_104, %eq3A_108 : vector<32x2048xf32>
    %jit3A_110 = arith.constant 32 : i32
    %broadcast_in_dim3A_111 = vector.broadcast %jit3A_110 : i32 to vector<32x2048xi32>
    %select_n3A_112 = arith.select %eq3A_109, %iota3A, %broadcast_in_dim3A_111 : vector<32x2048xi1>, vector<32x2048xi32>
    %reduce_min3A_113 = arith.constant dense<2147483647> : vector<2048xi32>
    %reduce_min3A_114 = vector.multi_reduction <minsi>, %select_n3A_112, %reduce_min3A_113 [0] : vector<32x2048xi32> to vector<2048xi32>
    %broadcast_in_dim3A_115 = vector.shape_cast %reduce_min3A_114 : vector<2048xi32> to vector<1x2048xi32>
    %slice3A_116 = vector.extract_strided_slice %broadcast_in_dim3A_115 {offsets = [0, 0], sizes = [1, 128], strides = [1, 1]} : vector<1x2048xi32> to vector<1x128xi32>
    %slice3A_117 = vector.extract_strided_slice %broadcast_in_dim3A_115 {offsets = [0, 128], sizes = [1, 128], strides = [1, 1]} : vector<1x2048xi32> to vector<1x128xi32>
    %slice3A_118 = vector.extract_strided_slice %broadcast_in_dim3A_115 {offsets = [0, 256], sizes = [1, 128], strides = [1, 1]} : vector<1x2048xi32> to vector<1x128xi32>
    %slice3A_119 = vector.extract_strided_slice %broadcast_in_dim3A_115 {offsets = [0, 384], sizes = [1, 128], strides = [1, 1]} : vector<1x2048xi32> to vector<1x128xi32>
    %slice3A_120 = vector.extract_strided_slice %broadcast_in_dim3A_115 {offsets = [0, 512], sizes = [1, 128], strides = [1, 1]} : vector<1x2048xi32> to vector<1x128xi32>
    %slice3A_121 = vector.extract_strided_slice %broadcast_in_dim3A_115 {offsets = [0, 640], sizes = [1, 128], strides = [1, 1]} : vector<1x2048xi32> to vector<1x128xi32>
    %slice3A_122 = vector.extract_strided_slice %broadcast_in_dim3A_115 {offsets = [0, 768], sizes = [1, 128], strides = [1, 1]} : vector<1x2048xi32> to vector<1x128xi32>
    %slice3A_123 = vector.extract_strided_slice %broadcast_in_dim3A_115 {offsets = [0, 896], sizes = [1, 128], strides = [1, 1]} : vector<1x2048xi32> to vector<1x128xi32>
    %slice3A_124 = vector.extract_strided_slice %broadcast_in_dim3A_115 {offsets = [0, 1024], sizes = [1, 128], strides = [1, 1]} : vector<1x2048xi32> to vector<1x128xi32>
    %slice3A_125 = vector.extract_strided_slice %broadcast_in_dim3A_115 {offsets = [0, 1152], sizes = [1, 128], strides = [1, 1]} : vector<1x2048xi32> to vector<1x128xi32>
    %slice3A_126 = vector.extract_strided_slice %broadcast_in_dim3A_115 {offsets = [0, 1280], sizes = [1, 128], strides = [1, 1]} : vector<1x2048xi32> to vector<1x128xi32>
    %slice3A_127 = vector.extract_strided_slice %broadcast_in_dim3A_115 {offsets = [0, 1408], sizes = [1, 128], strides = [1, 1]} : vector<1x2048xi32> to vector<1x128xi32>
    %slice3A_128 = vector.extract_strided_slice %broadcast_in_dim3A_115 {offsets = [0, 1536], sizes = [1, 128], strides = [1, 1]} : vector<1x2048xi32> to vector<1x128xi32>
    %slice3A_129 = vector.extract_strided_slice %broadcast_in_dim3A_115 {offsets = [0, 1664], sizes = [1, 128], strides = [1, 1]} : vector<1x2048xi32> to vector<1x128xi32>
    %slice3A_130 = vector.extract_strided_slice %broadcast_in_dim3A_115 {offsets = [0, 1792], sizes = [1, 128], strides = [1, 1]} : vector<1x2048xi32> to vector<1x128xi32>
    %slice3A_131 = vector.extract_strided_slice %broadcast_in_dim3A_115 {offsets = [0, 1920], sizes = [1, 128], strides = [1, 1]} : vector<1x2048xi32> to vector<1x128xi32>
    %concatenate3A_132 = tpu.concatenate %slice3A_116, %slice3A_117, %slice3A_118, %slice3A_119, %slice3A_120, %slice3A_121, %slice3A_122, %slice3A_123, %slice3A_124, %slice3A_125, %slice3A_126, %slice3A_127, %slice3A_128, %slice3A_129, %slice3A_130, %slice3A_131 in 0 : vector<1x128xi32>, vector<1x128xi32>, vector<1x128xi32>, vector<1x128xi32>, vector<1x128xi32>, vector<1x128xi32>, vector<1x128xi32>, vector<1x128xi32>, vector<1x128xi32>, vector<1x128xi32>, vector<1x128xi32>, vector<1x128xi32>, vector<1x128xi32>, vector<1x128xi32>, vector<1x128xi32>, vector<1x128xi32> -> vector<16x128xi32>
    %reshape3A_133 = vector.shape_cast %concatenate3A_132 : vector<16x128xi32> to vector<1x16x128xi32>
    %slice3A_134 = vector.extract_strided_slice %dot_general3A_7 {offsets = [64, 0], sizes = [16, 2048], strides = [1, 1]} : vector<128x2048xf32> to vector<16x2048xf32>
    %neg3A_135 = arith.constant 0.000000e+00 : f32
    %neg3A_136 = vector.broadcast %neg3A_135 : f32 to vector<16x2048xf32>
    %neg3A_137 = arith.subf %neg3A_136, %slice3A_134 : vector<16x2048xf32>
    %concatenate3A_138 = tpu.concatenate %slice3A_134, %neg3A_137 in 0 : vector<16x2048xf32>, vector<16x2048xf32> -> vector<32x2048xf32>
    %reduce_max3A_139 = arith.constant dense<0xFF800000> : vector<2048xf32>
    %reduce_max3A_140 = vector.multi_reduction <maximumf>, %concatenate3A_138, %reduce_max3A_139 [0] : vector<32x2048xf32> to vector<2048xf32>
    %broadcast_in_dim3A_141 = vector.shape_cast %reduce_max3A_140 : vector<2048xf32> to vector<1x2048xf32>
    %eq3A_142 = vector.broadcast %broadcast_in_dim3A_141 : vector<1x2048xf32> to vector<32x2048xf32>
    %eq3A_143 = arith.cmpf oeq, %concatenate3A_138, %eq3A_142 : vector<32x2048xf32>
    %jit3A_144 = arith.constant 32 : i32
    %broadcast_in_dim3A_145 = vector.broadcast %jit3A_144 : i32 to vector<32x2048xi32>
    %select_n3A_146 = arith.select %eq3A_143, %iota3A, %broadcast_in_dim3A_145 : vector<32x2048xi1>, vector<32x2048xi32>
    %reduce_min3A_147 = arith.constant dense<2147483647> : vector<2048xi32>
    %reduce_min3A_148 = vector.multi_reduction <minsi>, %select_n3A_146, %reduce_min3A_147 [0] : vector<32x2048xi32> to vector<2048xi32>
    %broadcast_in_dim3A_149 = vector.shape_cast %reduce_min3A_148 : vector<2048xi32> to vector<1x2048xi32>
    %slice3A_150 = vector.extract_strided_slice %broadcast_in_dim3A_149 {offsets = [0, 0], sizes = [1, 128], strides = [1, 1]} : vector<1x2048xi32> to vector<1x128xi32>
    %slice3A_151 = vector.extract_strided_slice %broadcast_in_dim3A_149 {offsets = [0, 128], sizes = [1, 128], strides = [1, 1]} : vector<1x2048xi32> to vector<1x128xi32>
    %slice3A_152 = vector.extract_strided_slice %broadcast_in_dim3A_149 {offsets = [0, 256], sizes = [1, 128], strides = [1, 1]} : vector<1x2048xi32> to vector<1x128xi32>
    %slice3A_153 = vector.extract_strided_slice %broadcast_in_dim3A_149 {offsets = [0, 384], sizes = [1, 128], strides = [1, 1]} : vector<1x2048xi32> to vector<1x128xi32>
    %slice3A_154 = vector.extract_strided_slice %broadcast_in_dim3A_149 {offsets = [0, 512], sizes = [1, 128], strides = [1, 1]} : vector<1x2048xi32> to vector<1x128xi32>
    %slice3A_155 = vector.extract_strided_slice %broadcast_in_dim3A_149 {offsets = [0, 640], sizes = [1, 128], strides = [1, 1]} : vector<1x2048xi32> to vector<1x128xi32>
    %slice3A_156 = vector.extract_strided_slice %broadcast_in_dim3A_149 {offsets = [0, 768], sizes = [1, 128], strides = [1, 1]} : vector<1x2048xi32> to vector<1x128xi32>
    %slice3A_157 = vector.extract_strided_slice %broadcast_in_dim3A_149 {offsets = [0, 896], sizes = [1, 128], strides = [1, 1]} : vector<1x2048xi32> to vector<1x128xi32>
    %slice3A_158 = vector.extract_strided_slice %broadcast_in_dim3A_149 {offsets = [0, 1024], sizes = [1, 128], strides = [1, 1]} : vector<1x2048xi32> to vector<1x128xi32>
    %slice3A_159 = vector.extract_strided_slice %broadcast_in_dim3A_149 {offsets = [0, 1152], sizes = [1, 128], strides = [1, 1]} : vector<1x2048xi32> to vector<1x128xi32>
    %slice3A_160 = vector.extract_strided_slice %broadcast_in_dim3A_149 {offsets = [0, 1280], sizes = [1, 128], strides = [1, 1]} : vector<1x2048xi32> to vector<1x128xi32>
    %slice3A_161 = vector.extract_strided_slice %broadcast_in_dim3A_149 {offsets = [0, 1408], sizes = [1, 128], strides = [1, 1]} : vector<1x2048xi32> to vector<1x128xi32>
    %slice3A_162 = vector.extract_strided_slice %broadcast_in_dim3A_149 {offsets = [0, 1536], sizes = [1, 128], strides = [1, 1]} : vector<1x2048xi32> to vector<1x128xi32>
    %slice3A_163 = vector.extract_strided_slice %broadcast_in_dim3A_149 {offsets = [0, 1664], sizes = [1, 128], strides = [1, 1]} : vector<1x2048xi32> to vector<1x128xi32>
    %slice3A_164 = vector.extract_strided_slice %broadcast_in_dim3A_149 {offsets = [0, 1792], sizes = [1, 128], strides = [1, 1]} : vector<1x2048xi32> to vector<1x128xi32>
    %slice3A_165 = vector.extract_strided_slice %broadcast_in_dim3A_149 {offsets = [0, 1920], sizes = [1, 128], strides = [1, 1]} : vector<1x2048xi32> to vector<1x128xi32>
    %concatenate3A_166 = tpu.concatenate %slice3A_150, %slice3A_151, %slice3A_152, %slice3A_153, %slice3A_154, %slice3A_155, %slice3A_156, %slice3A_157, %slice3A_158, %slice3A_159, %slice3A_160, %slice3A_161, %slice3A_162, %slice3A_163, %slice3A_164, %slice3A_165 in 0 : vector<1x128xi32>, vector<1x128xi32>, vector<1x128xi32>, vector<1x128xi32>, vector<1x128xi32>, vector<1x128xi32>, vector<1x128xi32>, vector<1x128xi32>, vector<1x128xi32>, vector<1x128xi32>, vector<1x128xi32>, vector<1x128xi32>, vector<1x128xi32>, vector<1x128xi32>, vector<1x128xi32>, vector<1x128xi32> -> vector<16x128xi32>
    %reshape3A_167 = vector.shape_cast %concatenate3A_166 : vector<16x128xi32> to vector<1x16x128xi32>
    %slice3A_168 = vector.extract_strided_slice %dot_general3A_7 {offsets = [80, 0], sizes = [16, 2048], strides = [1, 1]} : vector<128x2048xf32> to vector<16x2048xf32>
    %neg3A_169 = arith.constant 0.000000e+00 : f32
    %neg3A_170 = vector.broadcast %neg3A_169 : f32 to vector<16x2048xf32>
    %neg3A_171 = arith.subf %neg3A_170, %slice3A_168 : vector<16x2048xf32>
    %concatenate3A_172 = tpu.concatenate %slice3A_168, %neg3A_171 in 0 : vector<16x2048xf32>, vector<16x2048xf32> -> vector<32x2048xf32>
    %reduce_max3A_173 = arith.constant dense<0xFF800000> : vector<2048xf32>
    %reduce_max3A_174 = vector.multi_reduction <maximumf>, %concatenate3A_172, %reduce_max3A_173 [0] : vector<32x2048xf32> to vector<2048xf32>
    %broadcast_in_dim3A_175 = vector.shape_cast %reduce_max3A_174 : vector<2048xf32> to vector<1x2048xf32>
    %eq3A_176 = vector.broadcast %broadcast_in_dim3A_175 : vector<1x2048xf32> to vector<32x2048xf32>
    %eq3A_177 = arith.cmpf oeq, %concatenate3A_172, %eq3A_176 : vector<32x2048xf32>
    %jit3A_178 = arith.constant 32 : i32
    %broadcast_in_dim3A_179 = vector.broadcast %jit3A_178 : i32 to vector<32x2048xi32>
    %select_n3A_180 = arith.select %eq3A_177, %iota3A, %broadcast_in_dim3A_179 : vector<32x2048xi1>, vector<32x2048xi32>
    %reduce_min3A_181 = arith.constant dense<2147483647> : vector<2048xi32>
    %reduce_min3A_182 = vector.multi_reduction <minsi>, %select_n3A_180, %reduce_min3A_181 [0] : vector<32x2048xi32> to vector<2048xi32>
    %broadcast_in_dim3A_183 = vector.shape_cast %reduce_min3A_182 : vector<2048xi32> to vector<1x2048xi32>
    %slice3A_184 = vector.extract_strided_slice %broadcast_in_dim3A_183 {offsets = [0, 0], sizes = [1, 128], strides = [1, 1]} : vector<1x2048xi32> to vector<1x128xi32>
    %slice3A_185 = vector.extract_strided_slice %broadcast_in_dim3A_183 {offsets = [0, 128], sizes = [1, 128], strides = [1, 1]} : vector<1x2048xi32> to vector<1x128xi32>
    %slice3A_186 = vector.extract_strided_slice %broadcast_in_dim3A_183 {offsets = [0, 256], sizes = [1, 128], strides = [1, 1]} : vector<1x2048xi32> to vector<1x128xi32>
    %slice3A_187 = vector.extract_strided_slice %broadcast_in_dim3A_183 {offsets = [0, 384], sizes = [1, 128], strides = [1, 1]} : vector<1x2048xi32> to vector<1x128xi32>
    %slice3A_188 = vector.extract_strided_slice %broadcast_in_dim3A_183 {offsets = [0, 512], sizes = [1, 128], strides = [1, 1]} : vector<1x2048xi32> to vector<1x128xi32>
    %slice3A_189 = vector.extract_strided_slice %broadcast_in_dim3A_183 {offsets = [0, 640], sizes = [1, 128], strides = [1, 1]} : vector<1x2048xi32> to vector<1x128xi32>
    %slice3A_190 = vector.extract_strided_slice %broadcast_in_dim3A_183 {offsets = [0, 768], sizes = [1, 128], strides = [1, 1]} : vector<1x2048xi32> to vector<1x128xi32>
    %slice3A_191 = vector.extract_strided_slice %broadcast_in_dim3A_183 {offsets = [0, 896], sizes = [1, 128], strides = [1, 1]} : vector<1x2048xi32> to vector<1x128xi32>
    %slice3A_192 = vector.extract_strided_slice %broadcast_in_dim3A_183 {offsets = [0, 1024], sizes = [1, 128], strides = [1, 1]} : vector<1x2048xi32> to vector<1x128xi32>
    %slice3A_193 = vector.extract_strided_slice %broadcast_in_dim3A_183 {offsets = [0, 1152], sizes = [1, 128], strides = [1, 1]} : vector<1x2048xi32> to vector<1x128xi32>
    %slice3A_194 = vector.extract_strided_slice %broadcast_in_dim3A_183 {offsets = [0, 1280], sizes = [1, 128], strides = [1, 1]} : vector<1x2048xi32> to vector<1x128xi32>
    %slice3A_195 = vector.extract_strided_slice %broadcast_in_dim3A_183 {offsets = [0, 1408], sizes = [1, 128], strides = [1, 1]} : vector<1x2048xi32> to vector<1x128xi32>
    %slice3A_196 = vector.extract_strided_slice %broadcast_in_dim3A_183 {offsets = [0, 1536], sizes = [1, 128], strides = [1, 1]} : vector<1x2048xi32> to vector<1x128xi32>
    %slice3A_197 = vector.extract_strided_slice %broadcast_in_dim3A_183 {offsets = [0, 1664], sizes = [1, 128], strides = [1, 1]} : vector<1x2048xi32> to vector<1x128xi32>
    %slice3A_198 = vector.extract_strided_slice %broadcast_in_dim3A_183 {offsets = [0, 1792], sizes = [1, 128], strides = [1, 1]} : vector<1x2048xi32> to vector<1x128xi32>
    %slice3A_199 = vector.extract_strided_slice %broadcast_in_dim3A_183 {offsets = [0, 1920], sizes = [1, 128], strides = [1, 1]} : vector<1x2048xi32> to vector<1x128xi32>
    %concatenate3A_200 = tpu.concatenate %slice3A_184, %slice3A_185, %slice3A_186, %slice3A_187, %slice3A_188, %slice3A_189, %slice3A_190, %slice3A_191, %slice3A_192, %slice3A_193, %slice3A_194, %slice3A_195, %slice3A_196, %slice3A_197, %slice3A_198, %slice3A_199 in 0 : vector<1x128xi32>, vector<1x128xi32>, vector<1x128xi32>, vector<1x128xi32>, vector<1x128xi32>, vector<1x128xi32>, vector<1x128xi32>, vector<1x128xi32>, vector<1x128xi32>, vector<1x128xi32>, vector<1x128xi32>, vector<1x128xi32>, vector<1x128xi32>, vector<1x128xi32>, vector<1x128xi32>, vector<1x128xi32> -> vector<16x128xi32>
    %reshape3A_201 = vector.shape_cast %concatenate3A_200 : vector<16x128xi32> to vector<1x16x128xi32>
    %slice3A_202 = vector.extract_strided_slice %dot_general3A_7 {offsets = [96, 0], sizes = [16, 2048], strides = [1, 1]} : vector<128x2048xf32> to vector<16x2048xf32>
    %neg3A_203 = arith.constant 0.000000e+00 : f32
    %neg3A_204 = vector.broadcast %neg3A_203 : f32 to vector<16x2048xf32>
    %neg3A_205 = arith.subf %neg3A_204, %slice3A_202 : vector<16x2048xf32>
    %concatenate3A_206 = tpu.concatenate %slice3A_202, %neg3A_205 in 0 : vector<16x2048xf32>, vector<16x2048xf32> -> vector<32x2048xf32>
    %reduce_max3A_207 = arith.constant dense<0xFF800000> : vector<2048xf32>
    %reduce_max3A_208 = vector.multi_reduction <maximumf>, %concatenate3A_206, %reduce_max3A_207 [0] : vector<32x2048xf32> to vector<2048xf32>
    %broadcast_in_dim3A_209 = vector.shape_cast %reduce_max3A_208 : vector<2048xf32> to vector<1x2048xf32>
    %eq3A_210 = vector.broadcast %broadcast_in_dim3A_209 : vector<1x2048xf32> to vector<32x2048xf32>
    %eq3A_211 = arith.cmpf oeq, %concatenate3A_206, %eq3A_210 : vector<32x2048xf32>
    %jit3A_212 = arith.constant 32 : i32
    %broadcast_in_dim3A_213 = vector.broadcast %jit3A_212 : i32 to vector<32x2048xi32>
    %select_n3A_214 = arith.select %eq3A_211, %iota3A, %broadcast_in_dim3A_213 : vector<32x2048xi1>, vector<32x2048xi32>
    %reduce_min3A_215 = arith.constant dense<2147483647> : vector<2048xi32>
    %reduce_min3A_216 = vector.multi_reduction <minsi>, %select_n3A_214, %reduce_min3A_215 [0] : vector<32x2048xi32> to vector<2048xi32>
    %broadcast_in_dim3A_217 = vector.shape_cast %reduce_min3A_216 : vector<2048xi32> to vector<1x2048xi32>
    %slice3A_218 = vector.extract_strided_slice %broadcast_in_dim3A_217 {offsets = [0, 0], sizes = [1, 128], strides = [1, 1]} : vector<1x2048xi32> to vector<1x128xi32>
    %slice3A_219 = vector.extract_strided_slice %broadcast_in_dim3A_217 {offsets = [0, 128], sizes = [1, 128], strides = [1, 1]} : vector<1x2048xi32> to vector<1x128xi32>
    %slice3A_220 = vector.extract_strided_slice %broadcast_in_dim3A_217 {offsets = [0, 256], sizes = [1, 128], strides = [1, 1]} : vector<1x2048xi32> to vector<1x128xi32>
    %slice3A_221 = vector.extract_strided_slice %broadcast_in_dim3A_217 {offsets = [0, 384], sizes = [1, 128], strides = [1, 1]} : vector<1x2048xi32> to vector<1x128xi32>
    %slice3A_222 = vector.extract_strided_slice %broadcast_in_dim3A_217 {offsets = [0, 512], sizes = [1, 128], strides = [1, 1]} : vector<1x2048xi32> to vector<1x128xi32>
    %slice3A_223 = vector.extract_strided_slice %broadcast_in_dim3A_217 {offsets = [0, 640], sizes = [1, 128], strides = [1, 1]} : vector<1x2048xi32> to vector<1x128xi32>
    %slice3A_224 = vector.extract_strided_slice %broadcast_in_dim3A_217 {offsets = [0, 768], sizes = [1, 128], strides = [1, 1]} : vector<1x2048xi32> to vector<1x128xi32>
    %slice3A_225 = vector.extract_strided_slice %broadcast_in_dim3A_217 {offsets = [0, 896], sizes = [1, 128], strides = [1, 1]} : vector<1x2048xi32> to vector<1x128xi32>
    %slice3A_226 = vector.extract_strided_slice %broadcast_in_dim3A_217 {offsets = [0, 1024], sizes = [1, 128], strides = [1, 1]} : vector<1x2048xi32> to vector<1x128xi32>
    %slice3A_227 = vector.extract_strided_slice %broadcast_in_dim3A_217 {offsets = [0, 1152], sizes = [1, 128], strides = [1, 1]} : vector<1x2048xi32> to vector<1x128xi32>
    %slice3A_228 = vector.extract_strided_slice %broadcast_in_dim3A_217 {offsets = [0, 1280], sizes = [1, 128], strides = [1, 1]} : vector<1x2048xi32> to vector<1x128xi32>
    %slice3A_229 = vector.extract_strided_slice %broadcast_in_dim3A_217 {offsets = [0, 1408], sizes = [1, 128], strides = [1, 1]} : vector<1x2048xi32> to vector<1x128xi32>
    %slice3A_230 = vector.extract_strided_slice %broadcast_in_dim3A_217 {offsets = [0, 1536], sizes = [1, 128], strides = [1, 1]} : vector<1x2048xi32> to vector<1x128xi32>
    %slice3A_231 = vector.extract_strided_slice %broadcast_in_dim3A_217 {offsets = [0, 1664], sizes = [1, 128], strides = [1, 1]} : vector<1x2048xi32> to vector<1x128xi32>
    %slice3A_232 = vector.extract_strided_slice %broadcast_in_dim3A_217 {offsets = [0, 1792], sizes = [1, 128], strides = [1, 1]} : vector<1x2048xi32> to vector<1x128xi32>
    %slice3A_233 = vector.extract_strided_slice %broadcast_in_dim3A_217 {offsets = [0, 1920], sizes = [1, 128], strides = [1, 1]} : vector<1x2048xi32> to vector<1x128xi32>
    %concatenate3A_234 = tpu.concatenate %slice3A_218, %slice3A_219, %slice3A_220, %slice3A_221, %slice3A_222, %slice3A_223, %slice3A_224, %slice3A_225, %slice3A_226, %slice3A_227, %slice3A_228, %slice3A_229, %slice3A_230, %slice3A_231, %slice3A_232, %slice3A_233 in 0 : vector<1x128xi32>, vector<1x128xi32>, vector<1x128xi32>, vector<1x128xi32>, vector<1x128xi32>, vector<1x128xi32>, vector<1x128xi32>, vector<1x128xi32>, vector<1x128xi32>, vector<1x128xi32>, vector<1x128xi32>, vector<1x128xi32>, vector<1x128xi32>, vector<1x128xi32>, vector<1x128xi32>, vector<1x128xi32> -> vector<16x128xi32>
    %reshape3A_235 = vector.shape_cast %concatenate3A_234 : vector<16x128xi32> to vector<1x16x128xi32>
    %slice3A_236 = vector.extract_strided_slice %dot_general3A_7 {offsets = [112, 0], sizes = [16, 2048], strides = [1, 1]} : vector<128x2048xf32> to vector<16x2048xf32>
    %neg3A_237 = arith.constant 0.000000e+00 : f32
    %neg3A_238 = vector.broadcast %neg3A_237 : f32 to vector<16x2048xf32>
    %neg3A_239 = arith.subf %neg3A_238, %slice3A_236 : vector<16x2048xf32>
    %concatenate3A_240 = tpu.concatenate %slice3A_236, %neg3A_239 in 0 : vector<16x2048xf32>, vector<16x2048xf32> -> vector<32x2048xf32>
    %reduce_max3A_241 = arith.constant dense<0xFF800000> : vector<2048xf32>
    %reduce_max3A_242 = vector.multi_reduction <maximumf>, %concatenate3A_240, %reduce_max3A_241 [0] : vector<32x2048xf32> to vector<2048xf32>
    %broadcast_in_dim3A_243 = vector.shape_cast %reduce_max3A_242 : vector<2048xf32> to vector<1x2048xf32>
    %eq3A_244 = vector.broadcast %broadcast_in_dim3A_243 : vector<1x2048xf32> to vector<32x2048xf32>
    %eq3A_245 = arith.cmpf oeq, %concatenate3A_240, %eq3A_244 : vector<32x2048xf32>
    %jit3A_246 = arith.constant 32 : i32
    %broadcast_in_dim3A_247 = vector.broadcast %jit3A_246 : i32 to vector<32x2048xi32>
    %select_n3A_248 = arith.select %eq3A_245, %iota3A, %broadcast_in_dim3A_247 : vector<32x2048xi1>, vector<32x2048xi32>
    %reduce_min3A_249 = arith.constant dense<2147483647> : vector<2048xi32>
    %reduce_min3A_250 = vector.multi_reduction <minsi>, %select_n3A_248, %reduce_min3A_249 [0] : vector<32x2048xi32> to vector<2048xi32>
    %broadcast_in_dim3A_251 = vector.shape_cast %reduce_min3A_250 : vector<2048xi32> to vector<1x2048xi32>
    %slice3A_252 = vector.extract_strided_slice %broadcast_in_dim3A_251 {offsets = [0, 0], sizes = [1, 128], strides = [1, 1]} : vector<1x2048xi32> to vector<1x128xi32>
    %slice3A_253 = vector.extract_strided_slice %broadcast_in_dim3A_251 {offsets = [0, 128], sizes = [1, 128], strides = [1, 1]} : vector<1x2048xi32> to vector<1x128xi32>
    %slice3A_254 = vector.extract_strided_slice %broadcast_in_dim3A_251 {offsets = [0, 256], sizes = [1, 128], strides = [1, 1]} : vector<1x2048xi32> to vector<1x128xi32>
    %slice3A_255 = vector.extract_strided_slice %broadcast_in_dim3A_251 {offsets = [0, 384], sizes = [1, 128], strides = [1, 1]} : vector<1x2048xi32> to vector<1x128xi32>
    %slice3A_256 = vector.extract_strided_slice %broadcast_in_dim3A_251 {offsets = [0, 512], sizes = [1, 128], strides = [1, 1]} : vector<1x2048xi32> to vector<1x128xi32>
    %slice3A_257 = vector.extract_strided_slice %broadcast_in_dim3A_251 {offsets = [0, 640], sizes = [1, 128], strides = [1, 1]} : vector<1x2048xi32> to vector<1x128xi32>
    %slice3A_258 = vector.extract_strided_slice %broadcast_in_dim3A_251 {offsets = [0, 768], sizes = [1, 128], strides = [1, 1]} : vector<1x2048xi32> to vector<1x128xi32>
    %slice3A_259 = vector.extract_strided_slice %broadcast_in_dim3A_251 {offsets = [0, 896], sizes = [1, 128], strides = [1, 1]} : vector<1x2048xi32> to vector<1x128xi32>
    %slice3A_260 = vector.extract_strided_slice %broadcast_in_dim3A_251 {offsets = [0, 1024], sizes = [1, 128], strides = [1, 1]} : vector<1x2048xi32> to vector<1x128xi32>
    %slice3A_261 = vector.extract_strided_slice %broadcast_in_dim3A_251 {offsets = [0, 1152], sizes = [1, 128], strides = [1, 1]} : vector<1x2048xi32> to vector<1x128xi32>
    %slice3A_262 = vector.extract_strided_slice %broadcast_in_dim3A_251 {offsets = [0, 1280], sizes = [1, 128], strides = [1, 1]} : vector<1x2048xi32> to vector<1x128xi32>
    %slice3A_263 = vector.extract_strided_slice %broadcast_in_dim3A_251 {offsets = [0, 1408], sizes = [1, 128], strides = [1, 1]} : vector<1x2048xi32> to vector<1x128xi32>
    %slice3A_264 = vector.extract_strided_slice %broadcast_in_dim3A_251 {offsets = [0, 1536], sizes = [1, 128], strides = [1, 1]} : vector<1x2048xi32> to vector<1x128xi32>
    %slice3A_265 = vector.extract_strided_slice %broadcast_in_dim3A_251 {offsets = [0, 1664], sizes = [1, 128], strides = [1, 1]} : vector<1x2048xi32> to vector<1x128xi32>
    %slice3A_266 = vector.extract_strided_slice %broadcast_in_dim3A_251 {offsets = [0, 1792], sizes = [1, 128], strides = [1, 1]} : vector<1x2048xi32> to vector<1x128xi32>
    %slice3A_267 = vector.extract_strided_slice %broadcast_in_dim3A_251 {offsets = [0, 1920], sizes = [1, 128], strides = [1, 1]} : vector<1x2048xi32> to vector<1x128xi32>
    %concatenate3A_268 = tpu.concatenate %slice3A_252, %slice3A_253, %slice3A_254, %slice3A_255, %slice3A_256, %slice3A_257, %slice3A_258, %slice3A_259, %slice3A_260, %slice3A_261, %slice3A_262, %slice3A_263, %slice3A_264, %slice3A_265, %slice3A_266, %slice3A_267 in 0 : vector<1x128xi32>, vector<1x128xi32>, vector<1x128xi32>, vector<1x128xi32>, vector<1x128xi32>, vector<1x128xi32>, vector<1x128xi32>, vector<1x128xi32>, vector<1x128xi32>, vector<1x128xi32>, vector<1x128xi32>, vector<1x128xi32>, vector<1x128xi32>, vector<1x128xi32>, vector<1x128xi32>, vector<1x128xi32> -> vector<16x128xi32>
    %reshape3A_269 = vector.shape_cast %concatenate3A_268 : vector<16x128xi32> to vector<1x16x128xi32>
    %concatenate3A_270 = tpu.concatenate %reshape3A, %reshape3A_65, %reshape3A_99, %reshape3A_133, %reshape3A_167, %reshape3A_201, %reshape3A_235, %reshape3A_269 in 0 : vector<1x16x128xi32>, vector<1x16x128xi32>, vector<1x16x128xi32>, vector<1x16x128xi32>, vector<1x16x128xi32>, vector<1x16x128xi32>, vector<1x16x128xi32>, vector<1x16x128xi32> -> vector<8x16x128xi32>
    %swap3A = arith.constant 0 : index
    %swap3A_271 = arith.constant 0 : index
    %swap3A_272 = arith.constant 0 : index
    %swap3A_273 = arith.constant 0 : index
    %swap3A_274 = vector.load %arg4[%swap3A, %swap3A_271, %swap3A_272, %swap3A_273] : memref<1x8x16x128xi32, #tpu.memory_space<vmem>>, vector<1x8x16x128xi32>
    %swap3A_275 = vector.shape_cast %swap3A_274 : vector<1x8x16x128xi32> to vector<8x16x128xi32>
    %swap3A_276 = vector.shape_cast %concatenate3A_270 : vector<8x16x128xi32> to vector<1x8x16x128xi32>
    tpu.vector_store %arg4[%swap3A, %swap3A_271, %swap3A_272, %swap3A_273], %swap3A_276 {strides = array<i32>} : memref<1x8x16x128xi32, #tpu.memory_space<vmem>>, vector<1x8x16x128xi32>,
    %mul3A = arith.mulf %get3A_3, %get3A_3 : vector<2048x64xf32>
    %reduce_sum3A = arith.constant dense<0.000000e+00> : vector<2048xf32>
    %reduce_sum3A_277 = vector.multi_reduction <add>, %mul3A, %reduce_sum3A [1] : vector<2048x64xf32> to vector<2048xf32>
    %broadcast_in_dim3A_278 = vector.shape_cast %reduce_sum3A_277 : vector<2048xf32> to vector<2048x1xf32>
    %sqrt3A = math.sqrt %broadcast_in_dim3A_278 : vector<2048x1xf32>
    %max3A = arith.constant 9.99999996E-13 : f32
    %max3A_279 = vector.broadcast %max3A : f32 to vector<2048x1xf32>
    %max3A_280 = arith.maximumf %sqrt3A, %max3A_279 : vector<2048x1xf32>
    %div3A = arith.constant 1.000000e+00 : f32
    %div3A_281 = vector.broadcast %div3A : f32 to vector<2048x1xf32>
    %div3A_282 = arith.divf %div3A_281, %max3A_280 : vector<2048x1xf32>
    %mul3A_283 = vector.broadcast %div3A_282 : vector<2048x1xf32> to vector<2048x64xf32>
    %mul3A_284 = arith.mulf %get3A_3, %mul3A_283 : vector<2048x64xf32>
    %get3A_285 = arith.constant 0 : index
    %get3A_286 = arith.constant 0 : index
    %get3A_287 = arith.constant 0 : index
    %get3A_288 = vector.load %arg2[%get3A_285, %get3A_286, %get3A_287] : memref<1x2048x64xf32, #tpu.memory_space<vmem>>, vector<1x2048x64xf32>
    %get3A_289 = vector.shape_cast %get3A_288 : vector<1x2048x64xf32> to vector<2048x64xf32>
    %concatenate3A_290 = tpu.concatenate %mul3A_284, %get3A_289 in 1 : vector<2048x64xf32>, vector<2048x64xf32> -> vector<2048x128xf32>
    %swap3A_291 = arith.constant 0 : index
    %swap3A_292 = arith.constant 0 : index
    %swap3A_293 = arith.constant 0 : index
    %swap3A_294 = vector.load %arg5[%swap3A_291, %swap3A_292, %swap3A_293] : memref<1x2048x128xf32, #tpu.memory_space<vmem>>, vector<1x2048x128xf32>
    %swap3A_295 = vector.shape_cast %swap3A_294 : vector<1x2048x128xf32> to vector<2048x128xf32>
    %swap3A_296 = vector.shape_cast %concatenate3A_290 : vector<2048x128xf32> to vector<1x2048x128xf32>
    tpu.vector_store %arg5[%swap3A_291, %swap3A_292, %swap3A_293], %swap3A_296 {strides = array<i32>} : memref<1x2048x128xf32, #tpu.memory_space<vmem>>, vector<1x2048x128xf32>,
    %broadcast_in_dim3A_297 = arith.constant 1.000000e+00 : f32
    %broadcast_in_dim3A_298 = vector.broadcast %broadcast_in_dim3A_297 : f32 to vector<1x64xf32>
    %dot_general3A_299 = arith.constant dense<0.000000e+00> : vector<1x2048xf32>
    %dot_general3A_300 = tpu.matmul %broadcast_in_dim3A_298, %mul3A, %dot_general3A_299 {dimension_numbers = #tpu.dot_dimension_numbers<[1], [1], [0], [0], [0, 0, 1, 0], [], []>, transpose_lhs_hint = false} : vector<1x64xf32>, vector<2048x64xf32>, vector<1x2048xf32> -> vector<1x2048xf32>
    %sqrt3A_301 = math.sqrt %dot_general3A_300 : vector<1x2048xf32>
    %slice3A_302 = vector.extract_strided_slice %sqrt3A_301 {offsets = [0, 0], sizes = [1, 128], strides = [1, 1]} : vector<1x2048xf32> to vector<1x128xf32>
    %slice3A_303 = vector.extract_strided_slice %sqrt3A_301 {offsets = [0, 128], sizes = [1, 128], strides = [1, 1]} : vector<1x2048xf32> to vector<1x128xf32>
    %slice3A_304 = vector.extract_strided_slice %sqrt3A_301 {offsets = [0, 256], sizes = [1, 128], strides = [1, 1]} : vector<1x2048xf32> to vector<1x128xf32>
    %slice3A_305 = vector.extract_strided_slice %sqrt3A_301 {offsets = [0, 384], sizes = [1, 128], strides = [1, 1]} : vector<1x2048xf32> to vector<1x128xf32>
    %slice3A_306 = vector.extract_strided_slice %sqrt3A_301 {offsets = [0, 512], sizes = [1, 128], strides = [1, 1]} : vector<1x2048xf32> to vector<1x128xf32>
    %slice3A_307 = vector.extract_strided_slice %sqrt3A_301 {offsets = [0, 640], sizes = [1, 128], strides = [1, 1]} : vector<1x2048xf32> to vector<1x128xf32>
    %slice3A_308 = vector.extract_strided_slice %sqrt3A_301 {offsets = [0, 768], sizes = [1, 128], strides = [1, 1]} : vector<1x2048xf32> to vector<1x128xf32>
    %slice3A_309 = vector.extract_strided_slice %sqrt3A_301 {offsets = [0, 896], sizes = [1, 128], strides = [1, 1]} : vector<1x2048xf32> to vector<1x128xf32>
    %slice3A_310 = vector.extract_strided_slice %sqrt3A_301 {offsets = [0, 1024], sizes = [1, 128], strides = [1, 1]} : vector<1x2048xf32> to vector<1x128xf32>
    %slice3A_311 = vector.extract_strided_slice %sqrt3A_301 {offsets = [0, 1152], sizes = [1, 128], strides = [1, 1]} : vector<1x2048xf32> to vector<1x128xf32>
    %slice3A_312 = vector.extract_strided_slice %sqrt3A_301 {offsets = [0, 1280], sizes = [1, 128], strides = [1, 1]} : vector<1x2048xf32> to vector<1x128xf32>
    %slice3A_313 = vector.extract_strided_slice %sqrt3A_301 {offsets = [0, 1408], sizes = [1, 128], strides = [1, 1]} : vector<1x2048xf32> to vector<1x128xf32>
    %slice3A_314 = vector.extract_strided_slice %sqrt3A_301 {offsets = [0, 1536], sizes = [1, 128], strides = [1, 1]} : vector<1x2048xf32> to vector<1x128xf32>
    %slice3A_315 = vector.extract_strided_slice %sqrt3A_301 {offsets = [0, 1664], sizes = [1, 128], strides = [1, 1]} : vector<1x2048xf32> to vector<1x128xf32>
    %slice3A_316 = vector.extract_strided_slice %sqrt3A_301 {offsets = [0, 1792], sizes = [1, 128], strides = [1, 1]} : vector<1x2048xf32> to vector<1x128xf32>
    %slice3A_317 = vector.extract_strided_slice %sqrt3A_301 {offsets = [0, 1920], sizes = [1, 128], strides = [1, 1]} : vector<1x2048xf32> to vector<1x128xf32>
    %concatenate3A_318 = tpu.concatenate %slice3A_302, %slice3A_303, %slice3A_304, %slice3A_305, %slice3A_306, %slice3A_307, %slice3A_308, %slice3A_309, %slice3A_310, %slice3A_311, %slice3A_312, %slice3A_313, %slice3A_314, %slice3A_315, %slice3A_316, %slice3A_317 in 0 : vector<1x128xf32>, vector<1x128xf32>, vector<1x128xf32>, vector<1x128xf32>, vector<1x128xf32>, vector<1x128xf32>, vector<1x128xf32>, vector<1x128xf32>, vector<1x128xf32>, vector<1x128xf32>, vector<1x128xf32>, vector<1x128xf32>, vector<1x128xf32>, vector<1x128xf32>, vector<1x128xf32>, vector<1x128xf32> -> vector<16x128xf32>
    %swap3A_319 = arith.constant 0 : index
    %swap3A_320 = arith.constant 0 : index
    %swap3A_321 = arith.constant 0 : index
    %swap3A_322 = vector.load %arg6[%swap3A_319, %swap3A_320, %swap3A_321] : memref<1x16x128xf32, #tpu.memory_space<vmem>>, vector<1x16x128xf32>
    %swap3A_323 = vector.shape_cast %swap3A_322 : vector<1x16x128xf32> to vector<16x128xf32>
    %swap3A_324 = vector.shape_cast %concatenate3A_318 : vector<16x128xf32> to vector<1x16x128xf32>
    tpu.vector_store %arg6[%swap3A_319, %swap3A_320, %swap3A_321], %swap3A_324 {strides = array<i32>} : memref<1x16x128xf32, #tpu.memory_space<vmem>>, vector<1x16x128xf32>,
    return
  }
  func.func @transform_0(%arg0: i32) -> (i32, i32, i32) {
    %c0_i32 = arith.constant 0 : i32
    %c0_i32_0 = arith.constant 0 : i32
    %c0_i32_1 = arith.constant 0 : i32
    return %arg0, %c0_i32, %c0_i32_0 : i32, i32, i32
  }
  func.func @transform_1(%arg0: i32) -> (i32, i32, i32) {
    %c0_i32 = arith.constant 0 : i32
    %c0_i32_0 = arith.constant 0 : i32
    %c0_i32_1 = arith.constant 0 : i32
    return %arg0, %c0_i32, %c0_i32_0 : i32, i32, i32
  }
  func.func @transform_2(%arg0: i32) -> (i32, i32) {
    %c0_i32 = arith.constant 0 : i32
    %c0_i32_0 = arith.constant 0 : i32
    %c0_i32_1 = arith.constant 0 : i32
    return %c0_i32, %c0_i32_0 : i32, i32
  }
  func.func @transform_3(%arg0: i32) -> (i32, i32, i32, i32) {
    %c0_i32 = arith.constant 0 : i32
    %c0_i32_0 = arith.constant 0 : i32
    %c0_i32_1 = arith.constant 0 : i32
    %c0_i32_2 = arith.constant 0 : i32
    return %arg0, %c0_i32, %c0_i32_0, %c0_i32_1 : i32, i32, i32, i32
  }
  func.func @transform_4(%arg0: i32) -> (i32, i32, i32) {
    %c0_i32 = arith.constant 0 : i32
    %c0_i32_0 = arith.constant 0 : i32
    %c0_i32_1 = arith.constant 0 : i32
    return %arg0, %c0_i32, %c0_i32_0 : i32, i32, i32
  }
  func.func @transform_5(%arg0: i32) -> (i32, i32, i32) {
    %c0_i32 = arith.constant 0 : i32
    %c0_i32_0 = arith.constant 0 : i32
    %c0_i32_1 = arith.constant 0 : i32
    return %arg0, %c0_i32, %c0_i32_0 : i32, i32, i32
  }
}

module attributes {stable_mosaic.version = 14 : i64} {
  func.func @_attn_body(%arg0: i32, %arg1: i32, %arg2: memref<1x2048x128xf32, #tpu.memory_space<vmem>>, %arg3: memref<1x64x128xf32, #tpu.memory_space<vmem>>, %arg4: memref<1x32x1x64xf32, #tpu.memory_space<vmem>>, %arg5: memref<1x1x1x64xf32, #tpu.memory_space<vmem>>, %arg6: memref<1x32x1x64xf32, #tpu.memory_space<vmem>>, %arg7: memref<1x2048x128xf32, #tpu.memory_space<vmem>>) attributes {dimension_semantics = [#tpu.dimension_semantics<arbitrary>, #tpu.dimension_semantics<arbitrary>], iteration_bounds = array<i64: 16, 8>, scalar_prefetch = 0 : i64, scratch_operands = 0 : i64, tpu.core_type = #tpu.core_type<tc>, window_params = [{transform_indices = @transform_0, window_bounds = array<i64: 1, 2048, 128>}, {transform_indices = @transform_1, window_bounds = array<i64: 1, 64, 128>}, {transform_indices = @transform_2, window_bounds = array<i64: 1, 32, 1, 64>}, {transform_indices = @transform_3, window_bounds = array<i64: 1, 1, 1, 64>}, {transform_indices = @transform_4, window_bounds = array<i64: 1, 32, 1, 64>}, {transform_indices = @transform_5, window_bounds = array<i64: 1, 2048, 128>}]} {
    %get3A = arith.constant 0 : index
    %get3A_0 = arith.constant 0 : index
    %get3A_1 = arith.constant 0 : index
    %get3A_2 = vector.load %arg2[%get3A, %get3A_0, %get3A_1] : memref<1x2048x128xf32, #tpu.memory_space<vmem>>, vector<1x64x64xf32>
    %get3A_3 = vector.shape_cast %get3A_2 : vector<1x64x64xf32> to vector<64x64xf32>
    %get3A_4 = arith.constant 0 : index
    %get3A_5 = arith.constant 64 : index
    %get3A_6 = arith.constant 0 : index
    %get3A_7 = vector.load %arg2[%get3A_4, %get3A_5, %get3A_6] : memref<1x2048x128xf32, #tpu.memory_space<vmem>>, vector<1x64x64xf32>
    %get3A_8 = vector.shape_cast %get3A_7 : vector<1x64x64xf32> to vector<64x64xf32>
    %get3A_9 = arith.constant 0 : index
    %get3A_10 = arith.constant 128 : index
    %get3A_11 = arith.constant 0 : index
    %get3A_12 = vector.load %arg2[%get3A_9, %get3A_10, %get3A_11] : memref<1x2048x128xf32, #tpu.memory_space<vmem>>, vector<1x64x64xf32>
    %get3A_13 = vector.shape_cast %get3A_12 : vector<1x64x64xf32> to vector<64x64xf32>
    %get3A_14 = arith.constant 0 : index
    %get3A_15 = arith.constant 192 : index
    %get3A_16 = arith.constant 0 : index
    %get3A_17 = vector.load %arg2[%get3A_14, %get3A_15, %get3A_16] : memref<1x2048x128xf32, #tpu.memory_space<vmem>>, vector<1x64x64xf32>
    %get3A_18 = vector.shape_cast %get3A_17 : vector<1x64x64xf32> to vector<64x64xf32>
    %get3A_19 = arith.constant 0 : index
    %get3A_20 = arith.constant 256 : index
    %get3A_21 = arith.constant 0 : index
    %get3A_22 = vector.load %arg2[%get3A_19, %get3A_20, %get3A_21] : memref<1x2048x128xf32, #tpu.memory_space<vmem>>, vector<1x64x64xf32>
    %get3A_23 = vector.shape_cast %get3A_22 : vector<1x64x64xf32> to vector<64x64xf32>
    %get3A_24 = arith.constant 0 : index
    %get3A_25 = arith.constant 320 : index
    %get3A_26 = arith.constant 0 : index
    %get3A_27 = vector.load %arg2[%get3A_24, %get3A_25, %get3A_26] : memref<1x2048x128xf32, #tpu.memory_space<vmem>>, vector<1x64x64xf32>
    %get3A_28 = vector.shape_cast %get3A_27 : vector<1x64x64xf32> to vector<64x64xf32>
    %get3A_29 = arith.constant 0 : index
    %get3A_30 = arith.constant 384 : index
    %get3A_31 = arith.constant 0 : index
    %get3A_32 = vector.load %arg2[%get3A_29, %get3A_30, %get3A_31] : memref<1x2048x128xf32, #tpu.memory_space<vmem>>, vector<1x64x64xf32>
    %get3A_33 = vector.shape_cast %get3A_32 : vector<1x64x64xf32> to vector<64x64xf32>
    %get3A_34 = arith.constant 0 : index
    %get3A_35 = arith.constant 448 : index
    %get3A_36 = arith.constant 0 : index
    %get3A_37 = vector.load %arg2[%get3A_34, %get3A_35, %get3A_36] : memref<1x2048x128xf32, #tpu.memory_space<vmem>>, vector<1x64x64xf32>
    %get3A_38 = vector.shape_cast %get3A_37 : vector<1x64x64xf32> to vector<64x64xf32>
    %get3A_39 = arith.constant 0 : index
    %get3A_40 = arith.constant 512 : index
    %get3A_41 = arith.constant 0 : index
    %get3A_42 = vector.load %arg2[%get3A_39, %get3A_40, %get3A_41] : memref<1x2048x128xf32, #tpu.memory_space<vmem>>, vector<1x64x64xf32>
    %get3A_43 = vector.shape_cast %get3A_42 : vector<1x64x64xf32> to vector<64x64xf32>
    %get3A_44 = arith.constant 0 : index
    %get3A_45 = arith.constant 576 : index
    %get3A_46 = arith.constant 0 : index
    %get3A_47 = vector.load %arg2[%get3A_44, %get3A_45, %get3A_46] : memref<1x2048x128xf32, #tpu.memory_space<vmem>>, vector<1x64x64xf32>
    %get3A_48 = vector.shape_cast %get3A_47 : vector<1x64x64xf32> to vector<64x64xf32>
    %get3A_49 = arith.constant 0 : index
    %get3A_50 = arith.constant 640 : index
    %get3A_51 = arith.constant 0 : index
    %get3A_52 = vector.load %arg2[%get3A_49, %get3A_50, %get3A_51] : memref<1x2048x128xf32, #tpu.memory_space<vmem>>, vector<1x64x64xf32>
    %get3A_53 = vector.shape_cast %get3A_52 : vector<1x64x64xf32> to vector<64x64xf32>
    %get3A_54 = arith.constant 0 : index
    %get3A_55 = arith.constant 704 : index
    %get3A_56 = arith.constant 0 : index
    %get3A_57 = vector.load %arg2[%get3A_54, %get3A_55, %get3A_56] : memref<1x2048x128xf32, #tpu.memory_space<vmem>>, vector<1x64x64xf32>
    %get3A_58 = vector.shape_cast %get3A_57 : vector<1x64x64xf32> to vector<64x64xf32>
    %get3A_59 = arith.constant 0 : index
    %get3A_60 = arith.constant 768 : index
    %get3A_61 = arith.constant 0 : index
    %get3A_62 = vector.load %arg2[%get3A_59, %get3A_60, %get3A_61] : memref<1x2048x128xf32, #tpu.memory_space<vmem>>, vector<1x64x64xf32>
    %get3A_63 = vector.shape_cast %get3A_62 : vector<1x64x64xf32> to vector<64x64xf32>
    %get3A_64 = arith.constant 0 : index
    %get3A_65 = arith.constant 832 : index
    %get3A_66 = arith.constant 0 : index
    %get3A_67 = vector.load %arg2[%get3A_64, %get3A_65, %get3A_66] : memref<1x2048x128xf32, #tpu.memory_space<vmem>>, vector<1x64x64xf32>
    %get3A_68 = vector.shape_cast %get3A_67 : vector<1x64x64xf32> to vector<64x64xf32>
    %get3A_69 = arith.constant 0 : index
    %get3A_70 = arith.constant 896 : index
    %get3A_71 = arith.constant 0 : index
    %get3A_72 = vector.load %arg2[%get3A_69, %get3A_70, %get3A_71] : memref<1x2048x128xf32, #tpu.memory_space<vmem>>, vector<1x64x64xf32>
    %get3A_73 = vector.shape_cast %get3A_72 : vector<1x64x64xf32> to vector<64x64xf32>
    %get3A_74 = arith.constant 0 : index
    %get3A_75 = arith.constant 960 : index
    %get3A_76 = arith.constant 0 : index
    %get3A_77 = vector.load %arg2[%get3A_74, %get3A_75, %get3A_76] : memref<1x2048x128xf32, #tpu.memory_space<vmem>>, vector<1x64x64xf32>
    %get3A_78 = vector.shape_cast %get3A_77 : vector<1x64x64xf32> to vector<64x64xf32>
    %get3A_79 = arith.constant 0 : index
    %get3A_80 = arith.constant 1024 : index
    %get3A_81 = arith.constant 0 : index
    %get3A_82 = vector.load %arg2[%get3A_79, %get3A_80, %get3A_81] : memref<1x2048x128xf32, #tpu.memory_space<vmem>>, vector<1x64x64xf32>
    %get3A_83 = vector.shape_cast %get3A_82 : vector<1x64x64xf32> to vector<64x64xf32>
    %get3A_84 = arith.constant 0 : index
    %get3A_85 = arith.constant 1088 : index
    %get3A_86 = arith.constant 0 : index
    %get3A_87 = vector.load %arg2[%get3A_84, %get3A_85, %get3A_86] : memref<1x2048x128xf32, #tpu.memory_space<vmem>>, vector<1x64x64xf32>
    %get3A_88 = vector.shape_cast %get3A_87 : vector<1x64x64xf32> to vector<64x64xf32>
    %get3A_89 = arith.constant 0 : index
    %get3A_90 = arith.constant 1152 : index
    %get3A_91 = arith.constant 0 : index
    %get3A_92 = vector.load %arg2[%get3A_89, %get3A_90, %get3A_91] : memref<1x2048x128xf32, #tpu.memory_space<vmem>>, vector<1x64x64xf32>
    %get3A_93 = vector.shape_cast %get3A_92 : vector<1x64x64xf32> to vector<64x64xf32>
    %get3A_94 = arith.constant 0 : index
    %get3A_95 = arith.constant 1216 : index
    %get3A_96 = arith.constant 0 : index
    %get3A_97 = vector.load %arg2[%get3A_94, %get3A_95, %get3A_96] : memref<1x2048x128xf32, #tpu.memory_space<vmem>>, vector<1x64x64xf32>
    %get3A_98 = vector.shape_cast %get3A_97 : vector<1x64x64xf32> to vector<64x64xf32>
    %get3A_99 = arith.constant 0 : index
    %get3A_100 = arith.constant 1280 : index
    %get3A_101 = arith.constant 0 : index
    %get3A_102 = vector.load %arg2[%get3A_99, %get3A_100, %get3A_101] : memref<1x2048x128xf32, #tpu.memory_space<vmem>>, vector<1x64x64xf32>
    %get3A_103 = vector.shape_cast %get3A_102 : vector<1x64x64xf32> to vector<64x64xf32>
    %get3A_104 = arith.constant 0 : index
    %get3A_105 = arith.constant 1344 : index
    %get3A_106 = arith.constant 0 : index
    %get3A_107 = vector.load %arg2[%get3A_104, %get3A_105, %get3A_106] : memref<1x2048x128xf32, #tpu.memory_space<vmem>>, vector<1x64x64xf32>
    %get3A_108 = vector.shape_cast %get3A_107 : vector<1x64x64xf32> to vector<64x64xf32>
    %get3A_109 = arith.constant 0 : index
    %get3A_110 = arith.constant 1408 : index
    %get3A_111 = arith.constant 0 : index
    %get3A_112 = vector.load %arg2[%get3A_109, %get3A_110, %get3A_111] : memref<1x2048x128xf32, #tpu.memory_space<vmem>>, vector<1x64x64xf32>
    %get3A_113 = vector.shape_cast %get3A_112 : vector<1x64x64xf32> to vector<64x64xf32>
    %get3A_114 = arith.constant 0 : index
    %get3A_115 = arith.constant 1472 : index
    %get3A_116 = arith.constant 0 : index
    %get3A_117 = vector.load %arg2[%get3A_114, %get3A_115, %get3A_116] : memref<1x2048x128xf32, #tpu.memory_space<vmem>>, vector<1x64x64xf32>
    %get3A_118 = vector.shape_cast %get3A_117 : vector<1x64x64xf32> to vector<64x64xf32>
    %get3A_119 = arith.constant 0 : index
    %get3A_120 = arith.constant 1536 : index
    %get3A_121 = arith.constant 0 : index
    %get3A_122 = vector.load %arg2[%get3A_119, %get3A_120, %get3A_121] : memref<1x2048x128xf32, #tpu.memory_space<vmem>>, vector<1x64x64xf32>
    %get3A_123 = vector.shape_cast %get3A_122 : vector<1x64x64xf32> to vector<64x64xf32>
    %get3A_124 = arith.constant 0 : index
    %get3A_125 = arith.constant 1600 : index
    %get3A_126 = arith.constant 0 : index
    %get3A_127 = vector.load %arg2[%get3A_124, %get3A_125, %get3A_126] : memref<1x2048x128xf32, #tpu.memory_space<vmem>>, vector<1x64x64xf32>
    %get3A_128 = vector.shape_cast %get3A_127 : vector<1x64x64xf32> to vector<64x64xf32>
    %get3A_129 = arith.constant 0 : index
    %get3A_130 = arith.constant 1664 : index
    %get3A_131 = arith.constant 0 : index
    %get3A_132 = vector.load %arg2[%get3A_129, %get3A_130, %get3A_131] : memref<1x2048x128xf32, #tpu.memory_space<vmem>>, vector<1x64x64xf32>
    %get3A_133 = vector.shape_cast %get3A_132 : vector<1x64x64xf32> to vector<64x64xf32>
    %get3A_134 = arith.constant 0 : index
    %get3A_135 = arith.constant 1728 : index
    %get3A_136 = arith.constant 0 : index
    %get3A_137 = vector.load %arg2[%get3A_134, %get3A_135, %get3A_136] : memref<1x2048x128xf32, #tpu.memory_space<vmem>>, vector<1x64x64xf32>
    %get3A_138 = vector.shape_cast %get3A_137 : vector<1x64x64xf32> to vector<64x64xf32>
    %get3A_139 = arith.constant 0 : index
    %get3A_140 = arith.constant 1792 : index
    %get3A_141 = arith.constant 0 : index
    %get3A_142 = vector.load %arg2[%get3A_139, %get3A_140, %get3A_141] : memref<1x2048x128xf32, #tpu.memory_space<vmem>>, vector<1x64x64xf32>
    %get3A_143 = vector.shape_cast %get3A_142 : vector<1x64x64xf32> to vector<64x64xf32>
    %get3A_144 = arith.constant 0 : index
    %get3A_145 = arith.constant 1856 : index
    %get3A_146 = arith.constant 0 : index
    %get3A_147 = vector.load %arg2[%get3A_144, %get3A_145, %get3A_146] : memref<1x2048x128xf32, #tpu.memory_space<vmem>>, vector<1x64x64xf32>
    %get3A_148 = vector.shape_cast %get3A_147 : vector<1x64x64xf32> to vector<64x64xf32>
    %get3A_149 = arith.constant 0 : index
    %get3A_150 = arith.constant 1920 : index
    %get3A_151 = arith.constant 0 : index
    %get3A_152 = vector.load %arg2[%get3A_149, %get3A_150, %get3A_151] : memref<1x2048x128xf32, #tpu.memory_space<vmem>>, vector<1x64x64xf32>
    %get3A_153 = vector.shape_cast %get3A_152 : vector<1x64x64xf32> to vector<64x64xf32>
    %get3A_154 = arith.constant 0 : index
    %get3A_155 = arith.constant 1984 : index
    %get3A_156 = arith.constant 0 : index
    %get3A_157 = vector.load %arg2[%get3A_154, %get3A_155, %get3A_156] : memref<1x2048x128xf32, #tpu.memory_space<vmem>>, vector<1x64x64xf32>
    %get3A_158 = vector.shape_cast %get3A_157 : vector<1x64x64xf32> to vector<64x64xf32>
    %get3A_159 = arith.constant 0 : index
    %get3A_160 = arith.constant 0 : index
    %get3A_161 = arith.constant 64 : index
    %get3A_162 = vector.load %arg2[%get3A_159, %get3A_160, %get3A_161] : memref<1x2048x128xf32, #tpu.memory_space<vmem>>, vector<1x64x64xf32>
    %get3A_163 = vector.shape_cast %get3A_162 : vector<1x64x64xf32> to vector<64x64xf32>
    %get3A_164 = arith.constant 0 : index
    %get3A_165 = arith.constant 64 : index
    %get3A_166 = arith.constant 64 : index
    %get3A_167 = vector.load %arg2[%get3A_164, %get3A_165, %get3A_166] : memref<1x2048x128xf32, #tpu.memory_space<vmem>>, vector<1x64x64xf32>
    %get3A_168 = vector.shape_cast %get3A_167 : vector<1x64x64xf32> to vector<64x64xf32>
    %get3A_169 = arith.constant 0 : index
    %get3A_170 = arith.constant 128 : index
    %get3A_171 = arith.constant 64 : index
    %get3A_172 = vector.load %arg2[%get3A_169, %get3A_170, %get3A_171] : memref<1x2048x128xf32, #tpu.memory_space<vmem>>, vector<1x64x64xf32>
    %get3A_173 = vector.shape_cast %get3A_172 : vector<1x64x64xf32> to vector<64x64xf32>
    %get3A_174 = arith.constant 0 : index
    %get3A_175 = arith.constant 192 : index
    %get3A_176 = arith.constant 64 : index
    %get3A_177 = vector.load %arg2[%get3A_174, %get3A_175, %get3A_176] : memref<1x2048x128xf32, #tpu.memory_space<vmem>>, vector<1x64x64xf32>
    %get3A_178 = vector.shape_cast %get3A_177 : vector<1x64x64xf32> to vector<64x64xf32>
    %get3A_179 = arith.constant 0 : index
    %get3A_180 = arith.constant 256 : index
    %get3A_181 = arith.constant 64 : index
    %get3A_182 = vector.load %arg2[%get3A_179, %get3A_180, %get3A_181] : memref<1x2048x128xf32, #tpu.memory_space<vmem>>, vector<1x64x64xf32>
    %get3A_183 = vector.shape_cast %get3A_182 : vector<1x64x64xf32> to vector<64x64xf32>
    %get3A_184 = arith.constant 0 : index
    %get3A_185 = arith.constant 320 : index
    %get3A_186 = arith.constant 64 : index
    %get3A_187 = vector.load %arg2[%get3A_184, %get3A_185, %get3A_186] : memref<1x2048x128xf32, #tpu.memory_space<vmem>>, vector<1x64x64xf32>
    %get3A_188 = vector.shape_cast %get3A_187 : vector<1x64x64xf32> to vector<64x64xf32>
    %get3A_189 = arith.constant 0 : index
    %get3A_190 = arith.constant 384 : index
    %get3A_191 = arith.constant 64 : index
    %get3A_192 = vector.load %arg2[%get3A_189, %get3A_190, %get3A_191] : memref<1x2048x128xf32, #tpu.memory_space<vmem>>, vector<1x64x64xf32>
    %get3A_193 = vector.shape_cast %get3A_192 : vector<1x64x64xf32> to vector<64x64xf32>
    %get3A_194 = arith.constant 0 : index
    %get3A_195 = arith.constant 448 : index
    %get3A_196 = arith.constant 64 : index
    %get3A_197 = vector.load %arg2[%get3A_194, %get3A_195, %get3A_196] : memref<1x2048x128xf32, #tpu.memory_space<vmem>>, vector<1x64x64xf32>
    %get3A_198 = vector.shape_cast %get3A_197 : vector<1x64x64xf32> to vector<64x64xf32>
    %get3A_199 = arith.constant 0 : index
    %get3A_200 = arith.constant 512 : index
    %get3A_201 = arith.constant 64 : index
    %get3A_202 = vector.load %arg2[%get3A_199, %get3A_200, %get3A_201] : memref<1x2048x128xf32, #tpu.memory_space<vmem>>, vector<1x64x64xf32>
    %get3A_203 = vector.shape_cast %get3A_202 : vector<1x64x64xf32> to vector<64x64xf32>
    %get3A_204 = arith.constant 0 : index
    %get3A_205 = arith.constant 576 : index
    %get3A_206 = arith.constant 64 : index
    %get3A_207 = vector.load %arg2[%get3A_204, %get3A_205, %get3A_206] : memref<1x2048x128xf32, #tpu.memory_space<vmem>>, vector<1x64x64xf32>
    %get3A_208 = vector.shape_cast %get3A_207 : vector<1x64x64xf32> to vector<64x64xf32>
    %get3A_209 = arith.constant 0 : index
    %get3A_210 = arith.constant 640 : index
    %get3A_211 = arith.constant 64 : index
    %get3A_212 = vector.load %arg2[%get3A_209, %get3A_210, %get3A_211] : memref<1x2048x128xf32, #tpu.memory_space<vmem>>, vector<1x64x64xf32>
    %get3A_213 = vector.shape_cast %get3A_212 : vector<1x64x64xf32> to vector<64x64xf32>
    %get3A_214 = arith.constant 0 : index
    %get3A_215 = arith.constant 704 : index
    %get3A_216 = arith.constant 64 : index
    %get3A_217 = vector.load %arg2[%get3A_214, %get3A_215, %get3A_216] : memref<1x2048x128xf32, #tpu.memory_space<vmem>>, vector<1x64x64xf32>
    %get3A_218 = vector.shape_cast %get3A_217 : vector<1x64x64xf32> to vector<64x64xf32>
    %get3A_219 = arith.constant 0 : index
    %get3A_220 = arith.constant 768 : index
    %get3A_221 = arith.constant 64 : index
    %get3A_222 = vector.load %arg2[%get3A_219, %get3A_220, %get3A_221] : memref<1x2048x128xf32, #tpu.memory_space<vmem>>, vector<1x64x64xf32>
    %get3A_223 = vector.shape_cast %get3A_222 : vector<1x64x64xf32> to vector<64x64xf32>
    %get3A_224 = arith.constant 0 : index
    %get3A_225 = arith.constant 832 : index
    %get3A_226 = arith.constant 64 : index
    %get3A_227 = vector.load %arg2[%get3A_224, %get3A_225, %get3A_226] : memref<1x2048x128xf32, #tpu.memory_space<vmem>>, vector<1x64x64xf32>
    %get3A_228 = vector.shape_cast %get3A_227 : vector<1x64x64xf32> to vector<64x64xf32>
    %get3A_229 = arith.constant 0 : index
    %get3A_230 = arith.constant 896 : index
    %get3A_231 = arith.constant 64 : index
    %get3A_232 = vector.load %arg2[%get3A_229, %get3A_230, %get3A_231] : memref<1x2048x128xf32, #tpu.memory_space<vmem>>, vector<1x64x64xf32>
    %get3A_233 = vector.shape_cast %get3A_232 : vector<1x64x64xf32> to vector<64x64xf32>
    %get3A_234 = arith.constant 0 : index
    %get3A_235 = arith.constant 960 : index
    %get3A_236 = arith.constant 64 : index
    %get3A_237 = vector.load %arg2[%get3A_234, %get3A_235, %get3A_236] : memref<1x2048x128xf32, #tpu.memory_space<vmem>>, vector<1x64x64xf32>
    %get3A_238 = vector.shape_cast %get3A_237 : vector<1x64x64xf32> to vector<64x64xf32>
    %get3A_239 = arith.constant 0 : index
    %get3A_240 = arith.constant 1024 : index
    %get3A_241 = arith.constant 64 : index
    %get3A_242 = vector.load %arg2[%get3A_239, %get3A_240, %get3A_241] : memref<1x2048x128xf32, #tpu.memory_space<vmem>>, vector<1x64x64xf32>
    %get3A_243 = vector.shape_cast %get3A_242 : vector<1x64x64xf32> to vector<64x64xf32>
    %get3A_244 = arith.constant 0 : index
    %get3A_245 = arith.constant 1088 : index
    %get3A_246 = arith.constant 64 : index
    %get3A_247 = vector.load %arg2[%get3A_244, %get3A_245, %get3A_246] : memref<1x2048x128xf32, #tpu.memory_space<vmem>>, vector<1x64x64xf32>
    %get3A_248 = vector.shape_cast %get3A_247 : vector<1x64x64xf32> to vector<64x64xf32>
    %get3A_249 = arith.constant 0 : index
    %get3A_250 = arith.constant 1152 : index
    %get3A_251 = arith.constant 64 : index
    %get3A_252 = vector.load %arg2[%get3A_249, %get3A_250, %get3A_251] : memref<1x2048x128xf32, #tpu.memory_space<vmem>>, vector<1x64x64xf32>
    %get3A_253 = vector.shape_cast %get3A_252 : vector<1x64x64xf32> to vector<64x64xf32>
    %get3A_254 = arith.constant 0 : index
    %get3A_255 = arith.constant 1216 : index
    %get3A_256 = arith.constant 64 : index
    %get3A_257 = vector.load %arg2[%get3A_254, %get3A_255, %get3A_256] : memref<1x2048x128xf32, #tpu.memory_space<vmem>>, vector<1x64x64xf32>
    %get3A_258 = vector.shape_cast %get3A_257 : vector<1x64x64xf32> to vector<64x64xf32>
    %get3A_259 = arith.constant 0 : index
    %get3A_260 = arith.constant 1280 : index
    %get3A_261 = arith.constant 64 : index
    %get3A_262 = vector.load %arg2[%get3A_259, %get3A_260, %get3A_261] : memref<1x2048x128xf32, #tpu.memory_space<vmem>>, vector<1x64x64xf32>
    %get3A_263 = vector.shape_cast %get3A_262 : vector<1x64x64xf32> to vector<64x64xf32>
    %get3A_264 = arith.constant 0 : index
    %get3A_265 = arith.constant 1344 : index
    %get3A_266 = arith.constant 64 : index
    %get3A_267 = vector.load %arg2[%get3A_264, %get3A_265, %get3A_266] : memref<1x2048x128xf32, #tpu.memory_space<vmem>>, vector<1x64x64xf32>
    %get3A_268 = vector.shape_cast %get3A_267 : vector<1x64x64xf32> to vector<64x64xf32>
    %get3A_269 = arith.constant 0 : index
    %get3A_270 = arith.constant 1408 : index
    %get3A_271 = arith.constant 64 : index
    %get3A_272 = vector.load %arg2[%get3A_269, %get3A_270, %get3A_271] : memref<1x2048x128xf32, #tpu.memory_space<vmem>>, vector<1x64x64xf32>
    %get3A_273 = vector.shape_cast %get3A_272 : vector<1x64x64xf32> to vector<64x64xf32>
    %get3A_274 = arith.constant 0 : index
    %get3A_275 = arith.constant 1472 : index
    %get3A_276 = arith.constant 64 : index
    %get3A_277 = vector.load %arg2[%get3A_274, %get3A_275, %get3A_276] : memref<1x2048x128xf32, #tpu.memory_space<vmem>>, vector<1x64x64xf32>
    %get3A_278 = vector.shape_cast %get3A_277 : vector<1x64x64xf32> to vector<64x64xf32>
    %get3A_279 = arith.constant 0 : index
    %get3A_280 = arith.constant 1536 : index
    %get3A_281 = arith.constant 64 : index
    %get3A_282 = vector.load %arg2[%get3A_279, %get3A_280, %get3A_281] : memref<1x2048x128xf32, #tpu.memory_space<vmem>>, vector<1x64x64xf32>
    %get3A_283 = vector.shape_cast %get3A_282 : vector<1x64x64xf32> to vector<64x64xf32>
    %get3A_284 = arith.constant 0 : index
    %get3A_285 = arith.constant 1600 : index
    %get3A_286 = arith.constant 64 : index
    %get3A_287 = vector.load %arg2[%get3A_284, %get3A_285, %get3A_286] : memref<1x2048x128xf32, #tpu.memory_space<vmem>>, vector<1x64x64xf32>
    %get3A_288 = vector.shape_cast %get3A_287 : vector<1x64x64xf32> to vector<64x64xf32>
    %get3A_289 = arith.constant 0 : index
    %get3A_290 = arith.constant 1664 : index
    %get3A_291 = arith.constant 64 : index
    %get3A_292 = vector.load %arg2[%get3A_289, %get3A_290, %get3A_291] : memref<1x2048x128xf32, #tpu.memory_space<vmem>>, vector<1x64x64xf32>
    %get3A_293 = vector.shape_cast %get3A_292 : vector<1x64x64xf32> to vector<64x64xf32>
    %get3A_294 = arith.constant 0 : index
    %get3A_295 = arith.constant 1728 : index
    %get3A_296 = arith.constant 64 : index
    %get3A_297 = vector.load %arg2[%get3A_294, %get3A_295, %get3A_296] : memref<1x2048x128xf32, #tpu.memory_space<vmem>>, vector<1x64x64xf32>
    %get3A_298 = vector.shape_cast %get3A_297 : vector<1x64x64xf32> to vector<64x64xf32>
    %get3A_299 = arith.constant 0 : index
    %get3A_300 = arith.constant 1792 : index
    %get3A_301 = arith.constant 64 : index
    %get3A_302 = vector.load %arg2[%get3A_299, %get3A_300, %get3A_301] : memref<1x2048x128xf32, #tpu.memory_space<vmem>>, vector<1x64x64xf32>
    %get3A_303 = vector.shape_cast %get3A_302 : vector<1x64x64xf32> to vector<64x64xf32>
    %get3A_304 = arith.constant 0 : index
    %get3A_305 = arith.constant 1856 : index
    %get3A_306 = arith.constant 64 : index
    %get3A_307 = vector.load %arg2[%get3A_304, %get3A_305, %get3A_306] : memref<1x2048x128xf32, #tpu.memory_space<vmem>>, vector<1x64x64xf32>
    %get3A_308 = vector.shape_cast %get3A_307 : vector<1x64x64xf32> to vector<64x64xf32>
    %get3A_309 = arith.constant 0 : index
    %get3A_310 = arith.constant 1920 : index
    %get3A_311 = arith.constant 64 : index
    %get3A_312 = vector.load %arg2[%get3A_309, %get3A_310, %get3A_311] : memref<1x2048x128xf32, #tpu.memory_space<vmem>>, vector<1x64x64xf32>
    %get3A_313 = vector.shape_cast %get3A_312 : vector<1x64x64xf32> to vector<64x64xf32>
    %get3A_314 = arith.constant 0 : index
    %get3A_315 = arith.constant 1984 : index
    %get3A_316 = arith.constant 64 : index
    %get3A_317 = vector.load %arg2[%get3A_314, %get3A_315, %get3A_316] : memref<1x2048x128xf32, #tpu.memory_space<vmem>>, vector<1x64x64xf32>
    %get3A_318 = vector.shape_cast %get3A_317 : vector<1x64x64xf32> to vector<64x64xf32>
    %get3A_319 = arith.constant 0 : index
    %get3A_320 = arith.constant 0 : index
    %get3A_321 = arith.constant 0 : index
    %get3A_322 = vector.load %arg3[%get3A_319, %get3A_320, %get3A_321] : memref<1x64x128xf32, #tpu.memory_space<vmem>>, vector<1x64x64xf32>
    %get3A_323 = vector.shape_cast %get3A_322 : vector<1x64x64xf32> to vector<64x64xf32>
    %get3A_324 = arith.constant 0 : index
    %get3A_325 = arith.constant 0 : index
    %get3A_326 = arith.constant 64 : index
    %get3A_327 = vector.load %arg3[%get3A_324, %get3A_325, %get3A_326] : memref<1x64x128xf32, #tpu.memory_space<vmem>>, vector<1x64x64xf32>
    %get3A_328 = vector.shape_cast %get3A_327 : vector<1x64x64xf32> to vector<64x64xf32>
    %concatenate3A = tpu.concatenate %get3A_3, %get3A_323 in 0 : vector<64x64xf32>, vector<64x64xf32> -> vector<128x64xf32>
    %dot_general3A = arith.constant dense<0.000000e+00> : vector<64x128xf32>
    %dot_general3A_329 = tpu.matmul %get3A_3, %concatenate3A, %dot_general3A {dimension_numbers = #tpu.dot_dimension_numbers<[1], [1], [0], [0], [0, 0, 1, 0], [], []>, transpose_lhs_hint = false} : vector<64x64xf32>, vector<128x64xf32>, vector<64x128xf32> -> vector<64x128xf32>
    %concatenate3A_330 = tpu.concatenate %get3A_8, %get3A_3 in 0 : vector<64x64xf32>, vector<64x64xf32> -> vector<128x64xf32>
    %dot_general3A_331 = arith.constant dense<0.000000e+00> : vector<64x128xf32>
    %dot_general3A_332 = tpu.matmul %get3A_8, %concatenate3A_330, %dot_general3A_331 {dimension_numbers = #tpu.dot_dimension_numbers<[1], [1], [0], [0], [0, 0, 1, 0], [], []>, transpose_lhs_hint = false} : vector<64x64xf32>, vector<128x64xf32>, vector<64x128xf32> -> vector<64x128xf32>
    %concatenate3A_333 = tpu.concatenate %get3A_13, %get3A_8 in 0 : vector<64x64xf32>, vector<64x64xf32> -> vector<128x64xf32>
    %dot_general3A_334 = arith.constant dense<0.000000e+00> : vector<64x128xf32>
    %dot_general3A_335 = tpu.matmul %get3A_13, %concatenate3A_333, %dot_general3A_334 {dimension_numbers = #tpu.dot_dimension_numbers<[1], [1], [0], [0], [0, 0, 1, 0], [], []>, transpose_lhs_hint = false} : vector<64x64xf32>, vector<128x64xf32>, vector<64x128xf32> -> vector<64x128xf32>
    %concatenate3A_336 = tpu.concatenate %get3A_18, %get3A_13 in 0 : vector<64x64xf32>, vector<64x64xf32> -> vector<128x64xf32>
    %dot_general3A_337 = arith.constant dense<0.000000e+00> : vector<64x128xf32>
    %dot_general3A_338 = tpu.matmul %get3A_18, %concatenate3A_336, %dot_general3A_337 {dimension_numbers = #tpu.dot_dimension_numbers<[1], [1], [0], [0], [0, 0, 1, 0], [], []>, transpose_lhs_hint = false} : vector<64x64xf32>, vector<128x64xf32>, vector<64x128xf32> -> vector<64x128xf32>
    %concatenate3A_339 = tpu.concatenate %get3A_23, %get3A_18 in 0 : vector<64x64xf32>, vector<64x64xf32> -> vector<128x64xf32>
    %dot_general3A_340 = arith.constant dense<0.000000e+00> : vector<64x128xf32>
    %dot_general3A_341 = tpu.matmul %get3A_23, %concatenate3A_339, %dot_general3A_340 {dimension_numbers = #tpu.dot_dimension_numbers<[1], [1], [0], [0], [0, 0, 1, 0], [], []>, transpose_lhs_hint = false} : vector<64x64xf32>, vector<128x64xf32>, vector<64x128xf32> -> vector<64x128xf32>
    %concatenate3A_342 = tpu.concatenate %get3A_28, %get3A_23 in 0 : vector<64x64xf32>, vector<64x64xf32> -> vector<128x64xf32>
    %dot_general3A_343 = arith.constant dense<0.000000e+00> : vector<64x128xf32>
    %dot_general3A_344 = tpu.matmul %get3A_28, %concatenate3A_342, %dot_general3A_343 {dimension_numbers = #tpu.dot_dimension_numbers<[1], [1], [0], [0], [0, 0, 1, 0], [], []>, transpose_lhs_hint = false} : vector<64x64xf32>, vector<128x64xf32>, vector<64x128xf32> -> vector<64x128xf32>
    %concatenate3A_345 = tpu.concatenate %get3A_33, %get3A_28 in 0 : vector<64x64xf32>, vector<64x64xf32> -> vector<128x64xf32>
    %dot_general3A_346 = arith.constant dense<0.000000e+00> : vector<64x128xf32>
    %dot_general3A_347 = tpu.matmul %get3A_33, %concatenate3A_345, %dot_general3A_346 {dimension_numbers = #tpu.dot_dimension_numbers<[1], [1], [0], [0], [0, 0, 1, 0], [], []>, transpose_lhs_hint = false} : vector<64x64xf32>, vector<128x64xf32>, vector<64x128xf32> -> vector<64x128xf32>
    %concatenate3A_348 = tpu.concatenate %get3A_38, %get3A_33 in 0 : vector<64x64xf32>, vector<64x64xf32> -> vector<128x64xf32>
    %dot_general3A_349 = arith.constant dense<0.000000e+00> : vector<64x128xf32>
    %dot_general3A_350 = tpu.matmul %get3A_38, %concatenate3A_348, %dot_general3A_349 {dimension_numbers = #tpu.dot_dimension_numbers<[1], [1], [0], [0], [0, 0, 1, 0], [], []>, transpose_lhs_hint = false} : vector<64x64xf32>, vector<128x64xf32>, vector<64x128xf32> -> vector<64x128xf32>
    %concatenate3A_351 = tpu.concatenate %get3A_43, %get3A_38 in 0 : vector<64x64xf32>, vector<64x64xf32> -> vector<128x64xf32>
    %dot_general3A_352 = arith.constant dense<0.000000e+00> : vector<64x128xf32>
    %dot_general3A_353 = tpu.matmul %get3A_43, %concatenate3A_351, %dot_general3A_352 {dimension_numbers = #tpu.dot_dimension_numbers<[1], [1], [0], [0], [0, 0, 1, 0], [], []>, transpose_lhs_hint = false} : vector<64x64xf32>, vector<128x64xf32>, vector<64x128xf32> -> vector<64x128xf32>
    %concatenate3A_354 = tpu.concatenate %get3A_48, %get3A_43 in 0 : vector<64x64xf32>, vector<64x64xf32> -> vector<128x64xf32>
    %dot_general3A_355 = arith.constant dense<0.000000e+00> : vector<64x128xf32>
    %dot_general3A_356 = tpu.matmul %get3A_48, %concatenate3A_354, %dot_general3A_355 {dimension_numbers = #tpu.dot_dimension_numbers<[1], [1], [0], [0], [0, 0, 1, 0], [], []>, transpose_lhs_hint = false} : vector<64x64xf32>, vector<128x64xf32>, vector<64x128xf32> -> vector<64x128xf32>
    %concatenate3A_357 = tpu.concatenate %get3A_53, %get3A_48 in 0 : vector<64x64xf32>, vector<64x64xf32> -> vector<128x64xf32>
    %dot_general3A_358 = arith.constant dense<0.000000e+00> : vector<64x128xf32>
    %dot_general3A_359 = tpu.matmul %get3A_53, %concatenate3A_357, %dot_general3A_358 {dimension_numbers = #tpu.dot_dimension_numbers<[1], [1], [0], [0], [0, 0, 1, 0], [], []>, transpose_lhs_hint = false} : vector<64x64xf32>, vector<128x64xf32>, vector<64x128xf32> -> vector<64x128xf32>
    %concatenate3A_360 = tpu.concatenate %get3A_58, %get3A_53 in 0 : vector<64x64xf32>, vector<64x64xf32> -> vector<128x64xf32>
    %dot_general3A_361 = arith.constant dense<0.000000e+00> : vector<64x128xf32>
    %dot_general3A_362 = tpu.matmul %get3A_58, %concatenate3A_360, %dot_general3A_361 {dimension_numbers = #tpu.dot_dimension_numbers<[1], [1], [0], [0], [0, 0, 1, 0], [], []>, transpose_lhs_hint = false} : vector<64x64xf32>, vector<128x64xf32>, vector<64x128xf32> -> vector<64x128xf32>
    %concatenate3A_363 = tpu.concatenate %get3A_63, %get3A_58 in 0 : vector<64x64xf32>, vector<64x64xf32> -> vector<128x64xf32>
    %dot_general3A_364 = arith.constant dense<0.000000e+00> : vector<64x128xf32>
    %dot_general3A_365 = tpu.matmul %get3A_63, %concatenate3A_363, %dot_general3A_364 {dimension_numbers = #tpu.dot_dimension_numbers<[1], [1], [0], [0], [0, 0, 1, 0], [], []>, transpose_lhs_hint = false} : vector<64x64xf32>, vector<128x64xf32>, vector<64x128xf32> -> vector<64x128xf32>
    %concatenate3A_366 = tpu.concatenate %get3A_68, %get3A_63 in 0 : vector<64x64xf32>, vector<64x64xf32> -> vector<128x64xf32>
    %dot_general3A_367 = arith.constant dense<0.000000e+00> : vector<64x128xf32>
    %dot_general3A_368 = tpu.matmul %get3A_68, %concatenate3A_366, %dot_general3A_367 {dimension_numbers = #tpu.dot_dimension_numbers<[1], [1], [0], [0], [0, 0, 1, 0], [], []>, transpose_lhs_hint = false} : vector<64x64xf32>, vector<128x64xf32>, vector<64x128xf32> -> vector<64x128xf32>
    %concatenate3A_369 = tpu.concatenate %get3A_73, %get3A_68 in 0 : vector<64x64xf32>, vector<64x64xf32> -> vector<128x64xf32>
    %dot_general3A_370 = arith.constant dense<0.000000e+00> : vector<64x128xf32>
    %dot_general3A_371 = tpu.matmul %get3A_73, %concatenate3A_369, %dot_general3A_370 {dimension_numbers = #tpu.dot_dimension_numbers<[1], [1], [0], [0], [0, 0, 1, 0], [], []>, transpose_lhs_hint = false} : vector<64x64xf32>, vector<128x64xf32>, vector<64x128xf32> -> vector<64x128xf32>
    %concatenate3A_372 = tpu.concatenate %get3A_78, %get3A_73 in 0 : vector<64x64xf32>, vector<64x64xf32> -> vector<128x64xf32>
    %dot_general3A_373 = arith.constant dense<0.000000e+00> : vector<64x128xf32>
    %dot_general3A_374 = tpu.matmul %get3A_78, %concatenate3A_372, %dot_general3A_373 {dimension_numbers = #tpu.dot_dimension_numbers<[1], [1], [0], [0], [0, 0, 1, 0], [], []>, transpose_lhs_hint = false} : vector<64x64xf32>, vector<128x64xf32>, vector<64x128xf32> -> vector<64x128xf32>
    %concatenate3A_375 = tpu.concatenate %get3A_83, %get3A_78 in 0 : vector<64x64xf32>, vector<64x64xf32> -> vector<128x64xf32>
    %dot_general3A_376 = arith.constant dense<0.000000e+00> : vector<64x128xf32>
    %dot_general3A_377 = tpu.matmul %get3A_83, %concatenate3A_375, %dot_general3A_376 {dimension_numbers = #tpu.dot_dimension_numbers<[1], [1], [0], [0], [0, 0, 1, 0], [], []>, transpose_lhs_hint = false} : vector<64x64xf32>, vector<128x64xf32>, vector<64x128xf32> -> vector<64x128xf32>
    %concatenate3A_378 = tpu.concatenate %get3A_88, %get3A_83 in 0 : vector<64x64xf32>, vector<64x64xf32> -> vector<128x64xf32>
    %dot_general3A_379 = arith.constant dense<0.000000e+00> : vector<64x128xf32>
    %dot_general3A_380 = tpu.matmul %get3A_88, %concatenate3A_378, %dot_general3A_379 {dimension_numbers = #tpu.dot_dimension_numbers<[1], [1], [0], [0], [0, 0, 1, 0], [], []>, transpose_lhs_hint = false} : vector<64x64xf32>, vector<128x64xf32>, vector<64x128xf32> -> vector<64x128xf32>
    %concatenate3A_381 = tpu.concatenate %get3A_93, %get3A_88 in 0 : vector<64x64xf32>, vector<64x64xf32> -> vector<128x64xf32>
    %dot_general3A_382 = arith.constant dense<0.000000e+00> : vector<64x128xf32>
    %dot_general3A_383 = tpu.matmul %get3A_93, %concatenate3A_381, %dot_general3A_382 {dimension_numbers = #tpu.dot_dimension_numbers<[1], [1], [0], [0], [0, 0, 1, 0], [], []>, transpose_lhs_hint = false} : vector<64x64xf32>, vector<128x64xf32>, vector<64x128xf32> -> vector<64x128xf32>
    %concatenate3A_384 = tpu.concatenate %get3A_98, %get3A_93 in 0 : vector<64x64xf32>, vector<64x64xf32> -> vector<128x64xf32>
    %dot_general3A_385 = arith.constant dense<0.000000e+00> : vector<64x128xf32>
    %dot_general3A_386 = tpu.matmul %get3A_98, %concatenate3A_384, %dot_general3A_385 {dimension_numbers = #tpu.dot_dimension_numbers<[1], [1], [0], [0], [0, 0, 1, 0], [], []>, transpose_lhs_hint = false} : vector<64x64xf32>, vector<128x64xf32>, vector<64x128xf32> -> vector<64x128xf32>
    %concatenate3A_387 = tpu.concatenate %get3A_103, %get3A_98 in 0 : vector<64x64xf32>, vector<64x64xf32> -> vector<128x64xf32>
    %dot_general3A_388 = arith.constant dense<0.000000e+00> : vector<64x128xf32>
    %dot_general3A_389 = tpu.matmul %get3A_103, %concatenate3A_387, %dot_general3A_388 {dimension_numbers = #tpu.dot_dimension_numbers<[1], [1], [0], [0], [0, 0, 1, 0], [], []>, transpose_lhs_hint = false} : vector<64x64xf32>, vector<128x64xf32>, vector<64x128xf32> -> vector<64x128xf32>
    %concatenate3A_390 = tpu.concatenate %get3A_108, %get3A_103 in 0 : vector<64x64xf32>, vector<64x64xf32> -> vector<128x64xf32>
    %dot_general3A_391 = arith.constant dense<0.000000e+00> : vector<64x128xf32>
    %dot_general3A_392 = tpu.matmul %get3A_108, %concatenate3A_390, %dot_general3A_391 {dimension_numbers = #tpu.dot_dimension_numbers<[1], [1], [0], [0], [0, 0, 1, 0], [], []>, transpose_lhs_hint = false} : vector<64x64xf32>, vector<128x64xf32>, vector<64x128xf32> -> vector<64x128xf32>
    %concatenate3A_393 = tpu.concatenate %get3A_113, %get3A_108 in 0 : vector<64x64xf32>, vector<64x64xf32> -> vector<128x64xf32>
    %dot_general3A_394 = arith.constant dense<0.000000e+00> : vector<64x128xf32>
    %dot_general3A_395 = tpu.matmul %get3A_113, %concatenate3A_393, %dot_general3A_394 {dimension_numbers = #tpu.dot_dimension_numbers<[1], [1], [0], [0], [0, 0, 1, 0], [], []>, transpose_lhs_hint = false} : vector<64x64xf32>, vector<128x64xf32>, vector<64x128xf32> -> vector<64x128xf32>
    %concatenate3A_396 = tpu.concatenate %get3A_118, %get3A_113 in 0 : vector<64x64xf32>, vector<64x64xf32> -> vector<128x64xf32>
    %dot_general3A_397 = arith.constant dense<0.000000e+00> : vector<64x128xf32>
    %dot_general3A_398 = tpu.matmul %get3A_118, %concatenate3A_396, %dot_general3A_397 {dimension_numbers = #tpu.dot_dimension_numbers<[1], [1], [0], [0], [0, 0, 1, 0], [], []>, transpose_lhs_hint = false} : vector<64x64xf32>, vector<128x64xf32>, vector<64x128xf32> -> vector<64x128xf32>
    %concatenate3A_399 = tpu.concatenate %get3A_123, %get3A_118 in 0 : vector<64x64xf32>, vector<64x64xf32> -> vector<128x64xf32>
    %dot_general3A_400 = arith.constant dense<0.000000e+00> : vector<64x128xf32>
    %dot_general3A_401 = tpu.matmul %get3A_123, %concatenate3A_399, %dot_general3A_400 {dimension_numbers = #tpu.dot_dimension_numbers<[1], [1], [0], [0], [0, 0, 1, 0], [], []>, transpose_lhs_hint = false} : vector<64x64xf32>, vector<128x64xf32>, vector<64x128xf32> -> vector<64x128xf32>
    %concatenate3A_402 = tpu.concatenate %get3A_128, %get3A_123 in 0 : vector<64x64xf32>, vector<64x64xf32> -> vector<128x64xf32>
    %dot_general3A_403 = arith.constant dense<0.000000e+00> : vector<64x128xf32>
    %dot_general3A_404 = tpu.matmul %get3A_128, %concatenate3A_402, %dot_general3A_403 {dimension_numbers = #tpu.dot_dimension_numbers<[1], [1], [0], [0], [0, 0, 1, 0], [], []>, transpose_lhs_hint = false} : vector<64x64xf32>, vector<128x64xf32>, vector<64x128xf32> -> vector<64x128xf32>
    %concatenate3A_405 = tpu.concatenate %get3A_133, %get3A_128 in 0 : vector<64x64xf32>, vector<64x64xf32> -> vector<128x64xf32>
    %dot_general3A_406 = arith.constant dense<0.000000e+00> : vector<64x128xf32>
    %dot_general3A_407 = tpu.matmul %get3A_133, %concatenate3A_405, %dot_general3A_406 {dimension_numbers = #tpu.dot_dimension_numbers<[1], [1], [0], [0], [0, 0, 1, 0], [], []>, transpose_lhs_hint = false} : vector<64x64xf32>, vector<128x64xf32>, vector<64x128xf32> -> vector<64x128xf32>
    %concatenate3A_408 = tpu.concatenate %get3A_138, %get3A_133 in 0 : vector<64x64xf32>, vector<64x64xf32> -> vector<128x64xf32>
    %dot_general3A_409 = arith.constant dense<0.000000e+00> : vector<64x128xf32>
    %dot_general3A_410 = tpu.matmul %get3A_138, %concatenate3A_408, %dot_general3A_409 {dimension_numbers = #tpu.dot_dimension_numbers<[1], [1], [0], [0], [0, 0, 1, 0], [], []>, transpose_lhs_hint = false} : vector<64x64xf32>, vector<128x64xf32>, vector<64x128xf32> -> vector<64x128xf32>
    %concatenate3A_411 = tpu.concatenate %get3A_143, %get3A_138 in 0 : vector<64x64xf32>, vector<64x64xf32> -> vector<128x64xf32>
    %dot_general3A_412 = arith.constant dense<0.000000e+00> : vector<64x128xf32>
    %dot_general3A_413 = tpu.matmul %get3A_143, %concatenate3A_411, %dot_general3A_412 {dimension_numbers = #tpu.dot_dimension_numbers<[1], [1], [0], [0], [0, 0, 1, 0], [], []>, transpose_lhs_hint = false} : vector<64x64xf32>, vector<128x64xf32>, vector<64x128xf32> -> vector<64x128xf32>
    %concatenate3A_414 = tpu.concatenate %get3A_148, %get3A_143 in 0 : vector<64x64xf32>, vector<64x64xf32> -> vector<128x64xf32>
    %dot_general3A_415 = arith.constant dense<0.000000e+00> : vector<64x128xf32>
    %dot_general3A_416 = tpu.matmul %get3A_148, %concatenate3A_414, %dot_general3A_415 {dimension_numbers = #tpu.dot_dimension_numbers<[1], [1], [0], [0], [0, 0, 1, 0], [], []>, transpose_lhs_hint = false} : vector<64x64xf32>, vector<128x64xf32>, vector<64x128xf32> -> vector<64x128xf32>
    %concatenate3A_417 = tpu.concatenate %get3A_153, %get3A_148 in 0 : vector<64x64xf32>, vector<64x64xf32> -> vector<128x64xf32>
    %dot_general3A_418 = arith.constant dense<0.000000e+00> : vector<64x128xf32>
    %dot_general3A_419 = tpu.matmul %get3A_153, %concatenate3A_417, %dot_general3A_418 {dimension_numbers = #tpu.dot_dimension_numbers<[1], [1], [0], [0], [0, 0, 1, 0], [], []>, transpose_lhs_hint = false} : vector<64x64xf32>, vector<128x64xf32>, vector<64x128xf32> -> vector<64x128xf32>
    %concatenate3A_420 = tpu.concatenate %get3A_158, %get3A_153 in 0 : vector<64x64xf32>, vector<64x64xf32> -> vector<128x64xf32>
    %dot_general3A_421 = arith.constant dense<0.000000e+00> : vector<64x128xf32>
    %dot_general3A_422 = tpu.matmul %get3A_158, %concatenate3A_420, %dot_general3A_421 {dimension_numbers = #tpu.dot_dimension_numbers<[1], [1], [0], [0], [0, 0, 1, 0], [], []>, transpose_lhs_hint = false} : vector<64x64xf32>, vector<128x64xf32>, vector<64x128xf32> -> vector<64x128xf32>
    %concatenate3A_423 = tpu.concatenate %dot_general3A_329, %dot_general3A_332, %dot_general3A_335, %dot_general3A_338, %dot_general3A_341, %dot_general3A_344, %dot_general3A_347, %dot_general3A_350, %dot_general3A_353, %dot_general3A_356, %dot_general3A_359, %dot_general3A_362, %dot_general3A_365, %dot_general3A_368, %dot_general3A_371, %dot_general3A_374, %dot_general3A_377, %dot_general3A_380, %dot_general3A_383, %dot_general3A_386, %dot_general3A_389, %dot_general3A_392, %dot_general3A_395, %dot_general3A_398, %dot_general3A_401, %dot_general3A_404, %dot_general3A_407, %dot_general3A_410, %dot_general3A_413, %dot_general3A_416, %dot_general3A_419, %dot_general3A_422 in 0 : vector<64x128xf32>, vector<64x128xf32>, vector<64x128xf32>, vector<64x128xf32>, vector<64x128xf32>, vector<64x128xf32>, vector<64x128xf32>, vector<64x128xf32>, vector<64x128xf32>, vector<64x128xf32>, vector<64x128xf32>, vector<64x128xf32>, vector<64x128xf32>, vector<64x128xf32>, vector<64x128xf32>, vector<64x128xf32>, vector<64x128xf32>, vector<64x128xf32>, vector<64x128xf32>, vector<64x128xf32>, vector<64x128xf32>, vector<64x128xf32>, vector<64x128xf32>, vector<64x128xf32>, vector<64x128xf32>, vector<64x128xf32>, vector<64x128xf32>, vector<64x128xf32>, vector<64x128xf32>, vector<64x128xf32>, vector<64x128xf32>, vector<64x128xf32> -> vector<2048x128xf32>
    %iota3A = tpu.iota {dimensions = array<i32: 1>} : vector<2048x64xi32>
    %iota3A_424 = tpu.iota {dimensions = array<i32: 0>} : vector<2048x64xi32>
    %jit3A = arith.constant 64 : i32
    %eq3A = arith.constant 0 : i32
    %eq3A_425 = arith.cmpi eq, %jit3A, %eq3A : i32
    %jit3A_426 = arith.constant 1 : i32
    %select_n3A = arith.select %eq3A_425, %jit3A_426, %jit3A : i32
    %rem3A = vector.broadcast %select_n3A : i32 to vector<2048x64xi32>
    %rem3A_427 = arith.remsi %iota3A_424, %rem3A : vector<2048x64xi32>
    %ne3A = arith.constant 0 : i32
    %ne3A_428 = vector.broadcast %ne3A : i32 to vector<2048x64xi32>
    %ne3A_429 = arith.cmpi ne, %rem3A_427, %ne3A_428 : vector<2048x64xi32>
    %lt3A = arith.constant 0 : i32
    %lt3A_430 = vector.broadcast %lt3A : i32 to vector<2048x64xi32>
    %lt3A_431 = arith.cmpi slt, %rem3A_427, %lt3A_430 : vector<2048x64xi32>
    %lt3A_432 = arith.constant 0 : i32
    %lt3A_433 = arith.cmpi slt, %select_n3A, %lt3A_432 : i32
    %ne3A_434 = vector.broadcast %lt3A_433 : i1 to vector<2048x64xi1>
    %ne3A_435 = vector.broadcast %ne3A_434 : vector<2048x64xi1> to vector<2048x64xi1>
    %ne3A_436 = arith.xori %lt3A_431, %ne3A_435 : vector<2048x64xi1>
    %and3A = arith.andi %ne3A_436, %ne3A_429 : vector<2048x64xi1>
    %add3A = vector.broadcast %select_n3A : i32 to vector<2048x64xi32>
    %add3A_437 = arith.addi %rem3A_427, %add3A : vector<2048x64xi32>
    %select_n3A_438 = arith.select %and3A, %add3A_437, %rem3A_427 : vector<2048x64xi1>, vector<2048x64xi32>
    %eq3A_439 = arith.cmpi eq, %iota3A, %select_n3A_438 : vector<2048x64xi32>
    %get3A_440 = arith.constant 0 : index
    %get3A_441 = arith.constant 0 : index
    %get3A_442 = arith.constant 0 : index
    %get3A_443 = arith.constant 0 : index
    %get3A_444 = vector.load %arg4[%get3A_440, %get3A_441, %get3A_442, %get3A_443] : memref<1x32x1x64xf32, #tpu.memory_space<vmem>>, vector<1x32x1x64xf32>
    %get3A_445 = vector.shape_cast %get3A_444 : vector<1x32x1x64xf32> to vector<32x64xf32>
    %broadcast_in_dim3A = vector.shape_cast %get3A_445 : vector<32x64xf32> to vector<32x1x64xf32>
    %broadcast_in_dim3A_446 = vector.shape_cast %broadcast_in_dim3A : vector<32x1x64xf32> to vector<32x1x64xf32>
    %broadcast_in_dim3A_447 = vector.broadcast %broadcast_in_dim3A_446 : vector<32x1x64xf32> to vector<32x64x64xf32>
    %reshape3A = vector.shape_cast %broadcast_in_dim3A_447 : vector<32x64x64xf32> to vector<2048x64xf32>
    %jit3A_448 = arith.constant 0.000000e+00 : f32
    %broadcast_in_dim3A_449 = vector.broadcast %jit3A_448 : f32 to vector<2048x64xf32>
    %select_n3A_450 = arith.select %eq3A_439, %reshape3A, %broadcast_in_dim3A_449 : vector<2048x64xi1>, vector<2048x64xf32>
    %reduce_sum3A = arith.constant dense<0.000000e+00> : vector<2048xf32>
    %reduce_sum3A_451 = vector.multi_reduction <add>, %select_n3A_450, %reduce_sum3A [1] : vector<2048x64xf32> to vector<2048xf32>
    %broadcast_in_dim3A_452 = vector.shape_cast %reduce_sum3A_451 : vector<2048xf32> to vector<2048x1xf32>
    %get3A_453 = arith.constant 0 : index
    %get3A_454 = arith.constant 0 : index
    %get3A_455 = arith.constant 0 : index
    %get3A_456 = arith.constant 0 : index
    %get3A_457 = vector.load %arg6[%get3A_453, %get3A_454, %get3A_455, %get3A_456] : memref<1x32x1x64xf32, #tpu.memory_space<vmem>>, vector<1x32x1x64xf32>
    %get3A_458 = vector.shape_cast %get3A_457 : vector<1x32x1x64xf32> to vector<32x64xf32>
    %broadcast_in_dim3A_459 = vector.shape_cast %get3A_458 : vector<32x64xf32> to vector<32x1x64xf32>
    %broadcast_in_dim3A_460 = vector.shape_cast %broadcast_in_dim3A_459 : vector<32x1x64xf32> to vector<32x1x64xf32>
    %broadcast_in_dim3A_461 = vector.broadcast %broadcast_in_dim3A_460 : vector<32x1x64xf32> to vector<32x64x64xf32>
    %reshape3A_462 = vector.shape_cast %broadcast_in_dim3A_461 : vector<32x64x64xf32> to vector<2048x64xf32>
    %jit3A_463 = arith.constant 0.000000e+00 : f32
    %broadcast_in_dim3A_464 = vector.broadcast %jit3A_463 : f32 to vector<2048x64xf32>
    %select_n3A_465 = arith.select %eq3A_439, %reshape3A_462, %broadcast_in_dim3A_464 : vector<2048x64xi1>, vector<2048x64xf32>
    %reduce_sum3A_466 = arith.constant dense<0.000000e+00> : vector<2048xf32>
    %reduce_sum3A_467 = vector.multi_reduction <add>, %select_n3A_465, %reduce_sum3A_466 [1] : vector<2048x64xf32> to vector<2048xf32>
    %broadcast_in_dim3A_468 = vector.shape_cast %reduce_sum3A_467 : vector<2048xf32> to vector<2048x1xf32>
    %mul3A = arith.constant 1.250000e-01 : f32
    %mul3A_469 = vector.broadcast %mul3A : f32 to vector<2048x1xf32>
    %mul3A_470 = arith.mulf %broadcast_in_dim3A_468, %mul3A_469 : vector<2048x1xf32>
    %mul3A_471 = vector.broadcast %mul3A_470 : vector<2048x1xf32> to vector<2048x128xf32>
    %mul3A_472 = arith.mulf %concatenate3A_423, %mul3A_471 : vector<2048x128xf32>
    %get3A_473 = arith.constant 0 : index
    %get3A_474 = arith.constant 0 : index
    %get3A_475 = arith.constant 0 : index
    %get3A_476 = arith.constant 0 : index
    %get3A_477 = vector.load %arg5[%get3A_473, %get3A_474, %get3A_475, %get3A_476] : memref<1x1x1x64xf32, #tpu.memory_space<vmem>>, vector<1x1x1x64xf32>
    %get3A_478 = vector.shape_cast %get3A_477 : vector<1x1x1x64xf32> to vector<1x64xf32>
    %slice3A = vector.extract_strided_slice %get3A_445 {offsets = [0, 0], sizes = [31, 64], strides = [1, 1]} : vector<32x64xf32> to vector<31x64xf32>
    %concatenate3A_479 = tpu.concatenate %get3A_478, %slice3A in 0 : vector<1x64xf32>, vector<31x64xf32> -> vector<32x64xf32>
    %concatenate3A_480 = tpu.concatenate %get3A_445, %concatenate3A_479 in 1 : vector<32x64xf32>, vector<32x64xf32> -> vector<32x128xf32>
    %broadcast_in_dim3A_481 = vector.shape_cast %concatenate3A_480 : vector<32x128xf32> to vector<32x1x128xf32>
    %broadcast_in_dim3A_482 = vector.shape_cast %broadcast_in_dim3A_481 : vector<32x1x128xf32> to vector<32x1x128xf32>
    %broadcast_in_dim3A_483 = vector.broadcast %broadcast_in_dim3A_482 : vector<32x1x128xf32> to vector<32x64x128xf32>
    %reshape3A_484 = vector.shape_cast %broadcast_in_dim3A_483 : vector<32x64x128xf32> to vector<2048x128xf32>
    %lt3A_485 = vector.broadcast %broadcast_in_dim3A_452 : vector<2048x1xf32> to vector<2048x128xf32>
    %lt3A_486 = arith.cmpf olt, %lt3A_485, %reshape3A_484 : vector<2048x128xf32>
    %jit3A_487 = arith.constant -3.40282347E+38 : f32
    %broadcast_in_dim3A_488 = vector.broadcast %jit3A_487 : f32 to vector<2048x128xf32>
    %select_n3A_489 = arith.select %lt3A_486, %broadcast_in_dim3A_488, %mul3A_472 : vector<2048x128xi1>, vector<2048x128xf32>
    %eq3A_490 = vector.broadcast %broadcast_in_dim3A_452 : vector<2048x1xf32> to vector<2048x128xf32>
    %eq3A_491 = arith.cmpf oeq, %eq3A_490, %reshape3A_484 : vector<2048x128xf32>
    %jit3A_492 = arith.constant -5.000000e+04 : f32
    %broadcast_in_dim3A_493 = vector.broadcast %jit3A_492 : f32 to vector<2048x128xf32>
    %select_n3A_494 = arith.select %eq3A_491, %broadcast_in_dim3A_493, %select_n3A_489 : vector<2048x128xi1>, vector<2048x128xf32>
    %reduce_max3A = arith.constant dense<0xFF800000> : vector<2048xf32>
    %reduce_max3A_495 = vector.multi_reduction <maximumf>, %select_n3A_494, %reduce_max3A [1] : vector<2048x128xf32> to vector<2048xf32>
    %broadcast_in_dim3A_496 = vector.shape_cast %reduce_max3A_495 : vector<2048xf32> to vector<2048x1xf32>
    %sub3A = vector.broadcast %broadcast_in_dim3A_496 : vector<2048x1xf32> to vector<2048x128xf32>
    %sub3A_497 = arith.subf %select_n3A_494, %sub3A : vector<2048x128xf32>
    %exp3A = math.exp %sub3A_497 : vector<2048x128xf32>
    %reduce_sum3A_498 = arith.constant dense<0.000000e+00> : vector<2048xf32>
    %reduce_sum3A_499 = vector.multi_reduction <add>, %exp3A, %reduce_sum3A_498 [1] : vector<2048x128xf32> to vector<2048xf32>
    %broadcast_in_dim3A_500 = vector.shape_cast %reduce_sum3A_499 : vector<2048xf32> to vector<2048x1xf32>
    %log3A = math.log %broadcast_in_dim3A_500 : vector<2048x1xf32>
    %add3A_501 = arith.addf %log3A, %broadcast_in_dim3A_496 : vector<2048x1xf32>
    %concatenate3A_502 = tpu.concatenate %get3A_163, %get3A_328 in 0 : vector<64x64xf32>, vector<64x64xf32> -> vector<128x64xf32>
    %slice3A_503 = vector.extract_strided_slice %exp3A {offsets = [0, 0], sizes = [64, 128], strides = [1, 1]} : vector<2048x128xf32> to vector<64x128xf32>
    %dot_general3A_504 = arith.constant dense<0.000000e+00> : vector<64x64xf32>
    %dot_general3A_505 = tpu.matmul %slice3A_503, %concatenate3A_502, %dot_general3A_504 {dimension_numbers = #tpu.dot_dimension_numbers<[1], [0], [0], [1], [0, 0, 1, 1], [], []>, transpose_lhs_hint = false} : vector<64x128xf32>, vector<128x64xf32>, vector<64x64xf32> -> vector<64x64xf32>
    %concatenate3A_506 = tpu.concatenate %get3A_168, %get3A_163 in 0 : vector<64x64xf32>, vector<64x64xf32> -> vector<128x64xf32>
    %slice3A_507 = vector.extract_strided_slice %exp3A {offsets = [64, 0], sizes = [64, 128], strides = [1, 1]} : vector<2048x128xf32> to vector<64x128xf32>
    %dot_general3A_508 = arith.constant dense<0.000000e+00> : vector<64x64xf32>
    %dot_general3A_509 = tpu.matmul %slice3A_507, %concatenate3A_506, %dot_general3A_508 {dimension_numbers = #tpu.dot_dimension_numbers<[1], [0], [0], [1], [0, 0, 1, 1], [], []>, transpose_lhs_hint = false} : vector<64x128xf32>, vector<128x64xf32>, vector<64x64xf32> -> vector<64x64xf32>
    %concatenate3A_510 = tpu.concatenate %get3A_173, %get3A_168 in 0 : vector<64x64xf32>, vector<64x64xf32> -> vector<128x64xf32>
    %slice3A_511 = vector.extract_strided_slice %exp3A {offsets = [128, 0], sizes = [64, 128], strides = [1, 1]} : vector<2048x128xf32> to vector<64x128xf32>
    %dot_general3A_512 = arith.constant dense<0.000000e+00> : vector<64x64xf32>
    %dot_general3A_513 = tpu.matmul %slice3A_511, %concatenate3A_510, %dot_general3A_512 {dimension_numbers = #tpu.dot_dimension_numbers<[1], [0], [0], [1], [0, 0, 1, 1], [], []>, transpose_lhs_hint = false} : vector<64x128xf32>, vector<128x64xf32>, vector<64x64xf32> -> vector<64x64xf32>
    %concatenate3A_514 = tpu.concatenate %get3A_178, %get3A_173 in 0 : vector<64x64xf32>, vector<64x64xf32> -> vector<128x64xf32>
    %slice3A_515 = vector.extract_strided_slice %exp3A {offsets = [192, 0], sizes = [64, 128], strides = [1, 1]} : vector<2048x128xf32> to vector<64x128xf32>
    %dot_general3A_516 = arith.constant dense<0.000000e+00> : vector<64x64xf32>
    %dot_general3A_517 = tpu.matmul %slice3A_515, %concatenate3A_514, %dot_general3A_516 {dimension_numbers = #tpu.dot_dimension_numbers<[1], [0], [0], [1], [0, 0, 1, 1], [], []>, transpose_lhs_hint = false} : vector<64x128xf32>, vector<128x64xf32>, vector<64x64xf32> -> vector<64x64xf32>
    %concatenate3A_518 = tpu.concatenate %get3A_183, %get3A_178 in 0 : vector<64x64xf32>, vector<64x64xf32> -> vector<128x64xf32>
    %slice3A_519 = vector.extract_strided_slice %exp3A {offsets = [256, 0], sizes = [64, 128], strides = [1, 1]} : vector<2048x128xf32> to vector<64x128xf32>
    %dot_general3A_520 = arith.constant dense<0.000000e+00> : vector<64x64xf32>
    %dot_general3A_521 = tpu.matmul %slice3A_519, %concatenate3A_518, %dot_general3A_520 {dimension_numbers = #tpu.dot_dimension_numbers<[1], [0], [0], [1], [0, 0, 1, 1], [], []>, transpose_lhs_hint = false} : vector<64x128xf32>, vector<128x64xf32>, vector<64x64xf32> -> vector<64x64xf32>
    %concatenate3A_522 = tpu.concatenate %get3A_188, %get3A_183 in 0 : vector<64x64xf32>, vector<64x64xf32> -> vector<128x64xf32>
    %slice3A_523 = vector.extract_strided_slice %exp3A {offsets = [320, 0], sizes = [64, 128], strides = [1, 1]} : vector<2048x128xf32> to vector<64x128xf32>
    %dot_general3A_524 = arith.constant dense<0.000000e+00> : vector<64x64xf32>
    %dot_general3A_525 = tpu.matmul %slice3A_523, %concatenate3A_522, %dot_general3A_524 {dimension_numbers = #tpu.dot_dimension_numbers<[1], [0], [0], [1], [0, 0, 1, 1], [], []>, transpose_lhs_hint = false} : vector<64x128xf32>, vector<128x64xf32>, vector<64x64xf32> -> vector<64x64xf32>
    %concatenate3A_526 = tpu.concatenate %get3A_193, %get3A_188 in 0 : vector<64x64xf32>, vector<64x64xf32> -> vector<128x64xf32>
    %slice3A_527 = vector.extract_strided_slice %exp3A {offsets = [384, 0], sizes = [64, 128], strides = [1, 1]} : vector<2048x128xf32> to vector<64x128xf32>
    %dot_general3A_528 = arith.constant dense<0.000000e+00> : vector<64x64xf32>
    %dot_general3A_529 = tpu.matmul %slice3A_527, %concatenate3A_526, %dot_general3A_528 {dimension_numbers = #tpu.dot_dimension_numbers<[1], [0], [0], [1], [0, 0, 1, 1], [], []>, transpose_lhs_hint = false} : vector<64x128xf32>, vector<128x64xf32>, vector<64x64xf32> -> vector<64x64xf32>
    %concatenate3A_530 = tpu.concatenate %get3A_198, %get3A_193 in 0 : vector<64x64xf32>, vector<64x64xf32> -> vector<128x64xf32>
    %slice3A_531 = vector.extract_strided_slice %exp3A {offsets = [448, 0], sizes = [64, 128], strides = [1, 1]} : vector<2048x128xf32> to vector<64x128xf32>
    %dot_general3A_532 = arith.constant dense<0.000000e+00> : vector<64x64xf32>
    %dot_general3A_533 = tpu.matmul %slice3A_531, %concatenate3A_530, %dot_general3A_532 {dimension_numbers = #tpu.dot_dimension_numbers<[1], [0], [0], [1], [0, 0, 1, 1], [], []>, transpose_lhs_hint = false} : vector<64x128xf32>, vector<128x64xf32>, vector<64x64xf32> -> vector<64x64xf32>
    %concatenate3A_534 = tpu.concatenate %get3A_203, %get3A_198 in 0 : vector<64x64xf32>, vector<64x64xf32> -> vector<128x64xf32>
    %slice3A_535 = vector.extract_strided_slice %exp3A {offsets = [512, 0], sizes = [64, 128], strides = [1, 1]} : vector<2048x128xf32> to vector<64x128xf32>
    %dot_general3A_536 = arith.constant dense<0.000000e+00> : vector<64x64xf32>
    %dot_general3A_537 = tpu.matmul %slice3A_535, %concatenate3A_534, %dot_general3A_536 {dimension_numbers = #tpu.dot_dimension_numbers<[1], [0], [0], [1], [0, 0, 1, 1], [], []>, transpose_lhs_hint = false} : vector<64x128xf32>, vector<128x64xf32>, vector<64x64xf32> -> vector<64x64xf32>
    %concatenate3A_538 = tpu.concatenate %get3A_208, %get3A_203 in 0 : vector<64x64xf32>, vector<64x64xf32> -> vector<128x64xf32>
    %slice3A_539 = vector.extract_strided_slice %exp3A {offsets = [576, 0], sizes = [64, 128], strides = [1, 1]} : vector<2048x128xf32> to vector<64x128xf32>
    %dot_general3A_540 = arith.constant dense<0.000000e+00> : vector<64x64xf32>
    %dot_general3A_541 = tpu.matmul %slice3A_539, %concatenate3A_538, %dot_general3A_540 {dimension_numbers = #tpu.dot_dimension_numbers<[1], [0], [0], [1], [0, 0, 1, 1], [], []>, transpose_lhs_hint = false} : vector<64x128xf32>, vector<128x64xf32>, vector<64x64xf32> -> vector<64x64xf32>
    %concatenate3A_542 = tpu.concatenate %get3A_213, %get3A_208 in 0 : vector<64x64xf32>, vector<64x64xf32> -> vector<128x64xf32>
    %slice3A_543 = vector.extract_strided_slice %exp3A {offsets = [640, 0], sizes = [64, 128], strides = [1, 1]} : vector<2048x128xf32> to vector<64x128xf32>
    %dot_general3A_544 = arith.constant dense<0.000000e+00> : vector<64x64xf32>
    %dot_general3A_545 = tpu.matmul %slice3A_543, %concatenate3A_542, %dot_general3A_544 {dimension_numbers = #tpu.dot_dimension_numbers<[1], [0], [0], [1], [0, 0, 1, 1], [], []>, transpose_lhs_hint = false} : vector<64x128xf32>, vector<128x64xf32>, vector<64x64xf32> -> vector<64x64xf32>
    %concatenate3A_546 = tpu.concatenate %get3A_218, %get3A_213 in 0 : vector<64x64xf32>, vector<64x64xf32> -> vector<128x64xf32>
    %slice3A_547 = vector.extract_strided_slice %exp3A {offsets = [704, 0], sizes = [64, 128], strides = [1, 1]} : vector<2048x128xf32> to vector<64x128xf32>
    %dot_general3A_548 = arith.constant dense<0.000000e+00> : vector<64x64xf32>
    %dot_general3A_549 = tpu.matmul %slice3A_547, %concatenate3A_546, %dot_general3A_548 {dimension_numbers = #tpu.dot_dimension_numbers<[1], [0], [0], [1], [0, 0, 1, 1], [], []>, transpose_lhs_hint = false} : vector<64x128xf32>, vector<128x64xf32>, vector<64x64xf32> -> vector<64x64xf32>
    %concatenate3A_550 = tpu.concatenate %get3A_223, %get3A_218 in 0 : vector<64x64xf32>, vector<64x64xf32> -> vector<128x64xf32>
    %slice3A_551 = vector.extract_strided_slice %exp3A {offsets = [768, 0], sizes = [64, 128], strides = [1, 1]} : vector<2048x128xf32> to vector<64x128xf32>
    %dot_general3A_552 = arith.constant dense<0.000000e+00> : vector<64x64xf32>
    %dot_general3A_553 = tpu.matmul %slice3A_551, %concatenate3A_550, %dot_general3A_552 {dimension_numbers = #tpu.dot_dimension_numbers<[1], [0], [0], [1], [0, 0, 1, 1], [], []>, transpose_lhs_hint = false} : vector<64x128xf32>, vector<128x64xf32>, vector<64x64xf32> -> vector<64x64xf32>
    %concatenate3A_554 = tpu.concatenate %get3A_228, %get3A_223 in 0 : vector<64x64xf32>, vector<64x64xf32> -> vector<128x64xf32>
    %slice3A_555 = vector.extract_strided_slice %exp3A {offsets = [832, 0], sizes = [64, 128], strides = [1, 1]} : vector<2048x128xf32> to vector<64x128xf32>
    %dot_general3A_556 = arith.constant dense<0.000000e+00> : vector<64x64xf32>
    %dot_general3A_557 = tpu.matmul %slice3A_555, %concatenate3A_554, %dot_general3A_556 {dimension_numbers = #tpu.dot_dimension_numbers<[1], [0], [0], [1], [0, 0, 1, 1], [], []>, transpose_lhs_hint = false} : vector<64x128xf32>, vector<128x64xf32>, vector<64x64xf32> -> vector<64x64xf32>
    %concatenate3A_558 = tpu.concatenate %get3A_233, %get3A_228 in 0 : vector<64x64xf32>, vector<64x64xf32> -> vector<128x64xf32>
    %slice3A_559 = vector.extract_strided_slice %exp3A {offsets = [896, 0], sizes = [64, 128], strides = [1, 1]} : vector<2048x128xf32> to vector<64x128xf32>
    %dot_general3A_560 = arith.constant dense<0.000000e+00> : vector<64x64xf32>
    %dot_general3A_561 = tpu.matmul %slice3A_559, %concatenate3A_558, %dot_general3A_560 {dimension_numbers = #tpu.dot_dimension_numbers<[1], [0], [0], [1], [0, 0, 1, 1], [], []>, transpose_lhs_hint = false} : vector<64x128xf32>, vector<128x64xf32>, vector<64x64xf32> -> vector<64x64xf32>
    %concatenate3A_562 = tpu.concatenate %get3A_238, %get3A_233 in 0 : vector<64x64xf32>, vector<64x64xf32> -> vector<128x64xf32>
    %slice3A_563 = vector.extract_strided_slice %exp3A {offsets = [960, 0], sizes = [64, 128], strides = [1, 1]} : vector<2048x128xf32> to vector<64x128xf32>
    %dot_general3A_564 = arith.constant dense<0.000000e+00> : vector<64x64xf32>
    %dot_general3A_565 = tpu.matmul %slice3A_563, %concatenate3A_562, %dot_general3A_564 {dimension_numbers = #tpu.dot_dimension_numbers<[1], [0], [0], [1], [0, 0, 1, 1], [], []>, transpose_lhs_hint = false} : vector<64x128xf32>, vector<128x64xf32>, vector<64x64xf32> -> vector<64x64xf32>
    %concatenate3A_566 = tpu.concatenate %get3A_243, %get3A_238 in 0 : vector<64x64xf32>, vector<64x64xf32> -> vector<128x64xf32>
    %slice3A_567 = vector.extract_strided_slice %exp3A {offsets = [1024, 0], sizes = [64, 128], strides = [1, 1]} : vector<2048x128xf32> to vector<64x128xf32>
    %dot_general3A_568 = arith.constant dense<0.000000e+00> : vector<64x64xf32>
    %dot_general3A_569 = tpu.matmul %slice3A_567, %concatenate3A_566, %dot_general3A_568 {dimension_numbers = #tpu.dot_dimension_numbers<[1], [0], [0], [1], [0, 0, 1, 1], [], []>, transpose_lhs_hint = false} : vector<64x128xf32>, vector<128x64xf32>, vector<64x64xf32> -> vector<64x64xf32>
    %concatenate3A_570 = tpu.concatenate %get3A_248, %get3A_243 in 0 : vector<64x64xf32>, vector<64x64xf32> -> vector<128x64xf32>
    %slice3A_571 = vector.extract_strided_slice %exp3A {offsets = [1088, 0], sizes = [64, 128], strides = [1, 1]} : vector<2048x128xf32> to vector<64x128xf32>
    %dot_general3A_572 = arith.constant dense<0.000000e+00> : vector<64x64xf32>
    %dot_general3A_573 = tpu.matmul %slice3A_571, %concatenate3A_570, %dot_general3A_572 {dimension_numbers = #tpu.dot_dimension_numbers<[1], [0], [0], [1], [0, 0, 1, 1], [], []>, transpose_lhs_hint = false} : vector<64x128xf32>, vector<128x64xf32>, vector<64x64xf32> -> vector<64x64xf32>
    %concatenate3A_574 = tpu.concatenate %get3A_253, %get3A_248 in 0 : vector<64x64xf32>, vector<64x64xf32> -> vector<128x64xf32>
    %slice3A_575 = vector.extract_strided_slice %exp3A {offsets = [1152, 0], sizes = [64, 128], strides = [1, 1]} : vector<2048x128xf32> to vector<64x128xf32>
    %dot_general3A_576 = arith.constant dense<0.000000e+00> : vector<64x64xf32>
    %dot_general3A_577 = tpu.matmul %slice3A_575, %concatenate3A_574, %dot_general3A_576 {dimension_numbers = #tpu.dot_dimension_numbers<[1], [0], [0], [1], [0, 0, 1, 1], [], []>, transpose_lhs_hint = false} : vector<64x128xf32>, vector<128x64xf32>, vector<64x64xf32> -> vector<64x64xf32>
    %concatenate3A_578 = tpu.concatenate %get3A_258, %get3A_253 in 0 : vector<64x64xf32>, vector<64x64xf32> -> vector<128x64xf32>
    %slice3A_579 = vector.extract_strided_slice %exp3A {offsets = [1216, 0], sizes = [64, 128], strides = [1, 1]} : vector<2048x128xf32> to vector<64x128xf32>
    %dot_general3A_580 = arith.constant dense<0.000000e+00> : vector<64x64xf32>
    %dot_general3A_581 = tpu.matmul %slice3A_579, %concatenate3A_578, %dot_general3A_580 {dimension_numbers = #tpu.dot_dimension_numbers<[1], [0], [0], [1], [0, 0, 1, 1], [], []>, transpose_lhs_hint = false} : vector<64x128xf32>, vector<128x64xf32>, vector<64x64xf32> -> vector<64x64xf32>
    %concatenate3A_582 = tpu.concatenate %get3A_263, %get3A_258 in 0 : vector<64x64xf32>, vector<64x64xf32> -> vector<128x64xf32>
    %slice3A_583 = vector.extract_strided_slice %exp3A {offsets = [1280, 0], sizes = [64, 128], strides = [1, 1]} : vector<2048x128xf32> to vector<64x128xf32>
    %dot_general3A_584 = arith.constant dense<0.000000e+00> : vector<64x64xf32>
    %dot_general3A_585 = tpu.matmul %slice3A_583, %concatenate3A_582, %dot_general3A_584 {dimension_numbers = #tpu.dot_dimension_numbers<[1], [0], [0], [1], [0, 0, 1, 1], [], []>, transpose_lhs_hint = false} : vector<64x128xf32>, vector<128x64xf32>, vector<64x64xf32> -> vector<64x64xf32>
    %concatenate3A_586 = tpu.concatenate %get3A_268, %get3A_263 in 0 : vector<64x64xf32>, vector<64x64xf32> -> vector<128x64xf32>
    %slice3A_587 = vector.extract_strided_slice %exp3A {offsets = [1344, 0], sizes = [64, 128], strides = [1, 1]} : vector<2048x128xf32> to vector<64x128xf32>
    %dot_general3A_588 = arith.constant dense<0.000000e+00> : vector<64x64xf32>
    %dot_general3A_589 = tpu.matmul %slice3A_587, %concatenate3A_586, %dot_general3A_588 {dimension_numbers = #tpu.dot_dimension_numbers<[1], [0], [0], [1], [0, 0, 1, 1], [], []>, transpose_lhs_hint = false} : vector<64x128xf32>, vector<128x64xf32>, vector<64x64xf32> -> vector<64x64xf32>
    %concatenate3A_590 = tpu.concatenate %get3A_273, %get3A_268 in 0 : vector<64x64xf32>, vector<64x64xf32> -> vector<128x64xf32>
    %slice3A_591 = vector.extract_strided_slice %exp3A {offsets = [1408, 0], sizes = [64, 128], strides = [1, 1]} : vector<2048x128xf32> to vector<64x128xf32>
    %dot_general3A_592 = arith.constant dense<0.000000e+00> : vector<64x64xf32>
    %dot_general3A_593 = tpu.matmul %slice3A_591, %concatenate3A_590, %dot_general3A_592 {dimension_numbers = #tpu.dot_dimension_numbers<[1], [0], [0], [1], [0, 0, 1, 1], [], []>, transpose_lhs_hint = false} : vector<64x128xf32>, vector<128x64xf32>, vector<64x64xf32> -> vector<64x64xf32>
    %concatenate3A_594 = tpu.concatenate %get3A_278, %get3A_273 in 0 : vector<64x64xf32>, vector<64x64xf32> -> vector<128x64xf32>
    %slice3A_595 = vector.extract_strided_slice %exp3A {offsets = [1472, 0], sizes = [64, 128], strides = [1, 1]} : vector<2048x128xf32> to vector<64x128xf32>
    %dot_general3A_596 = arith.constant dense<0.000000e+00> : vector<64x64xf32>
    %dot_general3A_597 = tpu.matmul %slice3A_595, %concatenate3A_594, %dot_general3A_596 {dimension_numbers = #tpu.dot_dimension_numbers<[1], [0], [0], [1], [0, 0, 1, 1], [], []>, transpose_lhs_hint = false} : vector<64x128xf32>, vector<128x64xf32>, vector<64x64xf32> -> vector<64x64xf32>
    %concatenate3A_598 = tpu.concatenate %get3A_283, %get3A_278 in 0 : vector<64x64xf32>, vector<64x64xf32> -> vector<128x64xf32>
    %slice3A_599 = vector.extract_strided_slice %exp3A {offsets = [1536, 0], sizes = [64, 128], strides = [1, 1]} : vector<2048x128xf32> to vector<64x128xf32>
    %dot_general3A_600 = arith.constant dense<0.000000e+00> : vector<64x64xf32>
    %dot_general3A_601 = tpu.matmul %slice3A_599, %concatenate3A_598, %dot_general3A_600 {dimension_numbers = #tpu.dot_dimension_numbers<[1], [0], [0], [1], [0, 0, 1, 1], [], []>, transpose_lhs_hint = false} : vector<64x128xf32>, vector<128x64xf32>, vector<64x64xf32> -> vector<64x64xf32>
    %concatenate3A_602 = tpu.concatenate %get3A_288, %get3A_283 in 0 : vector<64x64xf32>, vector<64x64xf32> -> vector<128x64xf32>
    %slice3A_603 = vector.extract_strided_slice %exp3A {offsets = [1600, 0], sizes = [64, 128], strides = [1, 1]} : vector<2048x128xf32> to vector<64x128xf32>
    %dot_general3A_604 = arith.constant dense<0.000000e+00> : vector<64x64xf32>
    %dot_general3A_605 = tpu.matmul %slice3A_603, %concatenate3A_602, %dot_general3A_604 {dimension_numbers = #tpu.dot_dimension_numbers<[1], [0], [0], [1], [0, 0, 1, 1], [], []>, transpose_lhs_hint = false} : vector<64x128xf32>, vector<128x64xf32>, vector<64x64xf32> -> vector<64x64xf32>
    %concatenate3A_606 = tpu.concatenate %get3A_293, %get3A_288 in 0 : vector<64x64xf32>, vector<64x64xf32> -> vector<128x64xf32>
    %slice3A_607 = vector.extract_strided_slice %exp3A {offsets = [1664, 0], sizes = [64, 128], strides = [1, 1]} : vector<2048x128xf32> to vector<64x128xf32>
    %dot_general3A_608 = arith.constant dense<0.000000e+00> : vector<64x64xf32>
    %dot_general3A_609 = tpu.matmul %slice3A_607, %concatenate3A_606, %dot_general3A_608 {dimension_numbers = #tpu.dot_dimension_numbers<[1], [0], [0], [1], [0, 0, 1, 1], [], []>, transpose_lhs_hint = false} : vector<64x128xf32>, vector<128x64xf32>, vector<64x64xf32> -> vector<64x64xf32>
    %concatenate3A_610 = tpu.concatenate %get3A_298, %get3A_293 in 0 : vector<64x64xf32>, vector<64x64xf32> -> vector<128x64xf32>
    %slice3A_611 = vector.extract_strided_slice %exp3A {offsets = [1728, 0], sizes = [64, 128], strides = [1, 1]} : vector<2048x128xf32> to vector<64x128xf32>
    %dot_general3A_612 = arith.constant dense<0.000000e+00> : vector<64x64xf32>
    %dot_general3A_613 = tpu.matmul %slice3A_611, %concatenate3A_610, %dot_general3A_612 {dimension_numbers = #tpu.dot_dimension_numbers<[1], [0], [0], [1], [0, 0, 1, 1], [], []>, transpose_lhs_hint = false} : vector<64x128xf32>, vector<128x64xf32>, vector<64x64xf32> -> vector<64x64xf32>
    %concatenate3A_614 = tpu.concatenate %get3A_303, %get3A_298 in 0 : vector<64x64xf32>, vector<64x64xf32> -> vector<128x64xf32>
    %slice3A_615 = vector.extract_strided_slice %exp3A {offsets = [1792, 0], sizes = [64, 128], strides = [1, 1]} : vector<2048x128xf32> to vector<64x128xf32>
    %dot_general3A_616 = arith.constant dense<0.000000e+00> : vector<64x64xf32>
    %dot_general3A_617 = tpu.matmul %slice3A_615, %concatenate3A_614, %dot_general3A_616 {dimension_numbers = #tpu.dot_dimension_numbers<[1], [0], [0], [1], [0, 0, 1, 1], [], []>, transpose_lhs_hint = false} : vector<64x128xf32>, vector<128x64xf32>, vector<64x64xf32> -> vector<64x64xf32>
    %concatenate3A_618 = tpu.concatenate %get3A_308, %get3A_303 in 0 : vector<64x64xf32>, vector<64x64xf32> -> vector<128x64xf32>
    %slice3A_619 = vector.extract_strided_slice %exp3A {offsets = [1856, 0], sizes = [64, 128], strides = [1, 1]} : vector<2048x128xf32> to vector<64x128xf32>
    %dot_general3A_620 = arith.constant dense<0.000000e+00> : vector<64x64xf32>
    %dot_general3A_621 = tpu.matmul %slice3A_619, %concatenate3A_618, %dot_general3A_620 {dimension_numbers = #tpu.dot_dimension_numbers<[1], [0], [0], [1], [0, 0, 1, 1], [], []>, transpose_lhs_hint = false} : vector<64x128xf32>, vector<128x64xf32>, vector<64x64xf32> -> vector<64x64xf32>
    %concatenate3A_622 = tpu.concatenate %get3A_313, %get3A_308 in 0 : vector<64x64xf32>, vector<64x64xf32> -> vector<128x64xf32>
    %slice3A_623 = vector.extract_strided_slice %exp3A {offsets = [1920, 0], sizes = [64, 128], strides = [1, 1]} : vector<2048x128xf32> to vector<64x128xf32>
    %dot_general3A_624 = arith.constant dense<0.000000e+00> : vector<64x64xf32>
    %dot_general3A_625 = tpu.matmul %slice3A_623, %concatenate3A_622, %dot_general3A_624 {dimension_numbers = #tpu.dot_dimension_numbers<[1], [0], [0], [1], [0, 0, 1, 1], [], []>, transpose_lhs_hint = false} : vector<64x128xf32>, vector<128x64xf32>, vector<64x64xf32> -> vector<64x64xf32>
    %concatenate3A_626 = tpu.concatenate %get3A_318, %get3A_313 in 0 : vector<64x64xf32>, vector<64x64xf32> -> vector<128x64xf32>
    %slice3A_627 = vector.extract_strided_slice %exp3A {offsets = [1984, 0], sizes = [64, 128], strides = [1, 1]} : vector<2048x128xf32> to vector<64x128xf32>
    %dot_general3A_628 = arith.constant dense<0.000000e+00> : vector<64x64xf32>
    %dot_general3A_629 = tpu.matmul %slice3A_627, %concatenate3A_626, %dot_general3A_628 {dimension_numbers = #tpu.dot_dimension_numbers<[1], [0], [0], [1], [0, 0, 1, 1], [], []>, transpose_lhs_hint = false} : vector<64x128xf32>, vector<128x64xf32>, vector<64x64xf32> -> vector<64x64xf32>
    %concatenate3A_630 = tpu.concatenate %dot_general3A_505, %dot_general3A_509, %dot_general3A_513, %dot_general3A_517, %dot_general3A_521, %dot_general3A_525, %dot_general3A_529, %dot_general3A_533, %dot_general3A_537, %dot_general3A_541, %dot_general3A_545, %dot_general3A_549, %dot_general3A_553, %dot_general3A_557, %dot_general3A_561, %dot_general3A_565, %dot_general3A_569, %dot_general3A_573, %dot_general3A_577, %dot_general3A_581, %dot_general3A_585, %dot_general3A_589, %dot_general3A_593, %dot_general3A_597, %dot_general3A_601, %dot_general3A_605, %dot_general3A_609, %dot_general3A_613, %dot_general3A_617, %dot_general3A_621, %dot_general3A_625, %dot_general3A_629 in 0 : vector<64x64xf32>, vector<64x64xf32>, vector<64x64xf32>, vector<64x64xf32>, vector<64x64xf32>, vector<64x64xf32>, vector<64x64xf32>, vector<64x64xf32>, vector<64x64xf32>, vector<64x64xf32>, vector<64x64xf32>, vector<64x64xf32>, vector<64x64xf32>, vector<64x64xf32>, vector<64x64xf32>, vector<64x64xf32>, vector<64x64xf32>, vector<64x64xf32>, vector<64x64xf32>, vector<64x64xf32>, vector<64x64xf32>, vector<64x64xf32>, vector<64x64xf32>, vector<64x64xf32>, vector<64x64xf32>, vector<64x64xf32>, vector<64x64xf32>, vector<64x64xf32>, vector<64x64xf32>, vector<64x64xf32>, vector<64x64xf32>, vector<64x64xf32> -> vector<2048x64xf32>
    %div3A = vector.broadcast %broadcast_in_dim3A_500 : vector<2048x1xf32> to vector<2048x64xf32>
    %div3A_631 = arith.divf %concatenate3A_630, %div3A : vector<2048x64xf32>
    %broadcast_in_dim3A_632 = vector.shape_cast %add3A_501 : vector<2048x1xf32> to vector<2048x1xf32>
    %broadcast_in_dim3A_633 = vector.broadcast %broadcast_in_dim3A_632 : vector<2048x1xf32> to vector<2048x64xf32>
    %concatenate3A_634 = tpu.concatenate %div3A_631, %broadcast_in_dim3A_633 in 1 : vector<2048x64xf32>, vector<2048x64xf32> -> vector<2048x128xf32>
    %swap3A = arith.constant 0 : index
    %swap3A_635 = arith.constant 0 : index
    %swap3A_636 = arith.constant 0 : index
    %swap3A_637 = vector.load %arg7[%swap3A, %swap3A_635, %swap3A_636] : memref<1x2048x128xf32, #tpu.memory_space<vmem>>, vector<1x2048x128xf32>
    %swap3A_638 = vector.shape_cast %swap3A_637 : vector<1x2048x128xf32> to vector<2048x128xf32>
    %swap3A_639 = vector.shape_cast %concatenate3A_634 : vector<2048x128xf32> to vector<1x2048x128xf32>
    tpu.vector_store %arg7[%swap3A, %swap3A_635, %swap3A_636], %swap3A_639 {strides = array<i32>} : memref<1x2048x128xf32, #tpu.memory_space<vmem>>, vector<1x2048x128xf32>,
    return
  }
  func.func @transform_0(%arg0: i32, %arg1: i32) -> (i32, i32, i32) {
    %c0_i32 = arith.constant 0 : i32
    %c0_i32_0 = arith.constant 0 : i32
    return %arg0, %arg1, %c0_i32 : i32, i32, i32
  }
  func.func @transform_1(%arg0: i32, %arg1: i32) -> (i32, i32, i32) {
    %mul3A = arith.constant 32 : i32
    %mul3A_0 = arith.muli %arg1, %mul3A : i32
    %add3A = arith.constant 256 : i32
    %add3A_1 = arith.addi %mul3A_0, %add3A : i32
    %sub3A = arith.constant 1 : i32
    %sub3A_2 = arith.subi %add3A_1, %sub3A : i32
    %jit3A = arith.constant 256 : i32
    %eq3A = arith.constant 0 : i32
    %eq3A_3 = arith.cmpi eq, %jit3A, %eq3A : i32
    %jit3A_4 = arith.constant 1 : i32
    %select_n3A = arith.select %eq3A_3, %jit3A_4, %jit3A : i32
    %rem3A = arith.remsi %sub3A_2, %select_n3A : i32
    %ne3A = arith.constant 0 : i32
    %ne3A_5 = arith.cmpi ne, %rem3A, %ne3A : i32
    %lt3A = arith.constant 0 : i32
    %lt3A_6 = arith.cmpi slt, %rem3A, %lt3A : i32
    %lt3A_7 = arith.constant 0 : i32
    %lt3A_8 = arith.cmpi slt, %select_n3A, %lt3A_7 : i32
    %ne3A_9 = arith.xori %lt3A_6, %lt3A_8 : i1
    %and3A = arith.andi %ne3A_9, %ne3A_5 : i1
    %add3A_10 = arith.addi %rem3A, %select_n3A : i32
    %select_n3A_11 = arith.select %and3A, %add3A_10, %rem3A : i32
    %c0_i32 = arith.constant 0 : i32
    %c0_i32_12 = arith.constant 0 : i32
    return %arg0, %select_n3A_11, %c0_i32 : i32, i32, i32
  }
  func.func @transform_2(%arg0: i32, %arg1: i32) -> (i32, i32, i32, i32) {
    %c0_i32 = arith.constant 0 : i32
    %c0_i32_0 = arith.constant 0 : i32
    %c0_i32_1 = arith.constant 0 : i32
    return %arg0, %arg1, %c0_i32, %c0_i32_0 : i32, i32, i32, i32
  }
  func.func @transform_3(%arg0: i32, %arg1: i32) -> (i32, i32, i32, i32) {
    %mul3A = arith.constant 32 : i32
    %mul3A_0 = arith.muli %arg1, %mul3A : i32
    %add3A = arith.constant 256 : i32
    %add3A_1 = arith.addi %mul3A_0, %add3A : i32
    %sub3A = arith.constant 1 : i32
    %sub3A_2 = arith.subi %add3A_1, %sub3A : i32
    %jit3A = arith.constant 256 : i32
    %eq3A = arith.constant 0 : i32
    %eq3A_3 = arith.cmpi eq, %jit3A, %eq3A : i32
    %jit3A_4 = arith.constant 1 : i32
    %select_n3A = arith.select %eq3A_3, %jit3A_4, %jit3A : i32
    %rem3A = arith.remsi %sub3A_2, %select_n3A : i32
    %ne3A = arith.constant 0 : i32
    %ne3A_5 = arith.cmpi ne, %rem3A, %ne3A : i32
    %lt3A = arith.constant 0 : i32
    %lt3A_6 = arith.cmpi slt, %rem3A, %lt3A : i32
    %lt3A_7 = arith.constant 0 : i32
    %lt3A_8 = arith.cmpi slt, %select_n3A, %lt3A_7 : i32
    %ne3A_9 = arith.xori %lt3A_6, %lt3A_8 : i1
    %and3A = arith.andi %ne3A_9, %ne3A_5 : i1
    %add3A_10 = arith.addi %rem3A, %select_n3A : i32
    %select_n3A_11 = arith.select %and3A, %add3A_10, %rem3A : i32
    %c0_i32 = arith.constant 0 : i32
    %c0_i32_12 = arith.constant 0 : i32
    %c0_i32_13 = arith.constant 0 : i32
    return %arg0, %select_n3A_11, %c0_i32, %c0_i32_12 : i32, i32, i32, i32
  }
  func.func @transform_4(%arg0: i32, %arg1: i32) -> (i32, i32, i32, i32) {
    %c0_i32 = arith.constant 0 : i32
    %c0_i32_0 = arith.constant 0 : i32
    %c0_i32_1 = arith.constant 0 : i32
    return %arg0, %arg1, %c0_i32, %c0_i32_0 : i32, i32, i32, i32
  }
  func.func @transform_5(%arg0: i32, %arg1: i32) -> (i32, i32, i32) {
    %c0_i32 = arith.constant 0 : i32
    %c0_i32_0 = arith.constant 0 : i32
    return %arg0, %arg1, %c0_i32 : i32, i32, i32
  }
}

</mosaic_0001>

<sc_bundles>
// kernel: kernel.6.cloned.1.call-start
scs
__scs_entry_jumppad:
0x0: {  	(pc) =	sbr.rel $0x88, $3  }
0x1: {  	(tag) =	ssettag $0x0;
	lr =	simm.s32 $0x1  }
0x2: {  	[smem:$0x3F9E] =	sst lr;
	_ =	strace $0xD0000000  }
0x3: {  	_ = 	snop  }
0x4: {  	_ = 	snop  }
0x5: {  	_ = 	snop  }
0x6: {  	_ = 	snop  }
0x7: {  	_ = 	snop  }
__scs_overlays_trampoline_lowered:
0x8: {  	[smem:$0x3FAD] =	sst s0  }
0x9: {  	[smem:$0x3FAE] =	sst s1  }
0xa: {  	[smem:$0x3FAF] =	sst s2  }
0xb: {  	[smem:$0x3FB0] =	sst s3  }
0xc: {  	[smem:$0x3FB1] =	sst s4  }
0xd: {  	[smem:$0x3FB2] =	sst s5  }
0xe: {  	[smem:$0x3FB3] =	sst s6  }
0xf: {  	[smem:$0x3FB4] =	sst s7  }
0x10: {  	[smem:$0x3FB5] =	sst s8  }
0x11: {  	[smem:$0x3FB6] =	sst s9;
	s0 =	simm.s32 @!p0 $0x0  }
0x12: {  	s1 =	sld [smem:$0x3F9C];
	s0 =	simm.s32 @p0 $0x1  }
0x13: {  	[smem:$0x3FB7] =	sst s0;
	s0 =	simm.s32 @!p1 $0x0  }
0x14: {  	s2 =	sld [smem:$0x3F9B];
	s0 =	simm.s32 @p1 $0x1  }
0x15: {  	[smem:$0x3FB8] =	sst s0;
	s0 =	simm.s32 @!p2 $0x0  }
0x16: {  	s3 =	sld [smem:$0x3FDB];
	s0 =	simm.s32 @p2 $0x1  }
0x17: {  	s4 =	simm.s32 $0x1BF5;
	[smem:$0x3FBA] =	sst s0  }
0x18: {  	s0 =	sld [smem:$0x3F9D];
	_ =	swait.ge [sflag:s4], $0x0  }
0x19: {  	s7 =	sld [smem:$0x3F9E]  }
0x1a: {  	s8 =	sadd.s32 $0xFFFFE003, lr  }
0x1b: {  	s9 =	sadd.s32 $0xFFFFFEF7, lr;
	s5 =	simm.s32 $0xFFFFFFFF;
	p2 =	slt.u32 s8, $0xFFFFF086  }
0x1c: {  	p1 =	slt.u32 s9, $0xF7A;
	s5 =	simm.s32 @!p2 $0x0  }
0x1d: {  	s5 =	simm.s32 @p1 $0x1;
	p0 =	seq.s32 s7, s2  }
0x1e: {  	s7 =	smul.u32 @!p0 $0xF7A, s2;
	p2 =	seq.s32 @!p0 s5, $0x0  }
0x1f: {  	s9 =	smul.u32 $0xF7A, s1;
	s8 =	simm.s32 @!p0 $0x1BF5;
	p2 =	por !p2, p0  }
0x20: {  	[sflag:s8] =	ssyncset.s32 @!p0 $0xFFFFF086;
	s6 =	sadd.s32 @!p0 s3, s7;
	s7 =	simm.s32 @!p0 $0x108  }
0x21: {  	s3 =	sadd.s32 s3, s9;
	s6 =	sadd.s32 @!p0 $0x88, s6;
	s7 =	simm.s32 @p2 $0x1082  }
0x22: {  	[simem:s7], [sflag:s8] =	dma.local @!p0 [hbm:s6], $0xF7A  }
0x23: {  	s9 =	sor.u32 $0xD0000000, s2;
	s6 =	simm.s32 $0x108;
	_ =	swait.ge @!p0 [sflag:s8], $0x0  }
0x24: {  	s3 =	sadd.s32 $0x88, s3;
	s6 =	simm.s32 @!p1 $0x1082;
	[sflag:s4] =	ssyncset.s32 $0xFFFFF086  }
0x25: {  	[simem:s6], [sflag:s4] =	dma.local [hbm:s3], $0xF7A  }
0x26: {  	[smem:$0x3F9E] =	sst s1;
	(tag) =	ssettag s2;
	_ =	strace s9  }
0x27: {  	s1 =	sld [smem:$0x3FAE]  }
0x28: {  	s2 =	sld [smem:$0x3FAF]  }
0x29: {  	s4 =	sld [smem:$0x3FB1]  }
0x2a: {  	p0 =	seq.s32 s5, $0x0;
	s5 =	sld [smem:$0x3FB2]  }
0x2b: {  	s6 =	sld [smem:$0x3FB3]  }
0x2c: {  	s7 =	sld [smem:$0x3FB4]  }
0x2d: {  	s3 =	simm.s32 $0x108;
	s8 =	sld [smem:$0x3FB5]  }
0x2e: {  	s3 =	simm.s32 @!p0 $0x1082;
	s9 =	sld [smem:$0x3FB6]  }
0x2f: {  	lr =	sadd.s32 s0, s3;
	s0 =	sld [smem:$0x3FAD]  }
0x30: {  	s3 =	sld [smem:$0x3FB0]  }
0x31: {  	[smem:$0x3FB9] =	sst s10  }
0x32: {  	s10 =	sld [smem:$0x3FB7];
	_ =	sdelay $0x3  }
0x33: {  	p0 =	seq.s32 s10, $0x1;
	s10 =	sld [smem:$0x3FB9];
	_ =	sdelay $0x3  }
0x34: {  	[smem:$0x3FB9] =	sst s10  }
0x35: {  	s10 =	sld [smem:$0x3FB8];
	_ =	sdelay $0x3  }
0x36: {  	p1 =	seq.s32 s10, $0x1;
	s10 =	sld [smem:$0x3FB9];
	_ =	sdelay $0x3  }
0x37: {  	[smem:$0x3FB9] =	sst s10  }
0x38: {  	s10 =	sld [smem:$0x3FBA]  }
0x39: {  	_ = 	snop;
	(pc) =	sbr.ind lr, $3  }
0x3a: {  	_ = 	snop  }
0x3b: {  	_ = 	snop  }
0x3c: {  	p2 =	seq.s32 s10, $0x1;
	s10 =	sld [smem:$0x3FB9]  }
0x3d: {  	_ =	shalt  }
0x3e: {  	_ =	shalt  }
0x3f: {  	_ =	shalt  }
0x40: {  	_ =	shalt  }
0x41: {  	_ =	shalt  }
0x42: {  	_ =	shalt  }
0x43: {  	_ =	shalt  }
0x44: {  	_ =	shalt  }
0x45: {  	_ =	shalt  }
0x46: {  	_ =	shalt  }
0x47: {  	_ =	shalt  }
0x48: {  	_ =	shalt  }
0x49: {  	_ =	shalt  }
0x4a: {  	_ =	shalt  }
0x4b: {  	_ =	shalt  }
0x4c: {  	_ =	shalt  }
0x4d: {  	_ =	shalt  }
0x4e: {  	_ =	shalt  }
0x4f: {  	_ =	shalt  }
0x50: {  	_ =	shalt  }
0x51: {  	_ =	shalt  }
0x52: {  	_ =	shalt  }
0x53: {  	_ =	shalt  }
0x54: {  	_ =	shalt  }
0x55: {  	_ =	shalt  }
0x56: {  	_ =	shalt  }
0x57: {  	_ =	shalt  }
0x58: {  	_ =	shalt  }
0x59: {  	_ =	shalt  }
0x5a: {  	_ =	shalt  }
0x5b: {  	_ =	shalt  }
0x5c: {  	_ =	shalt  }
0x5d: {  	_ =	shalt  }
0x5e: {  	_ =	shalt  }
0x5f: {  	_ =	shalt  }
0x60: {  	_ =	shalt  }
0x61: {  	_ =	shalt  }
0x62: {  	_ =	shalt  }
0x63: {  	_ =	shalt  }
0x64: {  	_ =	shalt  }
0x65: {  	_ =	shalt  }
0x66: {  	_ =	shalt  }
0x67: {  	_ =	shalt  }
0x68: {  	_ =	shalt  }
0x69: {  	_ =	shalt  }
0x6a: {  	_ =	shalt  }
0x6b: {  	_ =	shalt  }
0x6c: {  	_ =	shalt  }
0x6d: {  	_ =	shalt  }
0x6e: {  	_ =	shalt  }
0x6f: {  	_ =	shalt  }
0x70: {  	_ =	shalt  }
0x71: {  	_ =	shalt  }
0x72: {  	_ =	shalt  }
0x73: {  	_ =	shalt  }
0x74: {  	_ =	shalt  }
0x75: {  	_ =	shalt  }
0x76: {  	_ =	shalt  }
0x77: {  	_ =	shalt  }
0x78: {  	_ =	shalt  }
0x79: {  	_ =	shalt  }
0x7a: {  	_ =	shalt  }
0x7b: {  	_ =	shalt  }
0x7c: {  	_ =	shalt  }
0x7d: {  	_ =	shalt  }
0x7e: {  	_ =	shalt  }
0x7f: {  	_ =	shalt  }
0x80: {  	_ =	shalt  }
0x81: {  	_ =	shalt  }
0x82: {  	_ =	shalt  }
0x83: {  	_ =	shalt  }
0x84: {  	_ =	shalt  }
0x85: {  	_ =	shalt  }
0x86: {  	_ =	shalt  }
0x87: {  	_ =	shalt  }
.Lfunc_end0:
.L_simem_size_0:
called_computation_lowered:
.L_overlay_start_0:
0x88: {  	s2 =	sld [smem:$0x3FD9]  }
0x89: {  	s3 =	sld [smem:$0x3FFE];
	_ =	sdelay $0x1  }
0x8a: {  	s1 =	srdreg.scid  }
0x8b: {  	s0 =	sand.u32 $0x1, s1  }
0x8c: {  	s17 =	sshll.u32 s0, $0xA;
	s2 =	sadd.s32 s3, s2  }
0x8d: {  	s2 =	sadd.s32 s2, s17  }
0x8e: {  	[smem:$0x3FC5] =	sst s2  }
0x8f: {  	_ = 	snop  }
0x90: {  	s2 =	sld [smem:$0x3FD0];
	(tm) =	ssettm $0x1  }
0x91: {  	s18 =	sld [smem:$0x3FFB];
	_ =	sdelay $0x3  }
0x92: {  	_ =	strace s18  }
0x93: {  	s3 =	sld [smem:$0x3FFC];
	_ =	sdelay $0x3  }
0x94: {  	_ =	strace s3  }
0x95: {  	s3 =	sld [smem:$0x3FFD];
	_ =	sdelay $0x3  }
0x96: {  	_ =	strace s3  }
0x97: {  	_ =	strace $0x8FFFFFFF  }
0x98: {  	s19 =	sld [smem:$0x3FDB];
	_ =	sdelay $0x1  }
0x99: {  	s4 =	simm.s32 $_scs_section_size  }
0x9a: {  	s5 =	simm.s32 $_size__tile_overlayer_lowered;
	s6 =	simm.s32 $_tile_overlayer_lowered  }
0x9b: {  	s22 =	simm.s32 $0x1BFF;
	s21 =	sshll.u32 s6, $0x1;
	s3 =	sadd.s32 s4, s19  }
0x9c: {  	s7 =	simm.s32 $0x0;
	s20 =	sshll.u32 s5, $0x1;
	s5 =	sadd.s32 s21, s3  }
0x9d: {  	[timem:s7], [sflag:s22] =	dma.local [hbm:s5], s20  }
0x9e: {  	_ =	swait.ge [sflag:s22], s20  }
0x9f: {  	s4 =	ssub.s32 $0x0, s20;
	[sflag:s22] =	ssyncset.done $0x0  }
0xa0: {  	[sflag:s22] =	ssyncadd.s32 s4;
	_ =	sdelay $0x1  }
0xa1: {  	s23 =	simm.s32 $0x1B8B  }
0xa2: {  	_ =	swait.ge [sflag:s23], $0x1  }
0xa3: {  	[sflag:s23] =	ssyncset.done $0x0  }
0xa4: {  	s25 =	simm.s32 $0x1B8E;
	s24 =	sld [smem:$0x3FFE];
	[sflag:s23] =	ssyncadd.s32 $0xFFFFFFFF  }
0xa5: {  	s26 =	simm.s32 $execute0_lowered;
	[smem:$0x3FD2] =	sst s25  }
0xa6: {  	s5 =	sshll.u32 s26, $0x1;
	_ =	strace $0x80000046;
	[dreg:$0x1] =	wrdreg $0xFFFFFFFF  }
0xa7: {  	s28 =	simm.s32 $_size_execute0_lowered;
	s3 =	sadd.s32 s3, s5;
	[dreg:$0x0] =	wrdreg $0x0  }
0xa8: {  	s5 =	sshll.u32 s28, $0x1;
	[dreg:$0x2] =	wrdreg s3  }
0xa9: {  	[dreg:$0x3] =	wrdreg s5  }
0xaa: {  	[dreg:$0x4] =	wrdreg $0xC0  }
0xab: {  	_ =	task [dreg:s7], $0x5FFFF  }
0xac: {  	[dreg:$0x1] =	wrdreg $0xFFFFFFFF  }
0xad: {  	[dreg:$0x0] =	wrdreg $0x60  }
0xae: {  	[dreg:$0x2] =	wrdreg s2  }
0xaf: {  	[dreg:$0x3] =	wrdreg s24  }
0xb0: {  	[dreg:$0x4] =	wrdreg $0x9  }
0xb1: {  	_ =	task.clear_ibuf [dreg:s7], $0x5FFFF;
	_ =	strace $0x90000046  }
0xb2: {  	s29 =	simm.s32 $0x9;
	_ =	strace $0x80000048  }
0xb3: {  	_ =	swait.ge [sflag:s29], $0x1  }
0xb4: {  	[sflag:s29] =	ssyncadd.s32 $0xFFFFFFFF  }
0xb5: {  	_ =	strace $0x90000048  }
0xb6: {  	_ =	sfence  }
0xb7: {  	s30 =	sld [smem:$0x0];
	_ =	sdelay $0x2  }
0xb8: {  	s31 =	sshll.u32 s1, $0xD;
	s1 =	sshrl.u32 s1, $0x2  }
0xb9: {  	s3 =	sand.u32 $0x4000, s31;
	s1 =	sadd.s32 s1, s30  }
0xba: {  	s0 =	sor.u32 s3, s0;
	s1 =	sshll.u32 s1, $0x11  }
0xbb: {  	s0 =	sor.u32 s1, s0  }
0xbc: {  	s0 =	sadd.s32 $0x8F2B, s0  }
0xbd: {  	[sflag:s0] =	ssyncadd.remote.s32 $0x1  }
0xbe: {  	_ =	sfence.sel $0xFFFF  }
0xbf: {  	[dreg:$0x0] =	wrdreg $0xFFFFFFFF;
	(pc) =	sbr.abs _section_cstart, $3  }
0xc0: {  	[dreg:$0x1] =	wrdreg $0xFFFFFFFF  }
0xc1: {  	_ =	task.clear_ibuf [dreg:s7], $0x2FFFF;
	_ =	strace $0x9FFFFFFF  }
0xc2: {  	(tm) =	ssettm $0x7FFFFFFF  }
0xc3: {  	_ =	shalt  }
tec
execute0_lowered:
.L_overlay_start_1:
0x0: {  	(tag) =	ssettag $0x1  }
0x1: {  	s0 =	srdreg.scid;
	s2 =	stileid.u32  }
0x2: {  	s5 =	rddreg [dreg:$0x1];
	s3 =	simm.s32 $0x0;
	s23 =	simm.s32 $0x2880  }
0x3: {  	s28 =	simm.s32 $0x1800;
	s29 =	simm.s32 $0x3100;
	s31 =	simm.s32 $0x100  }
0x4: {  	s30 =	simm.s32 $0x2;
	s0 =	sand.u32 $0x1, s0;
	s2 =	sshll.u32 s2, $0x2  }
0x5: {  	[smem:$0x7FF] =	sst s3;
	s4 =	sadd.s32 $0x1C00, s5;
	s7 =	sadd.s32 $0x82C00, s5  }
0x6: {  	s19 =	sadd.s32 $0x492C00, s5;
	_ =	strace $0x80000047;
	[dreg:$0x3] =	wrdreg s7  }
0x7: {  	s1 =	sshll.u32 s0, $0x6;
	[dreg:$0x4] =	wrdreg s19;
	s0 =	ssub.s32 $0x2, s0  }
0x8: {  	s7 =	sadd.s32 $0x92C00, s5;
	s19 =	sand.u32 $0x4, s2;
	s1 =	sor.u32 s2, s1  }
0x9: {  	s20 =	sshrl.u32 s0, $0x1;
	s2 =	simm.s32 $0x1;
	s1 =	sshrl.u32 s1, $0x3  }
0xa: {  	v0 =	vimm.s32 $0x65432100;
	s0 =	ssub.s32 s0, s20;
	s20 =	simm.s32 $0xB900;
	s6 =	sshll.u32 s1, $0x8  }
0xb: {  	v1 =	vimm.s32 $0xEDCBA987;
	s21 =	sshll.u32 s1, $0xE;
	s8 =	sshll.u32 s1, $0x15;
	s22 =	sshll.u32 s1, $0xB  }
0xc: {  	v2 =	vimm.s32 $0xFFEDCBA9;
	v3 =	vimm.s32 $0x87654321;
	s0 =	smax.u32 s0, $0x1;
	s1 =	simm.s32 $0x3900;
	s6 =	sadd.s32 s6, s5  }
0xd: {  	v1 =	vunpack.c.l.s4.s8 v1;
	v2 =	vunpack.c.l.s4.s8 v2;
	v3 =	vunpack.c.l.s4.s8 v3;
	s5 =	sadd.s32 $0x8AC00, s5;
	[dreg:$0x6] =	wrdreg s21;
	s25 =	sor.u32 $0x8000, s8  }
0xe: {  	v4 =	vunpack.c.l.s4.s8 v0;
	s26 =	sor.u32 $0x10000, s8;
	s14 =	sor.u32 $0x18000, s8;
	s15 =	sor.u32 $0x20000, s8  }
0xf: {  	v5 =	vunpack.c.0.s8.s32 v1;
	v2 =	vunpack.c.0.s8.s32 v2;
	v3 =	vunpack.c.0.s8.s32 v3;
	s16 =	sor.u32 $0x28000, s8;
	s17 =	sor.u32 $0x30000, s8;
	[dreg:$0xa] =	wrdreg s0  }
0x10: {  	vm0 =	vcmask $0x3F3C;
	v0 =	vlaneseq.u32;
	s13 =	smov.u32 s8;
	s18 =	sor.u32 $0x38000, s8;
	[dreg:$0x5] =	wrdreg s5  }
0x11: {  	v4 =	vunpack.c.0.s8.s32 v4;
	v5 =	vand.u32 $0xF, v5;
	v6 =	vcombine.low v3, v2;
	s21 =	simm.s32 $0x3;
	s24 =	sadd.s32 $0x81C00, s6;
	[dreg:$0x8] =	wrdreg s25  }
0x12: {  	v2 =	vimm.s32 $0x0;
	v3 =	vor.u32 $0x80000000, v0;
	v1 =	vor.u32 s22, v0;
	[dreg:$0x9] =	wrdreg s26;
	s25 =	simm.s32 $0x800;
	s26 =	simm.s32 $0x1000  }
0x13: {  	v4 =	vcombine.low v4, v5;
	v5 =	vand.u32 $0xF, v6;
	v6 =	vadd.s32 $0x1, v0;
	s5 =	simm.s32 $0x0;
	[dreg:$0x7] =	wrdreg s24;
	s24 =	simm.s32 $0x2800  }
.LBB2_1:
0x14: {  	[dreg:$0xb] =	wrdreg s5;
	s22 =	simm.s32 $0x0  }
.LBB2_2:
0x15: {  	s0 =	sor.u32 s19, s22  }
0x16: {  	s5 =	rddreg [dreg:$0x6];
	s6 =	sshll.u32 s0, $0xB  }
0x17: {  	s5 =	sadd.s32 s5, s6  }
0x18: {  	s8 =	rddreg [dreg:$0x0];
	s5 =	sshrl.u32 s5, $0x3  }
0x19: {  	s11 =	simm.s32 $0x0;
	s8 =	sadd.s32 s8, s5  }
0x1a: {  	[tilespmem:s11], [sflag:$0x3] =	stream.linear.gather [hbm4b:s8+s11], $0x800, $0x38;
	[tilespmem:$0x13900] =	vst v63  }
0x1b: {  	_ =	swait.ge [sflag:s21], $0x800  }
0x1c: {  	[sflag:s21] =	ssyncset.done $0x0  }
0x1d: {  	s9 =	simm.s32 $0x2900;
	s12 =	rddreg [dreg:$0x7];
	[sflag:s21] =	ssyncadd.s32 $0xFFFFF800  }
0x1e: {  	[tilespmem:s9], [sflag:$0x3] =	stream.linear.gather [hbm4b:s12+s11], $0x800, $0x38;
	[tilespmem:$0x13900] =	vst v63  }
0x1f: {  	_ =	swait.ge [sflag:s21], $0x800  }
0x20: {  	[sflag:s21] =	ssyncset.done $0x0  }
0x21: {  	s9 =	sand.u32 $0x1E00, s11;
	[sflag:s21] =	ssyncadd.s32 $0xFFFFF800  }
0x22: {  	s10 =	sand.u32 $0x70, s11;
	s8 =	sshrl.u32 s9, $0x2;
	[tilespmem:$0x2800] =	vst v2  }
0x23: {  	s8 =	sor.u32 s10, s8;
	[tilespmem:$0x2810] =	vst v2  }
0x24: {  	v7 =	vld [tilespmem:s8+$0x0];
	_ =	sdelay $0x4  }
0x25: {  	v7 =	vshll.u32 v7, $0x4  }
0x26: {  	v7 =	vxor.u32 v3, v7  }
0x27: {  	(xrf1) =	vsort.ascd.msk.u32 $0xffff, v7, v0;
	_ =	sdelay $0xd  }
0x28: {  	v7, v8, _ =	vpop (xrf1)  }
0x29: {  	v7 =	vshrl.u32 v7, $0x4  }
0x2a: {  	v9 =	vxor.u32 $0x8000000, v7  }
0x2b: {  	[tilespmem:$0x2880] =	vst v9  }
0x2c: {  	v10 =	vld.idx.msk [tilespmem:v4+s23+$0x0], $0xffff;
	_ =	sdelay $0x3  }
0x2d: {  	v7 =	vand.u32 $0x7F, v7;
	v11 =	vand.u32 $0xFFFFF80, v9  }
0x2e: {  	v11 =	vor.u32 v7, v11;
	vm1 =	veq.s32 v9, v10  }
0x2f: {  	v7 =	vld.idx.msk [tilespmem:v5+s23+$0x0], $0xffff;
	v10 =	vsel vm1, $0x80000000, v3  }
0x30: {  	(xrf0) =	vmax.scan.msk.u32 $0xffff, v10;
	_ =	sdelay $0x2  }
0x31: {  	v10 =	vld.idx.msk [tilespmem:v11+s24+$0x0], $0xffff  }
0x32: {  	vm1 =	vne.s32 v9, v7  }
0x33: {  	vm1 =	vmor vm1, vm0  }
0x34: {  	v7, _, _ =	vpop (xrf0)  }
0x35: {  	v7 =	vxor.u32 $0x80000000, v7  }
0x36: {  	v9 =	vsub.s32 v10, v7;
	v7 =	vadd.s32 s11, v8  }
0x37: {  	s12 =	simm.s32 $0x40  }
0x38: {  	s12 =	sand.u32 $0x1E00, s12;
	s8 =	simm.s32 $0x10;
	v10 =	vadd.s32 v6, v9  }
0x39: {  	s9 =	simm.s32 $0x80;
	s12 =	sshrl.u32 s12, $0x2;
	s11 =	sand.u32 $0x70, s8;
	v8 =	vadd.s32 v0, v9;
	[tilespmem:v11+s24+$0x0] =	vst.idx.msk vm1, v10  }
.LBB2_3:
0x3a: {  	p0 =	sne.s32 s9, $0x1FC0  }
0x3b: {  	s12 =	sor.u32 s11, s12;
	[tilespmem:v7+s25+$0x0] =	vst.idx.msk $0xffff, v8;
	s11 =	smov.u32 s9;
	s9 =	sadd.s32 $0x40, s9  }
0x3c: {  	v7 =	vld [tilespmem:s12+$0x0];
	_ =	sdelay $0x4  }
0x3d: {  	v7 =	vshll.u32 v7, $0x4  }
0x3e: {  	v7 =	vxor.u32 v3, v7  }
0x3f: {  	(xrf1) =	vsort.ascd.msk.u32 $0xffff, v7, v0;
	_ =	sdelay $0xd  }
0x40: {  	v7, v8, _ =	vpop (xrf1)  }
0x41: {  	v7 =	vshrl.u32 v7, $0x4  }
0x42: {  	v9 =	vxor.u32 $0x8000000, v7  }
0x43: {  	[tilespmem:$0x2880] =	vst v9;
	v10 =	vand.u32 $0xFFFFF80, v9  }
0x44: {  	v11 =	vld.idx.msk [tilespmem:v4+s23+$0x0], $0xffff;
	_ =	sdelay $0x3  }
0x45: {  	v7 =	vand.u32 $0x7F, v7  }
0x46: {  	v10 =	vor.u32 v7, v10;
	v7 =	vld.idx.msk [tilespmem:v5+s23+$0x0], $0xffff  }
0x47: {  	vm1 =	veq.s32 v9, v11  }
0x48: {  	v11 =	vsel vm1, $0x80000000, v3  }
0x49: {  	(xrf0) =	vmax.scan.msk.u32 $0xffff, v11;
	_ =	sdelay $0x1  }
0x4a: {  	v11 =	vld.idx.msk [tilespmem:v10+s24+$0x0], $0xffff  }
0x4b: {  	vm1 =	vne.s32 v9, v7  }
0x4c: {  	vm1 =	vmor vm1, vm0;
	_ =	sdelay $0x1  }
.Ltmp0:
0x4d: {  	v7 =	vadd.s32 s8, v8;
	v8, _, _ =	vpop (xrf0);
	(pc) =	sbr.rel @p0 .LBB2_3-.Ltmp0, $4  }
0x4e: {  	v8 =	vxor.u32 $0x80000000, v8  }
0x4f: {  	v8 =	vsub.s32 v11, v8  }
0x50: {  	s12 =	sand.u32 $0x1E00, s11;
	s8 =	sadd.s32 $0x10, s8;
	v9 =	vadd.s32 v6, v8  }
0x51: {  	s12 =	sshrl.u32 s12, $0x2;
	s11 =	sand.u32 $0x70, s8;
	v8 =	vadd.s32 v0, v8;
	[tilespmem:v10+s24+$0x0] =	vst.idx.msk vm1, v9  }
0x52: {  	_ =	sdelay $0x3  }
0x53: {  	s9 =	sor.u32 s11, s12;
	[tilespmem:v7+s25+$0x0] =	vst.idx.msk $0xffff, v8  }
0x54: {  	v7 =	vld [tilespmem:s9+$0x0];
	_ =	sdelay $0x4  }
0x55: {  	v7 =	vshll.u32 v7, $0x4  }
0x56: {  	v7 =	vxor.u32 v3, v7  }
0x57: {  	(xrf1) =	vsort.ascd.msk.u32 $0xffff, v7, v0;
	_ =	sdelay $0xd  }
0x58: {  	v7, v8, _ =	vpop (xrf1)  }
0x59: {  	v7 =	vshrl.u32 v7, $0x4  }
0x5a: {  	v9 =	vxor.u32 $0x8000000, v7  }
0x5b: {  	[tilespmem:$0x2880] =	vst v9  }
0x5c: {  	v10 =	vld.idx.msk [tilespmem:v4+s23+$0x0], $0xffff;
	_ =	sdelay $0x3  }
0x5d: {  	v7 =	vand.u32 $0x7F, v7;
	v11 =	vand.u32 $0xFFFFF80, v9  }
0x5e: {  	v7 =	vor.u32 v7, v11;
	v11 =	vld.idx.msk [tilespmem:v5+s23+$0x0], $0xffff;
	vm1 =	veq.s32 v9, v10  }
0x5f: {  	v10 =	vsel vm1, $0x80000000, v3  }
0x60: {  	(xrf0) =	vmax.scan.msk.u32 $0xffff, v10;
	_ =	sdelay $0x2  }
0x61: {  	vm1 =	vne.s32 v9, v11;
	v10 =	vld.idx.msk [tilespmem:v7+s24+$0x0], $0xffff  }
0x62: {  	vm1 =	vmor vm1, vm0;
	_ =	sdelay $0x1  }
0x63: {  	v8 =	vadd.s32 s8, v8;
	v9, _, _ =	vpop (xrf0)  }
0x64: {  	v9 =	vxor.u32 $0x80000000, v9  }
0x65: {  	v9 =	vsub.s32 v10, v9  }
0x66: {  	v10 =	vadd.s32 v6, v9  }
0x67: {  	v9 =	vadd.s32 v0, v9;
	[tilespmem:v7+s24+$0x0] =	vst.idx.msk vm1, v10  }
0x68: {  	[tilespmem:v8+s25+$0x0] =	vst.idx.msk $0xffff, v9  }
0x69: {  	v7 =	vld [tilespmem:$0x2800];
	_ =	sdelay $0x2  }
0x6a: {  	v8 =	vld [tilespmem:$0x2810];
	_ =	sdelay $0x1  }
0x6b: {  	(xrf0) =	vadd.scan.msk.s32 $0xffff, v7;
	_ =	sdelay $0x2  }
0x6c: {  	(xrf0) =	vadd.scan.msk.s32 $0xffff, v8;
	_ =	sdelay $0x2  }
0x6d: {  	v9, _, _ =	vpop (xrf0)  }
0x6e: {  	v10 =	vbroadcast v9, $0xF;
	_ =	sdelay $0x1  }
0x6f: {  	v7 =	vsub.s32 v9, v7;
	v9, _, _ =	vpop (xrf0);
	v8 =	vsub.s32 v10, v8  }
0x70: {  	[tilespmem:$0x2800] =	vst v7;
	v8 =	vadd.s32 v9, v8  }
0x71: {  	s8 =	simm.s32 $0x0;
	[tilespmem:$0x2810] =	vst v8  }
0x72: {  	v7 =	vld [tilespmem:s8+$0x0];
	_ =	sdelay $0x5  }
0x73: {  	s12 =	simm.s32 $0x800  }
0x74: {  	v8 =	vld [tilespmem:s12+$0x0]  }
0x75: {  	v7 =	vld.idx.msk [tilespmem:v7+s24+$0x0], $0xffff;
	_ =	sdelay $0x4  }
0x76: {  	v8 =	vadd.s32 v8, v7;
	_ =	sdelay $0x1  }
0x77: {  	v7 =	vmov s6  }
0x78: {  	s6 =	simm.s32 $0x2000;
	v9 =	vadd.s32 v7, v8  }
0x79: {  	v10 =	vor.u32 s8, v0;
	[tilespmem:s6+$0x0] =	vst v9  }
0x7a: {  	v9 =	vor.u32 s8, v1;
	[tilespmem:v8+s26+$0x0] =	vst.idx.msk $0xffff, v10  }
0x7b: {  	s9 =	simm.s32 $0x2900;
	[tilespmem:v8+s28+$0x0] =	vst.idx.msk $0xffff, v9  }
0x7c: {  	v9 =	vld [tilespmem:s9+$0x0];
	_ =	sdelay $0x3  }
0x7d: {  	s11 =	simm.s32 $0x10;
	s12 =	simm.s32 $0x810  }
.LBB2_5:
0x7e: {  	[tilespmem:v8+s29+$0x0] =	vst.idx.msk $0xffff, v9;
	s8 =	sadd.s32 $0x10, s8;
	s6 =	sadd.s32 $0x10, s6;
	s9 =	sadd.s32 $0x10, s9  }
0x7f: {  	p0 =	sne.s32 s11, $0x7F0;
	s10 =	smov.u32 s11;
	s11 =	sadd.s32 $0x10, s11;
	v8 =	vld [tilespmem:s8+$0x0]  }
0x80: {  	_ =	sdelay $0x6  }
0x81: {  	v8 =	vld.idx.msk [tilespmem:v8+s24+$0x0], $0xffff  }
0x82: {  	v9 =	vld [tilespmem:s12+$0x0];
	_ =	sdelay $0x4  }
0x83: {  	v8 =	vadd.s32 v9, v8  }
0x84: {  	v9 =	vadd.s32 v7, v8;
	_ =	sdelay $0x2  }
0x85: {  	v10 =	vor.u32 s10, v0;
	[tilespmem:s6+$0x0] =	vst v9  }
0x86: {  	v9 =	vor.u32 s10, v1;
	[tilespmem:v8+s26+$0x0] =	vst.idx.msk $0xffff, v10  }
0x87: {  	[tilespmem:v8+s28+$0x0] =	vst.idx.msk $0xffff, v9  }
.Ltmp1:
0x88: {  	v9 =	vld [tilespmem:s9+$0x0];
	(pc) =	sbr.rel @p0 .LBB2_5-.Ltmp1, $2  }
0x89: {  	_ =	sdelay $0x2  }
0x8a: {  	s12 =	sadd.s32 $0x10, s12  }
0x8b: {  	_ =	sdelay $0x2  }
0x8c: {  	s6 =	rddreg [dreg:$0x4]  }
0x8d: {  	[tilespmem:v8+s29+$0x0] =	vst.idx.msk $0xffff, v9;
	s8 =	simm.s32 $0x2000;
	s6 =	sadd.s32 s6, s5  }
0x8e: {  	[hbm4b:s6+s3] =	stream.linear.scatter [tilespmem:s8], [sflag:$0x3], $0x800, $0x38;
	[tilespmem:$0x13900] =	vst v63  }
0x8f: {  	_ =	swait.ge [sflag:s21], $0x800  }
0x90: {  	[sflag:s21] =	ssyncset.done $0x0;
	s8 =	rddreg [dreg:$0x3]  }
0x91: {  	[sflag:s21] =	ssyncadd.s32 $0xFFFFF800;
	s6 =	sadd.s32 s8, s5  }
0x92: {  	[hbm4b:s6+s3] =	stream.linear.scatter [tilespmem:s26], [sflag:$0x3], $0x800, $0x38;
	[tilespmem:$0x13900] =	vst v63  }
0x93: {  	_ =	swait.ge [sflag:s21], $0x800  }
0x94: {  	[sflag:s21] =	ssyncset.done $0x0;
	s9 =	rddreg [dreg:$0x5]  }
0x95: {  	[sflag:s21] =	ssyncadd.s32 $0xFFFFF800;
	s10 =	sadd.s32 s9, s5  }
0x96: {  	[hbm4b:s10+s3] =	stream.linear.scatter [tilespmem:s29], [sflag:$0x3], $0x800, $0x38;
	[tilespmem:$0x13900] =	vst v63  }
0x97: {  	_ =	swait.ge [sflag:s21], $0x800  }
0x98: {  	[sflag:s21] =	ssyncset.done $0x0  }
0x99: {  	[sflag:s21] =	ssyncadd.s32 $0xFFFFF800  }
0x9a: {  	[tilespmem:s1], [sflag:$0x1] =	stream.indirect.gather [hbm4b:s4+s31], $0x80, s28, s31, $0xb8;
	[tilespmem:$0x13900] =	vst v63  }
0x9b: {  	s11 =	simm.s32 $0x1900;
	s0 =	sshll.u32 s0, $0x12  }
0x9c: {  	[tilespmem:s20], [sflag:$0x2] =	stream.indirect.gather [hbm4b:s4+s31], $0x80, s11, s31, $0xb8;
	[tilespmem:$0x13900] =	vst v63  }
0x9d: {  	s12 =	sor.u32 s13, s0;
	_ =	swait.ge [sflag:s2], $0x8000  }
0x9e: {  	s5 =	sshrl.u32 s12, $0x3;
	[sflag:s2] =	ssyncset.done $0x0  }
0x9f: {  	s5 =	sadd.s32 s7, s5;
	[sflag:s2] =	ssyncadd.s32 $0xFFFF8000  }
0xa0: {  	[hbm4b:s5+s3] =	stream.linear.scatter [tilespmem:s1], [sflag:$0x3], $0x8000, $0x38;
	[tilespmem:$0x13900] =	vst v63  }
0xa1: {  	_ =	swait.ge [sflag:s21], $0x8000  }
0xa2: {  	[sflag:s21] =	ssyncset.done $0x0  }
0xa3: {  	s6 =	simm.s32 $0x1A00;
	[sflag:s21] =	ssyncadd.s32 $0xFFFF8000  }
0xa4: {  	[tilespmem:s1], [sflag:$0x1] =	stream.indirect.gather [hbm4b:s4+s31], $0x80, s6, s31, $0xb8;
	[tilespmem:$0x13900] =	vst v63  }
0xa5: {  	_ =	swait.ge [sflag:s30], $0x8000  }
0xa6: {  	s8 =	rddreg [dreg:$0x8]  }
0xa7: {  	s5 =	sor.u32 s8, s0  }
0xa8: {  	[sflag:s30] =	ssyncset.done $0x0;
	s5 =	sshrl.u32 s5, $0x3  }
0xa9: {  	[sflag:s30] =	ssyncadd.s32 $0xFFFF8000;
	s5 =	sadd.s32 s7, s5  }
0xaa: {  	[hbm4b:s5+s3] =	stream.linear.scatter [tilespmem:s20], [sflag:$0x3], $0x8000, $0x38;
	[tilespmem:$0x13900] =	vst v63  }
0xab: {  	_ =	swait.ge [sflag:s21], $0x8000  }
0xac: {  	[sflag:s21] =	ssyncset.done $0x0  }
0xad: {  	s9 =	simm.s32 $0x1B00;
	[sflag:s21] =	ssyncadd.s32 $0xFFFF8000  }
0xae: {  	[tilespmem:s20], [sflag:$0x2] =	stream.indirect.gather [hbm4b:s4+s31], $0x80, s9, s31, $0xb8;
	[tilespmem:$0x13900] =	vst v63  }
0xaf: {  	_ =	swait.ge [sflag:s2], $0x8000  }
0xb0: {  	s10 =	rddreg [dreg:$0x9]  }
0xb1: {  	s5 =	sor.u32 s10, s0  }
0xb2: {  	[sflag:s2] =	ssyncset.done $0x0;
	s5 =	sshrl.u32 s5, $0x3  }
0xb3: {  	[sflag:s2] =	ssyncadd.s32 $0xFFFF8000;
	s5 =	sadd.s32 s7, s5  }
0xb4: {  	[hbm4b:s5+s3] =	stream.linear.scatter [tilespmem:s1], [sflag:$0x3], $0x8000, $0x38;
	[tilespmem:$0x13900] =	vst v63  }
0xb5: {  	_ =	swait.ge [sflag:s21], $0x8000  }
0xb6: {  	[sflag:s21] =	ssyncset.done $0x0  }
0xb7: {  	s11 =	simm.s32 $0x1C00;
	[sflag:s21] =	ssyncadd.s32 $0xFFFF8000  }
0xb8: {  	[tilespmem:s1], [sflag:$0x1] =	stream.indirect.gather [hbm4b:s4+s31], $0x80, s11, s31, $0xb8;
	[tilespmem:$0x13900] =	vst v63  }
0xb9: {  	s12 =	sor.u32 s14, s0;
	_ =	swait.ge [sflag:s30], $0x8000  }
0xba: {  	s5 =	sshrl.u32 s12, $0x3;
	[sflag:s30] =	ssyncset.done $0x0  }
0xbb: {  	s5 =	sadd.s32 s7, s5;
	[sflag:s30] =	ssyncadd.s32 $0xFFFF8000  }
0xbc: {  	[hbm4b:s5+s3] =	stream.linear.scatter [tilespmem:s20], [sflag:$0x3], $0x8000, $0x38;
	[tilespmem:$0x13900] =	vst v63  }
0xbd: {  	_ =	swait.ge [sflag:s21], $0x8000  }
0xbe: {  	[sflag:s21] =	ssyncset.done $0x0  }
0xbf: {  	s6 =	simm.s32 $0x1D00;
	[sflag:s21] =	ssyncadd.s32 $0xFFFF8000  }
0xc0: {  	[tilespmem:s20], [sflag:$0x2] =	stream.indirect.gather [hbm4b:s4+s31], $0x80, s6, s31, $0xb8;
	[tilespmem:$0x13900] =	vst v63  }
0xc1: {  	s8 =	sor.u32 s15, s0;
	_ =	swait.ge [sflag:s2], $0x8000  }
0xc2: {  	s5 =	sshrl.u32 s8, $0x3;
	[sflag:s2] =	ssyncset.done $0x0  }
0xc3: {  	s5 =	sadd.s32 s7, s5;
	[sflag:s2] =	ssyncadd.s32 $0xFFFF8000  }
0xc4: {  	[hbm4b:s5+s3] =	stream.linear.scatter [tilespmem:s1], [sflag:$0x3], $0x8000, $0x38;
	[tilespmem:$0x13900] =	vst v63  }
0xc5: {  	_ =	swait.ge [sflag:s21], $0x8000  }
0xc6: {  	[sflag:s21] =	ssyncset.done $0x0  }
0xc7: {  	s9 =	simm.s32 $0x1E00;
	[sflag:s21] =	ssyncadd.s32 $0xFFFF8000  }
0xc8: {  	[tilespmem:s1], [sflag:$0x1] =	stream.indirect.gather [hbm4b:s4+s31], $0x80, s9, s31, $0xb8;
	[tilespmem:$0x13900] =	vst v63  }
0xc9: {  	s10 =	sor.u32 s16, s0;
	_ =	swait.ge [sflag:s30], $0x8000  }
0xca: {  	s5 =	sshrl.u32 s10, $0x3;
	[sflag:s30] =	ssyncset.done $0x0  }
0xcb: {  	s5 =	sadd.s32 s7, s5;
	[sflag:s30] =	ssyncadd.s32 $0xFFFF8000  }
0xcc: {  	[hbm4b:s5+s3] =	stream.linear.scatter [tilespmem:s20], [sflag:$0x3], $0x8000, $0x38;
	[tilespmem:$0x13900] =	vst v63  }
0xcd: {  	_ =	swait.ge [sflag:s21], $0x8000  }
0xce: {  	[sflag:s21] =	ssyncset.done $0x0  }
0xcf: {  	s11 =	simm.s32 $0x1F00;
	[sflag:s21] =	ssyncadd.s32 $0xFFFF8000  }
0xd0: {  	[tilespmem:s20], [sflag:$0x2] =	stream.indirect.gather [hbm4b:s4+s31], $0x80, s11, s31, $0xb8;
	[tilespmem:$0x13900] =	vst v63  }
0xd1: {  	s12 =	sor.u32 s17, s0;
	_ =	swait.ge [sflag:s2], $0x8000  }
0xd2: {  	s5 =	sshrl.u32 s12, $0x3;
	[sflag:s2] =	ssyncset.done $0x0  }
0xd3: {  	s5 =	sadd.s32 s7, s5;
	[sflag:s2] =	ssyncadd.s32 $0xFFFF8000  }
0xd4: {  	[hbm4b:s5+s3] =	stream.linear.scatter [tilespmem:s1], [sflag:$0x3], $0x8000, $0x38;
	[tilespmem:$0x13900] =	vst v63  }
0xd5: {  	_ =	swait.ge [sflag:s21], $0x8000  }
0xd6: {  	[sflag:s21] =	ssyncset.done $0x0  }
0xd7: {  	[sflag:s21] =	ssyncadd.s32 $0xFFFF8000  }
0xd8: {  	s22 =	sadd.s32 $0x1, s22;
	s0 =	sor.u32 s18, s0;
	_ =	swait.ge [sflag:s30], $0x8000  }
0xd9: {  	p0 =	sne.s32 s22, $0x4;
	s0 =	sshrl.u32 s0, $0x3;
	[sflag:s30] =	ssyncset.done $0x0  }
.Ltmp2:
0xda: {  	s0 =	sadd.s32 s7, s0;
	[sflag:s30] =	ssyncadd.s32 $0xFFFF8000;
	(pc) =	sbr.rel @p0 .LBB2_2-.Ltmp2, $4  }
0xdb: {  	[hbm4b:s0+s3] =	stream.linear.scatter [tilespmem:s20], [sflag:$0x3], $0x8000, $0x38;
	[tilespmem:$0x13900] =	vst v63  }
0xdc: {  	_ =	swait.ge [sflag:s21], $0x8000  }
0xdd: {  	[sflag:s21] =	ssyncset.done $0x0  }
0xde: {  	[sflag:s21] =	ssyncadd.s32 $0xFFFF8000  }
0xdf: {  	s5 =	rddreg [dreg:$0xb]  }
0xe0: {  	s0 =	rddreg [dreg:$0xa];
	s5 =	sadd.s32 $0x1, s5  }
0xe1: {  	p0 =	sne.s32 s5, s0  }
.Ltmp3:
0xe2: {  	_ = 	snop;
	(pc) =	sbr.rel @p0 .LBB2_1-.Ltmp3, $1  }
0xe3: {  	_ =	sdelay $0x3  }
0xe4: {  	_ =	sfence.sel $0x180000  }
0xe5: {  	[bflag:$0x0] =	sbarrier.arrive $0xFFFF  }
0xe6: {  	_ =	strace $0x90000047  }
0xe7: {  	s0 =	stileid.u32;
	[bflag:$0x2] =	sbarrier.arrive $0xFFFF  }
0xe8: {  	p0 =	sne.s32 s0, $0x0;
	s0 =	rddreg [dreg:$0x2]  }
0xe9: {  	s0 =	sadd.s32 @!p0 $0x100000, s0  }
0xea: {  	[sflag:s0] =	ssyncadd.tile.s32 @!p0 $0x1;
	_ =	shalt  }
.Lfunc_end2:
_tile_overlayer_lowered:
.L_overlay_start_2:
0xeb: {  	(tag) =	ssettag $0x2  }
0xec: {  	s0 =	rddreg [dreg:$0x0];
	s2 =	stileid.u32  }
0xed: {  	s1 =	rddreg [dreg:$0x1];
	p0 =	sne.s32 s2, $0x0  }
0xee: {  	s3 =	rddreg [dreg:$0x2];
	[bflag:$0x3] =	sbarrier.arrive $0xFFFF;
	s2 =	simm.s32 @!p0 $0x1C03  }
0xef: {  	[timem:s3], [sflag:s2] =	dma.local @!p0 [hbm:s0], s1  }
0xf0: {  	s0 =	simm.s32 @!p0 $0x3  }
0xf1: {  	_ =	swait.ge @!p0 [sflag:s0], s1  }
0xf2: {  	s1 =	ssub.s32 @!p0 $0x0, s1;
	[sflag:s0] =	ssyncset.done @!p0 $0x0  }
0xf3: {  	[sflag:s0] =	ssyncadd.s32 @!p0 s1  }
0xf4: {  	[bflag:$0x3] =	sbarrier.arrive $0xFFFF  }
0xf5: {  	_ =	shalt  }

// kernel: kernel.9.cloned.1.call-start
scs
__scs_entry_jumppad:
0x0: {  	(pc) =	sbr.rel $0x88, $3  }
0x1: {  	(tag) =	ssettag $0x0;
	lr =	simm.s32 $0x1  }
0x2: {  	[smem:$0x3F9E] =	sst lr;
	_ =	strace $0xD0000000  }
0x3: {  	_ = 	snop  }
0x4: {  	_ = 	snop  }
0x5: {  	_ = 	snop  }
0x6: {  	_ = 	snop  }
0x7: {  	_ = 	snop  }
__scs_overlays_trampoline_lowered:
0x8: {  	[smem:$0x3FAD] =	sst s0  }
0x9: {  	[smem:$0x3FAE] =	sst s1  }
0xa: {  	[smem:$0x3FAF] =	sst s2  }
0xb: {  	[smem:$0x3FB0] =	sst s3  }
0xc: {  	[smem:$0x3FB1] =	sst s4  }
0xd: {  	[smem:$0x3FB2] =	sst s5  }
0xe: {  	[smem:$0x3FB3] =	sst s6  }
0xf: {  	[smem:$0x3FB4] =	sst s7  }
0x10: {  	[smem:$0x3FB5] =	sst s8  }
0x11: {  	[smem:$0x3FB6] =	sst s9;
	s0 =	simm.s32 @!p0 $0x0  }
0x12: {  	s1 =	sld [smem:$0x3F9C];
	s0 =	simm.s32 @p0 $0x1  }
0x13: {  	[smem:$0x3FB7] =	sst s0;
	s0 =	simm.s32 @!p1 $0x0  }
0x14: {  	s2 =	sld [smem:$0x3F9B];
	s0 =	simm.s32 @p1 $0x1  }
0x15: {  	[smem:$0x3FB8] =	sst s0;
	s0 =	simm.s32 @!p2 $0x0  }
0x16: {  	s3 =	sld [smem:$0x3FDB];
	s0 =	simm.s32 @p2 $0x1  }
0x17: {  	s4 =	simm.s32 $0x1BF5;
	[smem:$0x3FBA] =	sst s0  }
0x18: {  	s0 =	sld [smem:$0x3F9D];
	_ =	swait.ge [sflag:s4], $0x0  }
0x19: {  	s7 =	sld [smem:$0x3F9E]  }
0x1a: {  	s8 =	sadd.s32 $0xFFFFE003, lr  }
0x1b: {  	s9 =	sadd.s32 $0xFFFFFEF7, lr;
	s5 =	simm.s32 $0xFFFFFFFF;
	p2 =	slt.u32 s8, $0xFFFFF086  }
0x1c: {  	p1 =	slt.u32 s9, $0xF7A;
	s5 =	simm.s32 @!p2 $0x0  }
0x1d: {  	s5 =	simm.s32 @p1 $0x1;
	p0 =	seq.s32 s7, s2  }
0x1e: {  	s7 =	smul.u32 @!p0 $0xF7A, s2;
	p2 =	seq.s32 @!p0 s5, $0x0  }
0x1f: {  	s9 =	smul.u32 $0xF7A, s1;
	s8 =	simm.s32 @!p0 $0x1BF5;
	p2 =	por !p2, p0  }
0x20: {  	[sflag:s8] =	ssyncset.s32 @!p0 $0xFFFFF086;
	s6 =	sadd.s32 @!p0 s3, s7;
	s7 =	simm.s32 @!p0 $0x108  }
0x21: {  	s3 =	sadd.s32 s3, s9;
	s6 =	sadd.s32 @!p0 $0x88, s6;
	s7 =	simm.s32 @p2 $0x1082  }
0x22: {  	[simem:s7], [sflag:s8] =	dma.local @!p0 [hbm:s6], $0xF7A  }
0x23: {  	s9 =	sor.u32 $0xD0000000, s2;
	s6 =	simm.s32 $0x108;
	_ =	swait.ge @!p0 [sflag:s8], $0x0  }
0x24: {  	s3 =	sadd.s32 $0x88, s3;
	s6 =	simm.s32 @!p1 $0x1082;
	[sflag:s4] =	ssyncset.s32 $0xFFFFF086  }
0x25: {  	[simem:s6], [sflag:s4] =	dma.local [hbm:s3], $0xF7A  }
0x26: {  	[smem:$0x3F9E] =	sst s1;
	(tag) =	ssettag s2;
	_ =	strace s9  }
0x27: {  	s1 =	sld [smem:$0x3FAE]  }
0x28: {  	s2 =	sld [smem:$0x3FAF]  }
0x29: {  	s4 =	sld [smem:$0x3FB1]  }
0x2a: {  	p0 =	seq.s32 s5, $0x0;
	s5 =	sld [smem:$0x3FB2]  }
0x2b: {  	s6 =	sld [smem:$0x3FB3]  }
0x2c: {  	s7 =	sld [smem:$0x3FB4]  }
0x2d: {  	s3 =	simm.s32 $0x108;
	s8 =	sld [smem:$0x3FB5]  }
0x2e: {  	s3 =	simm.s32 @!p0 $0x1082;
	s9 =	sld [smem:$0x3FB6]  }
0x2f: {  	lr =	sadd.s32 s0, s3;
	s0 =	sld [smem:$0x3FAD]  }
0x30: {  	s3 =	sld [smem:$0x3FB0]  }
0x31: {  	[smem:$0x3FB9] =	sst s10  }
0x32: {  	s10 =	sld [smem:$0x3FB7];
	_ =	sdelay $0x3  }
0x33: {  	p0 =	seq.s32 s10, $0x1;
	s10 =	sld [smem:$0x3FB9];
	_ =	sdelay $0x3  }
0x34: {  	[smem:$0x3FB9] =	sst s10  }
0x35: {  	s10 =	sld [smem:$0x3FB8];
	_ =	sdelay $0x3  }
0x36: {  	p1 =	seq.s32 s10, $0x1;
	s10 =	sld [smem:$0x3FB9];
	_ =	sdelay $0x3  }
0x37: {  	[smem:$0x3FB9] =	sst s10  }
0x38: {  	s10 =	sld [smem:$0x3FBA]  }
0x39: {  	_ = 	snop;
	(pc) =	sbr.ind lr, $3  }
0x3a: {  	_ = 	snop  }
0x3b: {  	_ = 	snop  }
0x3c: {  	p2 =	seq.s32 s10, $0x1;
	s10 =	sld [smem:$0x3FB9]  }
0x3d: {  	_ =	shalt  }
0x3e: {  	_ =	shalt  }
0x3f: {  	_ =	shalt  }
0x40: {  	_ =	shalt  }
0x41: {  	_ =	shalt  }
0x42: {  	_ =	shalt  }
0x43: {  	_ =	shalt  }
0x44: {  	_ =	shalt  }
0x45: {  	_ =	shalt  }
0x46: {  	_ =	shalt  }
0x47: {  	_ =	shalt  }
0x48: {  	_ =	shalt  }
0x49: {  	_ =	shalt  }
0x4a: {  	_ =	shalt  }
0x4b: {  	_ =	shalt  }
0x4c: {  	_ =	shalt  }
0x4d: {  	_ =	shalt  }
0x4e: {  	_ =	shalt  }
0x4f: {  	_ =	shalt  }
0x50: {  	_ =	shalt  }
0x51: {  	_ =	shalt  }
0x52: {  	_ =	shalt  }
0x53: {  	_ =	shalt  }
0x54: {  	_ =	shalt  }
0x55: {  	_ =	shalt  }
0x56: {  	_ =	shalt  }
0x57: {  	_ =	shalt  }
0x58: {  	_ =	shalt  }
0x59: {  	_ =	shalt  }
0x5a: {  	_ =	shalt  }
0x5b: {  	_ =	shalt  }
0x5c: {  	_ =	shalt  }
0x5d: {  	_ =	shalt  }
0x5e: {  	_ =	shalt  }
0x5f: {  	_ =	shalt  }
0x60: {  	_ =	shalt  }
0x61: {  	_ =	shalt  }
0x62: {  	_ =	shalt  }
0x63: {  	_ =	shalt  }
0x64: {  	_ =	shalt  }
0x65: {  	_ =	shalt  }
0x66: {  	_ =	shalt  }
0x67: {  	_ =	shalt  }
0x68: {  	_ =	shalt  }
0x69: {  	_ =	shalt  }
0x6a: {  	_ =	shalt  }
0x6b: {  	_ =	shalt  }
0x6c: {  	_ =	shalt  }
0x6d: {  	_ =	shalt  }
0x6e: {  	_ =	shalt  }
0x6f: {  	_ =	shalt  }
0x70: {  	_ =	shalt  }
0x71: {  	_ =	shalt  }
0x72: {  	_ =	shalt  }
0x73: {  	_ =	shalt  }
0x74: {  	_ =	shalt  }
0x75: {  	_ =	shalt  }
0x76: {  	_ =	shalt  }
0x77: {  	_ =	shalt  }
0x78: {  	_ =	shalt  }
0x79: {  	_ =	shalt  }
0x7a: {  	_ =	shalt  }
0x7b: {  	_ =	shalt  }
0x7c: {  	_ =	shalt  }
0x7d: {  	_ =	shalt  }
0x7e: {  	_ =	shalt  }
0x7f: {  	_ =	shalt  }
0x80: {  	_ =	shalt  }
0x81: {  	_ =	shalt  }
0x82: {  	_ =	shalt  }
0x83: {  	_ =	shalt  }
0x84: {  	_ =	shalt  }
0x85: {  	_ =	shalt  }
0x86: {  	_ =	shalt  }
0x87: {  	_ =	shalt  }
.Lfunc_end0:
.L_simem_size_0:
called_computation.1_lowered:
.L_overlay_start_0:
0x88: {  	s2 =	sld [smem:$0x3FD9]  }
0x89: {  	s3 =	sld [smem:$0x3FFE];
	_ =	sdelay $0x1  }
0x8a: {  	s1 =	srdreg.scid  }
0x8b: {  	s0 =	sand.u32 $0x1, s1  }
0x8c: {  	s17 =	sshll.u32 s0, $0xA;
	s2 =	sadd.s32 s3, s2  }
0x8d: {  	s2 =	sadd.s32 s2, s17  }
0x8e: {  	[smem:$0x3FC5] =	sst s2  }
0x8f: {  	_ = 	snop  }
0x90: {  	s2 =	sld [smem:$0x3FD0];
	(tm) =	ssettm $0x1  }
0x91: {  	s18 =	sld [smem:$0x3FFB];
	_ =	sdelay $0x3  }
0x92: {  	_ =	strace s18  }
0x93: {  	s3 =	sld [smem:$0x3FFC];
	_ =	sdelay $0x3  }
0x94: {  	_ =	strace s3  }
0x95: {  	s3 =	sld [smem:$0x3FFD];
	_ =	sdelay $0x3  }
0x96: {  	_ =	strace s3  }
0x97: {  	_ =	strace $0x8FFFFFFF  }
0x98: {  	s19 =	sld [smem:$0x3FDB];
	_ =	sdelay $0x1  }
0x99: {  	s4 =	simm.s32 $_scs_section_size  }
0x9a: {  	s5 =	simm.s32 $_size__tile_overlayer_lowered;
	s6 =	simm.s32 $_tile_overlayer_lowered  }
0x9b: {  	s22 =	simm.s32 $0x1BFF;
	s21 =	sshll.u32 s6, $0x1;
	s3 =	sadd.s32 s4, s19  }
0x9c: {  	s7 =	simm.s32 $0x0;
	s20 =	sshll.u32 s5, $0x1;
	s5 =	sadd.s32 s21, s3  }
0x9d: {  	[timem:s7], [sflag:s22] =	dma.local [hbm:s5], s20  }
0x9e: {  	_ =	swait.ge [sflag:s22], s20  }
0x9f: {  	s4 =	ssub.s32 $0x0, s20;
	[sflag:s22] =	ssyncset.done $0x0  }
0xa0: {  	[sflag:s22] =	ssyncadd.s32 s4;
	_ =	sdelay $0x1  }
0xa1: {  	s23 =	simm.s32 $0x1B8B  }
0xa2: {  	_ =	swait.ge [sflag:s23], $0x1  }
0xa3: {  	[sflag:s23] =	ssyncset.done $0x0  }
0xa4: {  	s25 =	simm.s32 $0x1B8E;
	s24 =	sld [smem:$0x3FFE];
	[sflag:s23] =	ssyncadd.s32 $0xFFFFFFFF  }
0xa5: {  	s26 =	simm.s32 $execute0_lowered;
	[smem:$0x3FD2] =	sst s25  }
0xa6: {  	s5 =	sshll.u32 s26, $0x1;
	_ =	strace $0x80000049;
	[dreg:$0x1] =	wrdreg $0xFFFFFFFF  }
0xa7: {  	s28 =	simm.s32 $_size_execute0_lowered;
	s3 =	sadd.s32 s3, s5;
	[dreg:$0x0] =	wrdreg $0x0  }
0xa8: {  	s5 =	sshll.u32 s28, $0x1;
	[dreg:$0x2] =	wrdreg s3  }
0xa9: {  	[dreg:$0x3] =	wrdreg s5  }
0xaa: {  	[dreg:$0x4] =	wrdreg $0xC0  }
0xab: {  	_ =	task [dreg:s7], $0x5FFFF  }
0xac: {  	[dreg:$0x1] =	wrdreg $0xFFFFFFFF  }
0xad: {  	[dreg:$0x0] =	wrdreg $0x60  }
0xae: {  	[dreg:$0x2] =	wrdreg s24  }
0xaf: {  	[dreg:$0x3] =	wrdreg s2  }
0xb0: {  	[dreg:$0x4] =	wrdreg $0x9  }
0xb1: {  	_ =	task.clear_ibuf [dreg:s7], $0x5FFFF;
	_ =	strace $0x90000049  }
0xb2: {  	s29 =	simm.s32 $0x9;
	_ =	strace $0x8000004B  }
0xb3: {  	_ =	swait.ge [sflag:s29], $0x1  }
0xb4: {  	[sflag:s29] =	ssyncadd.s32 $0xFFFFFFFF  }
0xb5: {  	_ =	strace $0x9000004B  }
0xb6: {  	_ =	sfence  }
0xb7: {  	s30 =	sld [smem:$0x0];
	_ =	sdelay $0x2  }
0xb8: {  	s31 =	sshll.u32 s1, $0xD;
	s1 =	sshrl.u32 s1, $0x2  }
0xb9: {  	s3 =	sand.u32 $0x4000, s31;
	s1 =	sadd.s32 s1, s30  }
0xba: {  	s0 =	sor.u32 s3, s0;
	s1 =	sshll.u32 s1, $0x11  }
0xbb: {  	s0 =	sor.u32 s1, s0  }
0xbc: {  	s0 =	sadd.s32 $0x8F2B, s0  }
0xbd: {  	[sflag:s0] =	ssyncadd.remote.s32 $0x1  }
0xbe: {  	_ =	sfence.sel $0xFFFF  }
0xbf: {  	[dreg:$0x0] =	wrdreg $0xFFFFFFFF;
	(pc) =	sbr.abs _section_cstart, $3  }
0xc0: {  	[dreg:$0x1] =	wrdreg $0xFFFFFFFF  }
0xc1: {  	_ =	task.clear_ibuf [dreg:s7], $0x2FFFF;
	_ =	strace $0x9FFFFFFF  }
0xc2: {  	(tm) =	ssettm $0x7FFFFFFF  }
0xc3: {  	_ =	shalt  }
tec
execute0_lowered:
.L_overlay_start_1:
0x0: {  	(tag) =	ssettag $0x1  }
0x1: {  	s0 =	srdreg.scid  }
0x2: {  	s2 =	stileid.u32;
	s5 =	rddreg [dreg:$0x0];
	s3 =	simm.s32 $0x0  }
0x3: {  	s16 =	simm.s32 $0x3;
	s24 =	simm.s32 $0x2000;
	s0 =	sand.u32 $0x1, s0  }
0x4: {  	s25 =	simm.s32 $0x100;
	s26 =	simm.s32 $0x2200;
	s1 =	sshll.u32 s0, $0x4  }
0x5: {  	s28 =	simm.s32 $0x2100;
	s14 =	sand.u32 $0x1, s2;
	s1 =	sor.u32 s2, s1  }
0x6: {  	s29 =	simm.s32 $0xA200;
	p1 =	seq.s32 s14, $0x1;
	p0 =	seq.s32 s1, $0x0  }
0x7: {  	s30 =	simm.s32 $0x12200;
	s31 =	simm.s32 $0x2;
	p0 =	por !p0, !p1  }
0x8: {  	[smem:$0x7FF] =	sst s3;
	s2 =	simm.s32 $0x1;
	p0 =	por !p0, !p0  }
0x9: {  	s0 =	ssub.s32 $0x2, s0;
	s1 =	sshrl.u32 s1, $0x1;
	s2 =	simm.s32 @!p0 $0x0  }
0xa: {  	v0 =	vlaneseq.u32;
	s4 =	sshll.u32 s14, $0xA;
	s11 =	sshrl.u32 s0, $0x1;
	s1 =	ssub.s32 s1, s2  }
0xb: {  	v0 =	vmul.u32 $0x8, v0;
	s14 =	sshll.u32 s14, $0x10;
	s0 =	ssub.s32 s0, s11;
	s15 =	sshll.u32 s1, $0xE  }
0xc: {  	s2 =	rddreg [dreg:$0x1];
	s1 =	sshll.u32 s1, $0x11;
	s4 =	sor.u32 s4, s15  }
0xd: {  	v2 =	vor.u32 $0x80, v0;
	_ =	strace $0x8000004A;
	s14 =	sor.u32 s14, s1;
	s4 =	sshrl.u32 s4, $0x3  }
.Ltmp0:
0xe: {  	v3 =	vor.u32 $0x1, v0;
	v4 =	vor.u32 $0x81, v0;
	v5 =	vor.u32 $0x2, v0;
	s13 =	sadd.s32 s4, s5;
	s5 =	sadd.s32 $0x49AC00, s5;
	(pc) =	sbr.rel .LBB2_1-.Ltmp0, $4  }
0xf: {  	v6 =	vor.u32 $0x82, v0;
	v7 =	vor.u32 $0x3, v0;
	v1 =	vmov s15;
	s15 =	smax.u32 s0, $0x1;
	s6 =	sadd.s32 $0x492C00, s13;
	s7 =	sadd.s32 $0x492D00, s13  }
0x10: {  	v8 =	vor.u32 $0x83, v0;
	v9 =	vor.u32 $0x4, v0;
	v10 =	vor.u32 $0x84, v0;
	s1 =	simm.s32 $0x0;
	s8 =	sadd.s32 $0x492E00, s13;
	s9 =	sadd.s32 $0x492F00, s13  }
0x11: {  	v11 =	vor.u32 $0x5, v0;
	v12 =	vor.u32 $0x85, v0;
	v13 =	vor.u32 $0x6, v0;
	s4 =	simm.s32 $0x1;
	s10 =	sadd.s32 $0x493000, s13;
	s11 =	sadd.s32 $0x493100, s13  }
0x12: {  	v14 =	vor.u32 $0x86, v0;
	v15 =	vor.u32 $0x7, v0;
	v16 =	vor.u32 $0x87, v0;
	s12 =	sadd.s32 $0x493200, s13;
	s13 =	sadd.s32 $0x493300, s13;
	[dreg:$0x3] =	wrdreg s6  }
.LBB2_10:
0x13: {  	s1 =	sadd.s32 $0x1, s1  }
0x14: {  	p0 =	sne.s32 s1, s15  }
.Ltmp1:
0x15: {  	_ = 	snop;
	(pc) =	sbr.rel @!p0 .LBB2_11-.Ltmp1, $1  }
0x16: {  	_ =	sdelay $0x3  }
.LBB2_1:
0x17: {  	s0 =	rddreg [dreg:$0x3]  }
0x18: {  	[tilespmem:s3], [sflag:$0x3] =	stream.linear.gather [hbm4b:s0+s3], $0x400, $0x38;
	[tilespmem:$0x12A00] =	vst v63  }
0x19: {  	_ =	swait.ge [sflag:s16], $0x400  }
0x1a: {  	[sflag:s16] =	ssyncset.done $0x0  }
0x1b: {  	s17 =	simm.s32 $0x400;
	[sflag:s16] =	ssyncadd.s32 $0xFFFFFC00  }
0x1c: {  	[tilespmem:s17], [sflag:$0x3] =	stream.linear.gather [hbm4b:s7+s3], $0x400, $0x38;
	[tilespmem:$0x12A00] =	vst v63  }
0x1d: {  	_ =	swait.ge [sflag:s16], $0x400  }
0x1e: {  	[sflag:s16] =	ssyncset.done $0x0  }
0x1f: {  	s18 =	simm.s32 $0x800;
	[sflag:s16] =	ssyncadd.s32 $0xFFFFFC00  }
0x20: {  	[tilespmem:s18], [sflag:$0x3] =	stream.linear.gather [hbm4b:s8+s3], $0x400, $0x38;
	[tilespmem:$0x12A00] =	vst v63  }
0x21: {  	_ =	swait.ge [sflag:s16], $0x400  }
0x22: {  	[sflag:s16] =	ssyncset.done $0x0  }
0x23: {  	s19 =	simm.s32 $0xC00;
	[sflag:s16] =	ssyncadd.s32 $0xFFFFFC00  }
0x24: {  	[tilespmem:s19], [sflag:$0x3] =	stream.linear.gather [hbm4b:s9+s3], $0x400, $0x38;
	[tilespmem:$0x12A00] =	vst v63  }
0x25: {  	_ =	swait.ge [sflag:s16], $0x400  }
0x26: {  	[sflag:s16] =	ssyncset.done $0x0  }
0x27: {  	s20 =	simm.s32 $0x1000;
	[sflag:s16] =	ssyncadd.s32 $0xFFFFFC00  }
0x28: {  	[tilespmem:s20], [sflag:$0x3] =	stream.linear.gather [hbm4b:s10+s3], $0x400, $0x38;
	[tilespmem:$0x12A00] =	vst v63  }
0x29: {  	_ =	swait.ge [sflag:s16], $0x400  }
0x2a: {  	[sflag:s16] =	ssyncset.done $0x0  }
0x2b: {  	s21 =	simm.s32 $0x1400;
	[sflag:s16] =	ssyncadd.s32 $0xFFFFFC00  }
0x2c: {  	[tilespmem:s21], [sflag:$0x3] =	stream.linear.gather [hbm4b:s11+s3], $0x400, $0x38;
	[tilespmem:$0x12A00] =	vst v63  }
0x2d: {  	_ =	swait.ge [sflag:s16], $0x400  }
0x2e: {  	[sflag:s16] =	ssyncset.done $0x0  }
0x2f: {  	s22 =	simm.s32 $0x1800;
	[sflag:s16] =	ssyncadd.s32 $0xFFFFFC00  }
0x30: {  	[tilespmem:s22], [sflag:$0x3] =	stream.linear.gather [hbm4b:s12+s3], $0x400, $0x38;
	[tilespmem:$0x12A00] =	vst v63  }
0x31: {  	_ =	swait.ge [sflag:s16], $0x400  }
0x32: {  	[sflag:s16] =	ssyncset.done $0x0  }
0x33: {  	s23 =	simm.s32 $0x1C00;
	[sflag:s16] =	ssyncadd.s32 $0xFFFFFC00  }
0x34: {  	[tilespmem:s23], [sflag:$0x3] =	stream.linear.gather [hbm4b:s13+s3], $0x400, $0x38;
	[tilespmem:$0x12A00] =	vst v63  }
0x35: {  	_ =	swait.ge [sflag:s16], $0x400  }
0x36: {  	[sflag:s16] =	ssyncset.done $0x0  }
0x37: {  	[sflag:s16] =	ssyncadd.s32 $0xFFFFFC00  }
0x38: {  	v17 =	vld [tilespmem:$0x0];
	_ =	sdelay $0x4  }
0x39: {  	v17 =	vadd.s32 v1, v17  }
0x3a: {  	[tilespmem:v0+s24+$0x0] =	vst.idx.msk $0xffff, v17  }
0x3b: {  	v17 =	vld [tilespmem:$0x10];
	_ =	sdelay $0x4  }
0x3c: {  	v17 =	vadd.s32 v1, v17  }
0x3d: {  	[tilespmem:v2+s24+$0x0] =	vst.idx.msk $0xffff, v17  }
0x3e: {  	v17 =	vld [tilespmem:$0x400];
	_ =	sdelay $0x4  }
0x3f: {  	v17 =	vadd.s32 v1, v17  }
0x40: {  	[tilespmem:v3+s24+$0x0] =	vst.idx.msk $0xffff, v17  }
0x41: {  	v17 =	vld [tilespmem:$0x410];
	_ =	sdelay $0x4  }
0x42: {  	v17 =	vadd.s32 v1, v17  }
0x43: {  	[tilespmem:v4+s24+$0x0] =	vst.idx.msk $0xffff, v17  }
0x44: {  	v17 =	vld [tilespmem:$0x800];
	_ =	sdelay $0x4  }
0x45: {  	v17 =	vadd.s32 v1, v17  }
0x46: {  	[tilespmem:v5+s24+$0x0] =	vst.idx.msk $0xffff, v17  }
0x47: {  	v17 =	vld [tilespmem:$0x810];
	_ =	sdelay $0x4  }
0x48: {  	v17 =	vadd.s32 v1, v17  }
0x49: {  	[tilespmem:v6+s24+$0x0] =	vst.idx.msk $0xffff, v17  }
0x4a: {  	v17 =	vld [tilespmem:$0xC00];
	_ =	sdelay $0x4  }
0x4b: {  	v17 =	vadd.s32 v1, v17  }
0x4c: {  	[tilespmem:v7+s24+$0x0] =	vst.idx.msk $0xffff, v17  }
0x4d: {  	v17 =	vld [tilespmem:$0xC10];
	_ =	sdelay $0x4  }
0x4e: {  	v17 =	vadd.s32 v1, v17  }
0x4f: {  	[tilespmem:v8+s24+$0x0] =	vst.idx.msk $0xffff, v17  }
0x50: {  	v17 =	vld [tilespmem:$0x1000];
	_ =	sdelay $0x4  }
0x51: {  	v17 =	vadd.s32 v1, v17  }
0x52: {  	[tilespmem:v9+s24+$0x0] =	vst.idx.msk $0xffff, v17  }
0x53: {  	v17 =	vld [tilespmem:$0x1010];
	_ =	sdelay $0x4  }
0x54: {  	v17 =	vadd.s32 v1, v17  }
0x55: {  	[tilespmem:v10+s24+$0x0] =	vst.idx.msk $0xffff, v17  }
0x56: {  	v17 =	vld [tilespmem:$0x1400];
	_ =	sdelay $0x4  }
0x57: {  	v17 =	vadd.s32 v1, v17  }
0x58: {  	[tilespmem:v11+s24+$0x0] =	vst.idx.msk $0xffff, v17  }
0x59: {  	v17 =	vld [tilespmem:$0x1410];
	_ =	sdelay $0x4  }
0x5a: {  	v17 =	vadd.s32 v1, v17  }
0x5b: {  	[tilespmem:v12+s24+$0x0] =	vst.idx.msk $0xffff, v17  }
0x5c: {  	v17 =	vld [tilespmem:$0x1800];
	_ =	sdelay $0x4  }
0x5d: {  	v17 =	vadd.s32 v1, v17  }
0x5e: {  	[tilespmem:v13+s24+$0x0] =	vst.idx.msk $0xffff, v17  }
0x5f: {  	v17 =	vld [tilespmem:$0x1810];
	_ =	sdelay $0x4  }
0x60: {  	v17 =	vadd.s32 v1, v17  }
0x61: {  	[tilespmem:v14+s24+$0x0] =	vst.idx.msk $0xffff, v17  }
0x62: {  	v17 =	vld [tilespmem:$0x1C00];
	_ =	sdelay $0x4  }
0x63: {  	v17 =	vadd.s32 v1, v17  }
0x64: {  	[tilespmem:v15+s24+$0x0] =	vst.idx.msk $0xffff, v17  }
0x65: {  	v17 =	vld [tilespmem:$0x1C10];
	_ =	sdelay $0x4  }
0x66: {  	v17 =	vadd.s32 v1, v17  }
0x67: {  	[tilespmem:v16+s24+$0x0] =	vst.idx.msk $0xffff, v17  }
0x68: {  	[tilespmem:s26], [sflag:$0x1] =	stream.indirect.gather [hbm4b:s5+s25], $0x80, s24, s25, $0xb8;
	[tilespmem:$0x12A00] =	vst v63  }
0x69: {  	v17 =	vld [tilespmem:$0x20];
	_ =	sdelay $0x4  }
0x6a: {  	v17 =	vadd.s32 v1, v17  }
0x6b: {  	[tilespmem:v0+s28+$0x0] =	vst.idx.msk $0xffff, v17  }
0x6c: {  	v17 =	vld [tilespmem:$0x30];
	_ =	sdelay $0x4  }
0x6d: {  	v17 =	vadd.s32 v1, v17  }
0x6e: {  	[tilespmem:v2+s28+$0x0] =	vst.idx.msk $0xffff, v17  }
0x6f: {  	v17 =	vld [tilespmem:$0x420];
	_ =	sdelay $0x4  }
0x70: {  	v17 =	vadd.s32 v1, v17  }
0x71: {  	[tilespmem:v3+s28+$0x0] =	vst.idx.msk $0xffff, v17  }
0x72: {  	v17 =	vld [tilespmem:$0x430];
	_ =	sdelay $0x4  }
0x73: {  	v17 =	vadd.s32 v1, v17  }
0x74: {  	[tilespmem:v4+s28+$0x0] =	vst.idx.msk $0xffff, v17  }
0x75: {  	v17 =	vld [tilespmem:$0x820];
	_ =	sdelay $0x4  }
0x76: {  	v17 =	vadd.s32 v1, v17  }
0x77: {  	[tilespmem:v5+s28+$0x0] =	vst.idx.msk $0xffff, v17  }
0x78: {  	v17 =	vld [tilespmem:$0x830];
	_ =	sdelay $0x4  }
0x79: {  	v17 =	vadd.s32 v1, v17  }
0x7a: {  	[tilespmem:v6+s28+$0x0] =	vst.idx.msk $0xffff, v17  }
0x7b: {  	v17 =	vld [tilespmem:$0xC20];
	_ =	sdelay $0x4  }
0x7c: {  	v17 =	vadd.s32 v1, v17  }
0x7d: {  	[tilespmem:v7+s28+$0x0] =	vst.idx.msk $0xffff, v17  }
0x7e: {  	v17 =	vld [tilespmem:$0xC30];
	_ =	sdelay $0x4  }
0x7f: {  	v17 =	vadd.s32 v1, v17  }
0x80: {  	[tilespmem:v8+s28+$0x0] =	vst.idx.msk $0xffff, v17  }
0x81: {  	v17 =	vld [tilespmem:$0x1020];
	_ =	sdelay $0x4  }
0x82: {  	v17 =	vadd.s32 v1, v17  }
0x83: {  	[tilespmem:v9+s28+$0x0] =	vst.idx.msk $0xffff, v17  }
0x84: {  	v17 =	vld [tilespmem:$0x1030];
	_ =	sdelay $0x4  }
0x85: {  	v17 =	vadd.s32 v1, v17  }
0x86: {  	[tilespmem:v10+s28+$0x0] =	vst.idx.msk $0xffff, v17  }
0x87: {  	v17 =	vld [tilespmem:$0x1420];
	_ =	sdelay $0x4  }
0x88: {  	v17 =	vadd.s32 v1, v17  }
0x89: {  	[tilespmem:v11+s28+$0x0] =	vst.idx.msk $0xffff, v17  }
0x8a: {  	v17 =	vld [tilespmem:$0x1430];
	_ =	sdelay $0x4  }
0x8b: {  	v17 =	vadd.s32 v1, v17  }
0x8c: {  	[tilespmem:v12+s28+$0x0] =	vst.idx.msk $0xffff, v17  }
0x8d: {  	v17 =	vld [tilespmem:$0x1820];
	_ =	sdelay $0x4  }
0x8e: {  	v17 =	vadd.s32 v1, v17  }
0x8f: {  	[tilespmem:v13+s28+$0x0] =	vst.idx.msk $0xffff, v17  }
0x90: {  	v17 =	vld [tilespmem:$0x1830];
	_ =	sdelay $0x4  }
0x91: {  	v17 =	vadd.s32 v1, v17  }
0x92: {  	[tilespmem:v14+s28+$0x0] =	vst.idx.msk $0xffff, v17  }
0x93: {  	v17 =	vld [tilespmem:$0x1C20];
	_ =	sdelay $0x4  }
0x94: {  	v17 =	vadd.s32 v1, v17  }
0x95: {  	[tilespmem:v15+s28+$0x0] =	vst.idx.msk $0xffff, v17  }
0x96: {  	v17 =	vld [tilespmem:$0x1C30];
	_ =	sdelay $0x4  }
0x97: {  	v17 =	vadd.s32 v1, v17  }
0x98: {  	s0 =	simm.s32 $0x0;
	[tilespmem:v16+s28+$0x0] =	vst.idx.msk $0xffff, v17  }
0x99: {  	[tilespmem:s29], [sflag:$0x2] =	stream.indirect.gather [hbm4b:s5+s25], $0x80, s28, s25, $0xb8;
	[tilespmem:$0x12A00] =	vst v63  }
.LBB2_2:
0x9a: {  	_ =	swait.ge [sflag:s4], $0x8000  }
0x9b: {  	[sflag:s4] =	ssyncset.done $0x0  }
0x9c: {  	s17 =	simm.s32 $0x2400;
	[sflag:s4] =	ssyncadd.s32 $0xFFFF8000  }
0x9d: {  	v17 =	vld [tilespmem:s17+$0xFFFFFEC0]  }
0x9e: {  	v18 =	vld [tilespmem:s17+$0xFFFFFE40]  }
0x9f: {  	v19 =	vld [tilespmem:s17+$0xFFFFFF40]  }
0xa0: {  	v20 =	vld [tilespmem:s17+$0xFFFFFFC0]  }
0xa1: {  	v21 =	vld [tilespmem:s17+$0x40]  }
0xa2: {  	v22 =	vld [tilespmem:s17+$0xC0]  }
0xa3: {  	v23 =	vld [tilespmem:s17+$0x140];
	v24 =	vmax.f32 v18, v17  }
0xa4: {  	v25 =	vld [tilespmem:s17+$0x1C0];
	v24 =	vmax.f32 v24, v19  }
0xa5: {  	v24 =	vmax.f32 v24, v20  }
0xa6: {  	v24 =	vmax.f32 v24, v21  }
0xa7: {  	v24 =	vmax.f32 v24, v22  }
0xa8: {  	v24 =	vmax.f32 v24, v23  }
0xa9: {  	v24 =	vmax.f32 v24, v25  }
0xaa: {  	v18 =	vsub.f32 v18, v24  }
0xab: {  	v17 =	vsub.f32 v17, v24  }
0xac: {  	v18 =	vmul.f32 $1.442695020e+00, v18  }
0xad: {  	v19 =	vsub.f32 v19, v24;
	v17 =	vmul.f32 $1.442695020e+00, v17  }
0xae: {  	(erf) = vpow2.f32 v18  }
0xaf: {  	v19 =	vmul.f32 $1.442695020e+00, v19;
	v18 =	vsub.f32 v20, v24;
	(erf) = vpow2.f32 v17;
	_ =	sdelay $0x1  }
0xb0: {  	v17 =	vsub.f32 v21, v24;
	v18 =	vmul.f32 $1.442695020e+00, v18;
	(erf) = vpow2.f32 v19;
	_ =	sdelay $0x1  }
0xb1: {  	v19 =	vsub.f32 v22, v24;
	v17 =	vmul.f32 $1.442695020e+00, v17;
	(erf) = vpow2.f32 v18;
	_ =	sdelay $0x1  }
0xb2: {  	v18 =	vsub.f32 v23, v24;
	v19 =	vmul.f32 $1.442695020e+00, v19;
	(erf) = vpow2.f32 v17;
	_ =	sdelay $0x1  }
0xb3: {  	v17 =	vsub.f32 v25, v24;
	v18 =	vmul.f32 $1.442695020e+00, v18;
	v28 =	vpop (erf);
	(erf) = vpow2.f32 v19  }
0xb4: {  	v29 =	vpop (erf)  }
0xb5: {  	v17 =	vmul.f32 $1.442695020e+00, v17;
	(erf) = vpow2.f32 v18;
	v19 =	vadd.f32 v29, v28  }
0xb6: {  	v30 =	vpop (erf)  }
0xb7: {  	(erf) = vpow2.f32 v17;
	v18 =	vadd.f32 v19, v30  }
0xb8: {  	v31 =	vpop (erf)  }
0xb9: {  	v17 =	vadd.f32 v18, v31  }
0xba: {  	v27 =	vpop (erf)  }
0xbb: {  	v20 =	vadd.f32 v17, v27  }
0xbc: {  	v25 =	vpop (erf)  }
0xbd: {  	v22 =	vadd.f32 v20, v25  }
0xbe: {  	v26 =	vld [tilespmem:s17+$0x80];
	v24 =	vpop (erf)  }
0xbf: {  	v32 =	vld [tilespmem:s17+$0x0];
	v22 =	vadd.f32 v22, v24  }
0xc0: {  	v21 =	vld [tilespmem:s17+$0x100];
	v33 =	vpop (erf)  }
0xc1: {  	v23 =	vld [tilespmem:s17+$0xFFFFFF30];
	v34 =	vadd.f32 v22, v33  }
0xc2: {  	v19 =	vld [tilespmem:s17+$0x1B0]  }
0xc3: {  	v18 =	vld [tilespmem:s17+$0x1A0];
	(erf) = vrcp.f32 v34  }
0xc4: {  	v17 =	vld [tilespmem:s17+$0x190]  }
0xc5: {  	v20 =	vld [tilespmem:s17+$0x130]  }
0xc6: {  	v22 =	vld [tilespmem:s17+$0x180]  }
0xc7: {  	s18 =	simm.s32 $0x0;
	s19 =	simm.s32 $0x40;
	s20 =	simm.s32 $0x2400;
	v34 =	vld [tilespmem:s17+$0xFFFFFF00]  }
.LBB2_3:
0xc8: {  	p0 =	sne.s32 s19, $0x7C0  }
0xc9: {  	v35 =	vld [tilespmem:s17+$0xFFFFFE80];
	s20 =	sadd.s32 $0x400, s20;
	s21 =	smov.u32 s19;
	s19 =	sadd.s32 $0x40, s19  }
0xca: {  	v36 =	vld [tilespmem:s17+$0xFFFFFE00]  }
0xcb: {  	v37 =	vld [tilespmem:s17+$0xFFFFFE10]  }
0xcc: {  	v38 =	vld [tilespmem:s17+$0xFFFFFE30];
	v39 =	vpop (erf)  }
0xcd: {  	v28 =	vmul.f32 v39, v28;
	v29 =	vmul.f32 v39, v29;
	v40 =	vld [tilespmem:s17+$0xFFFFFF10]  }
0xce: {  	v30 =	vmul.f32 v39, v30;
	v31 =	vmul.f32 v39, v31;
	v41 =	vld [tilespmem:s17+$0xFFFFFF80]  }
0xcf: {  	v36 =	vmul.f32 v28, v36;
	v35 =	vmul.f32 v29, v35;
	v42 =	vld [tilespmem:s17+$0xFFFFFF90]  }
0xd0: {  	v33 =	vmul.f32 v39, v33;
	v37 =	vmul.f32 v28, v37;
	v43 =	vld [tilespmem:s17+$0xFFFFFE20]  }
0xd1: {  	v34 =	vmul.f32 v30, v34;
	v38 =	vmul.f32 v28, v38;
	v35 =	vadd.f32 v35, v36;
	v36 =	vld [tilespmem:s17+$0xFFFFFEB0]  }
0xd2: {  	v27 =	vmul.f32 v39, v27;
	v40 =	vmul.f32 v30, v40;
	v44 =	vld [tilespmem:s17+$0xFFFFFFB0]  }
0xd3: {  	v25 =	vmul.f32 v39, v25;
	v45 =	vld [tilespmem:s17+$0xFFFFFEA0];
	v34 =	vadd.f32 v35, v34;
	v35 =	vmul.f32 v41, v31  }
0xd4: {  	v24 =	vmul.f32 v39, v24;
	v41 =	vld [tilespmem:s17+$0xFFFFFE90];
	v42 =	vmul.f32 v42, v31  }
0xd5: {  	v32 =	vmul.f32 v32, v27;
	v28 =	vmul.f32 v28, v43;
	v39 =	vld [tilespmem:s17+$0xFFFFFF20];
	v34 =	vadd.f32 v34, v35  }
0xd6: {  	v22 =	vmul.f32 v22, v33;
	v35 =	vmul.f32 v29, v36;
	v36 =	vld [tilespmem:s17+$0xFFFFFFA0]  }
0xd7: {  	v26 =	vmul.f32 v26, v25;
	v43 =	vmul.f32 v44, v31;
	v32 =	vadd.f32 v32, v34;
	v34 =	vld [tilespmem:s17+$0x30]  }
0xd8: {  	v23 =	vmul.f32 v30, v23;
	v44 =	vmul.f32 v29, v45;
	v35 =	vadd.f32 v35, v38;
	v38 =	vld [tilespmem:s17+$0x20]  }
0xd9: {  	v21 =	vmul.f32 v21, v24;
	v29 =	vmul.f32 v29, v41;
	v26 =	vadd.f32 v26, v32;
	v32 =	vld [tilespmem:s17+$0xB0]  }
0xda: {  	v28 =	vadd.f32 v44, v28;
	v30 =	vmul.f32 v30, v39;
	v23 =	vadd.f32 v35, v23;
	v35 =	vld [tilespmem:s17+$0x10]  }
0xdb: {  	v29 =	vadd.f32 v29, v37;
	v31 =	vmul.f32 v36, v31;
	v36 =	vld [tilespmem:s17+$0xA0];
	v21 =	vadd.f32 v21, v26  }
0xdc: {  	v26 =	vadd.f32 v28, v30;
	v23 =	vadd.f32 v43, v23;
	v28 =	vmul.f32 v34, v27;
	v30 =	vld [tilespmem:s17+$0x90]  }
0xdd: {  	v29 =	vadd.f32 v29, v40;
	v34 =	vmul.f32 v38, v27;
	v37 =	vld [tilespmem:s17+$0x120];
	v21 =	vadd.f32 v22, v21  }
0xde: {  	s22 =	sand.u32 $0x7C0, s18;
	s18 =	smov.u32 s21;
	v22 =	vadd.f32 v31, v26;
	v23 =	vadd.f32 v28, v23;
	v26 =	vmul.f32 v32, v25;
	v28 =	vld [tilespmem:s17+$0x110];
	s17 =	smov.u32 s20  }
0xdf: {  	v20 =	vmul.f32 v20, v24;
	v29 =	vadd.f32 v29, v42;
	v27 =	vmul.f32 v35, v27;
	[tilespmem:s22+$0x12200] =	vst v21  }
0xe0: {  	v21 =	vadd.f32 v34, v22;
	v22 =	vmul.f32 v36, v25;
	v23 =	vadd.f32 v26, v23  }
0xe1: {  	v19 =	vmul.f32 v19, v33;
	v26 =	vadd.f32 v27, v29;
	v25 =	vmul.f32 v30, v25  }
0xe2: {  	v21 =	vadd.f32 v22, v21;
	v22 =	vmul.f32 v37, v24;
	v20 =	vadd.f32 v20, v23  }
0xe3: {  	v23 =	vadd.f32 v25, v26;
	v24 =	vmul.f32 v28, v24  }
0xe4: {  	v18 =	vmul.f32 v18, v33;
	v21 =	vadd.f32 v22, v21;
	v19 =	vadd.f32 v19, v20  }
0xe5: {  	s21 =	sadd.s32 $0x12200, s22;
	v17 =	vmul.f32 v17, v33;
	v20 =	vadd.f32 v24, v23  }
0xe6: {  	v18 =	vadd.f32 v18, v21;
	[tilespmem:s21+$0x30] =	vst v19  }
0xe7: {  	v17 =	vadd.f32 v17, v20  }
0xe8: {  	[tilespmem:s21+$0x20] =	vst v18  }
0xe9: {  	[tilespmem:s21+$0x10] =	vst v17  }
0xea: {  	v17 =	vld [tilespmem:s20+$0xFFFFFEC0]  }
0xeb: {  	v18 =	vld [tilespmem:s20+$0xFFFFFF40]  }
0xec: {  	v19 =	vld [tilespmem:s20+$0xFFFFFE40]  }
0xed: {  	v20 =	vld [tilespmem:s20+$0xFFFFFFC0]  }
0xee: {  	v21 =	vld [tilespmem:s20+$0x40]  }
0xef: {  	v22 =	vld [tilespmem:s20+$0xC0]  }
0xf0: {  	v23 =	vld [tilespmem:s20+$0x140]  }
0xf1: {  	v24 =	vld [tilespmem:s20+$0x1C0];
	v25 =	vmax.f32 v19, v17  }
0xf2: {  	v25 =	vmax.f32 v25, v18  }
0xf3: {  	v25 =	vmax.f32 v25, v20  }
0xf4: {  	v25 =	vmax.f32 v25, v21  }
0xf5: {  	v25 =	vmax.f32 v25, v22  }
0xf6: {  	v25 =	vmax.f32 v25, v23  }
0xf7: {  	v25 =	vmax.f32 v25, v24  }
0xf8: {  	v19 =	vsub.f32 v19, v25;
	v17 =	vsub.f32 v17, v25  }
0xf9: {  	v18 =	vsub.f32 v18, v25;
	v20 =	vsub.f32 v20, v25  }
0xfa: {  	v21 =	vsub.f32 v21, v25;
	v19 =	vmul.f32 $1.442695020e+00, v19;
	v17 =	vmul.f32 $1.442695020e+00, v17  }
0xfb: {  	v22 =	vsub.f32 v22, v25;
	v18 =	vmul.f32 $1.442695020e+00, v18;
	v20 =	vmul.f32 $1.442695020e+00, v20  }
0xfc: {  	v23 =	vsub.f32 v23, v25;
	v21 =	vmul.f32 $1.442695020e+00, v21;
	(erf) = vpow2.f32 v19  }
0xfd: {  	v19 =	vsub.f32 v24, v25;
	(erf) = vpow2.f32 v17  }
0xfe: {  	v17 =	vmul.f32 $1.442695020e+00, v23  }
0xff: {  	v19 =	vmul.f32 $1.442695020e+00, v19;
	(erf) = vpow2.f32 v18;
	_ =	sdelay $0x1  }
0x100: {  	(erf) = vpow2.f32 v20;
	_ =	sdelay $0x1  }
0x101: {  	v18 =	vmul.f32 $1.442695020e+00, v22;
	(erf) = vpow2.f32 v21;
	_ =	sdelay $0x1  }
0x102: {  	v28 =	vpop (erf);
	(erf) = vpow2.f32 v18  }
0x103: {  	v29 =	vpop (erf)  }
0x104: {  	v18 =	vadd.f32 v29, v28;
	(erf) = vpow2.f32 v17  }
0x105: {  	v30 =	vpop (erf)  }
0x106: {  	v17 =	vadd.f32 v18, v30;
	(erf) = vpow2.f32 v19  }
0x107: {  	v31 =	vpop (erf)  }
0x108: {  	v17 =	vadd.f32 v17, v31  }
0x109: {  	v27 =	vpop (erf)  }
0x10a: {  	v17 =	vadd.f32 v17, v27  }
0x10b: {  	v25 =	vpop (erf)  }
0x10c: {  	v17 =	vadd.f32 v17, v25  }
0x10d: {  	v24 =	vpop (erf)  }
0x10e: {  	v19 =	vadd.f32 v17, v24;
	v18 =	vld [tilespmem:s20+$0x1A0]  }
0x10f: {  	v17 =	vld [tilespmem:s20+$0x190];
	v33 =	vpop (erf)  }
0x110: {  	v22 =	vadd.f32 v19, v33;
	v19 =	vld [tilespmem:s20+$0x1B0]  }
0x111: {  	v20 =	vld [tilespmem:s20+$0x130]  }
0x112: {  	v21 =	vld [tilespmem:s20+$0x100];
	(erf) = vrcp.f32 v22  }
.Ltmp2:
0x113: {  	v23 =	vld [tilespmem:s20+$0xFFFFFF30];
	(pc) =	sbr.rel @p0 .LBB2_3-.Ltmp2, $4  }
0x114: {  	v26 =	vld [tilespmem:s20+$0x80]  }
0x115: {  	v22 =	vld [tilespmem:s20+$0x180]  }
0x116: {  	v32 =	vld [tilespmem:s20+$0x0]  }
0x117: {  	v34 =	vld [tilespmem:s20+$0xFFFFFF00]  }
0x118: {  	v35 =	vld [tilespmem:s17+$0xFFFFFE80]  }
0x119: {  	v36 =	vld [tilespmem:s17+$0xFFFFFE00]  }
0x11a: {  	v37 =	vld [tilespmem:s17+$0xFFFFFE10]  }
0x11b: {  	v38 =	vld [tilespmem:s17+$0xFFFFFE30]  }
0x11c: {  	v40 =	vld [tilespmem:s17+$0xFFFFFF10];
	v39 =	vpop (erf)  }
0x11d: {  	v41 =	vld [tilespmem:s17+$0xFFFFFF80];
	v28 =	vmul.f32 v39, v28;
	v29 =	vmul.f32 v39, v29  }
0x11e: {  	v42 =	vld [tilespmem:s17+$0xFFFFFF90];
	v30 =	vmul.f32 v39, v30;
	v31 =	vmul.f32 v39, v31  }
0x11f: {  	v43 =	vld [tilespmem:s17+$0xFFFFFE20];
	v33 =	vmul.f32 v39, v33;
	v27 =	vmul.f32 v39, v27  }
0x120: {  	v56 =	vld [tilespmem:s17+$0xFFFFFEB0];
	v25 =	vmul.f32 v39, v25;
	v24 =	vmul.f32 v39, v24  }
0x121: {  	v45 =	vld [tilespmem:s17+$0xFFFFFEA0];
	v36 =	vmul.f32 v28, v36;
	v35 =	vmul.f32 v29, v35  }
0x122: {  	v44 =	vld [tilespmem:s17+$0xFFFFFFB0];
	v37 =	vmul.f32 v28, v37;
	v34 =	vmul.f32 v30, v34  }
0x123: {  	v59 =	vld [tilespmem:s17+$0xFFFFFF20];
	v38 =	vmul.f32 v28, v38;
	v57 =	vmul.f32 v41, v31  }
0x124: {  	v58 =	vld [tilespmem:s17+$0xFFFFFE90];
	v40 =	vmul.f32 v30, v40;
	v42 =	vmul.f32 v42, v31  }
0x125: {  	v60 =	vld [tilespmem:s17+$0xFFFFFFA0];
	v32 =	vmul.f32 v32, v27;
	v28 =	vmul.f32 v28, v43;
	v35 =	vadd.f32 v35, v36  }
0x126: {  	v61 =	vld [tilespmem:s17+$0x30];
	v26 =	vmul.f32 v26, v25;
	v62 =	vmul.f32 v29, v45  }
0x127: {  	v63 =	vld [tilespmem:s17+$0x20];
	v23 =	vmul.f32 v30, v23;
	v44 =	vmul.f32 v44, v31;
	v34 =	vadd.f32 v35, v34  }
0x128: {  	v48 =	vld [tilespmem:s17+$0xB0];
	v30 =	vmul.f32 v30, v59;
	v36 =	vmul.f32 v29, v56;
	v28 =	vadd.f32 v62, v28  }
0x129: {  	v49 =	vld [tilespmem:s17+$0x10];
	v21 =	vmul.f32 v21, v24;
	v29 =	vmul.f32 v29, v58;
	v34 =	vadd.f32 v34, v57  }
0x12a: {  	v50 =	vld [tilespmem:s17+$0xA0];
	v31 =	vmul.f32 v60, v31;
	v36 =	vadd.f32 v36, v38;
	v28 =	vadd.f32 v28, v30  }
0x12b: {  	v54 =	vld [tilespmem:s17+$0x120];
	v51 =	vmul.f32 v61, v27;
	v29 =	vadd.f32 v29, v37;
	v32 =	vadd.f32 v32, v34  }
0x12c: {  	v52 =	vld [tilespmem:s17+$0x90];
	v55 =	vmul.f32 v63, v27;
	v23 =	vadd.f32 v36, v23;
	v28 =	vadd.f32 v31, v28  }
0x12d: {  	v22 =	vmul.f32 v22, v33;
	v53 =	vadd.f32 v29, v40;
	v26 =	vadd.f32 v26, v32  }
0x12e: {  	v27 =	vmul.f32 v49, v27;
	v56 =	vld [tilespmem:s17+$0x110];
	v23 =	vadd.f32 v44, v23;
	v28 =	vadd.f32 v55, v28  }
0x12f: {  	v58 =	vmul.f32 v50, v25;
	v21 =	vadd.f32 v21, v26;
	v26 =	vadd.f32 v53, v42  }
0x130: {  	v60 =	vmul.f32 v54, v24;
	v57 =	vmul.f32 v48, v25;
	v23 =	vadd.f32 v51, v23  }
0x131: {  	v25 =	vmul.f32 v52, v25;
	v59 =	vadd.f32 v58, v28;
	v26 =	vadd.f32 v27, v26  }
0x132: {  	v20 =	vmul.f32 v20, v24;
	v18 =	vmul.f32 v18, v33;
	v23 =	vadd.f32 v57, v23  }
0x133: {  	v24 =	vmul.f32 v56, v24;
	v62 =	vadd.f32 v60, v59;
	v61 =	vadd.f32 v25, v26  }
0x134: {  	v19 =	vmul.f32 v19, v33;
	v20 =	vadd.f32 v20, v23;
	v21 =	vadd.f32 v22, v21  }
0x135: {  	s21 =	sand.u32 $0x7C0, s18;
	v17 =	vmul.f32 v17, v33;
	v18 =	vadd.f32 v18, v62;
	v63 =	vadd.f32 v24, v61  }
0x136: {  	s22 =	sshll.u32 s0, $0xC;
	s17 =	sadd.s32 $0x12200, s21;
	v19 =	vadd.f32 v19, v20;
	[tilespmem:s21+$0x12200] =	vst v21  }
0x137: {  	s18 =	sor.u32 s22, s14;
	[tilespmem:s17+$0x20] =	vst v18;
	v17 =	vadd.f32 v17, v63  }
0x138: {  	p0 =	seq.s32 s0, $0xF;
	s18 =	sshrl.u32 s18, $0x3;
	[tilespmem:s17+$0x30] =	vst v19  }
.Ltmp3:
0x139: {  	s23 =	sadd.s32 s2, s18;
	[tilespmem:s17+$0x10] =	vst v17;
	(pc) =	sbr.rel @p0 .LBB2_6-.Ltmp3, $4  }
0x13a: {  	[hbm4b:s23+s3] =	stream.linear.scatter [tilespmem:s30], [sflag:$0x3], $0x800, $0x38;
	[tilespmem:$0x12A00] =	vst v63  }
0x13b: {  	_ =	swait.ge [sflag:s16], $0x800  }
0x13c: {  	[sflag:s16] =	ssyncset.done $0x0  }
0x13d: {  	s17 =	sshll.u32 s0, $0x6;
	[sflag:s16] =	ssyncadd.s32 $0xFFFFF800  }
0x13e: {  	s20 =	sadd.s32 $0x40, s17  }
0x13f: {  	s19 =	sand.u32 $0x40, s20;
	s21 =	sand.u32 $0x780, s20  }
0x140: {  	s20 =	sor.u32 s19, s21  }
0x141: {  	v17 =	vld [tilespmem:s20+$0x0];
	_ =	sdelay $0x4  }
0x142: {  	s20 =	sor.u32 $0x10, s19;
	v17 =	vadd.s32 v1, v17  }
0x143: {  	s22 =	sor.u32 s20, s21;
	[tilespmem:v0+s24+$0x0] =	vst.idx.msk $0xffff, v17  }
0x144: {  	v17 =	vld [tilespmem:s22+$0x0];
	_ =	sdelay $0x4  }
0x145: {  	s6 =	sadd.s32 $0x400, s21;
	v17 =	vadd.s32 v1, v17  }
0x146: {  	s23 =	sor.u32 s19, s6;
	[tilespmem:v2+s24+$0x0] =	vst.idx.msk $0xffff, v17  }
0x147: {  	v17 =	vld [tilespmem:s23+$0x0];
	_ =	sdelay $0x4  }
0x148: {  	v17 =	vadd.s32 v1, v17  }
0x149: {  	s22 =	sor.u32 s20, s6;
	[tilespmem:v3+s24+$0x0] =	vst.idx.msk $0xffff, v17  }
0x14a: {  	v17 =	vld [tilespmem:s22+$0x0];
	_ =	sdelay $0x4  }
0x14b: {  	s22 =	sor.u32 $0x800, s21;
	v17 =	vadd.s32 v1, v17  }
0x14c: {  	s6 =	sor.u32 s19, s22;
	[tilespmem:v4+s24+$0x0] =	vst.idx.msk $0xffff, v17  }
0x14d: {  	v17 =	vld [tilespmem:s6+$0x0];
	_ =	sdelay $0x4  }
0x14e: {  	v17 =	vadd.s32 v1, v17  }
0x14f: {  	s22 =	sor.u32 s20, s22;
	[tilespmem:v5+s24+$0x0] =	vst.idx.msk $0xffff, v17  }
0x150: {  	v17 =	vld [tilespmem:s22+$0x0];
	_ =	sdelay $0x4  }
0x151: {  	s22 =	sadd.s32 $0xC00, s21;
	v17 =	vadd.s32 v1, v17  }
0x152: {  	s6 =	sor.u32 s19, s22;
	[tilespmem:v6+s24+$0x0] =	vst.idx.msk $0xffff, v17  }
0x153: {  	v17 =	vld [tilespmem:s6+$0x0];
	_ =	sdelay $0x4  }
0x154: {  	v17 =	vadd.s32 v1, v17  }
0x155: {  	s22 =	sor.u32 s20, s22;
	[tilespmem:v7+s24+$0x0] =	vst.idx.msk $0xffff, v17  }
0x156: {  	v17 =	vld [tilespmem:s22+$0x0];
	_ =	sdelay $0x4  }
0x157: {  	s22 =	sor.u32 $0x1000, s21;
	v17 =	vadd.s32 v1, v17  }
0x158: {  	s6 =	sor.u32 s19, s22;
	[tilespmem:v8+s24+$0x0] =	vst.idx.msk $0xffff, v17  }
0x159: {  	v17 =	vld [tilespmem:s6+$0x0];
	_ =	sdelay $0x4  }
0x15a: {  	v17 =	vadd.s32 v1, v17  }
0x15b: {  	s22 =	sor.u32 s20, s22;
	[tilespmem:v9+s24+$0x0] =	vst.idx.msk $0xffff, v17  }
0x15c: {  	v17 =	vld [tilespmem:s22+$0x0];
	_ =	sdelay $0x4  }
0x15d: {  	s22 =	sadd.s32 $0x1400, s21;
	v17 =	vadd.s32 v1, v17  }
0x15e: {  	s6 =	sor.u32 s19, s22;
	[tilespmem:v10+s24+$0x0] =	vst.idx.msk $0xffff, v17  }
0x15f: {  	v17 =	vld [tilespmem:s6+$0x0];
	_ =	sdelay $0x4  }
0x160: {  	v17 =	vadd.s32 v1, v17  }
0x161: {  	s22 =	sor.u32 s20, s22;
	[tilespmem:v11+s24+$0x0] =	vst.idx.msk $0xffff, v17  }
0x162: {  	v17 =	vld [tilespmem:s22+$0x0];
	_ =	sdelay $0x4  }
0x163: {  	s22 =	sor.u32 $0x1800, s21;
	v17 =	vadd.s32 v1, v17  }
0x164: {  	s6 =	sor.u32 s19, s22;
	[tilespmem:v12+s24+$0x0] =	vst.idx.msk $0xffff, v17  }
0x165: {  	v17 =	vld [tilespmem:s6+$0x0];
	_ =	sdelay $0x4  }
0x166: {  	v17 =	vadd.s32 v1, v17  }
0x167: {  	s22 =	sor.u32 s20, s22;
	[tilespmem:v13+s24+$0x0] =	vst.idx.msk $0xffff, v17  }
0x168: {  	v17 =	vld [tilespmem:s22+$0x0];
	_ =	sdelay $0x4  }
0x169: {  	s21 =	sadd.s32 $0x1C00, s21;
	v17 =	vadd.s32 v1, v17  }
0x16a: {  	s19 =	sor.u32 s19, s21;
	[tilespmem:v14+s24+$0x0] =	vst.idx.msk $0xffff, v17  }
0x16b: {  	v17 =	vld [tilespmem:s19+$0x0];
	_ =	sdelay $0x4  }
0x16c: {  	v17 =	vadd.s32 v1, v17  }
0x16d: {  	s23 =	sor.u32 s20, s21;
	[tilespmem:v15+s24+$0x0] =	vst.idx.msk $0xffff, v17  }
0x16e: {  	v17 =	vld [tilespmem:s23+$0x0];
	_ =	sdelay $0x4  }
0x16f: {  	v17 =	vadd.s32 v1, v17  }
0x170: {  	[tilespmem:v16+s24+$0x0] =	vst.idx.msk $0xffff, v17  }
0x171: {  	[tilespmem:s26], [sflag:$0x1] =	stream.indirect.gather [hbm4b:s5+s25], $0x80, s24, s25, $0xb8;
	[tilespmem:$0x12A00] =	vst v63  }
.LBB2_6:
0x172: {  	_ =	swait.ge [sflag:s31], $0x8000  }
0x173: {  	[sflag:s31] =	ssyncset.done $0x0  }
0x174: {  	s19 =	simm.s32 $0xA400;
	[sflag:s31] =	ssyncadd.s32 $0xFFFF8000  }
0x175: {  	v17 =	vld [tilespmem:s19+$0xFFFFFEC0]  }
0x176: {  	v18 =	vld [tilespmem:s19+$0xFFFFFE40]  }
0x177: {  	v19 =	vld [tilespmem:s19+$0xFFFFFF40]  }
0x178: {  	v20 =	vld [tilespmem:s19+$0xFFFFFFC0]  }
0x179: {  	v21 =	vld [tilespmem:s19+$0x40]  }
0x17a: {  	v22 =	vld [tilespmem:s19+$0xC0]  }
0x17b: {  	v23 =	vld [tilespmem:s19+$0x140];
	v24 =	vmax.f32 v18, v17  }
0x17c: {  	v25 =	vld [tilespmem:s19+$0x1C0];
	v24 =	vmax.f32 v24, v19  }
0x17d: {  	v24 =	vmax.f32 v24, v20  }
0x17e: {  	v24 =	vmax.f32 v24, v21  }
0x17f: {  	v24 =	vmax.f32 v24, v22  }
0x180: {  	v24 =	vmax.f32 v24, v23  }
0x181: {  	v24 =	vmax.f32 v24, v25  }
0x182: {  	v18 =	vsub.f32 v18, v24  }
0x183: {  	v17 =	vsub.f32 v17, v24  }
0x184: {  	v18 =	vmul.f32 $1.442695020e+00, v18  }
0x185: {  	v19 =	vsub.f32 v19, v24;
	v17 =	vmul.f32 $1.442695020e+00, v17  }
0x186: {  	(erf) = vpow2.f32 v18  }
0x187: {  	v19 =	vmul.f32 $1.442695020e+00, v19;
	v18 =	vsub.f32 v20, v24;
	(erf) = vpow2.f32 v17;
	_ =	sdelay $0x1  }
0x188: {  	v17 =	vsub.f32 v21, v24;
	v18 =	vmul.f32 $1.442695020e+00, v18;
	(erf) = vpow2.f32 v19;
	_ =	sdelay $0x1  }
0x189: {  	v19 =	vsub.f32 v22, v24;
	v17 =	vmul.f32 $1.442695020e+00, v17;
	(erf) = vpow2.f32 v18;
	_ =	sdelay $0x1  }
0x18a: {  	v18 =	vsub.f32 v23, v24;
	v19 =	vmul.f32 $1.442695020e+00, v19;
	(erf) = vpow2.f32 v17;
	_ =	sdelay $0x1  }
0x18b: {  	v17 =	vsub.f32 v25, v24;
	v18 =	vmul.f32 $1.442695020e+00, v18;
	v28 =	vpop (erf);
	(erf) = vpow2.f32 v19  }
0x18c: {  	v29 =	vpop (erf)  }
0x18d: {  	v17 =	vmul.f32 $1.442695020e+00, v17;
	(erf) = vpow2.f32 v18;
	v19 =	vadd.f32 v29, v28  }
0x18e: {  	v30 =	vpop (erf)  }
0x18f: {  	(erf) = vpow2.f32 v17;
	v18 =	vadd.f32 v19, v30  }
0x190: {  	v31 =	vpop (erf)  }
0x191: {  	v17 =	vadd.f32 v18, v31  }
0x192: {  	v27 =	vpop (erf)  }
0x193: {  	v20 =	vadd.f32 v17, v27  }
0x194: {  	v25 =	vpop (erf)  }
0x195: {  	v22 =	vadd.f32 v20, v25  }
0x196: {  	v26 =	vld [tilespmem:s19+$0x80];
	v24 =	vpop (erf)  }
0x197: {  	v32 =	vld [tilespmem:s19+$0x0];
	v22 =	vadd.f32 v22, v24  }
0x198: {  	v21 =	vld [tilespmem:s19+$0x100];
	v33 =	vpop (erf)  }
0x199: {  	v23 =	vld [tilespmem:s19+$0xFFFFFF30];
	v34 =	vadd.f32 v22, v33  }
0x19a: {  	v19 =	vld [tilespmem:s19+$0x1B0]  }
0x19b: {  	v18 =	vld [tilespmem:s19+$0x1A0];
	(erf) = vrcp.f32 v34  }
0x19c: {  	v17 =	vld [tilespmem:s19+$0x190]  }
0x19d: {  	v20 =	vld [tilespmem:s19+$0x130]  }
0x19e: {  	v22 =	vld [tilespmem:s19+$0x180]  }
0x19f: {  	s20 =	simm.s32 $0x0;
	s21 =	simm.s32 $0x40;
	s22 =	simm.s32 $0xA400;
	v34 =	vld [tilespmem:s19+$0xFFFFFF00]  }
.LBB2_7:
0x1a0: {  	p1 =	sne.s32 s21, $0x7C0  }
0x1a1: {  	v35 =	vld [tilespmem:s19+$0xFFFFFE80];
	s22 =	sadd.s32 $0x400, s22;
	s23 =	smov.u32 s21;
	s21 =	sadd.s32 $0x40, s21  }
0x1a2: {  	v36 =	vld [tilespmem:s19+$0xFFFFFE00]  }
0x1a3: {  	v37 =	vld [tilespmem:s19+$0xFFFFFE10]  }
0x1a4: {  	v38 =	vld [tilespmem:s19+$0xFFFFFE30];
	v39 =	vpop (erf)  }
0x1a5: {  	v28 =	vmul.f32 v39, v28;
	v29 =	vmul.f32 v39, v29;
	v40 =	vld [tilespmem:s19+$0xFFFFFF10]  }
0x1a6: {  	v30 =	vmul.f32 v39, v30;
	v31 =	vmul.f32 v39, v31;
	v41 =	vld [tilespmem:s19+$0xFFFFFF80]  }
0x1a7: {  	v36 =	vmul.f32 v28, v36;
	v35 =	vmul.f32 v29, v35;
	v42 =	vld [tilespmem:s19+$0xFFFFFF90]  }
0x1a8: {  	v33 =	vmul.f32 v39, v33;
	v37 =	vmul.f32 v28, v37;
	v43 =	vld [tilespmem:s19+$0xFFFFFE20]  }
0x1a9: {  	v34 =	vmul.f32 v30, v34;
	v38 =	vmul.f32 v28, v38;
	v35 =	vadd.f32 v35, v36;
	v36 =	vld [tilespmem:s19+$0xFFFFFEB0]  }
0x1aa: {  	v27 =	vmul.f32 v39, v27;
	v40 =	vmul.f32 v30, v40;
	v44 =	vld [tilespmem:s19+$0xFFFFFFB0]  }
0x1ab: {  	v25 =	vmul.f32 v39, v25;
	v45 =	vld [tilespmem:s19+$0xFFFFFEA0];
	v34 =	vadd.f32 v35, v34;
	v35 =	vmul.f32 v41, v31  }
0x1ac: {  	v24 =	vmul.f32 v39, v24;
	v41 =	vld [tilespmem:s19+$0xFFFFFE90];
	v42 =	vmul.f32 v42, v31  }
0x1ad: {  	v32 =	vmul.f32 v32, v27;
	v28 =	vmul.f32 v28, v43;
	v39 =	vld [tilespmem:s19+$0xFFFFFF20];
	v34 =	vadd.f32 v34, v35  }
0x1ae: {  	v22 =	vmul.f32 v22, v33;
	v35 =	vmul.f32 v29, v36;
	v36 =	vld [tilespmem:s19+$0xFFFFFFA0]  }
0x1af: {  	v26 =	vmul.f32 v26, v25;
	v43 =	vmul.f32 v44, v31;
	v32 =	vadd.f32 v32, v34;
	v34 =	vld [tilespmem:s19+$0x30]  }
0x1b0: {  	v23 =	vmul.f32 v30, v23;
	v44 =	vmul.f32 v29, v45;
	v35 =	vadd.f32 v35, v38;
	v38 =	vld [tilespmem:s19+$0x20]  }
0x1b1: {  	v21 =	vmul.f32 v21, v24;
	v29 =	vmul.f32 v29, v41;
	v26 =	vadd.f32 v26, v32;
	v32 =	vld [tilespmem:s19+$0xB0]  }
0x1b2: {  	v28 =	vadd.f32 v44, v28;
	v30 =	vmul.f32 v30, v39;
	v23 =	vadd.f32 v35, v23;
	v35 =	vld [tilespmem:s19+$0x10]  }
0x1b3: {  	v29 =	vadd.f32 v29, v37;
	v31 =	vmul.f32 v36, v31;
	v36 =	vld [tilespmem:s19+$0xA0];
	v21 =	vadd.f32 v21, v26  }
0x1b4: {  	v26 =	vadd.f32 v28, v30;
	v23 =	vadd.f32 v43, v23;
	v28 =	vmul.f32 v34, v27;
	v30 =	vld [tilespmem:s19+$0x90]  }
0x1b5: {  	v29 =	vadd.f32 v29, v40;
	v34 =	vmul.f32 v38, v27;
	v37 =	vld [tilespmem:s19+$0x120];
	v21 =	vadd.f32 v22, v21  }
0x1b6: {  	s6 =	sand.u32 $0x7C0, s20;
	s20 =	smov.u32 s23;
	v22 =	vadd.f32 v31, v26;
	v23 =	vadd.f32 v28, v23;
	v26 =	vmul.f32 v32, v25;
	v28 =	vld [tilespmem:s19+$0x110];
	s19 =	smov.u32 s22  }
0x1b7: {  	v20 =	vmul.f32 v20, v24;
	v29 =	vadd.f32 v29, v42;
	v27 =	vmul.f32 v35, v27;
	[tilespmem:s6+$0x12200] =	vst v21  }
0x1b8: {  	v21 =	vadd.f32 v34, v22;
	v22 =	vmul.f32 v36, v25;
	v23 =	vadd.f32 v26, v23  }
0x1b9: {  	v19 =	vmul.f32 v19, v33;
	v26 =	vadd.f32 v27, v29;
	v25 =	vmul.f32 v30, v25  }
0x1ba: {  	v21 =	vadd.f32 v22, v21;
	v22 =	vmul.f32 v37, v24;
	v20 =	vadd.f32 v20, v23  }
0x1bb: {  	v23 =	vadd.f32 v25, v26;
	v24 =	vmul.f32 v28, v24  }
0x1bc: {  	v18 =	vmul.f32 v18, v33;
	v21 =	vadd.f32 v22, v21;
	v19 =	vadd.f32 v19, v20  }
0x1bd: {  	v17 =	vmul.f32 v17, v33;
	s6 =	sadd.s32 $0x12200, s6;
	v20 =	vadd.f32 v24, v23  }
0x1be: {  	v18 =	vadd.f32 v18, v21;
	[tilespmem:s6+$0x30] =	vst v19  }
0x1bf: {  	v17 =	vadd.f32 v17, v20  }
0x1c0: {  	[tilespmem:s6+$0x20] =	vst v18  }
0x1c1: {  	[tilespmem:s6+$0x10] =	vst v17  }
0x1c2: {  	v17 =	vld [tilespmem:s22+$0xFFFFFEC0]  }
0x1c3: {  	v18 =	vld [tilespmem:s22+$0xFFFFFF40]  }
0x1c4: {  	v19 =	vld [tilespmem:s22+$0xFFFFFE40]  }
0x1c5: {  	v20 =	vld [tilespmem:s22+$0xFFFFFFC0]  }
0x1c6: {  	v21 =	vld [tilespmem:s22+$0x40]  }
0x1c7: {  	v22 =	vld [tilespmem:s22+$0xC0]  }
0x1c8: {  	v23 =	vld [tilespmem:s22+$0x140]  }
0x1c9: {  	v24 =	vld [tilespmem:s22+$0x1C0];
	v25 =	vmax.f32 v19, v17  }
0x1ca: {  	v25 =	vmax.f32 v25, v18  }
0x1cb: {  	v25 =	vmax.f32 v25, v20  }
0x1cc: {  	v25 =	vmax.f32 v25, v21  }
0x1cd: {  	v25 =	vmax.f32 v25, v22  }
0x1ce: {  	v25 =	vmax.f32 v25, v23  }
0x1cf: {  	v25 =	vmax.f32 v25, v24  }
0x1d0: {  	v19 =	vsub.f32 v19, v25;
	v17 =	vsub.f32 v17, v25  }
0x1d1: {  	v18 =	vsub.f32 v18, v25;
	v20 =	vsub.f32 v20, v25  }
0x1d2: {  	v21 =	vsub.f32 v21, v25;
	v19 =	vmul.f32 $1.442695020e+00, v19;
	v17 =	vmul.f32 $1.442695020e+00, v17  }
0x1d3: {  	v22 =	vsub.f32 v22, v25;
	v18 =	vmul.f32 $1.442695020e+00, v18;
	v20 =	vmul.f32 $1.442695020e+00, v20  }
0x1d4: {  	v23 =	vsub.f32 v23, v25;
	v21 =	vmul.f32 $1.442695020e+00, v21;
	(erf) = vpow2.f32 v19  }
0x1d5: {  	v19 =	vsub.f32 v24, v25;
	(erf) = vpow2.f32 v17  }
0x1d6: {  	v17 =	vmul.f32 $1.442695020e+00, v23  }
0x1d7: {  	v19 =	vmul.f32 $1.442695020e+00, v19;
	(erf) = vpow2.f32 v18;
	_ =	sdelay $0x1  }
0x1d8: {  	(erf) = vpow2.f32 v20;
	_ =	sdelay $0x1  }
0x1d9: {  	v18 =	vmul.f32 $1.442695020e+00, v22;
	(erf) = vpow2.f32 v21;
	_ =	sdelay $0x1  }
0x1da: {  	v28 =	vpop (erf);
	(erf) = vpow2.f32 v18  }
0x1db: {  	v29 =	vpop (erf)  }
0x1dc: {  	v18 =	vadd.f32 v29, v28;
	(erf) = vpow2.f32 v17  }
0x1dd: {  	v30 =	vpop (erf)  }
0x1de: {  	v17 =	vadd.f32 v18, v30;
	(erf) = vpow2.f32 v19  }
0x1df: {  	v31 =	vpop (erf)  }
0x1e0: {  	v17 =	vadd.f32 v17, v31  }
0x1e1: {  	v27 =	vpop (erf)  }
0x1e2: {  	v17 =	vadd.f32 v17, v27  }
0x1e3: {  	v25 =	vpop (erf)  }
0x1e4: {  	v17 =	vadd.f32 v17, v25  }
0x1e5: {  	v24 =	vpop (erf)  }
0x1e6: {  	v19 =	vadd.f32 v17, v24;
	v18 =	vld [tilespmem:s22+$0x1A0]  }
0x1e7: {  	v17 =	vld [tilespmem:s22+$0x190];
	v33 =	vpop (erf)  }
0x1e8: {  	v22 =	vadd.f32 v19, v33;
	v19 =	vld [tilespmem:s22+$0x1B0]  }
0x1e9: {  	v20 =	vld [tilespmem:s22+$0x130]  }
0x1ea: {  	v21 =	vld [tilespmem:s22+$0x100];
	(erf) = vrcp.f32 v22  }
.Ltmp4:
0x1eb: {  	v23 =	vld [tilespmem:s22+$0xFFFFFF30];
	(pc) =	sbr.rel @p1 .LBB2_7-.Ltmp4, $4  }
0x1ec: {  	v26 =	vld [tilespmem:s22+$0x80]  }
0x1ed: {  	v22 =	vld [tilespmem:s22+$0x180]  }
0x1ee: {  	v32 =	vld [tilespmem:s22+$0x0]  }
0x1ef: {  	v34 =	vld [tilespmem:s22+$0xFFFFFF00]  }
0x1f0: {  	v35 =	vld [tilespmem:s19+$0xFFFFFE80]  }
0x1f1: {  	v36 =	vld [tilespmem:s19+$0xFFFFFE00]  }
0x1f2: {  	v37 =	vld [tilespmem:s19+$0xFFFFFE10]  }
0x1f3: {  	v38 =	vld [tilespmem:s19+$0xFFFFFE30]  }
0x1f4: {  	v40 =	vld [tilespmem:s19+$0xFFFFFF10];
	v39 =	vpop (erf)  }
0x1f5: {  	v41 =	vld [tilespmem:s19+$0xFFFFFF80];
	v28 =	vmul.f32 v39, v28;
	v29 =	vmul.f32 v39, v29  }
0x1f6: {  	v42 =	vld [tilespmem:s19+$0xFFFFFF90];
	v30 =	vmul.f32 v39, v30;
	v31 =	vmul.f32 v39, v31  }
0x1f7: {  	v43 =	vld [tilespmem:s19+$0xFFFFFE20];
	v33 =	vmul.f32 v39, v33;
	v27 =	vmul.f32 v39, v27  }
0x1f8: {  	v56 =	vld [tilespmem:s19+$0xFFFFFEB0];
	v25 =	vmul.f32 v39, v25;
	v24 =	vmul.f32 v39, v24  }
0x1f9: {  	v45 =	vld [tilespmem:s19+$0xFFFFFEA0];
	v36 =	vmul.f32 v28, v36;
	v35 =	vmul.f32 v29, v35  }
0x1fa: {  	v44 =	vld [tilespmem:s19+$0xFFFFFFB0];
	v37 =	vmul.f32 v28, v37;
	v34 =	vmul.f32 v30, v34  }
0x1fb: {  	v59 =	vld [tilespmem:s19+$0xFFFFFF20];
	v38 =	vmul.f32 v28, v38;
	v57 =	vmul.f32 v41, v31  }
0x1fc: {  	v58 =	vld [tilespmem:s19+$0xFFFFFE90];
	v40 =	vmul.f32 v30, v40;
	v42 =	vmul.f32 v42, v31  }
0x1fd: {  	v60 =	vld [tilespmem:s19+$0xFFFFFFA0];
	v32 =	vmul.f32 v32, v27;
	v28 =	vmul.f32 v28, v43;
	v35 =	vadd.f32 v35, v36  }
0x1fe: {  	v61 =	vld [tilespmem:s19+$0x30];
	v26 =	vmul.f32 v26, v25;
	v62 =	vmul.f32 v29, v45  }
0x1ff: {  	v63 =	vld [tilespmem:s19+$0x20];
	v23 =	vmul.f32 v30, v23;
	v44 =	vmul.f32 v44, v31;
	v34 =	vadd.f32 v35, v34  }
0x200: {  	v48 =	vld [tilespmem:s19+$0xB0];
	v30 =	vmul.f32 v30, v59;
	v36 =	vmul.f32 v29, v56;
	v28 =	vadd.f32 v62, v28  }
0x201: {  	v49 =	vld [tilespmem:s19+$0x10];
	v21 =	vmul.f32 v21, v24;
	v29 =	vmul.f32 v29, v58;
	v34 =	vadd.f32 v34, v57  }
0x202: {  	v50 =	vld [tilespmem:s19+$0xA0];
	v31 =	vmul.f32 v60, v31;
	v36 =	vadd.f32 v36, v38;
	v28 =	vadd.f32 v28, v30  }
0x203: {  	v54 =	vld [tilespmem:s19+$0x120];
	v51 =	vmul.f32 v61, v27;
	v29 =	vadd.f32 v29, v37;
	v32 =	vadd.f32 v32, v34  }
0x204: {  	v52 =	vld [tilespmem:s19+$0x90];
	v55 =	vmul.f32 v63, v27;
	v23 =	vadd.f32 v36, v23;
	v28 =	vadd.f32 v31, v28  }
0x205: {  	v22 =	vmul.f32 v22, v33;
	v53 =	vadd.f32 v29, v40;
	v26 =	vadd.f32 v26, v32  }
0x206: {  	v27 =	vmul.f32 v49, v27;
	v56 =	vld [tilespmem:s19+$0x110];
	v23 =	vadd.f32 v44, v23;
	v28 =	vadd.f32 v55, v28  }
0x207: {  	v58 =	vmul.f32 v50, v25;
	v21 =	vadd.f32 v21, v26;
	v26 =	vadd.f32 v53, v42  }
0x208: {  	v60 =	vmul.f32 v54, v24;
	v57 =	vmul.f32 v48, v25;
	v23 =	vadd.f32 v51, v23  }
0x209: {  	v25 =	vmul.f32 v52, v25;
	v59 =	vadd.f32 v58, v28;
	v26 =	vadd.f32 v27, v26  }
0x20a: {  	v20 =	vmul.f32 v20, v24;
	v18 =	vmul.f32 v18, v33;
	v23 =	vadd.f32 v57, v23  }
0x20b: {  	v24 =	vmul.f32 v56, v24;
	v62 =	vadd.f32 v60, v59;
	v61 =	vadd.f32 v25, v26  }
0x20c: {  	v19 =	vmul.f32 v19, v33;
	v20 =	vadd.f32 v20, v23;
	v21 =	vadd.f32 v22, v21  }
0x20d: {  	s6 =	sand.u32 $0x7C0, s20;
	v17 =	vmul.f32 v17, v33;
	v18 =	vadd.f32 v18, v62;
	v63 =	vadd.f32 v24, v61  }
0x20e: {  	v19 =	vadd.f32 v19, v20;
	[tilespmem:s6+$0x12200] =	vst v21;
	s6 =	sadd.s32 $0x12200, s6  }
0x20f: {  	[tilespmem:s6+$0x20] =	vst v18;
	v17 =	vadd.f32 v17, v63  }
0x210: {  	s18 =	sadd.s32 s18, s2;
	[tilespmem:s6+$0x30] =	vst v19  }
.Ltmp5:
0x211: {  	s23 =	sadd.s32 $0x100, s18;
	[tilespmem:s6+$0x10] =	vst v17;
	(pc) =	sbr.rel @p0 .LBB2_10-.Ltmp5, $4  }
0x212: {  	[hbm4b:s23+s3] =	stream.linear.scatter [tilespmem:s30], [sflag:$0x3], $0x800, $0x38;
	[tilespmem:$0x12A00] =	vst v63  }
0x213: {  	_ =	swait.ge [sflag:s16], $0x800  }
0x214: {  	[sflag:s16] =	ssyncset.done $0x0  }
0x215: {  	[sflag:s16] =	ssyncadd.s32 $0xFFFFF800  }
0x216: {  	s6 =	sadd.s32 $0x60, s17  }
0x217: {  	s17 =	sand.u32 $0x60, s6;
	s19 =	sand.u32 $0x780, s6  }
0x218: {  	s6 =	sor.u32 s17, s19  }
0x219: {  	v17 =	vld [tilespmem:s6+$0x0];
	_ =	sdelay $0x4  }
0x21a: {  	s18 =	sor.u32 $0x10, s17;
	v17 =	vadd.s32 v1, v17  }
0x21b: {  	s20 =	sor.u32 s18, s19;
	[tilespmem:v0+s28+$0x0] =	vst.idx.msk $0xffff, v17  }
0x21c: {  	v17 =	vld [tilespmem:s20+$0x0];
	_ =	sdelay $0x4  }
0x21d: {  	s21 =	sadd.s32 $0x400, s19;
	v17 =	vadd.s32 v1, v17  }
0x21e: {  	s20 =	sor.u32 s17, s21;
	[tilespmem:v2+s28+$0x0] =	vst.idx.msk $0xffff, v17  }
0x21f: {  	v17 =	vld [tilespmem:s20+$0x0];
	_ =	sdelay $0x4  }
0x220: {  	v17 =	vadd.s32 v1, v17  }
0x221: {  	s6 =	sor.u32 s18, s21;
	[tilespmem:v3+s28+$0x0] =	vst.idx.msk $0xffff, v17  }
0x222: {  	v17 =	vld [tilespmem:s6+$0x0];
	_ =	sdelay $0x4  }
0x223: {  	s22 =	sor.u32 $0x800, s19;
	v17 =	vadd.s32 v1, v17  }
0x224: {  	s23 =	sor.u32 s17, s22;
	[tilespmem:v4+s28+$0x0] =	vst.idx.msk $0xffff, v17  }
0x225: {  	v17 =	vld [tilespmem:s23+$0x0];
	_ =	sdelay $0x4  }
0x226: {  	v17 =	vadd.s32 v1, v17  }
0x227: {  	s6 =	sor.u32 s18, s22;
	[tilespmem:v5+s28+$0x0] =	vst.idx.msk $0xffff, v17  }
0x228: {  	v17 =	vld [tilespmem:s6+$0x0];
	_ =	sdelay $0x4  }
0x229: {  	s21 =	sadd.s32 $0xC00, s19;
	v17 =	vadd.s32 v1, v17  }
0x22a: {  	s22 =	sor.u32 s17, s21;
	[tilespmem:v6+s28+$0x0] =	vst.idx.msk $0xffff, v17  }
0x22b: {  	v17 =	vld [tilespmem:s22+$0x0];
	_ =	sdelay $0x4  }
0x22c: {  	v17 =	vadd.s32 v1, v17  }
0x22d: {  	s6 =	sor.u32 s18, s21;
	[tilespmem:v7+s28+$0x0] =	vst.idx.msk $0xffff, v17  }
0x22e: {  	v17 =	vld [tilespmem:s6+$0x0];
	_ =	sdelay $0x4  }
0x22f: {  	s23 =	sor.u32 $0x1000, s19;
	v17 =	vadd.s32 v1, v17  }
0x230: {  	s21 =	sor.u32 s17, s23;
	[tilespmem:v8+s28+$0x0] =	vst.idx.msk $0xffff, v17  }
0x231: {  	v17 =	vld [tilespmem:s21+$0x0];
	_ =	sdelay $0x4  }
0x232: {  	v17 =	vadd.s32 v1, v17  }
0x233: {  	s6 =	sor.u32 s18, s23;
	[tilespmem:v9+s28+$0x0] =	vst.idx.msk $0xffff, v17  }
0x234: {  	v17 =	vld [tilespmem:s6+$0x0];
	_ =	sdelay $0x4  }
0x235: {  	s22 =	sadd.s32 $0x1400, s19;
	v17 =	vadd.s32 v1, v17  }
0x236: {  	s23 =	sor.u32 s17, s22;
	[tilespmem:v10+s28+$0x0] =	vst.idx.msk $0xffff, v17  }
0x237: {  	v17 =	vld [tilespmem:s23+$0x0];
	_ =	sdelay $0x4  }
0x238: {  	v17 =	vadd.s32 v1, v17  }
0x239: {  	s6 =	sor.u32 s18, s22;
	[tilespmem:v11+s28+$0x0] =	vst.idx.msk $0xffff, v17  }
0x23a: {  	v17 =	vld [tilespmem:s6+$0x0];
	_ =	sdelay $0x4  }
0x23b: {  	s21 =	sor.u32 $0x1800, s19;
	v17 =	vadd.s32 v1, v17  }
0x23c: {  	s22 =	sor.u32 s17, s21;
	[tilespmem:v12+s28+$0x0] =	vst.idx.msk $0xffff, v17  }
0x23d: {  	v17 =	vld [tilespmem:s22+$0x0];
	_ =	sdelay $0x4  }
0x23e: {  	v17 =	vadd.s32 v1, v17  }
0x23f: {  	s6 =	sor.u32 s18, s21;
	[tilespmem:v13+s28+$0x0] =	vst.idx.msk $0xffff, v17  }
0x240: {  	v17 =	vld [tilespmem:s6+$0x0];
	_ =	sdelay $0x4  }
0x241: {  	s23 =	sadd.s32 $0x1C00, s19;
	v17 =	vadd.s32 v1, v17  }
0x242: {  	s17 =	sor.u32 s17, s23;
	[tilespmem:v14+s28+$0x0] =	vst.idx.msk $0xffff, v17  }
0x243: {  	v17 =	vld [tilespmem:s17+$0x0];
	_ =	sdelay $0x4  }
0x244: {  	v17 =	vadd.s32 v1, v17  }
0x245: {  	s6 =	sor.u32 s18, s23;
	[tilespmem:v15+s28+$0x0] =	vst.idx.msk $0xffff, v17  }
0x246: {  	v17 =	vld [tilespmem:s6+$0x0];
	_ =	sdelay $0x2  }
.Ltmp6:
0x247: {  	_ = 	snop;
	(pc) =	sbr.rel .LBB2_2-.Ltmp6, $4  }
0x248: {  	_ = 	snop  }
0x249: {  	v17 =	vadd.s32 v1, v17  }
0x24a: {  	s0 =	sadd.s32 $0x1, s0;
	[tilespmem:v16+s28+$0x0] =	vst.idx.msk $0xffff, v17  }
0x24b: {  	[tilespmem:s29], [sflag:$0x2] =	stream.indirect.gather [hbm4b:s5+s25], $0x80, s28, s25, $0xb8;
	[tilespmem:$0x12A00] =	vst v63  }
.LBB2_11:
0x24c: {  	_ =	sfence.sel $0x180000  }
0x24d: {  	[bflag:$0x0] =	sbarrier.arrive $0xFFFF  }
0x24e: {  	_ =	strace $0x9000004A  }
0x24f: {  	s0 =	stileid.u32;
	[bflag:$0x2] =	sbarrier.arrive $0xFFFF  }
0x250: {  	p0 =	sne.s32 s0, $0x0;
	s0 =	rddreg [dreg:$0x2]  }
0x251: {  	s0 =	sadd.s32 @!p0 $0x100000, s0  }
0x252: {  	[sflag:s0] =	ssyncadd.tile.s32 @!p0 $0x1;
	_ =	shalt  }
.Lfunc_end2:
_tile_overlayer_lowered:
.L_overlay_start_2:
0x253: {  	(tag) =	ssettag $0x2  }
0x254: {  	s0 =	rddreg [dreg:$0x0];
	s2 =	stileid.u32  }
0x255: {  	s1 =	rddreg [dreg:$0x1];
	p0 =	sne.s32 s2, $0x0  }
0x256: {  	s3 =	rddreg [dreg:$0x2];
	[bflag:$0x3] =	sbarrier.arrive $0xFFFF;
	s2 =	simm.s32 @!p0 $0x1C03  }
0x257: {  	[timem:s3], [sflag:s2] =	dma.local @!p0 [hbm:s0], s1  }
0x258: {  	s0 =	simm.s32 @!p0 $0x3  }
0x259: {  	_ =	swait.ge @!p0 [sflag:s0], s1  }
0x25a: {  	s1 =	ssub.s32 @!p0 $0x0, s1;
	[sflag:s0] =	ssyncset.done @!p0 $0x0  }
0x25b: {  	[sflag:s0] =	ssyncadd.s32 @!p0 s1  }
0x25c: {  	[bflag:$0x3] =	sbarrier.arrive $0xFFFF  }
0x25d: {  	_ =	shalt  }

</sc_bundles>
